<compile_context>
chip_gen: v7x
topology: tpu7x:2x2x1
jax: 0.10.2.dev20260603
libtpu: 0.0.44.dev20260713+nightly
codegen_flags: <defaults>
</compile_context>

<pallas_src>
import functools

import jax
import jax.numpy as jnp
from jax import lax
from jax.experimental import pallas as pl
from jax.experimental.pallas import tpu as pltpu
from jax.experimental.pallas import tpu_sc as plsc

_B = 16384
_D = 128
_NC = 2
_NS = 16
_NW = _NC * _NS
_BPW = _B // _NW
_CH = 128
_NCHUNK = _BPW // _CH
_G = 16
_RPS = _CH // _G

_mesh = plsc.VectorSubcoreMesh(core_axis_name="c", subcore_axis_name="s")


@functools.partial(
    pl.kernel,
    out_type=jax.ShapeDtypeStruct((_B,), jnp.float32),
    mesh=_mesh,
    scratch_types=[
        pltpu.VMEM((_BPW,), jnp.int32),
        pltpu.VMEM((_BPW,), jnp.int32),
        pltpu.VMEM((_BPW,), jnp.int32),
        pltpu.VMEM((_CH, _D), jnp.float32),
        pltpu.VMEM((_CH, _D), jnp.float32),
        pltpu.VMEM((_CH, _D), jnp.float32),
        pltpu.VMEM((_CH, _D), jnp.float32),
        pltpu.VMEM((_CH, _D), jnp.float32),
        pltpu.VMEM((_CH, _D), jnp.float32),
        pltpu.VMEM((_BPW * _G,), jnp.float32),
        pltpu.VMEM((_G, _CH), jnp.int32),
        pltpu.VMEM_SHARED((_NS * _BPW,), jnp.float32),
        pltpu.VMEM((_BPW,), jnp.float32),
        pltpu.SemaphoreType.DMA,
        pltpu.SemaphoreType.DMA,
        pltpu.SemaphoreType.DMA,
        pltpu.SemaphoreType.DMA,
        pltpu.SemaphoreType.DMA,
        pltpu.SemaphoreType.DMA,
        pltpu.SemaphoreType.DMA,
    ],
)
def _distmult(heads_hbm, rels_hbm, tails_hbm, etab_hbm, rtab_hbm,
              out_hbm, hidx, ridx, tidx,
              hb0, rb0, tb0, hb1, rb1, tb1, pbuf, sidx, sbuf, zbuf,
              hs0, rs0, ts0, hs1, rs1, ts1, asem):
    sid = lax.axis_index("s")
    wid = sid * _NC + lax.axis_index("c")
    base = wid * _BPW
    soff = sid * _BPW
    pltpu.sync_copy(heads_hbm.at[pl.ds(base, _BPW)], hidx)
    pltpu.sync_copy(rels_hbm.at[pl.ds(base, _BPW)], ridx)
    pltpu.sync_copy(tails_hbm.at[pl.ds(base, _BPW)], tidx)

    zeros = jnp.zeros((16,), jnp.float32)
    for m in range(_BPW // _G):
        zbuf[pl.ds(m * _G, _G)] = zeros
    pltpu.sync_copy(zbuf, sbuf.at[pl.ds(soff, _BPW)])
    for m in range(_G):
        for seg in range(_RPS):
            sidx[m, pl.ds(seg * _G, _G)] = jnp.full((16,), m * _RPS + seg,
                                                    jnp.int32)

    def start(c, hb, rb, tb, hs, rs, ts):
        cb = c * _CH
        pltpu.async_copy(etab_hbm.at[hidx.at[pl.ds(cb, _CH)]], hb, hs)
        pltpu.async_copy(rtab_hbm.at[ridx.at[pl.ds(cb, _CH)]], rb, rs)
        pltpu.async_copy(etab_hbm.at[tidx.at[pl.ds(cb, _CH)]], tb, ts)

    def wait(hb, rb, tb, hs, rs, ts):
        dummy = etab_hbm.at[pl.ds(0, _CH)]
        pltpu.make_async_copy(dummy, hb, hs).wait()
        pltpu.make_async_copy(dummy, rb, rs).wait()
        pltpu.make_async_copy(dummy, tb, ts).wait()

    def compute(c, hb, rb, tb):
        cb = c * _CH

        @plsc.parallel_loop(0, _CH, step=1, unroll=8)
        def _row(row):
            acc = jnp.zeros((16,), jnp.float32)
            for s in range(_D // 16):
                sl = pl.ds(s * 16, 16)
                acc = acc + hb[row, sl] * rb[row, sl] * tb[row, sl]
            pbuf[pl.ds((cb + row) * _G, _G)] = acc

        for m in range(_G):
            src = pbuf.at[pl.ds((cb + m * _RPS) * _G, _CH)]
            dst = sbuf.at[pl.ds(soff + cb, _CH)]
            pltpu.async_copy(src, dst.at[sidx.at[m]], asem, add=True)

    def drain():
        for _ in range(_G * _NCHUNK):
            pltpu.make_async_copy(pbuf.at[pl.ds(0, _CH)],
                                  sbuf.at[pl.ds(soff, _CH)].at[sidx.at[0]],
                                  asem).wait()

    set0 = (hb0, rb0, tb0, hs0, rs0, ts0)
    set1 = (hb1, rb1, tb1, hs1, rs1, ts1)
    start(0, *set0)

    def pair(p, carry):
        c0 = 2 * p
        start(c0 + 1, *set1)
        wait(*set0)
        compute(c0, hb0, rb0, tb0)

        @pl.when(p < _NCHUNK // 2 - 1)
        def _():
            start(c0 + 2, *set0)

        wait(*set1)
        compute(c0 + 1, hb1, rb1, tb1)
        return carry

    lax.fori_loop(0, _NCHUNK // 2, pair, 0)
    drain()
    pltpu.sync_copy(sbuf.at[pl.ds(soff, _BPW)], out_hbm.at[pl.ds(base, _BPW)])


def kernel(heads, rels, tails, entity_table, relation_table):
    return _distmult(heads, rels, tails, entity_table, relation_table)

# --- scband reference (transcript-rebuilt; emitter-appended) ---
"""Pipeline reference for scband-neural-process-56865366999239 (READ-ONLY COPY).

The authoritative reference and input builder live on the scoring server;
editing this copy changes nothing except your own understanding.
"""

import jax, jax.numpy as jnp
import numpy as np

NUM_ENTITIES = 1000000
NUM_RELATIONS = 1000
EMBED_SIZE = 128
BATCH = 16384


def setup_inputs(seed: int = 0) -> dict:
    key = jax.random.key(seed)
    k1, k2, k3, k4, k5 = jax.random.split(key, 5)
    heads = jax.random.randint(k1, (BATCH,), 0, NUM_ENTITIES, dtype=jnp.int64 if jax.config.jax_enable_x64 else jnp.int32).astype(jnp.int32)
    rels = jax.random.randint(k2, (BATCH,), 0, NUM_RELATIONS).astype(jnp.int32)
    tails = jax.random.randint(k3, (BATCH,), 0, NUM_ENTITIES).astype(jnp.int32)
    entity_table = jax.random.normal(k4, (NUM_ENTITIES, EMBED_SIZE), dtype=jnp.float32) * 0.02
    relation_table = jax.random.normal(k5, (NUM_RELATIONS, EMBED_SIZE), dtype=jnp.float32) * 0.02
    return {"heads": heads, "rels": rels, "tails": tails,
            "entity_table": entity_table, "relation_table": relation_table}


def reference(heads, rels, tails, entity_table, relation_table):
    # Core embedding-lookup path of NeuralProcess.score_loss:
    #   head_embeddings = self.embed.entity_embedding(triplets[:, 0])
    #   relation_embeddings = self.embed.relation_embedding[triplets[:, 1]]
    #   tail_embeddings = self.embed.entity_embedding(triplets[:, 2])
    # followed by the DistMult score: sum(h * r * t, dim=1)
    h_embed = jnp.take(entity_table, heads, axis=0)
    r_embed = jnp.take(relation_table, rels, axis=0)
    t_embed = jnp.take(entity_table, tails, axis=0)
    score = jnp.sum(h_embed * r_embed * t_embed, axis=1)
    return score

if __name__ == "__main__":
    import jax
    _d = setup_inputs()
    print(jax.jit(kernel)(*tuple(_d.values())))

</pallas_src>

<mosaic_0001>
#map = affine_map<(d0, d1) -> (0)>
#map1 = affine_map<(d0, d1) -> (0, 0)>
module attributes {stable_mosaic.version = 14 : i64} {
  func.func @_distmult(%arg0: i32, %arg1: i32, %arg2: memref<16384xi32, #tpu.memory_space<hbm>>, %arg3: memref<16384xi32, #tpu.memory_space<hbm>>, %arg4: memref<16384xi32, #tpu.memory_space<hbm>>, %arg5: memref<1000000x128xf32, #tpu.memory_space<hbm>>, %arg6: memref<1000x128xf32, #tpu.memory_space<hbm>>, %arg7: memref<16384xf32, #tpu.memory_space<hbm>>, %arg8: memref<512xi32, #tpu.memory_space<vmem>>, %arg9: memref<512xi32, #tpu.memory_space<vmem>>, %arg10: memref<512xi32, #tpu.memory_space<vmem>>, %arg11: memref<128x128xf32, #tpu.memory_space<vmem>>, %arg12: memref<128x128xf32, #tpu.memory_space<vmem>>, %arg13: memref<128x128xf32, #tpu.memory_space<vmem>>, %arg14: memref<128x128xf32, #tpu.memory_space<vmem>>, %arg15: memref<128x128xf32, #tpu.memory_space<vmem>>, %arg16: memref<128x128xf32, #tpu.memory_space<vmem>>, %arg17: memref<8192xf32, #tpu.memory_space<vmem>>, %arg18: memref<16x128xi32, #tpu.memory_space<vmem>>, %arg19: memref<8192xf32, #tpu.memory_space<vmem_shared>>, %arg20: memref<512xf32, #tpu.memory_space<vmem>>, %arg21: memref<!tpu.dma_semaphore, #tpu.memory_space<semaphore_mem>>, %arg22: memref<!tpu.dma_semaphore, #tpu.memory_space<semaphore_mem>>, %arg23: memref<!tpu.dma_semaphore, #tpu.memory_space<semaphore_mem>>, %arg24: memref<!tpu.dma_semaphore, #tpu.memory_space<semaphore_mem>>, %arg25: memref<!tpu.dma_semaphore, #tpu.memory_space<semaphore_mem>>, %arg26: memref<!tpu.dma_semaphore, #tpu.memory_space<semaphore_mem>>, %arg27: memref<!tpu.dma_semaphore, #tpu.memory_space<semaphore_mem>>) attributes {dimension_semantics = [#tpu.dimension_semantics<core_parallel>, #tpu.dimension_semantics<subcore_parallel>], iteration_bounds = array<i64: 2, 16>, scalar_prefetch = 0 : i64, scratch_operands = 20 : i64, tpu.core_type = #tpu.core_type<sc_vector_subcore>, window_params = [{transform_indices = #map}, {transform_indices = #map}, {transform_indices = #map}, {transform_indices = #map1}, {transform_indices = #map1}, {transform_indices = #map}]} {
    %mul3A = arith.constant 2 : i32
    %mul3A_0 = arith.muli %arg1, %mul3A : i32
    %add3A = arith.addi %mul3A_0, %arg0 : i32
    %mul3A_1 = arith.constant 512 : i32
    %mul3A_2 = arith.muli %add3A, %mul3A_1 : i32
    %mul3A_3 = arith.constant 512 : i32
    %mul3A_4 = arith.muli %arg1, %mul3A_3 : i32
    "tpu.region"() ({
      %run_scoped3A = tpu.sem_alloc : memref<!tpu.dma_semaphore, #tpu.memory_space<semaphore_mem>>
      %dma_start3A_1751 = tpu.memref_slice %arg2[%mul3A_2] : memref<16384xi32, #tpu.memory_space<hbm>> -> memref<512xi32, #tpu.memory_space<hbm>>
      %dma_start3A_1752 = tpu.memref_slice %arg2[%mul3A_2] : memref<16384xi32, #tpu.memory_space<hbm>> -> memref<512xi32, #tpu.memory_space<hbm>>
      tpu.enqueue_dma source(%dma_start3A_1752 : memref<512xi32, #tpu.memory_space<hbm>>) target(%arg8 : memref<512xi32, #tpu.memory_space<vmem>>) target_semaphore(%run_scoped3A : memref<!tpu.dma_semaphore, #tpu.memory_space<semaphore_mem>>)
      %dma_wait3A_1753 = tpu.memref_slice %arg2[%mul3A_2] : memref<16384xi32, #tpu.memory_space<hbm>> -> memref<512xi32, #tpu.memory_space<hbm>>
      %dma_wait3A_1754 = tpu.memref_slice %arg2[%mul3A_2] : memref<16384xi32, #tpu.memory_space<hbm>> -> memref<512xi32, #tpu.memory_space<hbm>>
      tpu.wait_dma2 semaphore(%run_scoped3A : memref<!tpu.dma_semaphore, #tpu.memory_space<semaphore_mem>>) src(%dma_wait3A_1754 : memref<512xi32, #tpu.memory_space<hbm>>) dst(%arg8 : memref<512xi32, #tpu.memory_space<vmem>>)
      tpu.yield
    }) : () -> ()
    "tpu.region"() ({
      %run_scoped3A = tpu.sem_alloc : memref<!tpu.dma_semaphore, #tpu.memory_space<semaphore_mem>>
      %dma_start3A_1751 = tpu.memref_slice %arg3[%mul3A_2] : memref<16384xi32, #tpu.memory_space<hbm>> -> memref<512xi32, #tpu.memory_space<hbm>>
      %dma_start3A_1752 = tpu.memref_slice %arg3[%mul3A_2] : memref<16384xi32, #tpu.memory_space<hbm>> -> memref<512xi32, #tpu.memory_space<hbm>>
      tpu.enqueue_dma source(%dma_start3A_1752 : memref<512xi32, #tpu.memory_space<hbm>>) target(%arg9 : memref<512xi32, #tpu.memory_space<vmem>>) target_semaphore(%run_scoped3A : memref<!tpu.dma_semaphore, #tpu.memory_space<semaphore_mem>>)
      %dma_wait3A_1753 = tpu.memref_slice %arg3[%mul3A_2] : memref<16384xi32, #tpu.memory_space<hbm>> -> memref<512xi32, #tpu.memory_space<hbm>>
      %dma_wait3A_1754 = tpu.memref_slice %arg3[%mul3A_2] : memref<16384xi32, #tpu.memory_space<hbm>> -> memref<512xi32, #tpu.memory_space<hbm>>
      tpu.wait_dma2 semaphore(%run_scoped3A : memref<!tpu.dma_semaphore, #tpu.memory_space<semaphore_mem>>) src(%dma_wait3A_1754 : memref<512xi32, #tpu.memory_space<hbm>>) dst(%arg9 : memref<512xi32, #tpu.memory_space<vmem>>)
      tpu.yield
    }) : () -> ()
    "tpu.region"() ({
      %run_scoped3A = tpu.sem_alloc : memref<!tpu.dma_semaphore, #tpu.memory_space<semaphore_mem>>
      %dma_start3A_1751 = tpu.memref_slice %arg4[%mul3A_2] : memref<16384xi32, #tpu.memory_space<hbm>> -> memref<512xi32, #tpu.memory_space<hbm>>
      %dma_start3A_1752 = tpu.memref_slice %arg4[%mul3A_2] : memref<16384xi32, #tpu.memory_space<hbm>> -> memref<512xi32, #tpu.memory_space<hbm>>
      tpu.enqueue_dma source(%dma_start3A_1752 : memref<512xi32, #tpu.memory_space<hbm>>) target(%arg10 : memref<512xi32, #tpu.memory_space<vmem>>) target_semaphore(%run_scoped3A : memref<!tpu.dma_semaphore, #tpu.memory_space<semaphore_mem>>)
      %dma_wait3A_1753 = tpu.memref_slice %arg4[%mul3A_2] : memref<16384xi32, #tpu.memory_space<hbm>> -> memref<512xi32, #tpu.memory_space<hbm>>
      %dma_wait3A_1754 = tpu.memref_slice %arg4[%mul3A_2] : memref<16384xi32, #tpu.memory_space<hbm>> -> memref<512xi32, #tpu.memory_space<hbm>>
      tpu.wait_dma2 semaphore(%run_scoped3A : memref<!tpu.dma_semaphore, #tpu.memory_space<semaphore_mem>>) src(%dma_wait3A_1754 : memref<512xi32, #tpu.memory_space<hbm>>) dst(%arg10 : memref<512xi32, #tpu.memory_space<vmem>>)
      tpu.yield
    }) : () -> ()
    %broadcast_in_dim3A = arith.constant 0.000000e+00 : f32
    %broadcast_in_dim3A_5 = vector.broadcast %broadcast_in_dim3A : f32 to vector<16xf32>
    %swap3A = arith.constant 0 : index
    %swap3A_6 = tpu.vector_load %arg20[%swap3A] {strides = array<i32>} : memref<512xf32, #tpu.memory_space<vmem>>, vector<16xf32>,
    %swap3A_7 = vector.shape_cast %swap3A_6 : vector<16xf32> to vector<16xf32>
    %swap3A_8 = vector.shape_cast %broadcast_in_dim3A_5 : vector<16xf32> to vector<16xf32>
    tpu.vector_store %arg20[%swap3A], %swap3A_8 {strides = array<i32>} : memref<512xf32, #tpu.memory_space<vmem>>, vector<16xf32>,
    %swap3A_9 = arith.constant 16 : index
    %swap3A_10 = tpu.vector_load %arg20[%swap3A_9] {strides = array<i32>} : memref<512xf32, #tpu.memory_space<vmem>>, vector<16xf32>,
    %swap3A_11 = vector.shape_cast %swap3A_10 : vector<16xf32> to vector<16xf32>
    %swap3A_12 = vector.shape_cast %broadcast_in_dim3A_5 : vector<16xf32> to vector<16xf32>
    tpu.vector_store %arg20[%swap3A_9], %swap3A_12 {strides = array<i32>} : memref<512xf32, #tpu.memory_space<vmem>>, vector<16xf32>,
    %swap3A_13 = arith.constant 32 : index
    %swap3A_14 = tpu.vector_load %arg20[%swap3A_13] {strides = array<i32>} : memref<512xf32, #tpu.memory_space<vmem>>, vector<16xf32>,
    %swap3A_15 = vector.shape_cast %swap3A_14 : vector<16xf32> to vector<16xf32>
    %swap3A_16 = vector.shape_cast %broadcast_in_dim3A_5 : vector<16xf32> to vector<16xf32>
    tpu.vector_store %arg20[%swap3A_13], %swap3A_16 {strides = array<i32>} : memref<512xf32, #tpu.memory_space<vmem>>, vector<16xf32>,
    %swap3A_17 = arith.constant 48 : index
    %swap3A_18 = tpu.vector_load %arg20[%swap3A_17] {strides = array<i32>} : memref<512xf32, #tpu.memory_space<vmem>>, vector<16xf32>,
    %swap3A_19 = vector.shape_cast %swap3A_18 : vector<16xf32> to vector<16xf32>
    %swap3A_20 = vector.shape_cast %broadcast_in_dim3A_5 : vector<16xf32> to vector<16xf32>
    tpu.vector_store %arg20[%swap3A_17], %swap3A_20 {strides = array<i32>} : memref<512xf32, #tpu.memory_space<vmem>>, vector<16xf32>,
    %swap3A_21 = arith.constant 64 : index
    %swap3A_22 = tpu.vector_load %arg20[%swap3A_21] {strides = array<i32>} : memref<512xf32, #tpu.memory_space<vmem>>, vector<16xf32>,
    %swap3A_23 = vector.shape_cast %swap3A_22 : vector<16xf32> to vector<16xf32>
    %swap3A_24 = vector.shape_cast %broadcast_in_dim3A_5 : vector<16xf32> to vector<16xf32>
    tpu.vector_store %arg20[%swap3A_21], %swap3A_24 {strides = array<i32>} : memref<512xf32, #tpu.memory_space<vmem>>, vector<16xf32>,
    %swap3A_25 = arith.constant 80 : index
    %swap3A_26 = tpu.vector_load %arg20[%swap3A_25] {strides = array<i32>} : memref<512xf32, #tpu.memory_space<vmem>>, vector<16xf32>,
    %swap3A_27 = vector.shape_cast %swap3A_26 : vector<16xf32> to vector<16xf32>
    %swap3A_28 = vector.shape_cast %broadcast_in_dim3A_5 : vector<16xf32> to vector<16xf32>
    tpu.vector_store %arg20[%swap3A_25], %swap3A_28 {strides = array<i32>} : memref<512xf32, #tpu.memory_space<vmem>>, vector<16xf32>,
    %swap3A_29 = arith.constant 96 : index
    %swap3A_30 = tpu.vector_load %arg20[%swap3A_29] {strides = array<i32>} : memref<512xf32, #tpu.memory_space<vmem>>, vector<16xf32>,
    %swap3A_31 = vector.shape_cast %swap3A_30 : vector<16xf32> to vector<16xf32>
    %swap3A_32 = vector.shape_cast %broadcast_in_dim3A_5 : vector<16xf32> to vector<16xf32>
    tpu.vector_store %arg20[%swap3A_29], %swap3A_32 {strides = array<i32>} : memref<512xf32, #tpu.memory_space<vmem>>, vector<16xf32>,
    %swap3A_33 = arith.constant 112 : index
    %swap3A_34 = tpu.vector_load %arg20[%swap3A_33] {strides = array<i32>} : memref<512xf32, #tpu.memory_space<vmem>>, vector<16xf32>,
    %swap3A_35 = vector.shape_cast %swap3A_34 : vector<16xf32> to vector<16xf32>
    %swap3A_36 = vector.shape_cast %broadcast_in_dim3A_5 : vector<16xf32> to vector<16xf32>
    tpu.vector_store %arg20[%swap3A_33], %swap3A_36 {strides = array<i32>} : memref<512xf32, #tpu.memory_space<vmem>>, vector<16xf32>,
    %swap3A_37 = arith.constant 128 : index
    %swap3A_38 = tpu.vector_load %arg20[%swap3A_37] {strides = array<i32>} : memref<512xf32, #tpu.memory_space<vmem>>, vector<16xf32>,
    %swap3A_39 = vector.shape_cast %swap3A_38 : vector<16xf32> to vector<16xf32>
    %swap3A_40 = vector.shape_cast %broadcast_in_dim3A_5 : vector<16xf32> to vector<16xf32>
    tpu.vector_store %arg20[%swap3A_37], %swap3A_40 {strides = array<i32>} : memref<512xf32, #tpu.memory_space<vmem>>, vector<16xf32>,
    %swap3A_41 = arith.constant 144 : index
    %swap3A_42 = tpu.vector_load %arg20[%swap3A_41] {strides = array<i32>} : memref<512xf32, #tpu.memory_space<vmem>>, vector<16xf32>,
    %swap3A_43 = vector.shape_cast %swap3A_42 : vector<16xf32> to vector<16xf32>
    %swap3A_44 = vector.shape_cast %broadcast_in_dim3A_5 : vector<16xf32> to vector<16xf32>
    tpu.vector_store %arg20[%swap3A_41], %swap3A_44 {strides = array<i32>} : memref<512xf32, #tpu.memory_space<vmem>>, vector<16xf32>,
    %swap3A_45 = arith.constant 160 : index
    %swap3A_46 = tpu.vector_load %arg20[%swap3A_45] {strides = array<i32>} : memref<512xf32, #tpu.memory_space<vmem>>, vector<16xf32>,
    %swap3A_47 = vector.shape_cast %swap3A_46 : vector<16xf32> to vector<16xf32>
    %swap3A_48 = vector.shape_cast %broadcast_in_dim3A_5 : vector<16xf32> to vector<16xf32>
    tpu.vector_store %arg20[%swap3A_45], %swap3A_48 {strides = array<i32>} : memref<512xf32, #tpu.memory_space<vmem>>, vector<16xf32>,
    %swap3A_49 = arith.constant 176 : index
    %swap3A_50 = tpu.vector_load %arg20[%swap3A_49] {strides = array<i32>} : memref<512xf32, #tpu.memory_space<vmem>>, vector<16xf32>,
    %swap3A_51 = vector.shape_cast %swap3A_50 : vector<16xf32> to vector<16xf32>
    %swap3A_52 = vector.shape_cast %broadcast_in_dim3A_5 : vector<16xf32> to vector<16xf32>
    tpu.vector_store %arg20[%swap3A_49], %swap3A_52 {strides = array<i32>} : memref<512xf32, #tpu.memory_space<vmem>>, vector<16xf32>,
    %swap3A_53 = arith.constant 192 : index
    %swap3A_54 = tpu.vector_load %arg20[%swap3A_53] {strides = array<i32>} : memref<512xf32, #tpu.memory_space<vmem>>, vector<16xf32>,
    %swap3A_55 = vector.shape_cast %swap3A_54 : vector<16xf32> to vector<16xf32>
    %swap3A_56 = vector.shape_cast %broadcast_in_dim3A_5 : vector<16xf32> to vector<16xf32>
    tpu.vector_store %arg20[%swap3A_53], %swap3A_56 {strides = array<i32>} : memref<512xf32, #tpu.memory_space<vmem>>, vector<16xf32>,
    %swap3A_57 = arith.constant 208 : index
    %swap3A_58 = tpu.vector_load %arg20[%swap3A_57] {strides = array<i32>} : memref<512xf32, #tpu.memory_space<vmem>>, vector<16xf32>,
    %swap3A_59 = vector.shape_cast %swap3A_58 : vector<16xf32> to vector<16xf32>
    %swap3A_60 = vector.shape_cast %broadcast_in_dim3A_5 : vector<16xf32> to vector<16xf32>
    tpu.vector_store %arg20[%swap3A_57], %swap3A_60 {strides = array<i32>} : memref<512xf32, #tpu.memory_space<vmem>>, vector<16xf32>,
    %swap3A_61 = arith.constant 224 : index
    %swap3A_62 = tpu.vector_load %arg20[%swap3A_61] {strides = array<i32>} : memref<512xf32, #tpu.memory_space<vmem>>, vector<16xf32>,
    %swap3A_63 = vector.shape_cast %swap3A_62 : vector<16xf32> to vector<16xf32>
    %swap3A_64 = vector.shape_cast %broadcast_in_dim3A_5 : vector<16xf32> to vector<16xf32>
    tpu.vector_store %arg20[%swap3A_61], %swap3A_64 {strides = array<i32>} : memref<512xf32, #tpu.memory_space<vmem>>, vector<16xf32>,
    %swap3A_65 = arith.constant 240 : index
    %swap3A_66 = tpu.vector_load %arg20[%swap3A_65] {strides = array<i32>} : memref<512xf32, #tpu.memory_space<vmem>>, vector<16xf32>,
    %swap3A_67 = vector.shape_cast %swap3A_66 : vector<16xf32> to vector<16xf32>
    %swap3A_68 = vector.shape_cast %broadcast_in_dim3A_5 : vector<16xf32> to vector<16xf32>
    tpu.vector_store %arg20[%swap3A_65], %swap3A_68 {strides = array<i32>} : memref<512xf32, #tpu.memory_space<vmem>>, vector<16xf32>,
    %swap3A_69 = arith.constant 256 : index
    %swap3A_70 = tpu.vector_load %arg20[%swap3A_69] {strides = array<i32>} : memref<512xf32, #tpu.memory_space<vmem>>, vector<16xf32>,
    %swap3A_71 = vector.shape_cast %swap3A_70 : vector<16xf32> to vector<16xf32>
    %swap3A_72 = vector.shape_cast %broadcast_in_dim3A_5 : vector<16xf32> to vector<16xf32>
    tpu.vector_store %arg20[%swap3A_69], %swap3A_72 {strides = array<i32>} : memref<512xf32, #tpu.memory_space<vmem>>, vector<16xf32>,
    %swap3A_73 = arith.constant 272 : index
    %swap3A_74 = tpu.vector_load %arg20[%swap3A_73] {strides = array<i32>} : memref<512xf32, #tpu.memory_space<vmem>>, vector<16xf32>,
    %swap3A_75 = vector.shape_cast %swap3A_74 : vector<16xf32> to vector<16xf32>
    %swap3A_76 = vector.shape_cast %broadcast_in_dim3A_5 : vector<16xf32> to vector<16xf32>
    tpu.vector_store %arg20[%swap3A_73], %swap3A_76 {strides = array<i32>} : memref<512xf32, #tpu.memory_space<vmem>>, vector<16xf32>,
    %swap3A_77 = arith.constant 288 : index
    %swap3A_78 = tpu.vector_load %arg20[%swap3A_77] {strides = array<i32>} : memref<512xf32, #tpu.memory_space<vmem>>, vector<16xf32>,
    %swap3A_79 = vector.shape_cast %swap3A_78 : vector<16xf32> to vector<16xf32>
    %swap3A_80 = vector.shape_cast %broadcast_in_dim3A_5 : vector<16xf32> to vector<16xf32>
    tpu.vector_store %arg20[%swap3A_77], %swap3A_80 {strides = array<i32>} : memref<512xf32, #tpu.memory_space<vmem>>, vector<16xf32>,
    %swap3A_81 = arith.constant 304 : index
    %swap3A_82 = tpu.vector_load %arg20[%swap3A_81] {strides = array<i32>} : memref<512xf32, #tpu.memory_space<vmem>>, vector<16xf32>,
    %swap3A_83 = vector.shape_cast %swap3A_82 : vector<16xf32> to vector<16xf32>
    %swap3A_84 = vector.shape_cast %broadcast_in_dim3A_5 : vector<16xf32> to vector<16xf32>
    tpu.vector_store %arg20[%swap3A_81], %swap3A_84 {strides = array<i32>} : memref<512xf32, #tpu.memory_space<vmem>>, vector<16xf32>,
    %swap3A_85 = arith.constant 320 : index
    %swap3A_86 = tpu.vector_load %arg20[%swap3A_85] {strides = array<i32>} : memref<512xf32, #tpu.memory_space<vmem>>, vector<16xf32>,
    %swap3A_87 = vector.shape_cast %swap3A_86 : vector<16xf32> to vector<16xf32>
    %swap3A_88 = vector.shape_cast %broadcast_in_dim3A_5 : vector<16xf32> to vector<16xf32>
    tpu.vector_store %arg20[%swap3A_85], %swap3A_88 {strides = array<i32>} : memref<512xf32, #tpu.memory_space<vmem>>, vector<16xf32>,
    %swap3A_89 = arith.constant 336 : index
    %swap3A_90 = tpu.vector_load %arg20[%swap3A_89] {strides = array<i32>} : memref<512xf32, #tpu.memory_space<vmem>>, vector<16xf32>,
    %swap3A_91 = vector.shape_cast %swap3A_90 : vector<16xf32> to vector<16xf32>
    %swap3A_92 = vector.shape_cast %broadcast_in_dim3A_5 : vector<16xf32> to vector<16xf32>
    tpu.vector_store %arg20[%swap3A_89], %swap3A_92 {strides = array<i32>} : memref<512xf32, #tpu.memory_space<vmem>>, vector<16xf32>,
    %swap3A_93 = arith.constant 352 : index
    %swap3A_94 = tpu.vector_load %arg20[%swap3A_93] {strides = array<i32>} : memref<512xf32, #tpu.memory_space<vmem>>, vector<16xf32>,
    %swap3A_95 = vector.shape_cast %swap3A_94 : vector<16xf32> to vector<16xf32>
    %swap3A_96 = vector.shape_cast %broadcast_in_dim3A_5 : vector<16xf32> to vector<16xf32>
    tpu.vector_store %arg20[%swap3A_93], %swap3A_96 {strides = array<i32>} : memref<512xf32, #tpu.memory_space<vmem>>, vector<16xf32>,
    %swap3A_97 = arith.constant 368 : index
    %swap3A_98 = tpu.vector_load %arg20[%swap3A_97] {strides = array<i32>} : memref<512xf32, #tpu.memory_space<vmem>>, vector<16xf32>,
    %swap3A_99 = vector.shape_cast %swap3A_98 : vector<16xf32> to vector<16xf32>
    %swap3A_100 = vector.shape_cast %broadcast_in_dim3A_5 : vector<16xf32> to vector<16xf32>
    tpu.vector_store %arg20[%swap3A_97], %swap3A_100 {strides = array<i32>} : memref<512xf32, #tpu.memory_space<vmem>>, vector<16xf32>,
    %swap3A_101 = arith.constant 384 : index
    %swap3A_102 = tpu.vector_load %arg20[%swap3A_101] {strides = array<i32>} : memref<512xf32, #tpu.memory_space<vmem>>, vector<16xf32>,
    %swap3A_103 = vector.shape_cast %swap3A_102 : vector<16xf32> to vector<16xf32>
    %swap3A_104 = vector.shape_cast %broadcast_in_dim3A_5 : vector<16xf32> to vector<16xf32>
    tpu.vector_store %arg20[%swap3A_101], %swap3A_104 {strides = array<i32>} : memref<512xf32, #tpu.memory_space<vmem>>, vector<16xf32>,
    %swap3A_105 = arith.constant 400 : index
    %swap3A_106 = tpu.vector_load %arg20[%swap3A_105] {strides = array<i32>} : memref<512xf32, #tpu.memory_space<vmem>>, vector<16xf32>,
    %swap3A_107 = vector.shape_cast %swap3A_106 : vector<16xf32> to vector<16xf32>
    %swap3A_108 = vector.shape_cast %broadcast_in_dim3A_5 : vector<16xf32> to vector<16xf32>
    tpu.vector_store %arg20[%swap3A_105], %swap3A_108 {strides = array<i32>} : memref<512xf32, #tpu.memory_space<vmem>>, vector<16xf32>,
    %swap3A_109 = arith.constant 416 : index
    %swap3A_110 = tpu.vector_load %arg20[%swap3A_109] {strides = array<i32>} : memref<512xf32, #tpu.memory_space<vmem>>, vector<16xf32>,
    %swap3A_111 = vector.shape_cast %swap3A_110 : vector<16xf32> to vector<16xf32>
    %swap3A_112 = vector.shape_cast %broadcast_in_dim3A_5 : vector<16xf32> to vector<16xf32>
    tpu.vector_store %arg20[%swap3A_109], %swap3A_112 {strides = array<i32>} : memref<512xf32, #tpu.memory_space<vmem>>, vector<16xf32>,
    %swap3A_113 = arith.constant 432 : index
    %swap3A_114 = tpu.vector_load %arg20[%swap3A_113] {strides = array<i32>} : memref<512xf32, #tpu.memory_space<vmem>>, vector<16xf32>,
    %swap3A_115 = vector.shape_cast %swap3A_114 : vector<16xf32> to vector<16xf32>
    %swap3A_116 = vector.shape_cast %broadcast_in_dim3A_5 : vector<16xf32> to vector<16xf32>
    tpu.vector_store %arg20[%swap3A_113], %swap3A_116 {strides = array<i32>} : memref<512xf32, #tpu.memory_space<vmem>>, vector<16xf32>,
    %swap3A_117 = arith.constant 448 : index
    %swap3A_118 = tpu.vector_load %arg20[%swap3A_117] {strides = array<i32>} : memref<512xf32, #tpu.memory_space<vmem>>, vector<16xf32>,
    %swap3A_119 = vector.shape_cast %swap3A_118 : vector<16xf32> to vector<16xf32>
    %swap3A_120 = vector.shape_cast %broadcast_in_dim3A_5 : vector<16xf32> to vector<16xf32>
    tpu.vector_store %arg20[%swap3A_117], %swap3A_120 {strides = array<i32>} : memref<512xf32, #tpu.memory_space<vmem>>, vector<16xf32>,
    %swap3A_121 = arith.constant 464 : index
    %swap3A_122 = tpu.vector_load %arg20[%swap3A_121] {strides = array<i32>} : memref<512xf32, #tpu.memory_space<vmem>>, vector<16xf32>,
    %swap3A_123 = vector.shape_cast %swap3A_122 : vector<16xf32> to vector<16xf32>
    %swap3A_124 = vector.shape_cast %broadcast_in_dim3A_5 : vector<16xf32> to vector<16xf32>
    tpu.vector_store %arg20[%swap3A_121], %swap3A_124 {strides = array<i32>} : memref<512xf32, #tpu.memory_space<vmem>>, vector<16xf32>,
    %swap3A_125 = arith.constant 480 : index
    %swap3A_126 = tpu.vector_load %arg20[%swap3A_125] {strides = array<i32>} : memref<512xf32, #tpu.memory_space<vmem>>, vector<16xf32>,
    %swap3A_127 = vector.shape_cast %swap3A_126 : vector<16xf32> to vector<16xf32>
    %swap3A_128 = vector.shape_cast %broadcast_in_dim3A_5 : vector<16xf32> to vector<16xf32>
    tpu.vector_store %arg20[%swap3A_125], %swap3A_128 {strides = array<i32>} : memref<512xf32, #tpu.memory_space<vmem>>, vector<16xf32>,
    %swap3A_129 = arith.constant 496 : index
    %swap3A_130 = tpu.vector_load %arg20[%swap3A_129] {strides = array<i32>} : memref<512xf32, #tpu.memory_space<vmem>>, vector<16xf32>,
    %swap3A_131 = vector.shape_cast %swap3A_130 : vector<16xf32> to vector<16xf32>
    %swap3A_132 = vector.shape_cast %broadcast_in_dim3A_5 : vector<16xf32> to vector<16xf32>
    tpu.vector_store %arg20[%swap3A_129], %swap3A_132 {strides = array<i32>} : memref<512xf32, #tpu.memory_space<vmem>>, vector<16xf32>,
    "tpu.region"() ({
      %run_scoped3A = tpu.sem_alloc : memref<!tpu.dma_semaphore, #tpu.memory_space<semaphore_mem>>
      %dma_start3A_1751 = tpu.memref_slice %arg19[%mul3A_4] : memref<8192xf32, #tpu.memory_space<vmem_shared>> -> memref<512xf32, #tpu.memory_space<vmem_shared>>
      %dma_start3A_1752 = tpu.memref_slice %arg19[%mul3A_4] : memref<8192xf32, #tpu.memory_space<vmem_shared>> -> memref<512xf32, #tpu.memory_space<vmem_shared>>
      tpu.enqueue_dma source(%arg20 : memref<512xf32, #tpu.memory_space<vmem>>) target(%dma_start3A_1752 : memref<512xf32, #tpu.memory_space<vmem_shared>>) target_semaphore(%run_scoped3A : memref<!tpu.dma_semaphore, #tpu.memory_space<semaphore_mem>>)
      %dma_wait3A_1753 = tpu.memref_slice %arg19[%mul3A_4] : memref<8192xf32, #tpu.memory_space<vmem_shared>> -> memref<512xf32, #tpu.memory_space<vmem_shared>>
      %dma_wait3A_1754 = tpu.memref_slice %arg19[%mul3A_4] : memref<8192xf32, #tpu.memory_space<vmem_shared>> -> memref<512xf32, #tpu.memory_space<vmem_shared>>
      tpu.wait_dma2 semaphore(%run_scoped3A : memref<!tpu.dma_semaphore, #tpu.memory_space<semaphore_mem>>) src(%arg20 : memref<512xf32, #tpu.memory_space<vmem>>) dst(%dma_wait3A_1754 : memref<512xf32, #tpu.memory_space<vmem_shared>>)
      tpu.yield
    }) : () -> ()
    %broadcast_in_dim3A_133 = arith.constant 0 : i32
    %broadcast_in_dim3A_134 = vector.broadcast %broadcast_in_dim3A_133 : i32 to vector<16xi32>
    %swap3A_135 = arith.constant 0 : i32
    %swap3A_136 = arith.index_cast %swap3A_135 : i32 to index
    %swap3A_137 = arith.constant 0 : index
    %swap3A_138 = tpu.vector_load %arg18[%swap3A_136, %swap3A_137] {strides = array<i32>} : memref<16x128xi32, #tpu.memory_space<vmem>>, vector<1x16xi32>,
    %swap3A_139 = vector.shape_cast %swap3A_138 : vector<1x16xi32> to vector<16xi32>
    %swap3A_140 = vector.shape_cast %broadcast_in_dim3A_134 : vector<16xi32> to vector<1x16xi32>
    tpu.vector_store %arg18[%swap3A_136, %swap3A_137], %swap3A_140 {strides = array<i32>} : memref<16x128xi32, #tpu.memory_space<vmem>>, vector<1x16xi32>,
    %broadcast_in_dim3A_141 = arith.constant 1 : i32
    %broadcast_in_dim3A_142 = vector.broadcast %broadcast_in_dim3A_141 : i32 to vector<16xi32>
    %swap3A_143 = arith.constant 0 : i32
    %swap3A_144 = arith.index_cast %swap3A_143 : i32 to index
    %swap3A_145 = arith.constant 16 : index
    %swap3A_146 = tpu.vector_load %arg18[%swap3A_144, %swap3A_145] {strides = array<i32>} : memref<16x128xi32, #tpu.memory_space<vmem>>, vector<1x16xi32>,
    %swap3A_147 = vector.shape_cast %swap3A_146 : vector<1x16xi32> to vector<16xi32>
    %swap3A_148 = vector.shape_cast %broadcast_in_dim3A_142 : vector<16xi32> to vector<1x16xi32>
    tpu.vector_store %arg18[%swap3A_144, %swap3A_145], %swap3A_148 {strides = array<i32>} : memref<16x128xi32, #tpu.memory_space<vmem>>, vector<1x16xi32>,
    %broadcast_in_dim3A_149 = arith.constant 2 : i32
    %broadcast_in_dim3A_150 = vector.broadcast %broadcast_in_dim3A_149 : i32 to vector<16xi32>
    %swap3A_151 = arith.constant 0 : i32
    %swap3A_152 = arith.index_cast %swap3A_151 : i32 to index
    %swap3A_153 = arith.constant 32 : index
    %swap3A_154 = tpu.vector_load %arg18[%swap3A_152, %swap3A_153] {strides = array<i32>} : memref<16x128xi32, #tpu.memory_space<vmem>>, vector<1x16xi32>,
    %swap3A_155 = vector.shape_cast %swap3A_154 : vector<1x16xi32> to vector<16xi32>
    %swap3A_156 = vector.shape_cast %broadcast_in_dim3A_150 : vector<16xi32> to vector<1x16xi32>
    tpu.vector_store %arg18[%swap3A_152, %swap3A_153], %swap3A_156 {strides = array<i32>} : memref<16x128xi32, #tpu.memory_space<vmem>>, vector<1x16xi32>,
    %broadcast_in_dim3A_157 = arith.constant 3 : i32
    %broadcast_in_dim3A_158 = vector.broadcast %broadcast_in_dim3A_157 : i32 to vector<16xi32>
    %swap3A_159 = arith.constant 0 : i32
    %swap3A_160 = arith.index_cast %swap3A_159 : i32 to index
    %swap3A_161 = arith.constant 48 : index
    %swap3A_162 = tpu.vector_load %arg18[%swap3A_160, %swap3A_161] {strides = array<i32>} : memref<16x128xi32, #tpu.memory_space<vmem>>, vector<1x16xi32>,
    %swap3A_163 = vector.shape_cast %swap3A_162 : vector<1x16xi32> to vector<16xi32>
    %swap3A_164 = vector.shape_cast %broadcast_in_dim3A_158 : vector<16xi32> to vector<1x16xi32>
    tpu.vector_store %arg18[%swap3A_160, %swap3A_161], %swap3A_164 {strides = array<i32>} : memref<16x128xi32, #tpu.memory_space<vmem>>, vector<1x16xi32>,
    %broadcast_in_dim3A_165 = arith.constant 4 : i32
    %broadcast_in_dim3A_166 = vector.broadcast %broadcast_in_dim3A_165 : i32 to vector<16xi32>
    %swap3A_167 = arith.constant 0 : i32
    %swap3A_168 = arith.index_cast %swap3A_167 : i32 to index
    %swap3A_169 = arith.constant 64 : index
    %swap3A_170 = tpu.vector_load %arg18[%swap3A_168, %swap3A_169] {strides = array<i32>} : memref<16x128xi32, #tpu.memory_space<vmem>>, vector<1x16xi32>,
    %swap3A_171 = vector.shape_cast %swap3A_170 : vector<1x16xi32> to vector<16xi32>
    %swap3A_172 = vector.shape_cast %broadcast_in_dim3A_166 : vector<16xi32> to vector<1x16xi32>
    tpu.vector_store %arg18[%swap3A_168, %swap3A_169], %swap3A_172 {strides = array<i32>} : memref<16x128xi32, #tpu.memory_space<vmem>>, vector<1x16xi32>,
    %broadcast_in_dim3A_173 = arith.constant 5 : i32
    %broadcast_in_dim3A_174 = vector.broadcast %broadcast_in_dim3A_173 : i32 to vector<16xi32>
    %swap3A_175 = arith.constant 0 : i32
    %swap3A_176 = arith.index_cast %swap3A_175 : i32 to index
    %swap3A_177 = arith.constant 80 : index
    %swap3A_178 = tpu.vector_load %arg18[%swap3A_176, %swap3A_177] {strides = array<i32>} : memref<16x128xi32, #tpu.memory_space<vmem>>, vector<1x16xi32>,
    %swap3A_179 = vector.shape_cast %swap3A_178 : vector<1x16xi32> to vector<16xi32>
    %swap3A_180 = vector.shape_cast %broadcast_in_dim3A_174 : vector<16xi32> to vector<1x16xi32>
    tpu.vector_store %arg18[%swap3A_176, %swap3A_177], %swap3A_180 {strides = array<i32>} : memref<16x128xi32, #tpu.memory_space<vmem>>, vector<1x16xi32>,
    %broadcast_in_dim3A_181 = arith.constant 6 : i32
    %broadcast_in_dim3A_182 = vector.broadcast %broadcast_in_dim3A_181 : i32 to vector<16xi32>
    %swap3A_183 = arith.constant 0 : i32
    %swap3A_184 = arith.index_cast %swap3A_183 : i32 to index
    %swap3A_185 = arith.constant 96 : index
    %swap3A_186 = tpu.vector_load %arg18[%swap3A_184, %swap3A_185] {strides = array<i32>} : memref<16x128xi32, #tpu.memory_space<vmem>>, vector<1x16xi32>,
    %swap3A_187 = vector.shape_cast %swap3A_186 : vector<1x16xi32> to vector<16xi32>
    %swap3A_188 = vector.shape_cast %broadcast_in_dim3A_182 : vector<16xi32> to vector<1x16xi32>
    tpu.vector_store %arg18[%swap3A_184, %swap3A_185], %swap3A_188 {strides = array<i32>} : memref<16x128xi32, #tpu.memory_space<vmem>>, vector<1x16xi32>,
    %broadcast_in_dim3A_189 = arith.constant 7 : i32
    %broadcast_in_dim3A_190 = vector.broadcast %broadcast_in_dim3A_189 : i32 to vector<16xi32>
    %swap3A_191 = arith.constant 0 : i32
    %swap3A_192 = arith.index_cast %swap3A_191 : i32 to index
    %swap3A_193 = arith.constant 112 : index
    %swap3A_194 = tpu.vector_load %arg18[%swap3A_192, %swap3A_193] {strides = array<i32>} : memref<16x128xi32, #tpu.memory_space<vmem>>, vector<1x16xi32>,
    %swap3A_195 = vector.shape_cast %swap3A_194 : vector<1x16xi32> to vector<16xi32>
    %swap3A_196 = vector.shape_cast %broadcast_in_dim3A_190 : vector<16xi32> to vector<1x16xi32>
    tpu.vector_store %arg18[%swap3A_192, %swap3A_193], %swap3A_196 {strides = array<i32>} : memref<16x128xi32, #tpu.memory_space<vmem>>, vector<1x16xi32>,
    %broadcast_in_dim3A_197 = arith.constant 8 : i32
    %broadcast_in_dim3A_198 = vector.broadcast %broadcast_in_dim3A_197 : i32 to vector<16xi32>
    %swap3A_199 = arith.constant 1 : i32
    %swap3A_200 = arith.index_cast %swap3A_199 : i32 to index
    %swap3A_201 = arith.constant 0 : index
    %swap3A_202 = tpu.vector_load %arg18[%swap3A_200, %swap3A_201] {strides = array<i32>} : memref<16x128xi32, #tpu.memory_space<vmem>>, vector<1x16xi32>,
    %swap3A_203 = vector.shape_cast %swap3A_202 : vector<1x16xi32> to vector<16xi32>
    %swap3A_204 = vector.shape_cast %broadcast_in_dim3A_198 : vector<16xi32> to vector<1x16xi32>
    tpu.vector_store %arg18[%swap3A_200, %swap3A_201], %swap3A_204 {strides = array<i32>} : memref<16x128xi32, #tpu.memory_space<vmem>>, vector<1x16xi32>,
    %broadcast_in_dim3A_205 = arith.constant 9 : i32
    %broadcast_in_dim3A_206 = vector.broadcast %broadcast_in_dim3A_205 : i32 to vector<16xi32>
    %swap3A_207 = arith.constant 1 : i32
    %swap3A_208 = arith.index_cast %swap3A_207 : i32 to index
    %swap3A_209 = arith.constant 16 : index
    %swap3A_210 = tpu.vector_load %arg18[%swap3A_208, %swap3A_209] {strides = array<i32>} : memref<16x128xi32, #tpu.memory_space<vmem>>, vector<1x16xi32>,
    %swap3A_211 = vector.shape_cast %swap3A_210 : vector<1x16xi32> to vector<16xi32>
    %swap3A_212 = vector.shape_cast %broadcast_in_dim3A_206 : vector<16xi32> to vector<1x16xi32>
    tpu.vector_store %arg18[%swap3A_208, %swap3A_209], %swap3A_212 {strides = array<i32>} : memref<16x128xi32, #tpu.memory_space<vmem>>, vector<1x16xi32>,
    %broadcast_in_dim3A_213 = arith.constant 10 : i32
    %broadcast_in_dim3A_214 = vector.broadcast %broadcast_in_dim3A_213 : i32 to vector<16xi32>
    %swap3A_215 = arith.constant 1 : i32
    %swap3A_216 = arith.index_cast %swap3A_215 : i32 to index
    %swap3A_217 = arith.constant 32 : index
    %swap3A_218 = tpu.vector_load %arg18[%swap3A_216, %swap3A_217] {strides = array<i32>} : memref<16x128xi32, #tpu.memory_space<vmem>>, vector<1x16xi32>,
    %swap3A_219 = vector.shape_cast %swap3A_218 : vector<1x16xi32> to vector<16xi32>
    %swap3A_220 = vector.shape_cast %broadcast_in_dim3A_214 : vector<16xi32> to vector<1x16xi32>
    tpu.vector_store %arg18[%swap3A_216, %swap3A_217], %swap3A_220 {strides = array<i32>} : memref<16x128xi32, #tpu.memory_space<vmem>>, vector<1x16xi32>,
    %broadcast_in_dim3A_221 = arith.constant 11 : i32
    %broadcast_in_dim3A_222 = vector.broadcast %broadcast_in_dim3A_221 : i32 to vector<16xi32>
    %swap3A_223 = arith.constant 1 : i32
    %swap3A_224 = arith.index_cast %swap3A_223 : i32 to index
    %swap3A_225 = arith.constant 48 : index
    %swap3A_226 = tpu.vector_load %arg18[%swap3A_224, %swap3A_225] {strides = array<i32>} : memref<16x128xi32, #tpu.memory_space<vmem>>, vector<1x16xi32>,
    %swap3A_227 = vector.shape_cast %swap3A_226 : vector<1x16xi32> to vector<16xi32>
    %swap3A_228 = vector.shape_cast %broadcast_in_dim3A_222 : vector<16xi32> to vector<1x16xi32>
    tpu.vector_store %arg18[%swap3A_224, %swap3A_225], %swap3A_228 {strides = array<i32>} : memref<16x128xi32, #tpu.memory_space<vmem>>, vector<1x16xi32>,
    %broadcast_in_dim3A_229 = arith.constant 12 : i32
    %broadcast_in_dim3A_230 = vector.broadcast %broadcast_in_dim3A_229 : i32 to vector<16xi32>
    %swap3A_231 = arith.constant 1 : i32
    %swap3A_232 = arith.index_cast %swap3A_231 : i32 to index
    %swap3A_233 = arith.constant 64 : index
    %swap3A_234 = tpu.vector_load %arg18[%swap3A_232, %swap3A_233] {strides = array<i32>} : memref<16x128xi32, #tpu.memory_space<vmem>>, vector<1x16xi32>,
    %swap3A_235 = vector.shape_cast %swap3A_234 : vector<1x16xi32> to vector<16xi32>
    %swap3A_236 = vector.shape_cast %broadcast_in_dim3A_230 : vector<16xi32> to vector<1x16xi32>
    tpu.vector_store %arg18[%swap3A_232, %swap3A_233], %swap3A_236 {strides = array<i32>} : memref<16x128xi32, #tpu.memory_space<vmem>>, vector<1x16xi32>,
    %broadcast_in_dim3A_237 = arith.constant 13 : i32
    %broadcast_in_dim3A_238 = vector.broadcast %broadcast_in_dim3A_237 : i32 to vector<16xi32>
    %swap3A_239 = arith.constant 1 : i32
    %swap3A_240 = arith.index_cast %swap3A_239 : i32 to index
    %swap3A_241 = arith.constant 80 : index
    %swap3A_242 = tpu.vector_load %arg18[%swap3A_240, %swap3A_241] {strides = array<i32>} : memref<16x128xi32, #tpu.memory_space<vmem>>, vector<1x16xi32>,
    %swap3A_243 = vector.shape_cast %swap3A_242 : vector<1x16xi32> to vector<16xi32>
    %swap3A_244 = vector.shape_cast %broadcast_in_dim3A_238 : vector<16xi32> to vector<1x16xi32>
    tpu.vector_store %arg18[%swap3A_240, %swap3A_241], %swap3A_244 {strides = array<i32>} : memref<16x128xi32, #tpu.memory_space<vmem>>, vector<1x16xi32>,
    %broadcast_in_dim3A_245 = arith.constant 14 : i32
    %broadcast_in_dim3A_246 = vector.broadcast %broadcast_in_dim3A_245 : i32 to vector<16xi32>
    %swap3A_247 = arith.constant 1 : i32
    %swap3A_248 = arith.index_cast %swap3A_247 : i32 to index
    %swap3A_249 = arith.constant 96 : index
    %swap3A_250 = tpu.vector_load %arg18[%swap3A_248, %swap3A_249] {strides = array<i32>} : memref<16x128xi32, #tpu.memory_space<vmem>>, vector<1x16xi32>,
    %swap3A_251 = vector.shape_cast %swap3A_250 : vector<1x16xi32> to vector<16xi32>
    %swap3A_252 = vector.shape_cast %broadcast_in_dim3A_246 : vector<16xi32> to vector<1x16xi32>
    tpu.vector_store %arg18[%swap3A_248, %swap3A_249], %swap3A_252 {strides = array<i32>} : memref<16x128xi32, #tpu.memory_space<vmem>>, vector<1x16xi32>,
    %broadcast_in_dim3A_253 = arith.constant 15 : i32
    %broadcast_in_dim3A_254 = vector.broadcast %broadcast_in_dim3A_253 : i32 to vector<16xi32>
    %swap3A_255 = arith.constant 1 : i32
    %swap3A_256 = arith.index_cast %swap3A_255 : i32 to index
    %swap3A_257 = arith.constant 112 : index
    %swap3A_258 = tpu.vector_load %arg18[%swap3A_256, %swap3A_257] {strides = array<i32>} : memref<16x128xi32, #tpu.memory_space<vmem>>, vector<1x16xi32>,
    %swap3A_259 = vector.shape_cast %swap3A_258 : vector<1x16xi32> to vector<16xi32>
    %swap3A_260 = vector.shape_cast %broadcast_in_dim3A_254 : vector<16xi32> to vector<1x16xi32>
    tpu.vector_store %arg18[%swap3A_256, %swap3A_257], %swap3A_260 {strides = array<i32>} : memref<16x128xi32, #tpu.memory_space<vmem>>, vector<1x16xi32>,
    %broadcast_in_dim3A_261 = arith.constant 16 : i32
    %broadcast_in_dim3A_262 = vector.broadcast %broadcast_in_dim3A_261 : i32 to vector<16xi32>
    %swap3A_263 = arith.constant 2 : i32
    %swap3A_264 = arith.index_cast %swap3A_263 : i32 to index
    %swap3A_265 = arith.constant 0 : index
    %swap3A_266 = tpu.vector_load %arg18[%swap3A_264, %swap3A_265] {strides = array<i32>} : memref<16x128xi32, #tpu.memory_space<vmem>>, vector<1x16xi32>,
    %swap3A_267 = vector.shape_cast %swap3A_266 : vector<1x16xi32> to vector<16xi32>
    %swap3A_268 = vector.shape_cast %broadcast_in_dim3A_262 : vector<16xi32> to vector<1x16xi32>
    tpu.vector_store %arg18[%swap3A_264, %swap3A_265], %swap3A_268 {strides = array<i32>} : memref<16x128xi32, #tpu.memory_space<vmem>>, vector<1x16xi32>,
    %broadcast_in_dim3A_269 = arith.constant 17 : i32
    %broadcast_in_dim3A_270 = vector.broadcast %broadcast_in_dim3A_269 : i32 to vector<16xi32>
    %swap3A_271 = arith.constant 2 : i32
    %swap3A_272 = arith.index_cast %swap3A_271 : i32 to index
    %swap3A_273 = arith.constant 16 : index
    %swap3A_274 = tpu.vector_load %arg18[%swap3A_272, %swap3A_273] {strides = array<i32>} : memref<16x128xi32, #tpu.memory_space<vmem>>, vector<1x16xi32>,
    %swap3A_275 = vector.shape_cast %swap3A_274 : vector<1x16xi32> to vector<16xi32>
    %swap3A_276 = vector.shape_cast %broadcast_in_dim3A_270 : vector<16xi32> to vector<1x16xi32>
    tpu.vector_store %arg18[%swap3A_272, %swap3A_273], %swap3A_276 {strides = array<i32>} : memref<16x128xi32, #tpu.memory_space<vmem>>, vector<1x16xi32>,
    %broadcast_in_dim3A_277 = arith.constant 18 : i32
    %broadcast_in_dim3A_278 = vector.broadcast %broadcast_in_dim3A_277 : i32 to vector<16xi32>
    %swap3A_279 = arith.constant 2 : i32
    %swap3A_280 = arith.index_cast %swap3A_279 : i32 to index
    %swap3A_281 = arith.constant 32 : index
    %swap3A_282 = tpu.vector_load %arg18[%swap3A_280, %swap3A_281] {strides = array<i32>} : memref<16x128xi32, #tpu.memory_space<vmem>>, vector<1x16xi32>,
    %swap3A_283 = vector.shape_cast %swap3A_282 : vector<1x16xi32> to vector<16xi32>
    %swap3A_284 = vector.shape_cast %broadcast_in_dim3A_278 : vector<16xi32> to vector<1x16xi32>
    tpu.vector_store %arg18[%swap3A_280, %swap3A_281], %swap3A_284 {strides = array<i32>} : memref<16x128xi32, #tpu.memory_space<vmem>>, vector<1x16xi32>,
    %broadcast_in_dim3A_285 = arith.constant 19 : i32
    %broadcast_in_dim3A_286 = vector.broadcast %broadcast_in_dim3A_285 : i32 to vector<16xi32>
    %swap3A_287 = arith.constant 2 : i32
    %swap3A_288 = arith.index_cast %swap3A_287 : i32 to index
    %swap3A_289 = arith.constant 48 : index
    %swap3A_290 = tpu.vector_load %arg18[%swap3A_288, %swap3A_289] {strides = array<i32>} : memref<16x128xi32, #tpu.memory_space<vmem>>, vector<1x16xi32>,
    %swap3A_291 = vector.shape_cast %swap3A_290 : vector<1x16xi32> to vector<16xi32>
    %swap3A_292 = vector.shape_cast %broadcast_in_dim3A_286 : vector<16xi32> to vector<1x16xi32>
    tpu.vector_store %arg18[%swap3A_288, %swap3A_289], %swap3A_292 {strides = array<i32>} : memref<16x128xi32, #tpu.memory_space<vmem>>, vector<1x16xi32>,
    %broadcast_in_dim3A_293 = arith.constant 20 : i32
    %broadcast_in_dim3A_294 = vector.broadcast %broadcast_in_dim3A_293 : i32 to vector<16xi32>
    %swap3A_295 = arith.constant 2 : i32
    %swap3A_296 = arith.index_cast %swap3A_295 : i32 to index
    %swap3A_297 = arith.constant 64 : index
    %swap3A_298 = tpu.vector_load %arg18[%swap3A_296, %swap3A_297] {strides = array<i32>} : memref<16x128xi32, #tpu.memory_space<vmem>>, vector<1x16xi32>,
    %swap3A_299 = vector.shape_cast %swap3A_298 : vector<1x16xi32> to vector<16xi32>
    %swap3A_300 = vector.shape_cast %broadcast_in_dim3A_294 : vector<16xi32> to vector<1x16xi32>
    tpu.vector_store %arg18[%swap3A_296, %swap3A_297], %swap3A_300 {strides = array<i32>} : memref<16x128xi32, #tpu.memory_space<vmem>>, vector<1x16xi32>,
    %broadcast_in_dim3A_301 = arith.constant 21 : i32
    %broadcast_in_dim3A_302 = vector.broadcast %broadcast_in_dim3A_301 : i32 to vector<16xi32>
    %swap3A_303 = arith.constant 2 : i32
    %swap3A_304 = arith.index_cast %swap3A_303 : i32 to index
    %swap3A_305 = arith.constant 80 : index
    %swap3A_306 = tpu.vector_load %arg18[%swap3A_304, %swap3A_305] {strides = array<i32>} : memref<16x128xi32, #tpu.memory_space<vmem>>, vector<1x16xi32>,
    %swap3A_307 = vector.shape_cast %swap3A_306 : vector<1x16xi32> to vector<16xi32>
    %swap3A_308 = vector.shape_cast %broadcast_in_dim3A_302 : vector<16xi32> to vector<1x16xi32>
    tpu.vector_store %arg18[%swap3A_304, %swap3A_305], %swap3A_308 {strides = array<i32>} : memref<16x128xi32, #tpu.memory_space<vmem>>, vector<1x16xi32>,
    %broadcast_in_dim3A_309 = arith.constant 22 : i32
    %broadcast_in_dim3A_310 = vector.broadcast %broadcast_in_dim3A_309 : i32 to vector<16xi32>
    %swap3A_311 = arith.constant 2 : i32
    %swap3A_312 = arith.index_cast %swap3A_311 : i32 to index
    %swap3A_313 = arith.constant 96 : index
    %swap3A_314 = tpu.vector_load %arg18[%swap3A_312, %swap3A_313] {strides = array<i32>} : memref<16x128xi32, #tpu.memory_space<vmem>>, vector<1x16xi32>,
    %swap3A_315 = vector.shape_cast %swap3A_314 : vector<1x16xi32> to vector<16xi32>
    %swap3A_316 = vector.shape_cast %broadcast_in_dim3A_310 : vector<16xi32> to vector<1x16xi32>
    tpu.vector_store %arg18[%swap3A_312, %swap3A_313], %swap3A_316 {strides = array<i32>} : memref<16x128xi32, #tpu.memory_space<vmem>>, vector<1x16xi32>,
    %broadcast_in_dim3A_317 = arith.constant 23 : i32
    %broadcast_in_dim3A_318 = vector.broadcast %broadcast_in_dim3A_317 : i32 to vector<16xi32>
    %swap3A_319 = arith.constant 2 : i32
    %swap3A_320 = arith.index_cast %swap3A_319 : i32 to index
    %swap3A_321 = arith.constant 112 : index
    %swap3A_322 = tpu.vector_load %arg18[%swap3A_320, %swap3A_321] {strides = array<i32>} : memref<16x128xi32, #tpu.memory_space<vmem>>, vector<1x16xi32>,
    %swap3A_323 = vector.shape_cast %swap3A_322 : vector<1x16xi32> to vector<16xi32>
    %swap3A_324 = vector.shape_cast %broadcast_in_dim3A_318 : vector<16xi32> to vector<1x16xi32>
    tpu.vector_store %arg18[%swap3A_320, %swap3A_321], %swap3A_324 {strides = array<i32>} : memref<16x128xi32, #tpu.memory_space<vmem>>, vector<1x16xi32>,
    %broadcast_in_dim3A_325 = arith.constant 24 : i32
    %broadcast_in_dim3A_326 = vector.broadcast %broadcast_in_dim3A_325 : i32 to vector<16xi32>
    %swap3A_327 = arith.constant 3 : i32
    %swap3A_328 = arith.index_cast %swap3A_327 : i32 to index
    %swap3A_329 = arith.constant 0 : index
    %swap3A_330 = tpu.vector_load %arg18[%swap3A_328, %swap3A_329] {strides = array<i32>} : memref<16x128xi32, #tpu.memory_space<vmem>>, vector<1x16xi32>,
    %swap3A_331 = vector.shape_cast %swap3A_330 : vector<1x16xi32> to vector<16xi32>
    %swap3A_332 = vector.shape_cast %broadcast_in_dim3A_326 : vector<16xi32> to vector<1x16xi32>
    tpu.vector_store %arg18[%swap3A_328, %swap3A_329], %swap3A_332 {strides = array<i32>} : memref<16x128xi32, #tpu.memory_space<vmem>>, vector<1x16xi32>,
    %broadcast_in_dim3A_333 = arith.constant 25 : i32
    %broadcast_in_dim3A_334 = vector.broadcast %broadcast_in_dim3A_333 : i32 to vector<16xi32>
    %swap3A_335 = arith.constant 3 : i32
    %swap3A_336 = arith.index_cast %swap3A_335 : i32 to index
    %swap3A_337 = arith.constant 16 : index
    %swap3A_338 = tpu.vector_load %arg18[%swap3A_336, %swap3A_337] {strides = array<i32>} : memref<16x128xi32, #tpu.memory_space<vmem>>, vector<1x16xi32>,
    %swap3A_339 = vector.shape_cast %swap3A_338 : vector<1x16xi32> to vector<16xi32>
    %swap3A_340 = vector.shape_cast %broadcast_in_dim3A_334 : vector<16xi32> to vector<1x16xi32>
    tpu.vector_store %arg18[%swap3A_336, %swap3A_337], %swap3A_340 {strides = array<i32>} : memref<16x128xi32, #tpu.memory_space<vmem>>, vector<1x16xi32>,
    %broadcast_in_dim3A_341 = arith.constant 26 : i32
    %broadcast_in_dim3A_342 = vector.broadcast %broadcast_in_dim3A_341 : i32 to vector<16xi32>
    %swap3A_343 = arith.constant 3 : i32
    %swap3A_344 = arith.index_cast %swap3A_343 : i32 to index
    %swap3A_345 = arith.constant 32 : index
    %swap3A_346 = tpu.vector_load %arg18[%swap3A_344, %swap3A_345] {strides = array<i32>} : memref<16x128xi32, #tpu.memory_space<vmem>>, vector<1x16xi32>,
    %swap3A_347 = vector.shape_cast %swap3A_346 : vector<1x16xi32> to vector<16xi32>
    %swap3A_348 = vector.shape_cast %broadcast_in_dim3A_342 : vector<16xi32> to vector<1x16xi32>
    tpu.vector_store %arg18[%swap3A_344, %swap3A_345], %swap3A_348 {strides = array<i32>} : memref<16x128xi32, #tpu.memory_space<vmem>>, vector<1x16xi32>,
    %broadcast_in_dim3A_349 = arith.constant 27 : i32
    %broadcast_in_dim3A_350 = vector.broadcast %broadcast_in_dim3A_349 : i32 to vector<16xi32>
    %swap3A_351 = arith.constant 3 : i32
    %swap3A_352 = arith.index_cast %swap3A_351 : i32 to index
    %swap3A_353 = arith.constant 48 : index
    %swap3A_354 = tpu.vector_load %arg18[%swap3A_352, %swap3A_353] {strides = array<i32>} : memref<16x128xi32, #tpu.memory_space<vmem>>, vector<1x16xi32>,
    %swap3A_355 = vector.shape_cast %swap3A_354 : vector<1x16xi32> to vector<16xi32>
    %swap3A_356 = vector.shape_cast %broadcast_in_dim3A_350 : vector<16xi32> to vector<1x16xi32>
    tpu.vector_store %arg18[%swap3A_352, %swap3A_353], %swap3A_356 {strides = array<i32>} : memref<16x128xi32, #tpu.memory_space<vmem>>, vector<1x16xi32>,
    %broadcast_in_dim3A_357 = arith.constant 28 : i32
    %broadcast_in_dim3A_358 = vector.broadcast %broadcast_in_dim3A_357 : i32 to vector<16xi32>
    %swap3A_359 = arith.constant 3 : i32
    %swap3A_360 = arith.index_cast %swap3A_359 : i32 to index
    %swap3A_361 = arith.constant 64 : index
    %swap3A_362 = tpu.vector_load %arg18[%swap3A_360, %swap3A_361] {strides = array<i32>} : memref<16x128xi32, #tpu.memory_space<vmem>>, vector<1x16xi32>,
    %swap3A_363 = vector.shape_cast %swap3A_362 : vector<1x16xi32> to vector<16xi32>
    %swap3A_364 = vector.shape_cast %broadcast_in_dim3A_358 : vector<16xi32> to vector<1x16xi32>
    tpu.vector_store %arg18[%swap3A_360, %swap3A_361], %swap3A_364 {strides = array<i32>} : memref<16x128xi32, #tpu.memory_space<vmem>>, vector<1x16xi32>,
    %broadcast_in_dim3A_365 = arith.constant 29 : i32
    %broadcast_in_dim3A_366 = vector.broadcast %broadcast_in_dim3A_365 : i32 to vector<16xi32>
    %swap3A_367 = arith.constant 3 : i32
    %swap3A_368 = arith.index_cast %swap3A_367 : i32 to index
    %swap3A_369 = arith.constant 80 : index
    %swap3A_370 = tpu.vector_load %arg18[%swap3A_368, %swap3A_369] {strides = array<i32>} : memref<16x128xi32, #tpu.memory_space<vmem>>, vector<1x16xi32>,
    %swap3A_371 = vector.shape_cast %swap3A_370 : vector<1x16xi32> to vector<16xi32>
    %swap3A_372 = vector.shape_cast %broadcast_in_dim3A_366 : vector<16xi32> to vector<1x16xi32>
    tpu.vector_store %arg18[%swap3A_368, %swap3A_369], %swap3A_372 {strides = array<i32>} : memref<16x128xi32, #tpu.memory_space<vmem>>, vector<1x16xi32>,
    %broadcast_in_dim3A_373 = arith.constant 30 : i32
    %broadcast_in_dim3A_374 = vector.broadcast %broadcast_in_dim3A_373 : i32 to vector<16xi32>
    %swap3A_375 = arith.constant 3 : i32
    %swap3A_376 = arith.index_cast %swap3A_375 : i32 to index
    %swap3A_377 = arith.constant 96 : index
    %swap3A_378 = tpu.vector_load %arg18[%swap3A_376, %swap3A_377] {strides = array<i32>} : memref<16x128xi32, #tpu.memory_space<vmem>>, vector<1x16xi32>,
    %swap3A_379 = vector.shape_cast %swap3A_378 : vector<1x16xi32> to vector<16xi32>
    %swap3A_380 = vector.shape_cast %broadcast_in_dim3A_374 : vector<16xi32> to vector<1x16xi32>
    tpu.vector_store %arg18[%swap3A_376, %swap3A_377], %swap3A_380 {strides = array<i32>} : memref<16x128xi32, #tpu.memory_space<vmem>>, vector<1x16xi32>,
    %broadcast_in_dim3A_381 = arith.constant 31 : i32
    %broadcast_in_dim3A_382 = vector.broadcast %broadcast_in_dim3A_381 : i32 to vector<16xi32>
    %swap3A_383 = arith.constant 3 : i32
    %swap3A_384 = arith.index_cast %swap3A_383 : i32 to index
    %swap3A_385 = arith.constant 112 : index
    %swap3A_386 = tpu.vector_load %arg18[%swap3A_384, %swap3A_385] {strides = array<i32>} : memref<16x128xi32, #tpu.memory_space<vmem>>, vector<1x16xi32>,
    %swap3A_387 = vector.shape_cast %swap3A_386 : vector<1x16xi32> to vector<16xi32>
    %swap3A_388 = vector.shape_cast %broadcast_in_dim3A_382 : vector<16xi32> to vector<1x16xi32>
    tpu.vector_store %arg18[%swap3A_384, %swap3A_385], %swap3A_388 {strides = array<i32>} : memref<16x128xi32, #tpu.memory_space<vmem>>, vector<1x16xi32>,
    %broadcast_in_dim3A_389 = arith.constant 32 : i32
    %broadcast_in_dim3A_390 = vector.broadcast %broadcast_in_dim3A_389 : i32 to vector<16xi32>
    %swap3A_391 = arith.constant 4 : i32
    %swap3A_392 = arith.index_cast %swap3A_391 : i32 to index
    %swap3A_393 = arith.constant 0 : index
    %swap3A_394 = tpu.vector_load %arg18[%swap3A_392, %swap3A_393] {strides = array<i32>} : memref<16x128xi32, #tpu.memory_space<vmem>>, vector<1x16xi32>,
    %swap3A_395 = vector.shape_cast %swap3A_394 : vector<1x16xi32> to vector<16xi32>
    %swap3A_396 = vector.shape_cast %broadcast_in_dim3A_390 : vector<16xi32> to vector<1x16xi32>
    tpu.vector_store %arg18[%swap3A_392, %swap3A_393], %swap3A_396 {strides = array<i32>} : memref<16x128xi32, #tpu.memory_space<vmem>>, vector<1x16xi32>,
    %broadcast_in_dim3A_397 = arith.constant 33 : i32
    %broadcast_in_dim3A_398 = vector.broadcast %broadcast_in_dim3A_397 : i32 to vector<16xi32>
    %swap3A_399 = arith.constant 4 : i32
    %swap3A_400 = arith.index_cast %swap3A_399 : i32 to index
    %swap3A_401 = arith.constant 16 : index
    %swap3A_402 = tpu.vector_load %arg18[%swap3A_400, %swap3A_401] {strides = array<i32>} : memref<16x128xi32, #tpu.memory_space<vmem>>, vector<1x16xi32>,
    %swap3A_403 = vector.shape_cast %swap3A_402 : vector<1x16xi32> to vector<16xi32>
    %swap3A_404 = vector.shape_cast %broadcast_in_dim3A_398 : vector<16xi32> to vector<1x16xi32>
    tpu.vector_store %arg18[%swap3A_400, %swap3A_401], %swap3A_404 {strides = array<i32>} : memref<16x128xi32, #tpu.memory_space<vmem>>, vector<1x16xi32>,
    %broadcast_in_dim3A_405 = arith.constant 34 : i32
    %broadcast_in_dim3A_406 = vector.broadcast %broadcast_in_dim3A_405 : i32 to vector<16xi32>
    %swap3A_407 = arith.constant 4 : i32
    %swap3A_408 = arith.index_cast %swap3A_407 : i32 to index
    %swap3A_409 = arith.constant 32 : index
    %swap3A_410 = tpu.vector_load %arg18[%swap3A_408, %swap3A_409] {strides = array<i32>} : memref<16x128xi32, #tpu.memory_space<vmem>>, vector<1x16xi32>,
    %swap3A_411 = vector.shape_cast %swap3A_410 : vector<1x16xi32> to vector<16xi32>
    %swap3A_412 = vector.shape_cast %broadcast_in_dim3A_406 : vector<16xi32> to vector<1x16xi32>
    tpu.vector_store %arg18[%swap3A_408, %swap3A_409], %swap3A_412 {strides = array<i32>} : memref<16x128xi32, #tpu.memory_space<vmem>>, vector<1x16xi32>,
    %broadcast_in_dim3A_413 = arith.constant 35 : i32
    %broadcast_in_dim3A_414 = vector.broadcast %broadcast_in_dim3A_413 : i32 to vector<16xi32>
    %swap3A_415 = arith.constant 4 : i32
    %swap3A_416 = arith.index_cast %swap3A_415 : i32 to index
    %swap3A_417 = arith.constant 48 : index
    %swap3A_418 = tpu.vector_load %arg18[%swap3A_416, %swap3A_417] {strides = array<i32>} : memref<16x128xi32, #tpu.memory_space<vmem>>, vector<1x16xi32>,
    %swap3A_419 = vector.shape_cast %swap3A_418 : vector<1x16xi32> to vector<16xi32>
    %swap3A_420 = vector.shape_cast %broadcast_in_dim3A_414 : vector<16xi32> to vector<1x16xi32>
    tpu.vector_store %arg18[%swap3A_416, %swap3A_417], %swap3A_420 {strides = array<i32>} : memref<16x128xi32, #tpu.memory_space<vmem>>, vector<1x16xi32>,
    %broadcast_in_dim3A_421 = arith.constant 36 : i32
    %broadcast_in_dim3A_422 = vector.broadcast %broadcast_in_dim3A_421 : i32 to vector<16xi32>
    %swap3A_423 = arith.constant 4 : i32
    %swap3A_424 = arith.index_cast %swap3A_423 : i32 to index
    %swap3A_425 = arith.constant 64 : index
    %swap3A_426 = tpu.vector_load %arg18[%swap3A_424, %swap3A_425] {strides = array<i32>} : memref<16x128xi32, #tpu.memory_space<vmem>>, vector<1x16xi32>,
    %swap3A_427 = vector.shape_cast %swap3A_426 : vector<1x16xi32> to vector<16xi32>
    %swap3A_428 = vector.shape_cast %broadcast_in_dim3A_422 : vector<16xi32> to vector<1x16xi32>
    tpu.vector_store %arg18[%swap3A_424, %swap3A_425], %swap3A_428 {strides = array<i32>} : memref<16x128xi32, #tpu.memory_space<vmem>>, vector<1x16xi32>,
    %broadcast_in_dim3A_429 = arith.constant 37 : i32
    %broadcast_in_dim3A_430 = vector.broadcast %broadcast_in_dim3A_429 : i32 to vector<16xi32>
    %swap3A_431 = arith.constant 4 : i32
    %swap3A_432 = arith.index_cast %swap3A_431 : i32 to index
    %swap3A_433 = arith.constant 80 : index
    %swap3A_434 = tpu.vector_load %arg18[%swap3A_432, %swap3A_433] {strides = array<i32>} : memref<16x128xi32, #tpu.memory_space<vmem>>, vector<1x16xi32>,
    %swap3A_435 = vector.shape_cast %swap3A_434 : vector<1x16xi32> to vector<16xi32>
    %swap3A_436 = vector.shape_cast %broadcast_in_dim3A_430 : vector<16xi32> to vector<1x16xi32>
    tpu.vector_store %arg18[%swap3A_432, %swap3A_433], %swap3A_436 {strides = array<i32>} : memref<16x128xi32, #tpu.memory_space<vmem>>, vector<1x16xi32>,
    %broadcast_in_dim3A_437 = arith.constant 38 : i32
    %broadcast_in_dim3A_438 = vector.broadcast %broadcast_in_dim3A_437 : i32 to vector<16xi32>
    %swap3A_439 = arith.constant 4 : i32
    %swap3A_440 = arith.index_cast %swap3A_439 : i32 to index
    %swap3A_441 = arith.constant 96 : index
    %swap3A_442 = tpu.vector_load %arg18[%swap3A_440, %swap3A_441] {strides = array<i32>} : memref<16x128xi32, #tpu.memory_space<vmem>>, vector<1x16xi32>,
    %swap3A_443 = vector.shape_cast %swap3A_442 : vector<1x16xi32> to vector<16xi32>
    %swap3A_444 = vector.shape_cast %broadcast_in_dim3A_438 : vector<16xi32> to vector<1x16xi32>
    tpu.vector_store %arg18[%swap3A_440, %swap3A_441], %swap3A_444 {strides = array<i32>} : memref<16x128xi32, #tpu.memory_space<vmem>>, vector<1x16xi32>,
    %broadcast_in_dim3A_445 = arith.constant 39 : i32
    %broadcast_in_dim3A_446 = vector.broadcast %broadcast_in_dim3A_445 : i32 to vector<16xi32>
    %swap3A_447 = arith.constant 4 : i32
    %swap3A_448 = arith.index_cast %swap3A_447 : i32 to index
    %swap3A_449 = arith.constant 112 : index
    %swap3A_450 = tpu.vector_load %arg18[%swap3A_448, %swap3A_449] {strides = array<i32>} : memref<16x128xi32, #tpu.memory_space<vmem>>, vector<1x16xi32>,
    %swap3A_451 = vector.shape_cast %swap3A_450 : vector<1x16xi32> to vector<16xi32>
    %swap3A_452 = vector.shape_cast %broadcast_in_dim3A_446 : vector<16xi32> to vector<1x16xi32>
    tpu.vector_store %arg18[%swap3A_448, %swap3A_449], %swap3A_452 {strides = array<i32>} : memref<16x128xi32, #tpu.memory_space<vmem>>, vector<1x16xi32>,
    %broadcast_in_dim3A_453 = arith.constant 40 : i32
    %broadcast_in_dim3A_454 = vector.broadcast %broadcast_in_dim3A_453 : i32 to vector<16xi32>
    %swap3A_455 = arith.constant 5 : i32
    %swap3A_456 = arith.index_cast %swap3A_455 : i32 to index
    %swap3A_457 = arith.constant 0 : index
    %swap3A_458 = tpu.vector_load %arg18[%swap3A_456, %swap3A_457] {strides = array<i32>} : memref<16x128xi32, #tpu.memory_space<vmem>>, vector<1x16xi32>,
    %swap3A_459 = vector.shape_cast %swap3A_458 : vector<1x16xi32> to vector<16xi32>
    %swap3A_460 = vector.shape_cast %broadcast_in_dim3A_454 : vector<16xi32> to vector<1x16xi32>
    tpu.vector_store %arg18[%swap3A_456, %swap3A_457], %swap3A_460 {strides = array<i32>} : memref<16x128xi32, #tpu.memory_space<vmem>>, vector<1x16xi32>,
    %broadcast_in_dim3A_461 = arith.constant 41 : i32
    %broadcast_in_dim3A_462 = vector.broadcast %broadcast_in_dim3A_461 : i32 to vector<16xi32>
    %swap3A_463 = arith.constant 5 : i32
    %swap3A_464 = arith.index_cast %swap3A_463 : i32 to index
    %swap3A_465 = arith.constant 16 : index
    %swap3A_466 = tpu.vector_load %arg18[%swap3A_464, %swap3A_465] {strides = array<i32>} : memref<16x128xi32, #tpu.memory_space<vmem>>, vector<1x16xi32>,
    %swap3A_467 = vector.shape_cast %swap3A_466 : vector<1x16xi32> to vector<16xi32>
    %swap3A_468 = vector.shape_cast %broadcast_in_dim3A_462 : vector<16xi32> to vector<1x16xi32>
    tpu.vector_store %arg18[%swap3A_464, %swap3A_465], %swap3A_468 {strides = array<i32>} : memref<16x128xi32, #tpu.memory_space<vmem>>, vector<1x16xi32>,
    %broadcast_in_dim3A_469 = arith.constant 42 : i32
    %broadcast_in_dim3A_470 = vector.broadcast %broadcast_in_dim3A_469 : i32 to vector<16xi32>
    %swap3A_471 = arith.constant 5 : i32
    %swap3A_472 = arith.index_cast %swap3A_471 : i32 to index
    %swap3A_473 = arith.constant 32 : index
    %swap3A_474 = tpu.vector_load %arg18[%swap3A_472, %swap3A_473] {strides = array<i32>} : memref<16x128xi32, #tpu.memory_space<vmem>>, vector<1x16xi32>,
    %swap3A_475 = vector.shape_cast %swap3A_474 : vector<1x16xi32> to vector<16xi32>
    %swap3A_476 = vector.shape_cast %broadcast_in_dim3A_470 : vector<16xi32> to vector<1x16xi32>
    tpu.vector_store %arg18[%swap3A_472, %swap3A_473], %swap3A_476 {strides = array<i32>} : memref<16x128xi32, #tpu.memory_space<vmem>>, vector<1x16xi32>,
    %broadcast_in_dim3A_477 = arith.constant 43 : i32
    %broadcast_in_dim3A_478 = vector.broadcast %broadcast_in_dim3A_477 : i32 to vector<16xi32>
    %swap3A_479 = arith.constant 5 : i32
    %swap3A_480 = arith.index_cast %swap3A_479 : i32 to index
    %swap3A_481 = arith.constant 48 : index
    %swap3A_482 = tpu.vector_load %arg18[%swap3A_480, %swap3A_481] {strides = array<i32>} : memref<16x128xi32, #tpu.memory_space<vmem>>, vector<1x16xi32>,
    %swap3A_483 = vector.shape_cast %swap3A_482 : vector<1x16xi32> to vector<16xi32>
    %swap3A_484 = vector.shape_cast %broadcast_in_dim3A_478 : vector<16xi32> to vector<1x16xi32>
    tpu.vector_store %arg18[%swap3A_480, %swap3A_481], %swap3A_484 {strides = array<i32>} : memref<16x128xi32, #tpu.memory_space<vmem>>, vector<1x16xi32>,
    %broadcast_in_dim3A_485 = arith.constant 44 : i32
    %broadcast_in_dim3A_486 = vector.broadcast %broadcast_in_dim3A_485 : i32 to vector<16xi32>
    %swap3A_487 = arith.constant 5 : i32
    %swap3A_488 = arith.index_cast %swap3A_487 : i32 to index
    %swap3A_489 = arith.constant 64 : index
    %swap3A_490 = tpu.vector_load %arg18[%swap3A_488, %swap3A_489] {strides = array<i32>} : memref<16x128xi32, #tpu.memory_space<vmem>>, vector<1x16xi32>,
    %swap3A_491 = vector.shape_cast %swap3A_490 : vector<1x16xi32> to vector<16xi32>
    %swap3A_492 = vector.shape_cast %broadcast_in_dim3A_486 : vector<16xi32> to vector<1x16xi32>
    tpu.vector_store %arg18[%swap3A_488, %swap3A_489], %swap3A_492 {strides = array<i32>} : memref<16x128xi32, #tpu.memory_space<vmem>>, vector<1x16xi32>,
    %broadcast_in_dim3A_493 = arith.constant 45 : i32
    %broadcast_in_dim3A_494 = vector.broadcast %broadcast_in_dim3A_493 : i32 to vector<16xi32>
    %swap3A_495 = arith.constant 5 : i32
    %swap3A_496 = arith.index_cast %swap3A_495 : i32 to index
    %swap3A_497 = arith.constant 80 : index
    %swap3A_498 = tpu.vector_load %arg18[%swap3A_496, %swap3A_497] {strides = array<i32>} : memref<16x128xi32, #tpu.memory_space<vmem>>, vector<1x16xi32>,
    %swap3A_499 = vector.shape_cast %swap3A_498 : vector<1x16xi32> to vector<16xi32>
    %swap3A_500 = vector.shape_cast %broadcast_in_dim3A_494 : vector<16xi32> to vector<1x16xi32>
    tpu.vector_store %arg18[%swap3A_496, %swap3A_497], %swap3A_500 {strides = array<i32>} : memref<16x128xi32, #tpu.memory_space<vmem>>, vector<1x16xi32>,
    %broadcast_in_dim3A_501 = arith.constant 46 : i32
    %broadcast_in_dim3A_502 = vector.broadcast %broadcast_in_dim3A_501 : i32 to vector<16xi32>
    %swap3A_503 = arith.constant 5 : i32
    %swap3A_504 = arith.index_cast %swap3A_503 : i32 to index
    %swap3A_505 = arith.constant 96 : index
    %swap3A_506 = tpu.vector_load %arg18[%swap3A_504, %swap3A_505] {strides = array<i32>} : memref<16x128xi32, #tpu.memory_space<vmem>>, vector<1x16xi32>,
    %swap3A_507 = vector.shape_cast %swap3A_506 : vector<1x16xi32> to vector<16xi32>
    %swap3A_508 = vector.shape_cast %broadcast_in_dim3A_502 : vector<16xi32> to vector<1x16xi32>
    tpu.vector_store %arg18[%swap3A_504, %swap3A_505], %swap3A_508 {strides = array<i32>} : memref<16x128xi32, #tpu.memory_space<vmem>>, vector<1x16xi32>,
    %broadcast_in_dim3A_509 = arith.constant 47 : i32
    %broadcast_in_dim3A_510 = vector.broadcast %broadcast_in_dim3A_509 : i32 to vector<16xi32>
    %swap3A_511 = arith.constant 5 : i32
    %swap3A_512 = arith.index_cast %swap3A_511 : i32 to index
    %swap3A_513 = arith.constant 112 : index
    %swap3A_514 = tpu.vector_load %arg18[%swap3A_512, %swap3A_513] {strides = array<i32>} : memref<16x128xi32, #tpu.memory_space<vmem>>, vector<1x16xi32>,
    %swap3A_515 = vector.shape_cast %swap3A_514 : vector<1x16xi32> to vector<16xi32>
    %swap3A_516 = vector.shape_cast %broadcast_in_dim3A_510 : vector<16xi32> to vector<1x16xi32>
    tpu.vector_store %arg18[%swap3A_512, %swap3A_513], %swap3A_516 {strides = array<i32>} : memref<16x128xi32, #tpu.memory_space<vmem>>, vector<1x16xi32>,
    %broadcast_in_dim3A_517 = arith.constant 48 : i32
    %broadcast_in_dim3A_518 = vector.broadcast %broadcast_in_dim3A_517 : i32 to vector<16xi32>
    %swap3A_519 = arith.constant 6 : i32
    %swap3A_520 = arith.index_cast %swap3A_519 : i32 to index
    %swap3A_521 = arith.constant 0 : index
    %swap3A_522 = tpu.vector_load %arg18[%swap3A_520, %swap3A_521] {strides = array<i32>} : memref<16x128xi32, #tpu.memory_space<vmem>>, vector<1x16xi32>,
    %swap3A_523 = vector.shape_cast %swap3A_522 : vector<1x16xi32> to vector<16xi32>
    %swap3A_524 = vector.shape_cast %broadcast_in_dim3A_518 : vector<16xi32> to vector<1x16xi32>
    tpu.vector_store %arg18[%swap3A_520, %swap3A_521], %swap3A_524 {strides = array<i32>} : memref<16x128xi32, #tpu.memory_space<vmem>>, vector<1x16xi32>,
    %broadcast_in_dim3A_525 = arith.constant 49 : i32
    %broadcast_in_dim3A_526 = vector.broadcast %broadcast_in_dim3A_525 : i32 to vector<16xi32>
    %swap3A_527 = arith.constant 6 : i32
    %swap3A_528 = arith.index_cast %swap3A_527 : i32 to index
    %swap3A_529 = arith.constant 16 : index
    %swap3A_530 = tpu.vector_load %arg18[%swap3A_528, %swap3A_529] {strides = array<i32>} : memref<16x128xi32, #tpu.memory_space<vmem>>, vector<1x16xi32>,
    %swap3A_531 = vector.shape_cast %swap3A_530 : vector<1x16xi32> to vector<16xi32>
    %swap3A_532 = vector.shape_cast %broadcast_in_dim3A_526 : vector<16xi32> to vector<1x16xi32>
    tpu.vector_store %arg18[%swap3A_528, %swap3A_529], %swap3A_532 {strides = array<i32>} : memref<16x128xi32, #tpu.memory_space<vmem>>, vector<1x16xi32>,
    %broadcast_in_dim3A_533 = arith.constant 50 : i32
    %broadcast_in_dim3A_534 = vector.broadcast %broadcast_in_dim3A_533 : i32 to vector<16xi32>
    %swap3A_535 = arith.constant 6 : i32
    %swap3A_536 = arith.index_cast %swap3A_535 : i32 to index
    %swap3A_537 = arith.constant 32 : index
    %swap3A_538 = tpu.vector_load %arg18[%swap3A_536, %swap3A_537] {strides = array<i32>} : memref<16x128xi32, #tpu.memory_space<vmem>>, vector<1x16xi32>,
    %swap3A_539 = vector.shape_cast %swap3A_538 : vector<1x16xi32> to vector<16xi32>
    %swap3A_540 = vector.shape_cast %broadcast_in_dim3A_534 : vector<16xi32> to vector<1x16xi32>
    tpu.vector_store %arg18[%swap3A_536, %swap3A_537], %swap3A_540 {strides = array<i32>} : memref<16x128xi32, #tpu.memory_space<vmem>>, vector<1x16xi32>,
    %broadcast_in_dim3A_541 = arith.constant 51 : i32
    %broadcast_in_dim3A_542 = vector.broadcast %broadcast_in_dim3A_541 : i32 to vector<16xi32>
    %swap3A_543 = arith.constant 6 : i32
    %swap3A_544 = arith.index_cast %swap3A_543 : i32 to index
    %swap3A_545 = arith.constant 48 : index
    %swap3A_546 = tpu.vector_load %arg18[%swap3A_544, %swap3A_545] {strides = array<i32>} : memref<16x128xi32, #tpu.memory_space<vmem>>, vector<1x16xi32>,
    %swap3A_547 = vector.shape_cast %swap3A_546 : vector<1x16xi32> to vector<16xi32>
    %swap3A_548 = vector.shape_cast %broadcast_in_dim3A_542 : vector<16xi32> to vector<1x16xi32>
    tpu.vector_store %arg18[%swap3A_544, %swap3A_545], %swap3A_548 {strides = array<i32>} : memref<16x128xi32, #tpu.memory_space<vmem>>, vector<1x16xi32>,
    %broadcast_in_dim3A_549 = arith.constant 52 : i32
    %broadcast_in_dim3A_550 = vector.broadcast %broadcast_in_dim3A_549 : i32 to vector<16xi32>
    %swap3A_551 = arith.constant 6 : i32
    %swap3A_552 = arith.index_cast %swap3A_551 : i32 to index
    %swap3A_553 = arith.constant 64 : index
    %swap3A_554 = tpu.vector_load %arg18[%swap3A_552, %swap3A_553] {strides = array<i32>} : memref<16x128xi32, #tpu.memory_space<vmem>>, vector<1x16xi32>,
    %swap3A_555 = vector.shape_cast %swap3A_554 : vector<1x16xi32> to vector<16xi32>
    %swap3A_556 = vector.shape_cast %broadcast_in_dim3A_550 : vector<16xi32> to vector<1x16xi32>
    tpu.vector_store %arg18[%swap3A_552, %swap3A_553], %swap3A_556 {strides = array<i32>} : memref<16x128xi32, #tpu.memory_space<vmem>>, vector<1x16xi32>,
    %broadcast_in_dim3A_557 = arith.constant 53 : i32
    %broadcast_in_dim3A_558 = vector.broadcast %broadcast_in_dim3A_557 : i32 to vector<16xi32>
    %swap3A_559 = arith.constant 6 : i32
    %swap3A_560 = arith.index_cast %swap3A_559 : i32 to index
    %swap3A_561 = arith.constant 80 : index
    %swap3A_562 = tpu.vector_load %arg18[%swap3A_560, %swap3A_561] {strides = array<i32>} : memref<16x128xi32, #tpu.memory_space<vmem>>, vector<1x16xi32>,
    %swap3A_563 = vector.shape_cast %swap3A_562 : vector<1x16xi32> to vector<16xi32>
    %swap3A_564 = vector.shape_cast %broadcast_in_dim3A_558 : vector<16xi32> to vector<1x16xi32>
    tpu.vector_store %arg18[%swap3A_560, %swap3A_561], %swap3A_564 {strides = array<i32>} : memref<16x128xi32, #tpu.memory_space<vmem>>, vector<1x16xi32>,
    %broadcast_in_dim3A_565 = arith.constant 54 : i32
    %broadcast_in_dim3A_566 = vector.broadcast %broadcast_in_dim3A_565 : i32 to vector<16xi32>
    %swap3A_567 = arith.constant 6 : i32
    %swap3A_568 = arith.index_cast %swap3A_567 : i32 to index
    %swap3A_569 = arith.constant 96 : index
    %swap3A_570 = tpu.vector_load %arg18[%swap3A_568, %swap3A_569] {strides = array<i32>} : memref<16x128xi32, #tpu.memory_space<vmem>>, vector<1x16xi32>,
    %swap3A_571 = vector.shape_cast %swap3A_570 : vector<1x16xi32> to vector<16xi32>
    %swap3A_572 = vector.shape_cast %broadcast_in_dim3A_566 : vector<16xi32> to vector<1x16xi32>
    tpu.vector_store %arg18[%swap3A_568, %swap3A_569], %swap3A_572 {strides = array<i32>} : memref<16x128xi32, #tpu.memory_space<vmem>>, vector<1x16xi32>,
    %broadcast_in_dim3A_573 = arith.constant 55 : i32
    %broadcast_in_dim3A_574 = vector.broadcast %broadcast_in_dim3A_573 : i32 to vector<16xi32>
    %swap3A_575 = arith.constant 6 : i32
    %swap3A_576 = arith.index_cast %swap3A_575 : i32 to index
    %swap3A_577 = arith.constant 112 : index
    %swap3A_578 = tpu.vector_load %arg18[%swap3A_576, %swap3A_577] {strides = array<i32>} : memref<16x128xi32, #tpu.memory_space<vmem>>, vector<1x16xi32>,
    %swap3A_579 = vector.shape_cast %swap3A_578 : vector<1x16xi32> to vector<16xi32>
    %swap3A_580 = vector.shape_cast %broadcast_in_dim3A_574 : vector<16xi32> to vector<1x16xi32>
    tpu.vector_store %arg18[%swap3A_576, %swap3A_577], %swap3A_580 {strides = array<i32>} : memref<16x128xi32, #tpu.memory_space<vmem>>, vector<1x16xi32>,
    %broadcast_in_dim3A_581 = arith.constant 56 : i32
    %broadcast_in_dim3A_582 = vector.broadcast %broadcast_in_dim3A_581 : i32 to vector<16xi32>
    %swap3A_583 = arith.constant 7 : i32
    %swap3A_584 = arith.index_cast %swap3A_583 : i32 to index
    %swap3A_585 = arith.constant 0 : index
    %swap3A_586 = tpu.vector_load %arg18[%swap3A_584, %swap3A_585] {strides = array<i32>} : memref<16x128xi32, #tpu.memory_space<vmem>>, vector<1x16xi32>,
    %swap3A_587 = vector.shape_cast %swap3A_586 : vector<1x16xi32> to vector<16xi32>
    %swap3A_588 = vector.shape_cast %broadcast_in_dim3A_582 : vector<16xi32> to vector<1x16xi32>
    tpu.vector_store %arg18[%swap3A_584, %swap3A_585], %swap3A_588 {strides = array<i32>} : memref<16x128xi32, #tpu.memory_space<vmem>>, vector<1x16xi32>,
    %broadcast_in_dim3A_589 = arith.constant 57 : i32
    %broadcast_in_dim3A_590 = vector.broadcast %broadcast_in_dim3A_589 : i32 to vector<16xi32>
    %swap3A_591 = arith.constant 7 : i32
    %swap3A_592 = arith.index_cast %swap3A_591 : i32 to index
    %swap3A_593 = arith.constant 16 : index
    %swap3A_594 = tpu.vector_load %arg18[%swap3A_592, %swap3A_593] {strides = array<i32>} : memref<16x128xi32, #tpu.memory_space<vmem>>, vector<1x16xi32>,
    %swap3A_595 = vector.shape_cast %swap3A_594 : vector<1x16xi32> to vector<16xi32>
    %swap3A_596 = vector.shape_cast %broadcast_in_dim3A_590 : vector<16xi32> to vector<1x16xi32>
    tpu.vector_store %arg18[%swap3A_592, %swap3A_593], %swap3A_596 {strides = array<i32>} : memref<16x128xi32, #tpu.memory_space<vmem>>, vector<1x16xi32>,
    %broadcast_in_dim3A_597 = arith.constant 58 : i32
    %broadcast_in_dim3A_598 = vector.broadcast %broadcast_in_dim3A_597 : i32 to vector<16xi32>
    %swap3A_599 = arith.constant 7 : i32
    %swap3A_600 = arith.index_cast %swap3A_599 : i32 to index
    %swap3A_601 = arith.constant 32 : index
    %swap3A_602 = tpu.vector_load %arg18[%swap3A_600, %swap3A_601] {strides = array<i32>} : memref<16x128xi32, #tpu.memory_space<vmem>>, vector<1x16xi32>,
    %swap3A_603 = vector.shape_cast %swap3A_602 : vector<1x16xi32> to vector<16xi32>
    %swap3A_604 = vector.shape_cast %broadcast_in_dim3A_598 : vector<16xi32> to vector<1x16xi32>
    tpu.vector_store %arg18[%swap3A_600, %swap3A_601], %swap3A_604 {strides = array<i32>} : memref<16x128xi32, #tpu.memory_space<vmem>>, vector<1x16xi32>,
    %broadcast_in_dim3A_605 = arith.constant 59 : i32
    %broadcast_in_dim3A_606 = vector.broadcast %broadcast_in_dim3A_605 : i32 to vector<16xi32>
    %swap3A_607 = arith.constant 7 : i32
    %swap3A_608 = arith.index_cast %swap3A_607 : i32 to index
    %swap3A_609 = arith.constant 48 : index
    %swap3A_610 = tpu.vector_load %arg18[%swap3A_608, %swap3A_609] {strides = array<i32>} : memref<16x128xi32, #tpu.memory_space<vmem>>, vector<1x16xi32>,
    %swap3A_611 = vector.shape_cast %swap3A_610 : vector<1x16xi32> to vector<16xi32>
    %swap3A_612 = vector.shape_cast %broadcast_in_dim3A_606 : vector<16xi32> to vector<1x16xi32>
    tpu.vector_store %arg18[%swap3A_608, %swap3A_609], %swap3A_612 {strides = array<i32>} : memref<16x128xi32, #tpu.memory_space<vmem>>, vector<1x16xi32>,
    %broadcast_in_dim3A_613 = arith.constant 60 : i32
    %broadcast_in_dim3A_614 = vector.broadcast %broadcast_in_dim3A_613 : i32 to vector<16xi32>
    %swap3A_615 = arith.constant 7 : i32
    %swap3A_616 = arith.index_cast %swap3A_615 : i32 to index
    %swap3A_617 = arith.constant 64 : index
    %swap3A_618 = tpu.vector_load %arg18[%swap3A_616, %swap3A_617] {strides = array<i32>} : memref<16x128xi32, #tpu.memory_space<vmem>>, vector<1x16xi32>,
    %swap3A_619 = vector.shape_cast %swap3A_618 : vector<1x16xi32> to vector<16xi32>
    %swap3A_620 = vector.shape_cast %broadcast_in_dim3A_614 : vector<16xi32> to vector<1x16xi32>
    tpu.vector_store %arg18[%swap3A_616, %swap3A_617], %swap3A_620 {strides = array<i32>} : memref<16x128xi32, #tpu.memory_space<vmem>>, vector<1x16xi32>,
    %broadcast_in_dim3A_621 = arith.constant 61 : i32
    %broadcast_in_dim3A_622 = vector.broadcast %broadcast_in_dim3A_621 : i32 to vector<16xi32>
    %swap3A_623 = arith.constant 7 : i32
    %swap3A_624 = arith.index_cast %swap3A_623 : i32 to index
    %swap3A_625 = arith.constant 80 : index
    %swap3A_626 = tpu.vector_load %arg18[%swap3A_624, %swap3A_625] {strides = array<i32>} : memref<16x128xi32, #tpu.memory_space<vmem>>, vector<1x16xi32>,
    %swap3A_627 = vector.shape_cast %swap3A_626 : vector<1x16xi32> to vector<16xi32>
    %swap3A_628 = vector.shape_cast %broadcast_in_dim3A_622 : vector<16xi32> to vector<1x16xi32>
    tpu.vector_store %arg18[%swap3A_624, %swap3A_625], %swap3A_628 {strides = array<i32>} : memref<16x128xi32, #tpu.memory_space<vmem>>, vector<1x16xi32>,
    %broadcast_in_dim3A_629 = arith.constant 62 : i32
    %broadcast_in_dim3A_630 = vector.broadcast %broadcast_in_dim3A_629 : i32 to vector<16xi32>
    %swap3A_631 = arith.constant 7 : i32
    %swap3A_632 = arith.index_cast %swap3A_631 : i32 to index
    %swap3A_633 = arith.constant 96 : index
    %swap3A_634 = tpu.vector_load %arg18[%swap3A_632, %swap3A_633] {strides = array<i32>} : memref<16x128xi32, #tpu.memory_space<vmem>>, vector<1x16xi32>,
    %swap3A_635 = vector.shape_cast %swap3A_634 : vector<1x16xi32> to vector<16xi32>
    %swap3A_636 = vector.shape_cast %broadcast_in_dim3A_630 : vector<16xi32> to vector<1x16xi32>
    tpu.vector_store %arg18[%swap3A_632, %swap3A_633], %swap3A_636 {strides = array<i32>} : memref<16x128xi32, #tpu.memory_space<vmem>>, vector<1x16xi32>,
    %broadcast_in_dim3A_637 = arith.constant 63 : i32
    %broadcast_in_dim3A_638 = vector.broadcast %broadcast_in_dim3A_637 : i32 to vector<16xi32>
    %swap3A_639 = arith.constant 7 : i32
    %swap3A_640 = arith.index_cast %swap3A_639 : i32 to index
    %swap3A_641 = arith.constant 112 : index
    %swap3A_642 = tpu.vector_load %arg18[%swap3A_640, %swap3A_641] {strides = array<i32>} : memref<16x128xi32, #tpu.memory_space<vmem>>, vector<1x16xi32>,
    %swap3A_643 = vector.shape_cast %swap3A_642 : vector<1x16xi32> to vector<16xi32>
    %swap3A_644 = vector.shape_cast %broadcast_in_dim3A_638 : vector<16xi32> to vector<1x16xi32>
    tpu.vector_store %arg18[%swap3A_640, %swap3A_641], %swap3A_644 {strides = array<i32>} : memref<16x128xi32, #tpu.memory_space<vmem>>, vector<1x16xi32>,
    %broadcast_in_dim3A_645 = arith.constant 64 : i32
    %broadcast_in_dim3A_646 = vector.broadcast %broadcast_in_dim3A_645 : i32 to vector<16xi32>
    %swap3A_647 = arith.constant 8 : i32
    %swap3A_648 = arith.index_cast %swap3A_647 : i32 to index
    %swap3A_649 = arith.constant 0 : index
    %swap3A_650 = tpu.vector_load %arg18[%swap3A_648, %swap3A_649] {strides = array<i32>} : memref<16x128xi32, #tpu.memory_space<vmem>>, vector<1x16xi32>,
    %swap3A_651 = vector.shape_cast %swap3A_650 : vector<1x16xi32> to vector<16xi32>
    %swap3A_652 = vector.shape_cast %broadcast_in_dim3A_646 : vector<16xi32> to vector<1x16xi32>
    tpu.vector_store %arg18[%swap3A_648, %swap3A_649], %swap3A_652 {strides = array<i32>} : memref<16x128xi32, #tpu.memory_space<vmem>>, vector<1x16xi32>,
    %broadcast_in_dim3A_653 = arith.constant 65 : i32
    %broadcast_in_dim3A_654 = vector.broadcast %broadcast_in_dim3A_653 : i32 to vector<16xi32>
    %swap3A_655 = arith.constant 8 : i32
    %swap3A_656 = arith.index_cast %swap3A_655 : i32 to index
    %swap3A_657 = arith.constant 16 : index
    %swap3A_658 = tpu.vector_load %arg18[%swap3A_656, %swap3A_657] {strides = array<i32>} : memref<16x128xi32, #tpu.memory_space<vmem>>, vector<1x16xi32>,
    %swap3A_659 = vector.shape_cast %swap3A_658 : vector<1x16xi32> to vector<16xi32>
    %swap3A_660 = vector.shape_cast %broadcast_in_dim3A_654 : vector<16xi32> to vector<1x16xi32>
    tpu.vector_store %arg18[%swap3A_656, %swap3A_657], %swap3A_660 {strides = array<i32>} : memref<16x128xi32, #tpu.memory_space<vmem>>, vector<1x16xi32>,
    %broadcast_in_dim3A_661 = arith.constant 66 : i32
    %broadcast_in_dim3A_662 = vector.broadcast %broadcast_in_dim3A_661 : i32 to vector<16xi32>
    %swap3A_663 = arith.constant 8 : i32
    %swap3A_664 = arith.index_cast %swap3A_663 : i32 to index
    %swap3A_665 = arith.constant 32 : index
    %swap3A_666 = tpu.vector_load %arg18[%swap3A_664, %swap3A_665] {strides = array<i32>} : memref<16x128xi32, #tpu.memory_space<vmem>>, vector<1x16xi32>,
    %swap3A_667 = vector.shape_cast %swap3A_666 : vector<1x16xi32> to vector<16xi32>
    %swap3A_668 = vector.shape_cast %broadcast_in_dim3A_662 : vector<16xi32> to vector<1x16xi32>
    tpu.vector_store %arg18[%swap3A_664, %swap3A_665], %swap3A_668 {strides = array<i32>} : memref<16x128xi32, #tpu.memory_space<vmem>>, vector<1x16xi32>,
    %broadcast_in_dim3A_669 = arith.constant 67 : i32
    %broadcast_in_dim3A_670 = vector.broadcast %broadcast_in_dim3A_669 : i32 to vector<16xi32>
    %swap3A_671 = arith.constant 8 : i32
    %swap3A_672 = arith.index_cast %swap3A_671 : i32 to index
    %swap3A_673 = arith.constant 48 : index
    %swap3A_674 = tpu.vector_load %arg18[%swap3A_672, %swap3A_673] {strides = array<i32>} : memref<16x128xi32, #tpu.memory_space<vmem>>, vector<1x16xi32>,
    %swap3A_675 = vector.shape_cast %swap3A_674 : vector<1x16xi32> to vector<16xi32>
    %swap3A_676 = vector.shape_cast %broadcast_in_dim3A_670 : vector<16xi32> to vector<1x16xi32>
    tpu.vector_store %arg18[%swap3A_672, %swap3A_673], %swap3A_676 {strides = array<i32>} : memref<16x128xi32, #tpu.memory_space<vmem>>, vector<1x16xi32>,
    %broadcast_in_dim3A_677 = arith.constant 68 : i32
    %broadcast_in_dim3A_678 = vector.broadcast %broadcast_in_dim3A_677 : i32 to vector<16xi32>
    %swap3A_679 = arith.constant 8 : i32
    %swap3A_680 = arith.index_cast %swap3A_679 : i32 to index
    %swap3A_681 = arith.constant 64 : index
    %swap3A_682 = tpu.vector_load %arg18[%swap3A_680, %swap3A_681] {strides = array<i32>} : memref<16x128xi32, #tpu.memory_space<vmem>>, vector<1x16xi32>,
    %swap3A_683 = vector.shape_cast %swap3A_682 : vector<1x16xi32> to vector<16xi32>
    %swap3A_684 = vector.shape_cast %broadcast_in_dim3A_678 : vector<16xi32> to vector<1x16xi32>
    tpu.vector_store %arg18[%swap3A_680, %swap3A_681], %swap3A_684 {strides = array<i32>} : memref<16x128xi32, #tpu.memory_space<vmem>>, vector<1x16xi32>,
    %broadcast_in_dim3A_685 = arith.constant 69 : i32
    %broadcast_in_dim3A_686 = vector.broadcast %broadcast_in_dim3A_685 : i32 to vector<16xi32>
    %swap3A_687 = arith.constant 8 : i32
    %swap3A_688 = arith.index_cast %swap3A_687 : i32 to index
    %swap3A_689 = arith.constant 80 : index
    %swap3A_690 = tpu.vector_load %arg18[%swap3A_688, %swap3A_689] {strides = array<i32>} : memref<16x128xi32, #tpu.memory_space<vmem>>, vector<1x16xi32>,
    %swap3A_691 = vector.shape_cast %swap3A_690 : vector<1x16xi32> to vector<16xi32>
    %swap3A_692 = vector.shape_cast %broadcast_in_dim3A_686 : vector<16xi32> to vector<1x16xi32>
    tpu.vector_store %arg18[%swap3A_688, %swap3A_689], %swap3A_692 {strides = array<i32>} : memref<16x128xi32, #tpu.memory_space<vmem>>, vector<1x16xi32>,
    %broadcast_in_dim3A_693 = arith.constant 70 : i32
    %broadcast_in_dim3A_694 = vector.broadcast %broadcast_in_dim3A_693 : i32 to vector<16xi32>
    %swap3A_695 = arith.constant 8 : i32
    %swap3A_696 = arith.index_cast %swap3A_695 : i32 to index
    %swap3A_697 = arith.constant 96 : index
    %swap3A_698 = tpu.vector_load %arg18[%swap3A_696, %swap3A_697] {strides = array<i32>} : memref<16x128xi32, #tpu.memory_space<vmem>>, vector<1x16xi32>,
    %swap3A_699 = vector.shape_cast %swap3A_698 : vector<1x16xi32> to vector<16xi32>
    %swap3A_700 = vector.shape_cast %broadcast_in_dim3A_694 : vector<16xi32> to vector<1x16xi32>
    tpu.vector_store %arg18[%swap3A_696, %swap3A_697], %swap3A_700 {strides = array<i32>} : memref<16x128xi32, #tpu.memory_space<vmem>>, vector<1x16xi32>,
    %broadcast_in_dim3A_701 = arith.constant 71 : i32
    %broadcast_in_dim3A_702 = vector.broadcast %broadcast_in_dim3A_701 : i32 to vector<16xi32>
    %swap3A_703 = arith.constant 8 : i32
    %swap3A_704 = arith.index_cast %swap3A_703 : i32 to index
    %swap3A_705 = arith.constant 112 : index
    %swap3A_706 = tpu.vector_load %arg18[%swap3A_704, %swap3A_705] {strides = array<i32>} : memref<16x128xi32, #tpu.memory_space<vmem>>, vector<1x16xi32>,
    %swap3A_707 = vector.shape_cast %swap3A_706 : vector<1x16xi32> to vector<16xi32>
    %swap3A_708 = vector.shape_cast %broadcast_in_dim3A_702 : vector<16xi32> to vector<1x16xi32>
    tpu.vector_store %arg18[%swap3A_704, %swap3A_705], %swap3A_708 {strides = array<i32>} : memref<16x128xi32, #tpu.memory_space<vmem>>, vector<1x16xi32>,
    %broadcast_in_dim3A_709 = arith.constant 72 : i32
    %broadcast_in_dim3A_710 = vector.broadcast %broadcast_in_dim3A_709 : i32 to vector<16xi32>
    %swap3A_711 = arith.constant 9 : i32
    %swap3A_712 = arith.index_cast %swap3A_711 : i32 to index
    %swap3A_713 = arith.constant 0 : index
    %swap3A_714 = tpu.vector_load %arg18[%swap3A_712, %swap3A_713] {strides = array<i32>} : memref<16x128xi32, #tpu.memory_space<vmem>>, vector<1x16xi32>,
    %swap3A_715 = vector.shape_cast %swap3A_714 : vector<1x16xi32> to vector<16xi32>
    %swap3A_716 = vector.shape_cast %broadcast_in_dim3A_710 : vector<16xi32> to vector<1x16xi32>
    tpu.vector_store %arg18[%swap3A_712, %swap3A_713], %swap3A_716 {strides = array<i32>} : memref<16x128xi32, #tpu.memory_space<vmem>>, vector<1x16xi32>,
    %broadcast_in_dim3A_717 = arith.constant 73 : i32
    %broadcast_in_dim3A_718 = vector.broadcast %broadcast_in_dim3A_717 : i32 to vector<16xi32>
    %swap3A_719 = arith.constant 9 : i32
    %swap3A_720 = arith.index_cast %swap3A_719 : i32 to index
    %swap3A_721 = arith.constant 16 : index
    %swap3A_722 = tpu.vector_load %arg18[%swap3A_720, %swap3A_721] {strides = array<i32>} : memref<16x128xi32, #tpu.memory_space<vmem>>, vector<1x16xi32>,
    %swap3A_723 = vector.shape_cast %swap3A_722 : vector<1x16xi32> to vector<16xi32>
    %swap3A_724 = vector.shape_cast %broadcast_in_dim3A_718 : vector<16xi32> to vector<1x16xi32>
    tpu.vector_store %arg18[%swap3A_720, %swap3A_721], %swap3A_724 {strides = array<i32>} : memref<16x128xi32, #tpu.memory_space<vmem>>, vector<1x16xi32>,
    %broadcast_in_dim3A_725 = arith.constant 74 : i32
    %broadcast_in_dim3A_726 = vector.broadcast %broadcast_in_dim3A_725 : i32 to vector<16xi32>
    %swap3A_727 = arith.constant 9 : i32
    %swap3A_728 = arith.index_cast %swap3A_727 : i32 to index
    %swap3A_729 = arith.constant 32 : index
    %swap3A_730 = tpu.vector_load %arg18[%swap3A_728, %swap3A_729] {strides = array<i32>} : memref<16x128xi32, #tpu.memory_space<vmem>>, vector<1x16xi32>,
    %swap3A_731 = vector.shape_cast %swap3A_730 : vector<1x16xi32> to vector<16xi32>
    %swap3A_732 = vector.shape_cast %broadcast_in_dim3A_726 : vector<16xi32> to vector<1x16xi32>
    tpu.vector_store %arg18[%swap3A_728, %swap3A_729], %swap3A_732 {strides = array<i32>} : memref<16x128xi32, #tpu.memory_space<vmem>>, vector<1x16xi32>,
    %broadcast_in_dim3A_733 = arith.constant 75 : i32
    %broadcast_in_dim3A_734 = vector.broadcast %broadcast_in_dim3A_733 : i32 to vector<16xi32>
    %swap3A_735 = arith.constant 9 : i32
    %swap3A_736 = arith.index_cast %swap3A_735 : i32 to index
    %swap3A_737 = arith.constant 48 : index
    %swap3A_738 = tpu.vector_load %arg18[%swap3A_736, %swap3A_737] {strides = array<i32>} : memref<16x128xi32, #tpu.memory_space<vmem>>, vector<1x16xi32>,
    %swap3A_739 = vector.shape_cast %swap3A_738 : vector<1x16xi32> to vector<16xi32>
    %swap3A_740 = vector.shape_cast %broadcast_in_dim3A_734 : vector<16xi32> to vector<1x16xi32>
    tpu.vector_store %arg18[%swap3A_736, %swap3A_737], %swap3A_740 {strides = array<i32>} : memref<16x128xi32, #tpu.memory_space<vmem>>, vector<1x16xi32>,
    %broadcast_in_dim3A_741 = arith.constant 76 : i32
    %broadcast_in_dim3A_742 = vector.broadcast %broadcast_in_dim3A_741 : i32 to vector<16xi32>
    %swap3A_743 = arith.constant 9 : i32
    %swap3A_744 = arith.index_cast %swap3A_743 : i32 to index
    %swap3A_745 = arith.constant 64 : index
    %swap3A_746 = tpu.vector_load %arg18[%swap3A_744, %swap3A_745] {strides = array<i32>} : memref<16x128xi32, #tpu.memory_space<vmem>>, vector<1x16xi32>,
    %swap3A_747 = vector.shape_cast %swap3A_746 : vector<1x16xi32> to vector<16xi32>
    %swap3A_748 = vector.shape_cast %broadcast_in_dim3A_742 : vector<16xi32> to vector<1x16xi32>
    tpu.vector_store %arg18[%swap3A_744, %swap3A_745], %swap3A_748 {strides = array<i32>} : memref<16x128xi32, #tpu.memory_space<vmem>>, vector<1x16xi32>,
    %broadcast_in_dim3A_749 = arith.constant 77 : i32
    %broadcast_in_dim3A_750 = vector.broadcast %broadcast_in_dim3A_749 : i32 to vector<16xi32>
    %swap3A_751 = arith.constant 9 : i32
    %swap3A_752 = arith.index_cast %swap3A_751 : i32 to index
    %swap3A_753 = arith.constant 80 : index
    %swap3A_754 = tpu.vector_load %arg18[%swap3A_752, %swap3A_753] {strides = array<i32>} : memref<16x128xi32, #tpu.memory_space<vmem>>, vector<1x16xi32>,
    %swap3A_755 = vector.shape_cast %swap3A_754 : vector<1x16xi32> to vector<16xi32>
    %swap3A_756 = vector.shape_cast %broadcast_in_dim3A_750 : vector<16xi32> to vector<1x16xi32>
    tpu.vector_store %arg18[%swap3A_752, %swap3A_753], %swap3A_756 {strides = array<i32>} : memref<16x128xi32, #tpu.memory_space<vmem>>, vector<1x16xi32>,
    %broadcast_in_dim3A_757 = arith.constant 78 : i32
    %broadcast_in_dim3A_758 = vector.broadcast %broadcast_in_dim3A_757 : i32 to vector<16xi32>
    %swap3A_759 = arith.constant 9 : i32
    %swap3A_760 = arith.index_cast %swap3A_759 : i32 to index
    %swap3A_761 = arith.constant 96 : index
    %swap3A_762 = tpu.vector_load %arg18[%swap3A_760, %swap3A_761] {strides = array<i32>} : memref<16x128xi32, #tpu.memory_space<vmem>>, vector<1x16xi32>,
    %swap3A_763 = vector.shape_cast %swap3A_762 : vector<1x16xi32> to vector<16xi32>
    %swap3A_764 = vector.shape_cast %broadcast_in_dim3A_758 : vector<16xi32> to vector<1x16xi32>
    tpu.vector_store %arg18[%swap3A_760, %swap3A_761], %swap3A_764 {strides = array<i32>} : memref<16x128xi32, #tpu.memory_space<vmem>>, vector<1x16xi32>,
    %broadcast_in_dim3A_765 = arith.constant 79 : i32
    %broadcast_in_dim3A_766 = vector.broadcast %broadcast_in_dim3A_765 : i32 to vector<16xi32>
    %swap3A_767 = arith.constant 9 : i32
    %swap3A_768 = arith.index_cast %swap3A_767 : i32 to index
    %swap3A_769 = arith.constant 112 : index
    %swap3A_770 = tpu.vector_load %arg18[%swap3A_768, %swap3A_769] {strides = array<i32>} : memref<16x128xi32, #tpu.memory_space<vmem>>, vector<1x16xi32>,
    %swap3A_771 = vector.shape_cast %swap3A_770 : vector<1x16xi32> to vector<16xi32>
    %swap3A_772 = vector.shape_cast %broadcast_in_dim3A_766 : vector<16xi32> to vector<1x16xi32>
    tpu.vector_store %arg18[%swap3A_768, %swap3A_769], %swap3A_772 {strides = array<i32>} : memref<16x128xi32, #tpu.memory_space<vmem>>, vector<1x16xi32>,
    %broadcast_in_dim3A_773 = arith.constant 80 : i32
    %broadcast_in_dim3A_774 = vector.broadcast %broadcast_in_dim3A_773 : i32 to vector<16xi32>
    %swap3A_775 = arith.constant 10 : i32
    %swap3A_776 = arith.index_cast %swap3A_775 : i32 to index
    %swap3A_777 = arith.constant 0 : index
    %swap3A_778 = tpu.vector_load %arg18[%swap3A_776, %swap3A_777] {strides = array<i32>} : memref<16x128xi32, #tpu.memory_space<vmem>>, vector<1x16xi32>,
    %swap3A_779 = vector.shape_cast %swap3A_778 : vector<1x16xi32> to vector<16xi32>
    %swap3A_780 = vector.shape_cast %broadcast_in_dim3A_774 : vector<16xi32> to vector<1x16xi32>
    tpu.vector_store %arg18[%swap3A_776, %swap3A_777], %swap3A_780 {strides = array<i32>} : memref<16x128xi32, #tpu.memory_space<vmem>>, vector<1x16xi32>,
    %broadcast_in_dim3A_781 = arith.constant 81 : i32
    %broadcast_in_dim3A_782 = vector.broadcast %broadcast_in_dim3A_781 : i32 to vector<16xi32>
    %swap3A_783 = arith.constant 10 : i32
    %swap3A_784 = arith.index_cast %swap3A_783 : i32 to index
    %swap3A_785 = arith.constant 16 : index
    %swap3A_786 = tpu.vector_load %arg18[%swap3A_784, %swap3A_785] {strides = array<i32>} : memref<16x128xi32, #tpu.memory_space<vmem>>, vector<1x16xi32>,
    %swap3A_787 = vector.shape_cast %swap3A_786 : vector<1x16xi32> to vector<16xi32>
    %swap3A_788 = vector.shape_cast %broadcast_in_dim3A_782 : vector<16xi32> to vector<1x16xi32>
    tpu.vector_store %arg18[%swap3A_784, %swap3A_785], %swap3A_788 {strides = array<i32>} : memref<16x128xi32, #tpu.memory_space<vmem>>, vector<1x16xi32>,
    %broadcast_in_dim3A_789 = arith.constant 82 : i32
    %broadcast_in_dim3A_790 = vector.broadcast %broadcast_in_dim3A_789 : i32 to vector<16xi32>
    %swap3A_791 = arith.constant 10 : i32
    %swap3A_792 = arith.index_cast %swap3A_791 : i32 to index
    %swap3A_793 = arith.constant 32 : index
    %swap3A_794 = tpu.vector_load %arg18[%swap3A_792, %swap3A_793] {strides = array<i32>} : memref<16x128xi32, #tpu.memory_space<vmem>>, vector<1x16xi32>,
    %swap3A_795 = vector.shape_cast %swap3A_794 : vector<1x16xi32> to vector<16xi32>
    %swap3A_796 = vector.shape_cast %broadcast_in_dim3A_790 : vector<16xi32> to vector<1x16xi32>
    tpu.vector_store %arg18[%swap3A_792, %swap3A_793], %swap3A_796 {strides = array<i32>} : memref<16x128xi32, #tpu.memory_space<vmem>>, vector<1x16xi32>,
    %broadcast_in_dim3A_797 = arith.constant 83 : i32
    %broadcast_in_dim3A_798 = vector.broadcast %broadcast_in_dim3A_797 : i32 to vector<16xi32>
    %swap3A_799 = arith.constant 10 : i32
    %swap3A_800 = arith.index_cast %swap3A_799 : i32 to index
    %swap3A_801 = arith.constant 48 : index
    %swap3A_802 = tpu.vector_load %arg18[%swap3A_800, %swap3A_801] {strides = array<i32>} : memref<16x128xi32, #tpu.memory_space<vmem>>, vector<1x16xi32>,
    %swap3A_803 = vector.shape_cast %swap3A_802 : vector<1x16xi32> to vector<16xi32>
    %swap3A_804 = vector.shape_cast %broadcast_in_dim3A_798 : vector<16xi32> to vector<1x16xi32>
    tpu.vector_store %arg18[%swap3A_800, %swap3A_801], %swap3A_804 {strides = array<i32>} : memref<16x128xi32, #tpu.memory_space<vmem>>, vector<1x16xi32>,
    %broadcast_in_dim3A_805 = arith.constant 84 : i32
    %broadcast_in_dim3A_806 = vector.broadcast %broadcast_in_dim3A_805 : i32 to vector<16xi32>
    %swap3A_807 = arith.constant 10 : i32
    %swap3A_808 = arith.index_cast %swap3A_807 : i32 to index
    %swap3A_809 = arith.constant 64 : index
    %swap3A_810 = tpu.vector_load %arg18[%swap3A_808, %swap3A_809] {strides = array<i32>} : memref<16x128xi32, #tpu.memory_space<vmem>>, vector<1x16xi32>,
    %swap3A_811 = vector.shape_cast %swap3A_810 : vector<1x16xi32> to vector<16xi32>
    %swap3A_812 = vector.shape_cast %broadcast_in_dim3A_806 : vector<16xi32> to vector<1x16xi32>
    tpu.vector_store %arg18[%swap3A_808, %swap3A_809], %swap3A_812 {strides = array<i32>} : memref<16x128xi32, #tpu.memory_space<vmem>>, vector<1x16xi32>,
    %broadcast_in_dim3A_813 = arith.constant 85 : i32
    %broadcast_in_dim3A_814 = vector.broadcast %broadcast_in_dim3A_813 : i32 to vector<16xi32>
    %swap3A_815 = arith.constant 10 : i32
    %swap3A_816 = arith.index_cast %swap3A_815 : i32 to index
    %swap3A_817 = arith.constant 80 : index
    %swap3A_818 = tpu.vector_load %arg18[%swap3A_816, %swap3A_817] {strides = array<i32>} : memref<16x128xi32, #tpu.memory_space<vmem>>, vector<1x16xi32>,
    %swap3A_819 = vector.shape_cast %swap3A_818 : vector<1x16xi32> to vector<16xi32>
    %swap3A_820 = vector.shape_cast %broadcast_in_dim3A_814 : vector<16xi32> to vector<1x16xi32>
    tpu.vector_store %arg18[%swap3A_816, %swap3A_817], %swap3A_820 {strides = array<i32>} : memref<16x128xi32, #tpu.memory_space<vmem>>, vector<1x16xi32>,
    %broadcast_in_dim3A_821 = arith.constant 86 : i32
    %broadcast_in_dim3A_822 = vector.broadcast %broadcast_in_dim3A_821 : i32 to vector<16xi32>
    %swap3A_823 = arith.constant 10 : i32
    %swap3A_824 = arith.index_cast %swap3A_823 : i32 to index
    %swap3A_825 = arith.constant 96 : index
    %swap3A_826 = tpu.vector_load %arg18[%swap3A_824, %swap3A_825] {strides = array<i32>} : memref<16x128xi32, #tpu.memory_space<vmem>>, vector<1x16xi32>,
    %swap3A_827 = vector.shape_cast %swap3A_826 : vector<1x16xi32> to vector<16xi32>
    %swap3A_828 = vector.shape_cast %broadcast_in_dim3A_822 : vector<16xi32> to vector<1x16xi32>
    tpu.vector_store %arg18[%swap3A_824, %swap3A_825], %swap3A_828 {strides = array<i32>} : memref<16x128xi32, #tpu.memory_space<vmem>>, vector<1x16xi32>,
    %broadcast_in_dim3A_829 = arith.constant 87 : i32
    %broadcast_in_dim3A_830 = vector.broadcast %broadcast_in_dim3A_829 : i32 to vector<16xi32>
    %swap3A_831 = arith.constant 10 : i32
    %swap3A_832 = arith.index_cast %swap3A_831 : i32 to index
    %swap3A_833 = arith.constant 112 : index
    %swap3A_834 = tpu.vector_load %arg18[%swap3A_832, %swap3A_833] {strides = array<i32>} : memref<16x128xi32, #tpu.memory_space<vmem>>, vector<1x16xi32>,
    %swap3A_835 = vector.shape_cast %swap3A_834 : vector<1x16xi32> to vector<16xi32>
    %swap3A_836 = vector.shape_cast %broadcast_in_dim3A_830 : vector<16xi32> to vector<1x16xi32>
    tpu.vector_store %arg18[%swap3A_832, %swap3A_833], %swap3A_836 {strides = array<i32>} : memref<16x128xi32, #tpu.memory_space<vmem>>, vector<1x16xi32>,
    %broadcast_in_dim3A_837 = arith.constant 88 : i32
    %broadcast_in_dim3A_838 = vector.broadcast %broadcast_in_dim3A_837 : i32 to vector<16xi32>
    %swap3A_839 = arith.constant 11 : i32
    %swap3A_840 = arith.index_cast %swap3A_839 : i32 to index
    %swap3A_841 = arith.constant 0 : index
    %swap3A_842 = tpu.vector_load %arg18[%swap3A_840, %swap3A_841] {strides = array<i32>} : memref<16x128xi32, #tpu.memory_space<vmem>>, vector<1x16xi32>,
    %swap3A_843 = vector.shape_cast %swap3A_842 : vector<1x16xi32> to vector<16xi32>
    %swap3A_844 = vector.shape_cast %broadcast_in_dim3A_838 : vector<16xi32> to vector<1x16xi32>
    tpu.vector_store %arg18[%swap3A_840, %swap3A_841], %swap3A_844 {strides = array<i32>} : memref<16x128xi32, #tpu.memory_space<vmem>>, vector<1x16xi32>,
    %broadcast_in_dim3A_845 = arith.constant 89 : i32
    %broadcast_in_dim3A_846 = vector.broadcast %broadcast_in_dim3A_845 : i32 to vector<16xi32>
    %swap3A_847 = arith.constant 11 : i32
    %swap3A_848 = arith.index_cast %swap3A_847 : i32 to index
    %swap3A_849 = arith.constant 16 : index
    %swap3A_850 = tpu.vector_load %arg18[%swap3A_848, %swap3A_849] {strides = array<i32>} : memref<16x128xi32, #tpu.memory_space<vmem>>, vector<1x16xi32>,
    %swap3A_851 = vector.shape_cast %swap3A_850 : vector<1x16xi32> to vector<16xi32>
    %swap3A_852 = vector.shape_cast %broadcast_in_dim3A_846 : vector<16xi32> to vector<1x16xi32>
    tpu.vector_store %arg18[%swap3A_848, %swap3A_849], %swap3A_852 {strides = array<i32>} : memref<16x128xi32, #tpu.memory_space<vmem>>, vector<1x16xi32>,
    %broadcast_in_dim3A_853 = arith.constant 90 : i32
    %broadcast_in_dim3A_854 = vector.broadcast %broadcast_in_dim3A_853 : i32 to vector<16xi32>
    %swap3A_855 = arith.constant 11 : i32
    %swap3A_856 = arith.index_cast %swap3A_855 : i32 to index
    %swap3A_857 = arith.constant 32 : index
    %swap3A_858 = tpu.vector_load %arg18[%swap3A_856, %swap3A_857] {strides = array<i32>} : memref<16x128xi32, #tpu.memory_space<vmem>>, vector<1x16xi32>,
    %swap3A_859 = vector.shape_cast %swap3A_858 : vector<1x16xi32> to vector<16xi32>
    %swap3A_860 = vector.shape_cast %broadcast_in_dim3A_854 : vector<16xi32> to vector<1x16xi32>
    tpu.vector_store %arg18[%swap3A_856, %swap3A_857], %swap3A_860 {strides = array<i32>} : memref<16x128xi32, #tpu.memory_space<vmem>>, vector<1x16xi32>,
    %broadcast_in_dim3A_861 = arith.constant 91 : i32
    %broadcast_in_dim3A_862 = vector.broadcast %broadcast_in_dim3A_861 : i32 to vector<16xi32>
    %swap3A_863 = arith.constant 11 : i32
    %swap3A_864 = arith.index_cast %swap3A_863 : i32 to index
    %swap3A_865 = arith.constant 48 : index
    %swap3A_866 = tpu.vector_load %arg18[%swap3A_864, %swap3A_865] {strides = array<i32>} : memref<16x128xi32, #tpu.memory_space<vmem>>, vector<1x16xi32>,
    %swap3A_867 = vector.shape_cast %swap3A_866 : vector<1x16xi32> to vector<16xi32>
    %swap3A_868 = vector.shape_cast %broadcast_in_dim3A_862 : vector<16xi32> to vector<1x16xi32>
    tpu.vector_store %arg18[%swap3A_864, %swap3A_865], %swap3A_868 {strides = array<i32>} : memref<16x128xi32, #tpu.memory_space<vmem>>, vector<1x16xi32>,
    %broadcast_in_dim3A_869 = arith.constant 92 : i32
    %broadcast_in_dim3A_870 = vector.broadcast %broadcast_in_dim3A_869 : i32 to vector<16xi32>
    %swap3A_871 = arith.constant 11 : i32
    %swap3A_872 = arith.index_cast %swap3A_871 : i32 to index
    %swap3A_873 = arith.constant 64 : index
    %swap3A_874 = tpu.vector_load %arg18[%swap3A_872, %swap3A_873] {strides = array<i32>} : memref<16x128xi32, #tpu.memory_space<vmem>>, vector<1x16xi32>,
    %swap3A_875 = vector.shape_cast %swap3A_874 : vector<1x16xi32> to vector<16xi32>
    %swap3A_876 = vector.shape_cast %broadcast_in_dim3A_870 : vector<16xi32> to vector<1x16xi32>
    tpu.vector_store %arg18[%swap3A_872, %swap3A_873], %swap3A_876 {strides = array<i32>} : memref<16x128xi32, #tpu.memory_space<vmem>>, vector<1x16xi32>,
    %broadcast_in_dim3A_877 = arith.constant 93 : i32
    %broadcast_in_dim3A_878 = vector.broadcast %broadcast_in_dim3A_877 : i32 to vector<16xi32>
    %swap3A_879 = arith.constant 11 : i32
    %swap3A_880 = arith.index_cast %swap3A_879 : i32 to index
    %swap3A_881 = arith.constant 80 : index
    %swap3A_882 = tpu.vector_load %arg18[%swap3A_880, %swap3A_881] {strides = array<i32>} : memref<16x128xi32, #tpu.memory_space<vmem>>, vector<1x16xi32>,
    %swap3A_883 = vector.shape_cast %swap3A_882 : vector<1x16xi32> to vector<16xi32>
    %swap3A_884 = vector.shape_cast %broadcast_in_dim3A_878 : vector<16xi32> to vector<1x16xi32>
    tpu.vector_store %arg18[%swap3A_880, %swap3A_881], %swap3A_884 {strides = array<i32>} : memref<16x128xi32, #tpu.memory_space<vmem>>, vector<1x16xi32>,
    %broadcast_in_dim3A_885 = arith.constant 94 : i32
    %broadcast_in_dim3A_886 = vector.broadcast %broadcast_in_dim3A_885 : i32 to vector<16xi32>
    %swap3A_887 = arith.constant 11 : i32
    %swap3A_888 = arith.index_cast %swap3A_887 : i32 to index
    %swap3A_889 = arith.constant 96 : index
    %swap3A_890 = tpu.vector_load %arg18[%swap3A_888, %swap3A_889] {strides = array<i32>} : memref<16x128xi32, #tpu.memory_space<vmem>>, vector<1x16xi32>,
    %swap3A_891 = vector.shape_cast %swap3A_890 : vector<1x16xi32> to vector<16xi32>
    %swap3A_892 = vector.shape_cast %broadcast_in_dim3A_886 : vector<16xi32> to vector<1x16xi32>
    tpu.vector_store %arg18[%swap3A_888, %swap3A_889], %swap3A_892 {strides = array<i32>} : memref<16x128xi32, #tpu.memory_space<vmem>>, vector<1x16xi32>,
    %broadcast_in_dim3A_893 = arith.constant 95 : i32
    %broadcast_in_dim3A_894 = vector.broadcast %broadcast_in_dim3A_893 : i32 to vector<16xi32>
    %swap3A_895 = arith.constant 11 : i32
    %swap3A_896 = arith.index_cast %swap3A_895 : i32 to index
    %swap3A_897 = arith.constant 112 : index
    %swap3A_898 = tpu.vector_load %arg18[%swap3A_896, %swap3A_897] {strides = array<i32>} : memref<16x128xi32, #tpu.memory_space<vmem>>, vector<1x16xi32>,
    %swap3A_899 = vector.shape_cast %swap3A_898 : vector<1x16xi32> to vector<16xi32>
    %swap3A_900 = vector.shape_cast %broadcast_in_dim3A_894 : vector<16xi32> to vector<1x16xi32>
    tpu.vector_store %arg18[%swap3A_896, %swap3A_897], %swap3A_900 {strides = array<i32>} : memref<16x128xi32, #tpu.memory_space<vmem>>, vector<1x16xi32>,
    %broadcast_in_dim3A_901 = arith.constant 96 : i32
    %broadcast_in_dim3A_902 = vector.broadcast %broadcast_in_dim3A_901 : i32 to vector<16xi32>
    %swap3A_903 = arith.constant 12 : i32
    %swap3A_904 = arith.index_cast %swap3A_903 : i32 to index
    %swap3A_905 = arith.constant 0 : index
    %swap3A_906 = tpu.vector_load %arg18[%swap3A_904, %swap3A_905] {strides = array<i32>} : memref<16x128xi32, #tpu.memory_space<vmem>>, vector<1x16xi32>,
    %swap3A_907 = vector.shape_cast %swap3A_906 : vector<1x16xi32> to vector<16xi32>
    %swap3A_908 = vector.shape_cast %broadcast_in_dim3A_902 : vector<16xi32> to vector<1x16xi32>
    tpu.vector_store %arg18[%swap3A_904, %swap3A_905], %swap3A_908 {strides = array<i32>} : memref<16x128xi32, #tpu.memory_space<vmem>>, vector<1x16xi32>,
    %broadcast_in_dim3A_909 = arith.constant 97 : i32
    %broadcast_in_dim3A_910 = vector.broadcast %broadcast_in_dim3A_909 : i32 to vector<16xi32>
    %swap3A_911 = arith.constant 12 : i32
    %swap3A_912 = arith.index_cast %swap3A_911 : i32 to index
    %swap3A_913 = arith.constant 16 : index
    %swap3A_914 = tpu.vector_load %arg18[%swap3A_912, %swap3A_913] {strides = array<i32>} : memref<16x128xi32, #tpu.memory_space<vmem>>, vector<1x16xi32>,
    %swap3A_915 = vector.shape_cast %swap3A_914 : vector<1x16xi32> to vector<16xi32>
    %swap3A_916 = vector.shape_cast %broadcast_in_dim3A_910 : vector<16xi32> to vector<1x16xi32>
    tpu.vector_store %arg18[%swap3A_912, %swap3A_913], %swap3A_916 {strides = array<i32>} : memref<16x128xi32, #tpu.memory_space<vmem>>, vector<1x16xi32>,
    %broadcast_in_dim3A_917 = arith.constant 98 : i32
    %broadcast_in_dim3A_918 = vector.broadcast %broadcast_in_dim3A_917 : i32 to vector<16xi32>
    %swap3A_919 = arith.constant 12 : i32
    %swap3A_920 = arith.index_cast %swap3A_919 : i32 to index
    %swap3A_921 = arith.constant 32 : index
    %swap3A_922 = tpu.vector_load %arg18[%swap3A_920, %swap3A_921] {strides = array<i32>} : memref<16x128xi32, #tpu.memory_space<vmem>>, vector<1x16xi32>,
    %swap3A_923 = vector.shape_cast %swap3A_922 : vector<1x16xi32> to vector<16xi32>
    %swap3A_924 = vector.shape_cast %broadcast_in_dim3A_918 : vector<16xi32> to vector<1x16xi32>
    tpu.vector_store %arg18[%swap3A_920, %swap3A_921], %swap3A_924 {strides = array<i32>} : memref<16x128xi32, #tpu.memory_space<vmem>>, vector<1x16xi32>,
    %broadcast_in_dim3A_925 = arith.constant 99 : i32
    %broadcast_in_dim3A_926 = vector.broadcast %broadcast_in_dim3A_925 : i32 to vector<16xi32>
    %swap3A_927 = arith.constant 12 : i32
    %swap3A_928 = arith.index_cast %swap3A_927 : i32 to index
    %swap3A_929 = arith.constant 48 : index
    %swap3A_930 = tpu.vector_load %arg18[%swap3A_928, %swap3A_929] {strides = array<i32>} : memref<16x128xi32, #tpu.memory_space<vmem>>, vector<1x16xi32>,
    %swap3A_931 = vector.shape_cast %swap3A_930 : vector<1x16xi32> to vector<16xi32>
    %swap3A_932 = vector.shape_cast %broadcast_in_dim3A_926 : vector<16xi32> to vector<1x16xi32>
    tpu.vector_store %arg18[%swap3A_928, %swap3A_929], %swap3A_932 {strides = array<i32>} : memref<16x128xi32, #tpu.memory_space<vmem>>, vector<1x16xi32>,
    %broadcast_in_dim3A_933 = arith.constant 100 : i32
    %broadcast_in_dim3A_934 = vector.broadcast %broadcast_in_dim3A_933 : i32 to vector<16xi32>
    %swap3A_935 = arith.constant 12 : i32
    %swap3A_936 = arith.index_cast %swap3A_935 : i32 to index
    %swap3A_937 = arith.constant 64 : index
    %swap3A_938 = tpu.vector_load %arg18[%swap3A_936, %swap3A_937] {strides = array<i32>} : memref<16x128xi32, #tpu.memory_space<vmem>>, vector<1x16xi32>,
    %swap3A_939 = vector.shape_cast %swap3A_938 : vector<1x16xi32> to vector<16xi32>
    %swap3A_940 = vector.shape_cast %broadcast_in_dim3A_934 : vector<16xi32> to vector<1x16xi32>
    tpu.vector_store %arg18[%swap3A_936, %swap3A_937], %swap3A_940 {strides = array<i32>} : memref<16x128xi32, #tpu.memory_space<vmem>>, vector<1x16xi32>,
    %broadcast_in_dim3A_941 = arith.constant 101 : i32
    %broadcast_in_dim3A_942 = vector.broadcast %broadcast_in_dim3A_941 : i32 to vector<16xi32>
    %swap3A_943 = arith.constant 12 : i32
    %swap3A_944 = arith.index_cast %swap3A_943 : i32 to index
    %swap3A_945 = arith.constant 80 : index
    %swap3A_946 = tpu.vector_load %arg18[%swap3A_944, %swap3A_945] {strides = array<i32>} : memref<16x128xi32, #tpu.memory_space<vmem>>, vector<1x16xi32>,
    %swap3A_947 = vector.shape_cast %swap3A_946 : vector<1x16xi32> to vector<16xi32>
    %swap3A_948 = vector.shape_cast %broadcast_in_dim3A_942 : vector<16xi32> to vector<1x16xi32>
    tpu.vector_store %arg18[%swap3A_944, %swap3A_945], %swap3A_948 {strides = array<i32>} : memref<16x128xi32, #tpu.memory_space<vmem>>, vector<1x16xi32>,
    %broadcast_in_dim3A_949 = arith.constant 102 : i32
    %broadcast_in_dim3A_950 = vector.broadcast %broadcast_in_dim3A_949 : i32 to vector<16xi32>
    %swap3A_951 = arith.constant 12 : i32
    %swap3A_952 = arith.index_cast %swap3A_951 : i32 to index
    %swap3A_953 = arith.constant 96 : index
    %swap3A_954 = tpu.vector_load %arg18[%swap3A_952, %swap3A_953] {strides = array<i32>} : memref<16x128xi32, #tpu.memory_space<vmem>>, vector<1x16xi32>,
    %swap3A_955 = vector.shape_cast %swap3A_954 : vector<1x16xi32> to vector<16xi32>
    %swap3A_956 = vector.shape_cast %broadcast_in_dim3A_950 : vector<16xi32> to vector<1x16xi32>
    tpu.vector_store %arg18[%swap3A_952, %swap3A_953], %swap3A_956 {strides = array<i32>} : memref<16x128xi32, #tpu.memory_space<vmem>>, vector<1x16xi32>,
    %broadcast_in_dim3A_957 = arith.constant 103 : i32
    %broadcast_in_dim3A_958 = vector.broadcast %broadcast_in_dim3A_957 : i32 to vector<16xi32>
    %swap3A_959 = arith.constant 12 : i32
    %swap3A_960 = arith.index_cast %swap3A_959 : i32 to index
    %swap3A_961 = arith.constant 112 : index
    %swap3A_962 = tpu.vector_load %arg18[%swap3A_960, %swap3A_961] {strides = array<i32>} : memref<16x128xi32, #tpu.memory_space<vmem>>, vector<1x16xi32>,
    %swap3A_963 = vector.shape_cast %swap3A_962 : vector<1x16xi32> to vector<16xi32>
    %swap3A_964 = vector.shape_cast %broadcast_in_dim3A_958 : vector<16xi32> to vector<1x16xi32>
    tpu.vector_store %arg18[%swap3A_960, %swap3A_961], %swap3A_964 {strides = array<i32>} : memref<16x128xi32, #tpu.memory_space<vmem>>, vector<1x16xi32>,
    %broadcast_in_dim3A_965 = arith.constant 104 : i32
    %broadcast_in_dim3A_966 = vector.broadcast %broadcast_in_dim3A_965 : i32 to vector<16xi32>
    %swap3A_967 = arith.constant 13 : i32
    %swap3A_968 = arith.index_cast %swap3A_967 : i32 to index
    %swap3A_969 = arith.constant 0 : index
    %swap3A_970 = tpu.vector_load %arg18[%swap3A_968, %swap3A_969] {strides = array<i32>} : memref<16x128xi32, #tpu.memory_space<vmem>>, vector<1x16xi32>,
    %swap3A_971 = vector.shape_cast %swap3A_970 : vector<1x16xi32> to vector<16xi32>
    %swap3A_972 = vector.shape_cast %broadcast_in_dim3A_966 : vector<16xi32> to vector<1x16xi32>
    tpu.vector_store %arg18[%swap3A_968, %swap3A_969], %swap3A_972 {strides = array<i32>} : memref<16x128xi32, #tpu.memory_space<vmem>>, vector<1x16xi32>,
    %broadcast_in_dim3A_973 = arith.constant 105 : i32
    %broadcast_in_dim3A_974 = vector.broadcast %broadcast_in_dim3A_973 : i32 to vector<16xi32>
    %swap3A_975 = arith.constant 13 : i32
    %swap3A_976 = arith.index_cast %swap3A_975 : i32 to index
    %swap3A_977 = arith.constant 16 : index
    %swap3A_978 = tpu.vector_load %arg18[%swap3A_976, %swap3A_977] {strides = array<i32>} : memref<16x128xi32, #tpu.memory_space<vmem>>, vector<1x16xi32>,
    %swap3A_979 = vector.shape_cast %swap3A_978 : vector<1x16xi32> to vector<16xi32>
    %swap3A_980 = vector.shape_cast %broadcast_in_dim3A_974 : vector<16xi32> to vector<1x16xi32>
    tpu.vector_store %arg18[%swap3A_976, %swap3A_977], %swap3A_980 {strides = array<i32>} : memref<16x128xi32, #tpu.memory_space<vmem>>, vector<1x16xi32>,
    %broadcast_in_dim3A_981 = arith.constant 106 : i32
    %broadcast_in_dim3A_982 = vector.broadcast %broadcast_in_dim3A_981 : i32 to vector<16xi32>
    %swap3A_983 = arith.constant 13 : i32
    %swap3A_984 = arith.index_cast %swap3A_983 : i32 to index
    %swap3A_985 = arith.constant 32 : index
    %swap3A_986 = tpu.vector_load %arg18[%swap3A_984, %swap3A_985] {strides = array<i32>} : memref<16x128xi32, #tpu.memory_space<vmem>>, vector<1x16xi32>,
    %swap3A_987 = vector.shape_cast %swap3A_986 : vector<1x16xi32> to vector<16xi32>
    %swap3A_988 = vector.shape_cast %broadcast_in_dim3A_982 : vector<16xi32> to vector<1x16xi32>
    tpu.vector_store %arg18[%swap3A_984, %swap3A_985], %swap3A_988 {strides = array<i32>} : memref<16x128xi32, #tpu.memory_space<vmem>>, vector<1x16xi32>,
    %broadcast_in_dim3A_989 = arith.constant 107 : i32
    %broadcast_in_dim3A_990 = vector.broadcast %broadcast_in_dim3A_989 : i32 to vector<16xi32>
    %swap3A_991 = arith.constant 13 : i32
    %swap3A_992 = arith.index_cast %swap3A_991 : i32 to index
    %swap3A_993 = arith.constant 48 : index
    %swap3A_994 = tpu.vector_load %arg18[%swap3A_992, %swap3A_993] {strides = array<i32>} : memref<16x128xi32, #tpu.memory_space<vmem>>, vector<1x16xi32>,
    %swap3A_995 = vector.shape_cast %swap3A_994 : vector<1x16xi32> to vector<16xi32>
    %swap3A_996 = vector.shape_cast %broadcast_in_dim3A_990 : vector<16xi32> to vector<1x16xi32>
    tpu.vector_store %arg18[%swap3A_992, %swap3A_993], %swap3A_996 {strides = array<i32>} : memref<16x128xi32, #tpu.memory_space<vmem>>, vector<1x16xi32>,
    %broadcast_in_dim3A_997 = arith.constant 108 : i32
    %broadcast_in_dim3A_998 = vector.broadcast %broadcast_in_dim3A_997 : i32 to vector<16xi32>
    %swap3A_999 = arith.constant 13 : i32
    %swap3A_1000 = arith.index_cast %swap3A_999 : i32 to index
    %swap3A_1001 = arith.constant 64 : index
    %swap3A_1002 = tpu.vector_load %arg18[%swap3A_1000, %swap3A_1001] {strides = array<i32>} : memref<16x128xi32, #tpu.memory_space<vmem>>, vector<1x16xi32>,
    %swap3A_1003 = vector.shape_cast %swap3A_1002 : vector<1x16xi32> to vector<16xi32>
    %swap3A_1004 = vector.shape_cast %broadcast_in_dim3A_998 : vector<16xi32> to vector<1x16xi32>
    tpu.vector_store %arg18[%swap3A_1000, %swap3A_1001], %swap3A_1004 {strides = array<i32>} : memref<16x128xi32, #tpu.memory_space<vmem>>, vector<1x16xi32>,
    %broadcast_in_dim3A_1005 = arith.constant 109 : i32
    %broadcast_in_dim3A_1006 = vector.broadcast %broadcast_in_dim3A_1005 : i32 to vector<16xi32>
    %swap3A_1007 = arith.constant 13 : i32
    %swap3A_1008 = arith.index_cast %swap3A_1007 : i32 to index
    %swap3A_1009 = arith.constant 80 : index
    %swap3A_1010 = tpu.vector_load %arg18[%swap3A_1008, %swap3A_1009] {strides = array<i32>} : memref<16x128xi32, #tpu.memory_space<vmem>>, vector<1x16xi32>,
    %swap3A_1011 = vector.shape_cast %swap3A_1010 : vector<1x16xi32> to vector<16xi32>
    %swap3A_1012 = vector.shape_cast %broadcast_in_dim3A_1006 : vector<16xi32> to vector<1x16xi32>
    tpu.vector_store %arg18[%swap3A_1008, %swap3A_1009], %swap3A_1012 {strides = array<i32>} : memref<16x128xi32, #tpu.memory_space<vmem>>, vector<1x16xi32>,
    %broadcast_in_dim3A_1013 = arith.constant 110 : i32
    %broadcast_in_dim3A_1014 = vector.broadcast %broadcast_in_dim3A_1013 : i32 to vector<16xi32>
    %swap3A_1015 = arith.constant 13 : i32
    %swap3A_1016 = arith.index_cast %swap3A_1015 : i32 to index
    %swap3A_1017 = arith.constant 96 : index
    %swap3A_1018 = tpu.vector_load %arg18[%swap3A_1016, %swap3A_1017] {strides = array<i32>} : memref<16x128xi32, #tpu.memory_space<vmem>>, vector<1x16xi32>,
    %swap3A_1019 = vector.shape_cast %swap3A_1018 : vector<1x16xi32> to vector<16xi32>
    %swap3A_1020 = vector.shape_cast %broadcast_in_dim3A_1014 : vector<16xi32> to vector<1x16xi32>
    tpu.vector_store %arg18[%swap3A_1016, %swap3A_1017], %swap3A_1020 {strides = array<i32>} : memref<16x128xi32, #tpu.memory_space<vmem>>, vector<1x16xi32>,
    %broadcast_in_dim3A_1021 = arith.constant 111 : i32
    %broadcast_in_dim3A_1022 = vector.broadcast %broadcast_in_dim3A_1021 : i32 to vector<16xi32>
    %swap3A_1023 = arith.constant 13 : i32
    %swap3A_1024 = arith.index_cast %swap3A_1023 : i32 to index
    %swap3A_1025 = arith.constant 112 : index
    %swap3A_1026 = tpu.vector_load %arg18[%swap3A_1024, %swap3A_1025] {strides = array<i32>} : memref<16x128xi32, #tpu.memory_space<vmem>>, vector<1x16xi32>,
    %swap3A_1027 = vector.shape_cast %swap3A_1026 : vector<1x16xi32> to vector<16xi32>
    %swap3A_1028 = vector.shape_cast %broadcast_in_dim3A_1022 : vector<16xi32> to vector<1x16xi32>
    tpu.vector_store %arg18[%swap3A_1024, %swap3A_1025], %swap3A_1028 {strides = array<i32>} : memref<16x128xi32, #tpu.memory_space<vmem>>, vector<1x16xi32>,
    %broadcast_in_dim3A_1029 = arith.constant 112 : i32
    %broadcast_in_dim3A_1030 = vector.broadcast %broadcast_in_dim3A_1029 : i32 to vector<16xi32>
    %swap3A_1031 = arith.constant 14 : i32
    %swap3A_1032 = arith.index_cast %swap3A_1031 : i32 to index
    %swap3A_1033 = arith.constant 0 : index
    %swap3A_1034 = tpu.vector_load %arg18[%swap3A_1032, %swap3A_1033] {strides = array<i32>} : memref<16x128xi32, #tpu.memory_space<vmem>>, vector<1x16xi32>,
    %swap3A_1035 = vector.shape_cast %swap3A_1034 : vector<1x16xi32> to vector<16xi32>
    %swap3A_1036 = vector.shape_cast %broadcast_in_dim3A_1030 : vector<16xi32> to vector<1x16xi32>
    tpu.vector_store %arg18[%swap3A_1032, %swap3A_1033], %swap3A_1036 {strides = array<i32>} : memref<16x128xi32, #tpu.memory_space<vmem>>, vector<1x16xi32>,
    %broadcast_in_dim3A_1037 = arith.constant 113 : i32
    %broadcast_in_dim3A_1038 = vector.broadcast %broadcast_in_dim3A_1037 : i32 to vector<16xi32>
    %swap3A_1039 = arith.constant 14 : i32
    %swap3A_1040 = arith.index_cast %swap3A_1039 : i32 to index
    %swap3A_1041 = arith.constant 16 : index
    %swap3A_1042 = tpu.vector_load %arg18[%swap3A_1040, %swap3A_1041] {strides = array<i32>} : memref<16x128xi32, #tpu.memory_space<vmem>>, vector<1x16xi32>,
    %swap3A_1043 = vector.shape_cast %swap3A_1042 : vector<1x16xi32> to vector<16xi32>
    %swap3A_1044 = vector.shape_cast %broadcast_in_dim3A_1038 : vector<16xi32> to vector<1x16xi32>
    tpu.vector_store %arg18[%swap3A_1040, %swap3A_1041], %swap3A_1044 {strides = array<i32>} : memref<16x128xi32, #tpu.memory_space<vmem>>, vector<1x16xi32>,
    %broadcast_in_dim3A_1045 = arith.constant 114 : i32
    %broadcast_in_dim3A_1046 = vector.broadcast %broadcast_in_dim3A_1045 : i32 to vector<16xi32>
    %swap3A_1047 = arith.constant 14 : i32
    %swap3A_1048 = arith.index_cast %swap3A_1047 : i32 to index
    %swap3A_1049 = arith.constant 32 : index
    %swap3A_1050 = tpu.vector_load %arg18[%swap3A_1048, %swap3A_1049] {strides = array<i32>} : memref<16x128xi32, #tpu.memory_space<vmem>>, vector<1x16xi32>,
    %swap3A_1051 = vector.shape_cast %swap3A_1050 : vector<1x16xi32> to vector<16xi32>
    %swap3A_1052 = vector.shape_cast %broadcast_in_dim3A_1046 : vector<16xi32> to vector<1x16xi32>
    tpu.vector_store %arg18[%swap3A_1048, %swap3A_1049], %swap3A_1052 {strides = array<i32>} : memref<16x128xi32, #tpu.memory_space<vmem>>, vector<1x16xi32>,
    %broadcast_in_dim3A_1053 = arith.constant 115 : i32
    %broadcast_in_dim3A_1054 = vector.broadcast %broadcast_in_dim3A_1053 : i32 to vector<16xi32>
    %swap3A_1055 = arith.constant 14 : i32
    %swap3A_1056 = arith.index_cast %swap3A_1055 : i32 to index
    %swap3A_1057 = arith.constant 48 : index
    %swap3A_1058 = tpu.vector_load %arg18[%swap3A_1056, %swap3A_1057] {strides = array<i32>} : memref<16x128xi32, #tpu.memory_space<vmem>>, vector<1x16xi32>,
    %swap3A_1059 = vector.shape_cast %swap3A_1058 : vector<1x16xi32> to vector<16xi32>
    %swap3A_1060 = vector.shape_cast %broadcast_in_dim3A_1054 : vector<16xi32> to vector<1x16xi32>
    tpu.vector_store %arg18[%swap3A_1056, %swap3A_1057], %swap3A_1060 {strides = array<i32>} : memref<16x128xi32, #tpu.memory_space<vmem>>, vector<1x16xi32>,
    %broadcast_in_dim3A_1061 = arith.constant 116 : i32
    %broadcast_in_dim3A_1062 = vector.broadcast %broadcast_in_dim3A_1061 : i32 to vector<16xi32>
    %swap3A_1063 = arith.constant 14 : i32
    %swap3A_1064 = arith.index_cast %swap3A_1063 : i32 to index
    %swap3A_1065 = arith.constant 64 : index
    %swap3A_1066 = tpu.vector_load %arg18[%swap3A_1064, %swap3A_1065] {strides = array<i32>} : memref<16x128xi32, #tpu.memory_space<vmem>>, vector<1x16xi32>,
    %swap3A_1067 = vector.shape_cast %swap3A_1066 : vector<1x16xi32> to vector<16xi32>
    %swap3A_1068 = vector.shape_cast %broadcast_in_dim3A_1062 : vector<16xi32> to vector<1x16xi32>
    tpu.vector_store %arg18[%swap3A_1064, %swap3A_1065], %swap3A_1068 {strides = array<i32>} : memref<16x128xi32, #tpu.memory_space<vmem>>, vector<1x16xi32>,
    %broadcast_in_dim3A_1069 = arith.constant 117 : i32
    %broadcast_in_dim3A_1070 = vector.broadcast %broadcast_in_dim3A_1069 : i32 to vector<16xi32>
    %swap3A_1071 = arith.constant 14 : i32
    %swap3A_1072 = arith.index_cast %swap3A_1071 : i32 to index
    %swap3A_1073 = arith.constant 80 : index
    %swap3A_1074 = tpu.vector_load %arg18[%swap3A_1072, %swap3A_1073] {strides = array<i32>} : memref<16x128xi32, #tpu.memory_space<vmem>>, vector<1x16xi32>,
    %swap3A_1075 = vector.shape_cast %swap3A_1074 : vector<1x16xi32> to vector<16xi32>
    %swap3A_1076 = vector.shape_cast %broadcast_in_dim3A_1070 : vector<16xi32> to vector<1x16xi32>
    tpu.vector_store %arg18[%swap3A_1072, %swap3A_1073], %swap3A_1076 {strides = array<i32>} : memref<16x128xi32, #tpu.memory_space<vmem>>, vector<1x16xi32>,
    %broadcast_in_dim3A_1077 = arith.constant 118 : i32
    %broadcast_in_dim3A_1078 = vector.broadcast %broadcast_in_dim3A_1077 : i32 to vector<16xi32>
    %swap3A_1079 = arith.constant 14 : i32
    %swap3A_1080 = arith.index_cast %swap3A_1079 : i32 to index
    %swap3A_1081 = arith.constant 96 : index
    %swap3A_1082 = tpu.vector_load %arg18[%swap3A_1080, %swap3A_1081] {strides = array<i32>} : memref<16x128xi32, #tpu.memory_space<vmem>>, vector<1x16xi32>,
    %swap3A_1083 = vector.shape_cast %swap3A_1082 : vector<1x16xi32> to vector<16xi32>
    %swap3A_1084 = vector.shape_cast %broadcast_in_dim3A_1078 : vector<16xi32> to vector<1x16xi32>
    tpu.vector_store %arg18[%swap3A_1080, %swap3A_1081], %swap3A_1084 {strides = array<i32>} : memref<16x128xi32, #tpu.memory_space<vmem>>, vector<1x16xi32>,
    %broadcast_in_dim3A_1085 = arith.constant 119 : i32
    %broadcast_in_dim3A_1086 = vector.broadcast %broadcast_in_dim3A_1085 : i32 to vector<16xi32>
    %swap3A_1087 = arith.constant 14 : i32
    %swap3A_1088 = arith.index_cast %swap3A_1087 : i32 to index
    %swap3A_1089 = arith.constant 112 : index
    %swap3A_1090 = tpu.vector_load %arg18[%swap3A_1088, %swap3A_1089] {strides = array<i32>} : memref<16x128xi32, #tpu.memory_space<vmem>>, vector<1x16xi32>,
    %swap3A_1091 = vector.shape_cast %swap3A_1090 : vector<1x16xi32> to vector<16xi32>
    %swap3A_1092 = vector.shape_cast %broadcast_in_dim3A_1086 : vector<16xi32> to vector<1x16xi32>
    tpu.vector_store %arg18[%swap3A_1088, %swap3A_1089], %swap3A_1092 {strides = array<i32>} : memref<16x128xi32, #tpu.memory_space<vmem>>, vector<1x16xi32>,
    %broadcast_in_dim3A_1093 = arith.constant 120 : i32
    %broadcast_in_dim3A_1094 = vector.broadcast %broadcast_in_dim3A_1093 : i32 to vector<16xi32>
    %swap3A_1095 = arith.constant 15 : i32
    %swap3A_1096 = arith.index_cast %swap3A_1095 : i32 to index
    %swap3A_1097 = arith.constant 0 : index
    %swap3A_1098 = tpu.vector_load %arg18[%swap3A_1096, %swap3A_1097] {strides = array<i32>} : memref<16x128xi32, #tpu.memory_space<vmem>>, vector<1x16xi32>,
    %swap3A_1099 = vector.shape_cast %swap3A_1098 : vector<1x16xi32> to vector<16xi32>
    %swap3A_1100 = vector.shape_cast %broadcast_in_dim3A_1094 : vector<16xi32> to vector<1x16xi32>
    tpu.vector_store %arg18[%swap3A_1096, %swap3A_1097], %swap3A_1100 {strides = array<i32>} : memref<16x128xi32, #tpu.memory_space<vmem>>, vector<1x16xi32>,
    %broadcast_in_dim3A_1101 = arith.constant 121 : i32
    %broadcast_in_dim3A_1102 = vector.broadcast %broadcast_in_dim3A_1101 : i32 to vector<16xi32>
    %swap3A_1103 = arith.constant 15 : i32
    %swap3A_1104 = arith.index_cast %swap3A_1103 : i32 to index
    %swap3A_1105 = arith.constant 16 : index
    %swap3A_1106 = tpu.vector_load %arg18[%swap3A_1104, %swap3A_1105] {strides = array<i32>} : memref<16x128xi32, #tpu.memory_space<vmem>>, vector<1x16xi32>,
    %swap3A_1107 = vector.shape_cast %swap3A_1106 : vector<1x16xi32> to vector<16xi32>
    %swap3A_1108 = vector.shape_cast %broadcast_in_dim3A_1102 : vector<16xi32> to vector<1x16xi32>
    tpu.vector_store %arg18[%swap3A_1104, %swap3A_1105], %swap3A_1108 {strides = array<i32>} : memref<16x128xi32, #tpu.memory_space<vmem>>, vector<1x16xi32>,
    %broadcast_in_dim3A_1109 = arith.constant 122 : i32
    %broadcast_in_dim3A_1110 = vector.broadcast %broadcast_in_dim3A_1109 : i32 to vector<16xi32>
    %swap3A_1111 = arith.constant 15 : i32
    %swap3A_1112 = arith.index_cast %swap3A_1111 : i32 to index
    %swap3A_1113 = arith.constant 32 : index
    %swap3A_1114 = tpu.vector_load %arg18[%swap3A_1112, %swap3A_1113] {strides = array<i32>} : memref<16x128xi32, #tpu.memory_space<vmem>>, vector<1x16xi32>,
    %swap3A_1115 = vector.shape_cast %swap3A_1114 : vector<1x16xi32> to vector<16xi32>
    %swap3A_1116 = vector.shape_cast %broadcast_in_dim3A_1110 : vector<16xi32> to vector<1x16xi32>
    tpu.vector_store %arg18[%swap3A_1112, %swap3A_1113], %swap3A_1116 {strides = array<i32>} : memref<16x128xi32, #tpu.memory_space<vmem>>, vector<1x16xi32>,
    %broadcast_in_dim3A_1117 = arith.constant 123 : i32
    %broadcast_in_dim3A_1118 = vector.broadcast %broadcast_in_dim3A_1117 : i32 to vector<16xi32>
    %swap3A_1119 = arith.constant 15 : i32
    %swap3A_1120 = arith.index_cast %swap3A_1119 : i32 to index
    %swap3A_1121 = arith.constant 48 : index
    %swap3A_1122 = tpu.vector_load %arg18[%swap3A_1120, %swap3A_1121] {strides = array<i32>} : memref<16x128xi32, #tpu.memory_space<vmem>>, vector<1x16xi32>,
    %swap3A_1123 = vector.shape_cast %swap3A_1122 : vector<1x16xi32> to vector<16xi32>
    %swap3A_1124 = vector.shape_cast %broadcast_in_dim3A_1118 : vector<16xi32> to vector<1x16xi32>
    tpu.vector_store %arg18[%swap3A_1120, %swap3A_1121], %swap3A_1124 {strides = array<i32>} : memref<16x128xi32, #tpu.memory_space<vmem>>, vector<1x16xi32>,
    %broadcast_in_dim3A_1125 = arith.constant 124 : i32
    %broadcast_in_dim3A_1126 = vector.broadcast %broadcast_in_dim3A_1125 : i32 to vector<16xi32>
    %swap3A_1127 = arith.constant 15 : i32
    %swap3A_1128 = arith.index_cast %swap3A_1127 : i32 to index
    %swap3A_1129 = arith.constant 64 : index
    %swap3A_1130 = tpu.vector_load %arg18[%swap3A_1128, %swap3A_1129] {strides = array<i32>} : memref<16x128xi32, #tpu.memory_space<vmem>>, vector<1x16xi32>,
    %swap3A_1131 = vector.shape_cast %swap3A_1130 : vector<1x16xi32> to vector<16xi32>
    %swap3A_1132 = vector.shape_cast %broadcast_in_dim3A_1126 : vector<16xi32> to vector<1x16xi32>
    tpu.vector_store %arg18[%swap3A_1128, %swap3A_1129], %swap3A_1132 {strides = array<i32>} : memref<16x128xi32, #tpu.memory_space<vmem>>, vector<1x16xi32>,
    %broadcast_in_dim3A_1133 = arith.constant 125 : i32
    %broadcast_in_dim3A_1134 = vector.broadcast %broadcast_in_dim3A_1133 : i32 to vector<16xi32>
    %swap3A_1135 = arith.constant 15 : i32
    %swap3A_1136 = arith.index_cast %swap3A_1135 : i32 to index
    %swap3A_1137 = arith.constant 80 : index
    %swap3A_1138 = tpu.vector_load %arg18[%swap3A_1136, %swap3A_1137] {strides = array<i32>} : memref<16x128xi32, #tpu.memory_space<vmem>>, vector<1x16xi32>,
    %swap3A_1139 = vector.shape_cast %swap3A_1138 : vector<1x16xi32> to vector<16xi32>
    %swap3A_1140 = vector.shape_cast %broadcast_in_dim3A_1134 : vector<16xi32> to vector<1x16xi32>
    tpu.vector_store %arg18[%swap3A_1136, %swap3A_1137], %swap3A_1140 {strides = array<i32>} : memref<16x128xi32, #tpu.memory_space<vmem>>, vector<1x16xi32>,
    %broadcast_in_dim3A_1141 = arith.constant 126 : i32
    %broadcast_in_dim3A_1142 = vector.broadcast %broadcast_in_dim3A_1141 : i32 to vector<16xi32>
    %swap3A_1143 = arith.constant 15 : i32
    %swap3A_1144 = arith.index_cast %swap3A_1143 : i32 to index
    %swap3A_1145 = arith.constant 96 : index
    %swap3A_1146 = tpu.vector_load %arg18[%swap3A_1144, %swap3A_1145] {strides = array<i32>} : memref<16x128xi32, #tpu.memory_space<vmem>>, vector<1x16xi32>,
    %swap3A_1147 = vector.shape_cast %swap3A_1146 : vector<1x16xi32> to vector<16xi32>
    %swap3A_1148 = vector.shape_cast %broadcast_in_dim3A_1142 : vector<16xi32> to vector<1x16xi32>
    tpu.vector_store %arg18[%swap3A_1144, %swap3A_1145], %swap3A_1148 {strides = array<i32>} : memref<16x128xi32, #tpu.memory_space<vmem>>, vector<1x16xi32>,
    %broadcast_in_dim3A_1149 = arith.constant 127 : i32
    %broadcast_in_dim3A_1150 = vector.broadcast %broadcast_in_dim3A_1149 : i32 to vector<16xi32>
    %swap3A_1151 = arith.constant 15 : i32
    %swap3A_1152 = arith.index_cast %swap3A_1151 : i32 to index
    %swap3A_1153 = arith.constant 112 : index
    %swap3A_1154 = tpu.vector_load %arg18[%swap3A_1152, %swap3A_1153] {strides = array<i32>} : memref<16x128xi32, #tpu.memory_space<vmem>>, vector<1x16xi32>,
    %swap3A_1155 = vector.shape_cast %swap3A_1154 : vector<1x16xi32> to vector<16xi32>
    %swap3A_1156 = vector.shape_cast %broadcast_in_dim3A_1150 : vector<16xi32> to vector<1x16xi32>
    tpu.vector_store %arg18[%swap3A_1152, %swap3A_1153], %swap3A_1156 {strides = array<i32>} : memref<16x128xi32, #tpu.memory_space<vmem>>, vector<1x16xi32>,
    %dma_start3A = arith.constant 0 : i32
    %dma_start3A_1157 = tpu.memref_slice %arg8[%dma_start3A] : memref<512xi32, #tpu.memory_space<vmem>> -> memref<128xi32, #tpu.memory_space<vmem>>
    %dma_start3A_1158 = arith.constant 0 : i32
    %dma_start3A_1159 = arith.constant 0 : i32
    %dma_start3A_1160 = tpu.memref_slice %arg5[%dma_start3A_1158, %dma_start3A_1159] : memref<1000000x128xf32, #tpu.memory_space<hbm>> -> memref<1000000x128xf32, #tpu.memory_space<hbm>>
    tpu.enqueue_indirect_dma source(%dma_start3A_1160 : memref<1000000x128xf32, #tpu.memory_space<hbm>>) target(%arg11 : memref<128x128xf32, #tpu.memory_space<vmem>>) offsets(%dma_start3A_1157 : memref<128xi32, #tpu.memory_space<vmem>>) semaphore(%arg21 : memref<!tpu.dma_semaphore, #tpu.memory_space<semaphore_mem>>)
    %dma_start3A_1161 = arith.constant 0 : i32
    %dma_start3A_1162 = tpu.memref_slice %arg9[%dma_start3A_1161] : memref<512xi32, #tpu.memory_space<vmem>> -> memref<128xi32, #tpu.memory_space<vmem>>
    %dma_start3A_1163 = arith.constant 0 : i32
    %dma_start3A_1164 = arith.constant 0 : i32
    %dma_start3A_1165 = tpu.memref_slice %arg6[%dma_start3A_1163, %dma_start3A_1164] : memref<1000x128xf32, #tpu.memory_space<hbm>> -> memref<1000x128xf32, #tpu.memory_space<hbm>>
    tpu.enqueue_indirect_dma source(%dma_start3A_1165 : memref<1000x128xf32, #tpu.memory_space<hbm>>) target(%arg12 : memref<128x128xf32, #tpu.memory_space<vmem>>) offsets(%dma_start3A_1162 : memref<128xi32, #tpu.memory_space<vmem>>) semaphore(%arg22 : memref<!tpu.dma_semaphore, #tpu.memory_space<semaphore_mem>>)
    %dma_start3A_1166 = arith.constant 0 : i32
    %dma_start3A_1167 = tpu.memref_slice %arg10[%dma_start3A_1166] : memref<512xi32, #tpu.memory_space<vmem>> -> memref<128xi32, #tpu.memory_space<vmem>>
    %dma_start3A_1168 = arith.constant 0 : i32
    %dma_start3A_1169 = arith.constant 0 : i32
    %dma_start3A_1170 = tpu.memref_slice %arg5[%dma_start3A_1168, %dma_start3A_1169] : memref<1000000x128xf32, #tpu.memory_space<hbm>> -> memref<1000000x128xf32, #tpu.memory_space<hbm>>
    tpu.enqueue_indirect_dma source(%dma_start3A_1170 : memref<1000000x128xf32, #tpu.memory_space<hbm>>) target(%arg13 : memref<128x128xf32, #tpu.memory_space<vmem>>) offsets(%dma_start3A_1167 : memref<128xi32, #tpu.memory_space<vmem>>) semaphore(%arg23 : memref<!tpu.dma_semaphore, #tpu.memory_space<semaphore_mem>>)
    %scan3A = arith.constant 0 : i32
    %scan3A_1171 = arith.constant 0 : i32
    %scan3A_1172 = arith.constant 2 : i32
    %scan3A_1173 = arith.addi %scan3A_1171, %scan3A_1172 : i32
    %scan3A_1174 = arith.constant 1 : i32
    scf.for %scan3A_1751 = %scan3A_1171 to %scan3A_1173 step %scan3A_1174  : i32 {
      %mul3A_1752 = arith.constant 2 : i32
      %mul3A_1753 = arith.muli %mul3A_1752, %scan3A_1751 : i32
      %add3A_1754 = arith.constant 1 : i32
      %add3A_1755 = arith.addi %mul3A_1753, %add3A_1754 : i32
      %mul3A_1756 = arith.constant 128 : i32
      %mul3A_1757 = arith.muli %add3A_1755, %mul3A_1756 : i32
      %dma_start3A_1758 = tpu.memref_slice %arg8[%mul3A_1757] : memref<512xi32, #tpu.memory_space<vmem>> -> memref<128xi32, #tpu.memory_space<vmem>>
      %dma_start3A_1759 = arith.constant 0 : i32
      %dma_start3A_1760 = arith.constant 0 : i32
      %dma_start3A_1761 = tpu.memref_slice %arg5[%dma_start3A_1759, %dma_start3A_1760] : memref<1000000x128xf32, #tpu.memory_space<hbm>> -> memref<1000000x128xf32, #tpu.memory_space<hbm>>
      tpu.enqueue_indirect_dma source(%dma_start3A_1761 : memref<1000000x128xf32, #tpu.memory_space<hbm>>) target(%arg14 : memref<128x128xf32, #tpu.memory_space<vmem>>) offsets(%dma_start3A_1758 : memref<128xi32, #tpu.memory_space<vmem>>) semaphore(%arg24 : memref<!tpu.dma_semaphore, #tpu.memory_space<semaphore_mem>>)
      %dma_start3A_1762 = tpu.memref_slice %arg9[%mul3A_1757] : memref<512xi32, #tpu.memory_space<vmem>> -> memref<128xi32, #tpu.memory_space<vmem>>
      %dma_start3A_1763 = arith.constant 0 : i32
      %dma_start3A_1764 = arith.constant 0 : i32
      %dma_start3A_1765 = tpu.memref_slice %arg6[%dma_start3A_1763, %dma_start3A_1764] : memref<1000x128xf32, #tpu.memory_space<hbm>> -> memref<1000x128xf32, #tpu.memory_space<hbm>>
      tpu.enqueue_indirect_dma source(%dma_start3A_1765 : memref<1000x128xf32, #tpu.memory_space<hbm>>) target(%arg15 : memref<128x128xf32, #tpu.memory_space<vmem>>) offsets(%dma_start3A_1762 : memref<128xi32, #tpu.memory_space<vmem>>) semaphore(%arg25 : memref<!tpu.dma_semaphore, #tpu.memory_space<semaphore_mem>>)
      %dma_start3A_1766 = tpu.memref_slice %arg10[%mul3A_1757] : memref<512xi32, #tpu.memory_space<vmem>> -> memref<128xi32, #tpu.memory_space<vmem>>
      %dma_start3A_1767 = arith.constant 0 : i32
      %dma_start3A_1768 = arith.constant 0 : i32
      %dma_start3A_1769 = tpu.memref_slice %arg5[%dma_start3A_1767, %dma_start3A_1768] : memref<1000000x128xf32, #tpu.memory_space<hbm>> -> memref<1000000x128xf32, #tpu.memory_space<hbm>>
      tpu.enqueue_indirect_dma source(%dma_start3A_1769 : memref<1000000x128xf32, #tpu.memory_space<hbm>>) target(%arg16 : memref<128x128xf32, #tpu.memory_space<vmem>>) offsets(%dma_start3A_1766 : memref<128xi32, #tpu.memory_space<vmem>>) semaphore(%arg26 : memref<!tpu.dma_semaphore, #tpu.memory_space<semaphore_mem>>)
      %dma_wait3A_1770 = arith.constant 0 : i32
      %dma_wait3A_1771 = arith.constant 0 : i32
      %dma_wait3A_1772 = tpu.memref_slice %arg5[%dma_wait3A_1770, %dma_wait3A_1771] : memref<1000000x128xf32, #tpu.memory_space<hbm>> -> memref<128x128xf32, #tpu.memory_space<hbm>>
      %dma_wait3A_1773 = arith.constant 0 : i32
      %dma_wait3A_1774 = arith.constant 0 : i32
      %dma_wait3A_1775 = tpu.memref_slice %arg5[%dma_wait3A_1773, %dma_wait3A_1774] : memref<1000000x128xf32, #tpu.memory_space<hbm>> -> memref<128x128xf32, #tpu.memory_space<hbm>>
      tpu.wait_dma2 semaphore(%arg21 : memref<!tpu.dma_semaphore, #tpu.memory_space<semaphore_mem>>) src(%dma_wait3A_1775 : memref<128x128xf32, #tpu.memory_space<hbm>>) dst(%arg11 : memref<128x128xf32, #tpu.memory_space<vmem>>)
      %dma_wait3A_1776 = arith.constant 0 : i32
      %dma_wait3A_1777 = arith.constant 0 : i32
      %dma_wait3A_1778 = tpu.memref_slice %arg5[%dma_wait3A_1776, %dma_wait3A_1777] : memref<1000000x128xf32, #tpu.memory_space<hbm>> -> memref<128x128xf32, #tpu.memory_space<hbm>>
      %dma_wait3A_1779 = arith.constant 0 : i32
      %dma_wait3A_1780 = arith.constant 0 : i32
      %dma_wait3A_1781 = tpu.memref_slice %arg5[%dma_wait3A_1779, %dma_wait3A_1780] : memref<1000000x128xf32, #tpu.memory_space<hbm>> -> memref<128x128xf32, #tpu.memory_space<hbm>>
      tpu.wait_dma2 semaphore(%arg22 : memref<!tpu.dma_semaphore, #tpu.memory_space<semaphore_mem>>) src(%dma_wait3A_1781 : memref<128x128xf32, #tpu.memory_space<hbm>>) dst(%arg12 : memref<128x128xf32, #tpu.memory_space<vmem>>)
      %dma_wait3A_1782 = arith.constant 0 : i32
      %dma_wait3A_1783 = arith.constant 0 : i32
      %dma_wait3A_1784 = tpu.memref_slice %arg5[%dma_wait3A_1782, %dma_wait3A_1783] : memref<1000000x128xf32, #tpu.memory_space<hbm>> -> memref<128x128xf32, #tpu.memory_space<hbm>>
      %dma_wait3A_1785 = arith.constant 0 : i32
      %dma_wait3A_1786 = arith.constant 0 : i32
      %dma_wait3A_1787 = tpu.memref_slice %arg5[%dma_wait3A_1785, %dma_wait3A_1786] : memref<1000000x128xf32, #tpu.memory_space<hbm>> -> memref<128x128xf32, #tpu.memory_space<hbm>>
      tpu.wait_dma2 semaphore(%arg23 : memref<!tpu.dma_semaphore, #tpu.memory_space<semaphore_mem>>) src(%dma_wait3A_1787 : memref<128x128xf32, #tpu.memory_space<hbm>>) dst(%arg13 : memref<128x128xf32, #tpu.memory_space<vmem>>)
      %mul3A_1788 = arith.constant 128 : i32
      %mul3A_1789 = arith.muli %mul3A_1753, %mul3A_1788 : i32
      %parallel_loop3A = arith.constant 0 : i32
      %parallel_loop3A_1790 = arith.constant 128 : i32
      %parallel_loop3A_1791 = arith.constant 1 : i32
      scf.for %parallel_loop3A_2235 = %parallel_loop3A to %parallel_loop3A_1790 step %parallel_loop3A_1791  : i32 {
        %parallel_loop3A_2236 = arith.constant 0.000000e+00 : f32
        %parallel_loop3A_2237 = vector.broadcast %parallel_loop3A_2236 : f32 to vector<16xf32>
        %parallel_loop3A_2238 = arith.index_cast %parallel_loop3A_2235 : i32 to index
        %parallel_loop3A_2239 = arith.constant 0 : index
        %parallel_loop3A_2240 = tpu.vector_load %arg11[%parallel_loop3A_2238, %parallel_loop3A_2239] {strides = array<i32>} : memref<128x128xf32, #tpu.memory_space<vmem>>, vector<1x16xf32>,
        %parallel_loop3A_2241 = vector.shape_cast %parallel_loop3A_2240 : vector<1x16xf32> to vector<16xf32>
        %parallel_loop3A_2242 = arith.index_cast %parallel_loop3A_2235 : i32 to index
        %parallel_loop3A_2243 = arith.constant 0 : index
        %parallel_loop3A_2244 = tpu.vector_load %arg12[%parallel_loop3A_2242, %parallel_loop3A_2243] {strides = array<i32>} : memref<128x128xf32, #tpu.memory_space<vmem>>, vector<1x16xf32>,
        %parallel_loop3A_2245 = vector.shape_cast %parallel_loop3A_2244 : vector<1x16xf32> to vector<16xf32>
        %parallel_loop3A_2246 = arith.mulf %parallel_loop3A_2241, %parallel_loop3A_2245 : vector<16xf32>
        %parallel_loop3A_2247 = arith.index_cast %parallel_loop3A_2235 : i32 to index
        %parallel_loop3A_2248 = arith.constant 0 : index
        %parallel_loop3A_2249 = tpu.vector_load %arg13[%parallel_loop3A_2247, %parallel_loop3A_2248] {strides = array<i32>} : memref<128x128xf32, #tpu.memory_space<vmem>>, vector<1x16xf32>,
        %parallel_loop3A_2250 = vector.shape_cast %parallel_loop3A_2249 : vector<1x16xf32> to vector<16xf32>
        %parallel_loop3A_2251 = arith.mulf %parallel_loop3A_2246, %parallel_loop3A_2250 : vector<16xf32>
        %parallel_loop3A_2252 = arith.addf %parallel_loop3A_2237, %parallel_loop3A_2251 : vector<16xf32>
        %parallel_loop3A_2253 = arith.index_cast %parallel_loop3A_2235 : i32 to index
        %parallel_loop3A_2254 = arith.constant 16 : index
        %parallel_loop3A_2255 = tpu.vector_load %arg11[%parallel_loop3A_2253, %parallel_loop3A_2254] {strides = array<i32>} : memref<128x128xf32, #tpu.memory_space<vmem>>, vector<1x16xf32>,
        %parallel_loop3A_2256 = vector.shape_cast %parallel_loop3A_2255 : vector<1x16xf32> to vector<16xf32>
        %parallel_loop3A_2257 = arith.index_cast %parallel_loop3A_2235 : i32 to index
        %parallel_loop3A_2258 = arith.constant 16 : index
        %parallel_loop3A_2259 = tpu.vector_load %arg12[%parallel_loop3A_2257, %parallel_loop3A_2258] {strides = array<i32>} : memref<128x128xf32, #tpu.memory_space<vmem>>, vector<1x16xf32>,
        %parallel_loop3A_2260 = vector.shape_cast %parallel_loop3A_2259 : vector<1x16xf32> to vector<16xf32>
        %parallel_loop3A_2261 = arith.mulf %parallel_loop3A_2256, %parallel_loop3A_2260 : vector<16xf32>
        %parallel_loop3A_2262 = arith.index_cast %parallel_loop3A_2235 : i32 to index
        %parallel_loop3A_2263 = arith.constant 16 : index
        %parallel_loop3A_2264 = tpu.vector_load %arg13[%parallel_loop3A_2262, %parallel_loop3A_2263] {strides = array<i32>} : memref<128x128xf32, #tpu.memory_space<vmem>>, vector<1x16xf32>,
        %parallel_loop3A_2265 = vector.shape_cast %parallel_loop3A_2264 : vector<1x16xf32> to vector<16xf32>
        %parallel_loop3A_2266 = arith.mulf %parallel_loop3A_2261, %parallel_loop3A_2265 : vector<16xf32>
        %parallel_loop3A_2267 = arith.addf %parallel_loop3A_2252, %parallel_loop3A_2266 : vector<16xf32>
        %parallel_loop3A_2268 = arith.index_cast %parallel_loop3A_2235 : i32 to index
        %parallel_loop3A_2269 = arith.constant 32 : index
        %parallel_loop3A_2270 = tpu.vector_load %arg11[%parallel_loop3A_2268, %parallel_loop3A_2269] {strides = array<i32>} : memref<128x128xf32, #tpu.memory_space<vmem>>, vector<1x16xf32>,
        %parallel_loop3A_2271 = vector.shape_cast %parallel_loop3A_2270 : vector<1x16xf32> to vector<16xf32>
        %parallel_loop3A_2272 = arith.index_cast %parallel_loop3A_2235 : i32 to index
        %parallel_loop3A_2273 = arith.constant 32 : index
        %parallel_loop3A_2274 = tpu.vector_load %arg12[%parallel_loop3A_2272, %parallel_loop3A_2273] {strides = array<i32>} : memref<128x128xf32, #tpu.memory_space<vmem>>, vector<1x16xf32>,
        %parallel_loop3A_2275 = vector.shape_cast %parallel_loop3A_2274 : vector<1x16xf32> to vector<16xf32>
        %parallel_loop3A_2276 = arith.mulf %parallel_loop3A_2271, %parallel_loop3A_2275 : vector<16xf32>
        %parallel_loop3A_2277 = arith.index_cast %parallel_loop3A_2235 : i32 to index
        %parallel_loop3A_2278 = arith.constant 32 : index
        %parallel_loop3A_2279 = tpu.vector_load %arg13[%parallel_loop3A_2277, %parallel_loop3A_2278] {strides = array<i32>} : memref<128x128xf32, #tpu.memory_space<vmem>>, vector<1x16xf32>,
        %parallel_loop3A_2280 = vector.shape_cast %parallel_loop3A_2279 : vector<1x16xf32> to vector<16xf32>
        %parallel_loop3A_2281 = arith.mulf %parallel_loop3A_2276, %parallel_loop3A_2280 : vector<16xf32>
        %parallel_loop3A_2282 = arith.addf %parallel_loop3A_2267, %parallel_loop3A_2281 : vector<16xf32>
        %parallel_loop3A_2283 = arith.index_cast %parallel_loop3A_2235 : i32 to index
        %parallel_loop3A_2284 = arith.constant 48 : index
        %parallel_loop3A_2285 = tpu.vector_load %arg11[%parallel_loop3A_2283, %parallel_loop3A_2284] {strides = array<i32>} : memref<128x128xf32, #tpu.memory_space<vmem>>, vector<1x16xf32>,
        %parallel_loop3A_2286 = vector.shape_cast %parallel_loop3A_2285 : vector<1x16xf32> to vector<16xf32>
        %parallel_loop3A_2287 = arith.index_cast %parallel_loop3A_2235 : i32 to index
        %parallel_loop3A_2288 = arith.constant 48 : index
        %parallel_loop3A_2289 = tpu.vector_load %arg12[%parallel_loop3A_2287, %parallel_loop3A_2288] {strides = array<i32>} : memref<128x128xf32, #tpu.memory_space<vmem>>, vector<1x16xf32>,
        %parallel_loop3A_2290 = vector.shape_cast %parallel_loop3A_2289 : vector<1x16xf32> to vector<16xf32>
        %parallel_loop3A_2291 = arith.mulf %parallel_loop3A_2286, %parallel_loop3A_2290 : vector<16xf32>
        %parallel_loop3A_2292 = arith.index_cast %parallel_loop3A_2235 : i32 to index
        %parallel_loop3A_2293 = arith.constant 48 : index
        %parallel_loop3A_2294 = tpu.vector_load %arg13[%parallel_loop3A_2292, %parallel_loop3A_2293] {strides = array<i32>} : memref<128x128xf32, #tpu.memory_space<vmem>>, vector<1x16xf32>,
        %parallel_loop3A_2295 = vector.shape_cast %parallel_loop3A_2294 : vector<1x16xf32> to vector<16xf32>
        %parallel_loop3A_2296 = arith.mulf %parallel_loop3A_2291, %parallel_loop3A_2295 : vector<16xf32>
        %parallel_loop3A_2297 = arith.addf %parallel_loop3A_2282, %parallel_loop3A_2296 : vector<16xf32>
        %parallel_loop3A_2298 = arith.index_cast %parallel_loop3A_2235 : i32 to index
        %parallel_loop3A_2299 = arith.constant 64 : index
        %parallel_loop3A_2300 = tpu.vector_load %arg11[%parallel_loop3A_2298, %parallel_loop3A_2299] {strides = array<i32>} : memref<128x128xf32, #tpu.memory_space<vmem>>, vector<1x16xf32>,
        %parallel_loop3A_2301 = vector.shape_cast %parallel_loop3A_2300 : vector<1x16xf32> to vector<16xf32>
        %parallel_loop3A_2302 = arith.index_cast %parallel_loop3A_2235 : i32 to index
        %parallel_loop3A_2303 = arith.constant 64 : index
        %parallel_loop3A_2304 = tpu.vector_load %arg12[%parallel_loop3A_2302, %parallel_loop3A_2303] {strides = array<i32>} : memref<128x128xf32, #tpu.memory_space<vmem>>, vector<1x16xf32>,
        %parallel_loop3A_2305 = vector.shape_cast %parallel_loop3A_2304 : vector<1x16xf32> to vector<16xf32>
        %parallel_loop3A_2306 = arith.mulf %parallel_loop3A_2301, %parallel_loop3A_2305 : vector<16xf32>
        %parallel_loop3A_2307 = arith.index_cast %parallel_loop3A_2235 : i32 to index
        %parallel_loop3A_2308 = arith.constant 64 : index
        %parallel_loop3A_2309 = tpu.vector_load %arg13[%parallel_loop3A_2307, %parallel_loop3A_2308] {strides = array<i32>} : memref<128x128xf32, #tpu.memory_space<vmem>>, vector<1x16xf32>,
        %parallel_loop3A_2310 = vector.shape_cast %parallel_loop3A_2309 : vector<1x16xf32> to vector<16xf32>
        %parallel_loop3A_2311 = arith.mulf %parallel_loop3A_2306, %parallel_loop3A_2310 : vector<16xf32>
        %parallel_loop3A_2312 = arith.addf %parallel_loop3A_2297, %parallel_loop3A_2311 : vector<16xf32>
        %parallel_loop3A_2313 = arith.index_cast %parallel_loop3A_2235 : i32 to index
        %parallel_loop3A_2314 = arith.constant 80 : index
        %parallel_loop3A_2315 = tpu.vector_load %arg11[%parallel_loop3A_2313, %parallel_loop3A_2314] {strides = array<i32>} : memref<128x128xf32, #tpu.memory_space<vmem>>, vector<1x16xf32>,
        %parallel_loop3A_2316 = vector.shape_cast %parallel_loop3A_2315 : vector<1x16xf32> to vector<16xf32>
        %parallel_loop3A_2317 = arith.index_cast %parallel_loop3A_2235 : i32 to index
        %parallel_loop3A_2318 = arith.constant 80 : index
        %parallel_loop3A_2319 = tpu.vector_load %arg12[%parallel_loop3A_2317, %parallel_loop3A_2318] {strides = array<i32>} : memref<128x128xf32, #tpu.memory_space<vmem>>, vector<1x16xf32>,
        %parallel_loop3A_2320 = vector.shape_cast %parallel_loop3A_2319 : vector<1x16xf32> to vector<16xf32>
        %parallel_loop3A_2321 = arith.mulf %parallel_loop3A_2316, %parallel_loop3A_2320 : vector<16xf32>
        %parallel_loop3A_2322 = arith.index_cast %parallel_loop3A_2235 : i32 to index
        %parallel_loop3A_2323 = arith.constant 80 : index
        %parallel_loop3A_2324 = tpu.vector_load %arg13[%parallel_loop3A_2322, %parallel_loop3A_2323] {strides = array<i32>} : memref<128x128xf32, #tpu.memory_space<vmem>>, vector<1x16xf32>,
        %parallel_loop3A_2325 = vector.shape_cast %parallel_loop3A_2324 : vector<1x16xf32> to vector<16xf32>
        %parallel_loop3A_2326 = arith.mulf %parallel_loop3A_2321, %parallel_loop3A_2325 : vector<16xf32>
        %parallel_loop3A_2327 = arith.addf %parallel_loop3A_2312, %parallel_loop3A_2326 : vector<16xf32>
        %parallel_loop3A_2328 = arith.index_cast %parallel_loop3A_2235 : i32 to index
        %parallel_loop3A_2329 = arith.constant 96 : index
        %parallel_loop3A_2330 = tpu.vector_load %arg11[%parallel_loop3A_2328, %parallel_loop3A_2329] {strides = array<i32>} : memref<128x128xf32, #tpu.memory_space<vmem>>, vector<1x16xf32>,
        %parallel_loop3A_2331 = vector.shape_cast %parallel_loop3A_2330 : vector<1x16xf32> to vector<16xf32>
        %parallel_loop3A_2332 = arith.index_cast %parallel_loop3A_2235 : i32 to index
        %parallel_loop3A_2333 = arith.constant 96 : index
        %parallel_loop3A_2334 = tpu.vector_load %arg12[%parallel_loop3A_2332, %parallel_loop3A_2333] {strides = array<i32>} : memref<128x128xf32, #tpu.memory_space<vmem>>, vector<1x16xf32>,
        %parallel_loop3A_2335 = vector.shape_cast %parallel_loop3A_2334 : vector<1x16xf32> to vector<16xf32>
        %parallel_loop3A_2336 = arith.mulf %parallel_loop3A_2331, %parallel_loop3A_2335 : vector<16xf32>
        %parallel_loop3A_2337 = arith.index_cast %parallel_loop3A_2235 : i32 to index
        %parallel_loop3A_2338 = arith.constant 96 : index
        %parallel_loop3A_2339 = tpu.vector_load %arg13[%parallel_loop3A_2337, %parallel_loop3A_2338] {strides = array<i32>} : memref<128x128xf32, #tpu.memory_space<vmem>>, vector<1x16xf32>,
        %parallel_loop3A_2340 = vector.shape_cast %parallel_loop3A_2339 : vector<1x16xf32> to vector<16xf32>
        %parallel_loop3A_2341 = arith.mulf %parallel_loop3A_2336, %parallel_loop3A_2340 : vector<16xf32>
        %parallel_loop3A_2342 = arith.addf %parallel_loop3A_2327, %parallel_loop3A_2341 : vector<16xf32>
        %parallel_loop3A_2343 = arith.index_cast %parallel_loop3A_2235 : i32 to index
        %parallel_loop3A_2344 = arith.constant 112 : index
        %parallel_loop3A_2345 = tpu.vector_load %arg11[%parallel_loop3A_2343, %parallel_loop3A_2344] {strides = array<i32>} : memref<128x128xf32, #tpu.memory_space<vmem>>, vector<1x16xf32>,
        %parallel_loop3A_2346 = vector.shape_cast %parallel_loop3A_2345 : vector<1x16xf32> to vector<16xf32>
        %parallel_loop3A_2347 = arith.index_cast %parallel_loop3A_2235 : i32 to index
        %parallel_loop3A_2348 = arith.constant 112 : index
        %parallel_loop3A_2349 = tpu.vector_load %arg12[%parallel_loop3A_2347, %parallel_loop3A_2348] {strides = array<i32>} : memref<128x128xf32, #tpu.memory_space<vmem>>, vector<1x16xf32>,
        %parallel_loop3A_2350 = vector.shape_cast %parallel_loop3A_2349 : vector<1x16xf32> to vector<16xf32>
        %parallel_loop3A_2351 = arith.mulf %parallel_loop3A_2346, %parallel_loop3A_2350 : vector<16xf32>
        %parallel_loop3A_2352 = arith.index_cast %parallel_loop3A_2235 : i32 to index
        %parallel_loop3A_2353 = arith.constant 112 : index
        %parallel_loop3A_2354 = tpu.vector_load %arg13[%parallel_loop3A_2352, %parallel_loop3A_2353] {strides = array<i32>} : memref<128x128xf32, #tpu.memory_space<vmem>>, vector<1x16xf32>,
        %parallel_loop3A_2355 = vector.shape_cast %parallel_loop3A_2354 : vector<1x16xf32> to vector<16xf32>
        %parallel_loop3A_2356 = arith.mulf %parallel_loop3A_2351, %parallel_loop3A_2355 : vector<16xf32>
        %parallel_loop3A_2357 = arith.addf %parallel_loop3A_2342, %parallel_loop3A_2356 : vector<16xf32>
        %parallel_loop3A_2358 = arith.addi %mul3A_1789, %parallel_loop3A_2235 : i32
        %parallel_loop3A_2359 = arith.constant 16 : i32
        %parallel_loop3A_2360 = arith.muli %parallel_loop3A_2358, %parallel_loop3A_2359 : i32
        %parallel_loop3A_2361 = arith.index_cast %parallel_loop3A_2360 : i32 to index
        %parallel_loop3A_2362 = tpu.vector_load %arg17[%parallel_loop3A_2361] {strides = array<i32>} : memref<8192xf32, #tpu.memory_space<vmem>>, vector<16xf32>,
        %parallel_loop3A_2363 = vector.shape_cast %parallel_loop3A_2362 : vector<16xf32> to vector<16xf32>
        %parallel_loop3A_2364 = vector.shape_cast %parallel_loop3A_2357 : vector<16xf32> to vector<16xf32>
        tpu.vector_store %arg17[%parallel_loop3A_2361], %parallel_loop3A_2364 {strides = array<i32>} : memref<8192xf32, #tpu.memory_space<vmem>>, vector<16xf32>,
      } {sc.loop_unroll_factor = 8 : i64, sc.parallel_access}
      %add3A_1792 = arith.constant 0 : i32
      %add3A_1793 = arith.addi %mul3A_1789, %add3A_1792 : i32
      %mul3A_1794 = arith.constant 16 : i32
      %mul3A_1795 = arith.muli %add3A_1793, %mul3A_1794 : i32
      %add3A_1796 = arith.addi %mul3A_4, %mul3A_1789 : i32
      %dma_start3A_1797 = arith.constant 0 : i32
      %dma_start3A_1798 = tpu.memref_slice %arg17[%mul3A_1795] : memref<8192xf32, #tpu.memory_space<vmem>> -> memref<128xf32, #tpu.memory_space<vmem>>
      %dma_start3A_1799 = arith.constant 0 : i32
      %dma_start3A_1800 = tpu.memref_slice %arg18[%dma_start3A_1797, %dma_start3A_1799] : memref<16x128xi32, #tpu.memory_space<vmem>> -> memref<1x128xi32, #tpu.memory_space<vmem>>
      %dma_start3A_1801 = tpu.memref_squeeze %dma_start3A_1800 : memref<1x128xi32, #tpu.memory_space<vmem>> -> memref<128xi32, #tpu.memory_space<vmem>>
      %dma_start3A_1802 = tpu.memref_slice %arg19[%add3A_1796] : memref<8192xf32, #tpu.memory_space<vmem_shared>> -> memref<128xf32, #tpu.memory_space<vmem_shared>>
      %dma_start3A_1803 = arith.constant 0 : i32
      %dma_start3A_1804 = tpu.memref_slice %dma_start3A_1802[%dma_start3A_1803] : memref<128xf32, #tpu.memory_space<vmem_shared>> -> memref<128xf32, #tpu.memory_space<vmem_shared>>
      tpu.enqueue_indirect_dma source(%dma_start3A_1798 : memref<128xf32, #tpu.memory_space<vmem>>) target(%dma_start3A_1804 : memref<128xf32, #tpu.memory_space<vmem_shared>>) offsets(%dma_start3A_1801 : memref<128xi32, #tpu.memory_space<vmem>>) semaphore(%arg27 : memref<!tpu.dma_semaphore, #tpu.memory_space<semaphore_mem>>) {add = true}
      %add3A_1805 = arith.constant 8 : i32
      %add3A_1806 = arith.addi %mul3A_1789, %add3A_1805 : i32
      %mul3A_1807 = arith.constant 16 : i32
      %mul3A_1808 = arith.muli %add3A_1806, %mul3A_1807 : i32
      %add3A_1809 = arith.addi %mul3A_4, %mul3A_1789 : i32
      %dma_start3A_1810 = arith.constant 1 : i32
      %dma_start3A_1811 = tpu.memref_slice %arg17[%mul3A_1808] : memref<8192xf32, #tpu.memory_space<vmem>> -> memref<128xf32, #tpu.memory_space<vmem>>
      %dma_start3A_1812 = arith.constant 0 : i32
      %dma_start3A_1813 = tpu.memref_slice %arg18[%dma_start3A_1810, %dma_start3A_1812] : memref<16x128xi32, #tpu.memory_space<vmem>> -> memref<1x128xi32, #tpu.memory_space<vmem>>
      %dma_start3A_1814 = tpu.memref_squeeze %dma_start3A_1813 : memref<1x128xi32, #tpu.memory_space<vmem>> -> memref<128xi32, #tpu.memory_space<vmem>>
      %dma_start3A_1815 = tpu.memref_slice %arg19[%add3A_1809] : memref<8192xf32, #tpu.memory_space<vmem_shared>> -> memref<128xf32, #tpu.memory_space<vmem_shared>>
      %dma_start3A_1816 = arith.constant 0 : i32
      %dma_start3A_1817 = tpu.memref_slice %dma_start3A_1815[%dma_start3A_1816] : memref<128xf32, #tpu.memory_space<vmem_shared>> -> memref<128xf32, #tpu.memory_space<vmem_shared>>
      tpu.enqueue_indirect_dma source(%dma_start3A_1811 : memref<128xf32, #tpu.memory_space<vmem>>) target(%dma_start3A_1817 : memref<128xf32, #tpu.memory_space<vmem_shared>>) offsets(%dma_start3A_1814 : memref<128xi32, #tpu.memory_space<vmem>>) semaphore(%arg27 : memref<!tpu.dma_semaphore, #tpu.memory_space<semaphore_mem>>) {add = true}
      %add3A_1818 = arith.constant 16 : i32
      %add3A_1819 = arith.addi %mul3A_1789, %add3A_1818 : i32
      %mul3A_1820 = arith.constant 16 : i32
      %mul3A_1821 = arith.muli %add3A_1819, %mul3A_1820 : i32
      %add3A_1822 = arith.addi %mul3A_4, %mul3A_1789 : i32
      %dma_start3A_1823 = arith.constant 2 : i32
      %dma_start3A_1824 = tpu.memref_slice %arg17[%mul3A_1821] : memref<8192xf32, #tpu.memory_space<vmem>> -> memref<128xf32, #tpu.memory_space<vmem>>
      %dma_start3A_1825 = arith.constant 0 : i32
      %dma_start3A_1826 = tpu.memref_slice %arg18[%dma_start3A_1823, %dma_start3A_1825] : memref<16x128xi32, #tpu.memory_space<vmem>> -> memref<1x128xi32, #tpu.memory_space<vmem>>
      %dma_start3A_1827 = tpu.memref_squeeze %dma_start3A_1826 : memref<1x128xi32, #tpu.memory_space<vmem>> -> memref<128xi32, #tpu.memory_space<vmem>>
      %dma_start3A_1828 = tpu.memref_slice %arg19[%add3A_1822] : memref<8192xf32, #tpu.memory_space<vmem_shared>> -> memref<128xf32, #tpu.memory_space<vmem_shared>>
      %dma_start3A_1829 = arith.constant 0 : i32
      %dma_start3A_1830 = tpu.memref_slice %dma_start3A_1828[%dma_start3A_1829] : memref<128xf32, #tpu.memory_space<vmem_shared>> -> memref<128xf32, #tpu.memory_space<vmem_shared>>
      tpu.enqueue_indirect_dma source(%dma_start3A_1824 : memref<128xf32, #tpu.memory_space<vmem>>) target(%dma_start3A_1830 : memref<128xf32, #tpu.memory_space<vmem_shared>>) offsets(%dma_start3A_1827 : memref<128xi32, #tpu.memory_space<vmem>>) semaphore(%arg27 : memref<!tpu.dma_semaphore, #tpu.memory_space<semaphore_mem>>) {add = true}
      %add3A_1831 = arith.constant 24 : i32
      %add3A_1832 = arith.addi %mul3A_1789, %add3A_1831 : i32
      %mul3A_1833 = arith.constant 16 : i32
      %mul3A_1834 = arith.muli %add3A_1832, %mul3A_1833 : i32
      %add3A_1835 = arith.addi %mul3A_4, %mul3A_1789 : i32
      %dma_start3A_1836 = arith.constant 3 : i32
      %dma_start3A_1837 = tpu.memref_slice %arg17[%mul3A_1834] : memref<8192xf32, #tpu.memory_space<vmem>> -> memref<128xf32, #tpu.memory_space<vmem>>
      %dma_start3A_1838 = arith.constant 0 : i32
      %dma_start3A_1839 = tpu.memref_slice %arg18[%dma_start3A_1836, %dma_start3A_1838] : memref<16x128xi32, #tpu.memory_space<vmem>> -> memref<1x128xi32, #tpu.memory_space<vmem>>
      %dma_start3A_1840 = tpu.memref_squeeze %dma_start3A_1839 : memref<1x128xi32, #tpu.memory_space<vmem>> -> memref<128xi32, #tpu.memory_space<vmem>>
      %dma_start3A_1841 = tpu.memref_slice %arg19[%add3A_1835] : memref<8192xf32, #tpu.memory_space<vmem_shared>> -> memref<128xf32, #tpu.memory_space<vmem_shared>>
      %dma_start3A_1842 = arith.constant 0 : i32
      %dma_start3A_1843 = tpu.memref_slice %dma_start3A_1841[%dma_start3A_1842] : memref<128xf32, #tpu.memory_space<vmem_shared>> -> memref<128xf32, #tpu.memory_space<vmem_shared>>
      tpu.enqueue_indirect_dma source(%dma_start3A_1837 : memref<128xf32, #tpu.memory_space<vmem>>) target(%dma_start3A_1843 : memref<128xf32, #tpu.memory_space<vmem_shared>>) offsets(%dma_start3A_1840 : memref<128xi32, #tpu.memory_space<vmem>>) semaphore(%arg27 : memref<!tpu.dma_semaphore, #tpu.memory_space<semaphore_mem>>) {add = true}
      %add3A_1844 = arith.constant 32 : i32
      %add3A_1845 = arith.addi %mul3A_1789, %add3A_1844 : i32
      %mul3A_1846 = arith.constant 16 : i32
      %mul3A_1847 = arith.muli %add3A_1845, %mul3A_1846 : i32
      %add3A_1848 = arith.addi %mul3A_4, %mul3A_1789 : i32
      %dma_start3A_1849 = arith.constant 4 : i32
      %dma_start3A_1850 = tpu.memref_slice %arg17[%mul3A_1847] : memref<8192xf32, #tpu.memory_space<vmem>> -> memref<128xf32, #tpu.memory_space<vmem>>
      %dma_start3A_1851 = arith.constant 0 : i32
      %dma_start3A_1852 = tpu.memref_slice %arg18[%dma_start3A_1849, %dma_start3A_1851] : memref<16x128xi32, #tpu.memory_space<vmem>> -> memref<1x128xi32, #tpu.memory_space<vmem>>
      %dma_start3A_1853 = tpu.memref_squeeze %dma_start3A_1852 : memref<1x128xi32, #tpu.memory_space<vmem>> -> memref<128xi32, #tpu.memory_space<vmem>>
      %dma_start3A_1854 = tpu.memref_slice %arg19[%add3A_1848] : memref<8192xf32, #tpu.memory_space<vmem_shared>> -> memref<128xf32, #tpu.memory_space<vmem_shared>>
      %dma_start3A_1855 = arith.constant 0 : i32
      %dma_start3A_1856 = tpu.memref_slice %dma_start3A_1854[%dma_start3A_1855] : memref<128xf32, #tpu.memory_space<vmem_shared>> -> memref<128xf32, #tpu.memory_space<vmem_shared>>
      tpu.enqueue_indirect_dma source(%dma_start3A_1850 : memref<128xf32, #tpu.memory_space<vmem>>) target(%dma_start3A_1856 : memref<128xf32, #tpu.memory_space<vmem_shared>>) offsets(%dma_start3A_1853 : memref<128xi32, #tpu.memory_space<vmem>>) semaphore(%arg27 : memref<!tpu.dma_semaphore, #tpu.memory_space<semaphore_mem>>) {add = true}
      %add3A_1857 = arith.constant 40 : i32
      %add3A_1858 = arith.addi %mul3A_1789, %add3A_1857 : i32
      %mul3A_1859 = arith.constant 16 : i32
      %mul3A_1860 = arith.muli %add3A_1858, %mul3A_1859 : i32
      %add3A_1861 = arith.addi %mul3A_4, %mul3A_1789 : i32
      %dma_start3A_1862 = arith.constant 5 : i32
      %dma_start3A_1863 = tpu.memref_slice %arg17[%mul3A_1860] : memref<8192xf32, #tpu.memory_space<vmem>> -> memref<128xf32, #tpu.memory_space<vmem>>
      %dma_start3A_1864 = arith.constant 0 : i32
      %dma_start3A_1865 = tpu.memref_slice %arg18[%dma_start3A_1862, %dma_start3A_1864] : memref<16x128xi32, #tpu.memory_space<vmem>> -> memref<1x128xi32, #tpu.memory_space<vmem>>
      %dma_start3A_1866 = tpu.memref_squeeze %dma_start3A_1865 : memref<1x128xi32, #tpu.memory_space<vmem>> -> memref<128xi32, #tpu.memory_space<vmem>>
      %dma_start3A_1867 = tpu.memref_slice %arg19[%add3A_1861] : memref<8192xf32, #tpu.memory_space<vmem_shared>> -> memref<128xf32, #tpu.memory_space<vmem_shared>>
      %dma_start3A_1868 = arith.constant 0 : i32
      %dma_start3A_1869 = tpu.memref_slice %dma_start3A_1867[%dma_start3A_1868] : memref<128xf32, #tpu.memory_space<vmem_shared>> -> memref<128xf32, #tpu.memory_space<vmem_shared>>
      tpu.enqueue_indirect_dma source(%dma_start3A_1863 : memref<128xf32, #tpu.memory_space<vmem>>) target(%dma_start3A_1869 : memref<128xf32, #tpu.memory_space<vmem_shared>>) offsets(%dma_start3A_1866 : memref<128xi32, #tpu.memory_space<vmem>>) semaphore(%arg27 : memref<!tpu.dma_semaphore, #tpu.memory_space<semaphore_mem>>) {add = true}
      %add3A_1870 = arith.constant 48 : i32
      %add3A_1871 = arith.addi %mul3A_1789, %add3A_1870 : i32
      %mul3A_1872 = arith.constant 16 : i32
      %mul3A_1873 = arith.muli %add3A_1871, %mul3A_1872 : i32
      %add3A_1874 = arith.addi %mul3A_4, %mul3A_1789 : i32
      %dma_start3A_1875 = arith.constant 6 : i32
      %dma_start3A_1876 = tpu.memref_slice %arg17[%mul3A_1873] : memref<8192xf32, #tpu.memory_space<vmem>> -> memref<128xf32, #tpu.memory_space<vmem>>
      %dma_start3A_1877 = arith.constant 0 : i32
      %dma_start3A_1878 = tpu.memref_slice %arg18[%dma_start3A_1875, %dma_start3A_1877] : memref<16x128xi32, #tpu.memory_space<vmem>> -> memref<1x128xi32, #tpu.memory_space<vmem>>
      %dma_start3A_1879 = tpu.memref_squeeze %dma_start3A_1878 : memref<1x128xi32, #tpu.memory_space<vmem>> -> memref<128xi32, #tpu.memory_space<vmem>>
      %dma_start3A_1880 = tpu.memref_slice %arg19[%add3A_1874] : memref<8192xf32, #tpu.memory_space<vmem_shared>> -> memref<128xf32, #tpu.memory_space<vmem_shared>>
      %dma_start3A_1881 = arith.constant 0 : i32
      %dma_start3A_1882 = tpu.memref_slice %dma_start3A_1880[%dma_start3A_1881] : memref<128xf32, #tpu.memory_space<vmem_shared>> -> memref<128xf32, #tpu.memory_space<vmem_shared>>
      tpu.enqueue_indirect_dma source(%dma_start3A_1876 : memref<128xf32, #tpu.memory_space<vmem>>) target(%dma_start3A_1882 : memref<128xf32, #tpu.memory_space<vmem_shared>>) offsets(%dma_start3A_1879 : memref<128xi32, #tpu.memory_space<vmem>>) semaphore(%arg27 : memref<!tpu.dma_semaphore, #tpu.memory_space<semaphore_mem>>) {add = true}
      %add3A_1883 = arith.constant 56 : i32
      %add3A_1884 = arith.addi %mul3A_1789, %add3A_1883 : i32
      %mul3A_1885 = arith.constant 16 : i32
      %mul3A_1886 = arith.muli %add3A_1884, %mul3A_1885 : i32
      %add3A_1887 = arith.addi %mul3A_4, %mul3A_1789 : i32
      %dma_start3A_1888 = arith.constant 7 : i32
      %dma_start3A_1889 = tpu.memref_slice %arg17[%mul3A_1886] : memref<8192xf32, #tpu.memory_space<vmem>> -> memref<128xf32, #tpu.memory_space<vmem>>
      %dma_start3A_1890 = arith.constant 0 : i32
      %dma_start3A_1891 = tpu.memref_slice %arg18[%dma_start3A_1888, %dma_start3A_1890] : memref<16x128xi32, #tpu.memory_space<vmem>> -> memref<1x128xi32, #tpu.memory_space<vmem>>
      %dma_start3A_1892 = tpu.memref_squeeze %dma_start3A_1891 : memref<1x128xi32, #tpu.memory_space<vmem>> -> memref<128xi32, #tpu.memory_space<vmem>>
      %dma_start3A_1893 = tpu.memref_slice %arg19[%add3A_1887] : memref<8192xf32, #tpu.memory_space<vmem_shared>> -> memref<128xf32, #tpu.memory_space<vmem_shared>>
      %dma_start3A_1894 = arith.constant 0 : i32
      %dma_start3A_1895 = tpu.memref_slice %dma_start3A_1893[%dma_start3A_1894] : memref<128xf32, #tpu.memory_space<vmem_shared>> -> memref<128xf32, #tpu.memory_space<vmem_shared>>
      tpu.enqueue_indirect_dma source(%dma_start3A_1889 : memref<128xf32, #tpu.memory_space<vmem>>) target(%dma_start3A_1895 : memref<128xf32, #tpu.memory_space<vmem_shared>>) offsets(%dma_start3A_1892 : memref<128xi32, #tpu.memory_space<vmem>>) semaphore(%arg27 : memref<!tpu.dma_semaphore, #tpu.memory_space<semaphore_mem>>) {add = true}
      %add3A_1896 = arith.constant 64 : i32
      %add3A_1897 = arith.addi %mul3A_1789, %add3A_1896 : i32
      %mul3A_1898 = arith.constant 16 : i32
      %mul3A_1899 = arith.muli %add3A_1897, %mul3A_1898 : i32
      %add3A_1900 = arith.addi %mul3A_4, %mul3A_1789 : i32
      %dma_start3A_1901 = arith.constant 8 : i32
      %dma_start3A_1902 = tpu.memref_slice %arg17[%mul3A_1899] : memref<8192xf32, #tpu.memory_space<vmem>> -> memref<128xf32, #tpu.memory_space<vmem>>
      %dma_start3A_1903 = arith.constant 0 : i32
      %dma_start3A_1904 = tpu.memref_slice %arg18[%dma_start3A_1901, %dma_start3A_1903] : memref<16x128xi32, #tpu.memory_space<vmem>> -> memref<1x128xi32, #tpu.memory_space<vmem>>
      %dma_start3A_1905 = tpu.memref_squeeze %dma_start3A_1904 : memref<1x128xi32, #tpu.memory_space<vmem>> -> memref<128xi32, #tpu.memory_space<vmem>>
      %dma_start3A_1906 = tpu.memref_slice %arg19[%add3A_1900] : memref<8192xf32, #tpu.memory_space<vmem_shared>> -> memref<128xf32, #tpu.memory_space<vmem_shared>>
      %dma_start3A_1907 = arith.constant 0 : i32
      %dma_start3A_1908 = tpu.memref_slice %dma_start3A_1906[%dma_start3A_1907] : memref<128xf32, #tpu.memory_space<vmem_shared>> -> memref<128xf32, #tpu.memory_space<vmem_shared>>
      tpu.enqueue_indirect_dma source(%dma_start3A_1902 : memref<128xf32, #tpu.memory_space<vmem>>) target(%dma_start3A_1908 : memref<128xf32, #tpu.memory_space<vmem_shared>>) offsets(%dma_start3A_1905 : memref<128xi32, #tpu.memory_space<vmem>>) semaphore(%arg27 : memref<!tpu.dma_semaphore, #tpu.memory_space<semaphore_mem>>) {add = true}
      %add3A_1909 = arith.constant 72 : i32
      %add3A_1910 = arith.addi %mul3A_1789, %add3A_1909 : i32
      %mul3A_1911 = arith.constant 16 : i32
      %mul3A_1912 = arith.muli %add3A_1910, %mul3A_1911 : i32
      %add3A_1913 = arith.addi %mul3A_4, %mul3A_1789 : i32
      %dma_start3A_1914 = arith.constant 9 : i32
      %dma_start3A_1915 = tpu.memref_slice %arg17[%mul3A_1912] : memref<8192xf32, #tpu.memory_space<vmem>> -> memref<128xf32, #tpu.memory_space<vmem>>
      %dma_start3A_1916 = arith.constant 0 : i32
      %dma_start3A_1917 = tpu.memref_slice %arg18[%dma_start3A_1914, %dma_start3A_1916] : memref<16x128xi32, #tpu.memory_space<vmem>> -> memref<1x128xi32, #tpu.memory_space<vmem>>
      %dma_start3A_1918 = tpu.memref_squeeze %dma_start3A_1917 : memref<1x128xi32, #tpu.memory_space<vmem>> -> memref<128xi32, #tpu.memory_space<vmem>>
      %dma_start3A_1919 = tpu.memref_slice %arg19[%add3A_1913] : memref<8192xf32, #tpu.memory_space<vmem_shared>> -> memref<128xf32, #tpu.memory_space<vmem_shared>>
      %dma_start3A_1920 = arith.constant 0 : i32
      %dma_start3A_1921 = tpu.memref_slice %dma_start3A_1919[%dma_start3A_1920] : memref<128xf32, #tpu.memory_space<vmem_shared>> -> memref<128xf32, #tpu.memory_space<vmem_shared>>
      tpu.enqueue_indirect_dma source(%dma_start3A_1915 : memref<128xf32, #tpu.memory_space<vmem>>) target(%dma_start3A_1921 : memref<128xf32, #tpu.memory_space<vmem_shared>>) offsets(%dma_start3A_1918 : memref<128xi32, #tpu.memory_space<vmem>>) semaphore(%arg27 : memref<!tpu.dma_semaphore, #tpu.memory_space<semaphore_mem>>) {add = true}
      %add3A_1922 = arith.constant 80 : i32
      %add3A_1923 = arith.addi %mul3A_1789, %add3A_1922 : i32
      %mul3A_1924 = arith.constant 16 : i32
      %mul3A_1925 = arith.muli %add3A_1923, %mul3A_1924 : i32
      %add3A_1926 = arith.addi %mul3A_4, %mul3A_1789 : i32
      %dma_start3A_1927 = arith.constant 10 : i32
      %dma_start3A_1928 = tpu.memref_slice %arg17[%mul3A_1925] : memref<8192xf32, #tpu.memory_space<vmem>> -> memref<128xf32, #tpu.memory_space<vmem>>
      %dma_start3A_1929 = arith.constant 0 : i32
      %dma_start3A_1930 = tpu.memref_slice %arg18[%dma_start3A_1927, %dma_start3A_1929] : memref<16x128xi32, #tpu.memory_space<vmem>> -> memref<1x128xi32, #tpu.memory_space<vmem>>
      %dma_start3A_1931 = tpu.memref_squeeze %dma_start3A_1930 : memref<1x128xi32, #tpu.memory_space<vmem>> -> memref<128xi32, #tpu.memory_space<vmem>>
      %dma_start3A_1932 = tpu.memref_slice %arg19[%add3A_1926] : memref<8192xf32, #tpu.memory_space<vmem_shared>> -> memref<128xf32, #tpu.memory_space<vmem_shared>>
      %dma_start3A_1933 = arith.constant 0 : i32
      %dma_start3A_1934 = tpu.memref_slice %dma_start3A_1932[%dma_start3A_1933] : memref<128xf32, #tpu.memory_space<vmem_shared>> -> memref<128xf32, #tpu.memory_space<vmem_shared>>
      tpu.enqueue_indirect_dma source(%dma_start3A_1928 : memref<128xf32, #tpu.memory_space<vmem>>) target(%dma_start3A_1934 : memref<128xf32, #tpu.memory_space<vmem_shared>>) offsets(%dma_start3A_1931 : memref<128xi32, #tpu.memory_space<vmem>>) semaphore(%arg27 : memref<!tpu.dma_semaphore, #tpu.memory_space<semaphore_mem>>) {add = true}
      %add3A_1935 = arith.constant 88 : i32
      %add3A_1936 = arith.addi %mul3A_1789, %add3A_1935 : i32
      %mul3A_1937 = arith.constant 16 : i32
      %mul3A_1938 = arith.muli %add3A_1936, %mul3A_1937 : i32
      %add3A_1939 = arith.addi %mul3A_4, %mul3A_1789 : i32
      %dma_start3A_1940 = arith.constant 11 : i32
      %dma_start3A_1941 = tpu.memref_slice %arg17[%mul3A_1938] : memref<8192xf32, #tpu.memory_space<vmem>> -> memref<128xf32, #tpu.memory_space<vmem>>
      %dma_start3A_1942 = arith.constant 0 : i32
      %dma_start3A_1943 = tpu.memref_slice %arg18[%dma_start3A_1940, %dma_start3A_1942] : memref<16x128xi32, #tpu.memory_space<vmem>> -> memref<1x128xi32, #tpu.memory_space<vmem>>
      %dma_start3A_1944 = tpu.memref_squeeze %dma_start3A_1943 : memref<1x128xi32, #tpu.memory_space<vmem>> -> memref<128xi32, #tpu.memory_space<vmem>>
      %dma_start3A_1945 = tpu.memref_slice %arg19[%add3A_1939] : memref<8192xf32, #tpu.memory_space<vmem_shared>> -> memref<128xf32, #tpu.memory_space<vmem_shared>>
      %dma_start3A_1946 = arith.constant 0 : i32
      %dma_start3A_1947 = tpu.memref_slice %dma_start3A_1945[%dma_start3A_1946] : memref<128xf32, #tpu.memory_space<vmem_shared>> -> memref<128xf32, #tpu.memory_space<vmem_shared>>
      tpu.enqueue_indirect_dma source(%dma_start3A_1941 : memref<128xf32, #tpu.memory_space<vmem>>) target(%dma_start3A_1947 : memref<128xf32, #tpu.memory_space<vmem_shared>>) offsets(%dma_start3A_1944 : memref<128xi32, #tpu.memory_space<vmem>>) semaphore(%arg27 : memref<!tpu.dma_semaphore, #tpu.memory_space<semaphore_mem>>) {add = true}
      %add3A_1948 = arith.constant 96 : i32
      %add3A_1949 = arith.addi %mul3A_1789, %add3A_1948 : i32
      %mul3A_1950 = arith.constant 16 : i32
      %mul3A_1951 = arith.muli %add3A_1949, %mul3A_1950 : i32
      %add3A_1952 = arith.addi %mul3A_4, %mul3A_1789 : i32
      %dma_start3A_1953 = arith.constant 12 : i32
      %dma_start3A_1954 = tpu.memref_slice %arg17[%mul3A_1951] : memref<8192xf32, #tpu.memory_space<vmem>> -> memref<128xf32, #tpu.memory_space<vmem>>
      %dma_start3A_1955 = arith.constant 0 : i32
      %dma_start3A_1956 = tpu.memref_slice %arg18[%dma_start3A_1953, %dma_start3A_1955] : memref<16x128xi32, #tpu.memory_space<vmem>> -> memref<1x128xi32, #tpu.memory_space<vmem>>
      %dma_start3A_1957 = tpu.memref_squeeze %dma_start3A_1956 : memref<1x128xi32, #tpu.memory_space<vmem>> -> memref<128xi32, #tpu.memory_space<vmem>>
      %dma_start3A_1958 = tpu.memref_slice %arg19[%add3A_1952] : memref<8192xf32, #tpu.memory_space<vmem_shared>> -> memref<128xf32, #tpu.memory_space<vmem_shared>>
      %dma_start3A_1959 = arith.constant 0 : i32
      %dma_start3A_1960 = tpu.memref_slice %dma_start3A_1958[%dma_start3A_1959] : memref<128xf32, #tpu.memory_space<vmem_shared>> -> memref<128xf32, #tpu.memory_space<vmem_shared>>
      tpu.enqueue_indirect_dma source(%dma_start3A_1954 : memref<128xf32, #tpu.memory_space<vmem>>) target(%dma_start3A_1960 : memref<128xf32, #tpu.memory_space<vmem_shared>>) offsets(%dma_start3A_1957 : memref<128xi32, #tpu.memory_space<vmem>>) semaphore(%arg27 : memref<!tpu.dma_semaphore, #tpu.memory_space<semaphore_mem>>) {add = true}
      %add3A_1961 = arith.constant 104 : i32
      %add3A_1962 = arith.addi %mul3A_1789, %add3A_1961 : i32
      %mul3A_1963 = arith.constant 16 : i32
      %mul3A_1964 = arith.muli %add3A_1962, %mul3A_1963 : i32
      %add3A_1965 = arith.addi %mul3A_4, %mul3A_1789 : i32
      %dma_start3A_1966 = arith.constant 13 : i32
      %dma_start3A_1967 = tpu.memref_slice %arg17[%mul3A_1964] : memref<8192xf32, #tpu.memory_space<vmem>> -> memref<128xf32, #tpu.memory_space<vmem>>
      %dma_start3A_1968 = arith.constant 0 : i32
      %dma_start3A_1969 = tpu.memref_slice %arg18[%dma_start3A_1966, %dma_start3A_1968] : memref<16x128xi32, #tpu.memory_space<vmem>> -> memref<1x128xi32, #tpu.memory_space<vmem>>
      %dma_start3A_1970 = tpu.memref_squeeze %dma_start3A_1969 : memref<1x128xi32, #tpu.memory_space<vmem>> -> memref<128xi32, #tpu.memory_space<vmem>>
      %dma_start3A_1971 = tpu.memref_slice %arg19[%add3A_1965] : memref<8192xf32, #tpu.memory_space<vmem_shared>> -> memref<128xf32, #tpu.memory_space<vmem_shared>>
      %dma_start3A_1972 = arith.constant 0 : i32
      %dma_start3A_1973 = tpu.memref_slice %dma_start3A_1971[%dma_start3A_1972] : memref<128xf32, #tpu.memory_space<vmem_shared>> -> memref<128xf32, #tpu.memory_space<vmem_shared>>
      tpu.enqueue_indirect_dma source(%dma_start3A_1967 : memref<128xf32, #tpu.memory_space<vmem>>) target(%dma_start3A_1973 : memref<128xf32, #tpu.memory_space<vmem_shared>>) offsets(%dma_start3A_1970 : memref<128xi32, #tpu.memory_space<vmem>>) semaphore(%arg27 : memref<!tpu.dma_semaphore, #tpu.memory_space<semaphore_mem>>) {add = true}
      %add3A_1974 = arith.constant 112 : i32
      %add3A_1975 = arith.addi %mul3A_1789, %add3A_1974 : i32
      %mul3A_1976 = arith.constant 16 : i32
      %mul3A_1977 = arith.muli %add3A_1975, %mul3A_1976 : i32
      %add3A_1978 = arith.addi %mul3A_4, %mul3A_1789 : i32
      %dma_start3A_1979 = arith.constant 14 : i32
      %dma_start3A_1980 = tpu.memref_slice %arg17[%mul3A_1977] : memref<8192xf32, #tpu.memory_space<vmem>> -> memref<128xf32, #tpu.memory_space<vmem>>
      %dma_start3A_1981 = arith.constant 0 : i32
      %dma_start3A_1982 = tpu.memref_slice %arg18[%dma_start3A_1979, %dma_start3A_1981] : memref<16x128xi32, #tpu.memory_space<vmem>> -> memref<1x128xi32, #tpu.memory_space<vmem>>
      %dma_start3A_1983 = tpu.memref_squeeze %dma_start3A_1982 : memref<1x128xi32, #tpu.memory_space<vmem>> -> memref<128xi32, #tpu.memory_space<vmem>>
      %dma_start3A_1984 = tpu.memref_slice %arg19[%add3A_1978] : memref<8192xf32, #tpu.memory_space<vmem_shared>> -> memref<128xf32, #tpu.memory_space<vmem_shared>>
      %dma_start3A_1985 = arith.constant 0 : i32
      %dma_start3A_1986 = tpu.memref_slice %dma_start3A_1984[%dma_start3A_1985] : memref<128xf32, #tpu.memory_space<vmem_shared>> -> memref<128xf32, #tpu.memory_space<vmem_shared>>
      tpu.enqueue_indirect_dma source(%dma_start3A_1980 : memref<128xf32, #tpu.memory_space<vmem>>) target(%dma_start3A_1986 : memref<128xf32, #tpu.memory_space<vmem_shared>>) offsets(%dma_start3A_1983 : memref<128xi32, #tpu.memory_space<vmem>>) semaphore(%arg27 : memref<!tpu.dma_semaphore, #tpu.memory_space<semaphore_mem>>) {add = true}
      %add3A_1987 = arith.constant 120 : i32
      %add3A_1988 = arith.addi %mul3A_1789, %add3A_1987 : i32
      %mul3A_1989 = arith.constant 16 : i32
      %mul3A_1990 = arith.muli %add3A_1988, %mul3A_1989 : i32
      %add3A_1991 = arith.addi %mul3A_4, %mul3A_1789 : i32
      %dma_start3A_1992 = arith.constant 15 : i32
      %dma_start3A_1993 = tpu.memref_slice %arg17[%mul3A_1990] : memref<8192xf32, #tpu.memory_space<vmem>> -> memref<128xf32, #tpu.memory_space<vmem>>
      %dma_start3A_1994 = arith.constant 0 : i32
      %dma_start3A_1995 = tpu.memref_slice %arg18[%dma_start3A_1992, %dma_start3A_1994] : memref<16x128xi32, #tpu.memory_space<vmem>> -> memref<1x128xi32, #tpu.memory_space<vmem>>
      %dma_start3A_1996 = tpu.memref_squeeze %dma_start3A_1995 : memref<1x128xi32, #tpu.memory_space<vmem>> -> memref<128xi32, #tpu.memory_space<vmem>>
      %dma_start3A_1997 = tpu.memref_slice %arg19[%add3A_1991] : memref<8192xf32, #tpu.memory_space<vmem_shared>> -> memref<128xf32, #tpu.memory_space<vmem_shared>>
      %dma_start3A_1998 = arith.constant 0 : i32
      %dma_start3A_1999 = tpu.memref_slice %dma_start3A_1997[%dma_start3A_1998] : memref<128xf32, #tpu.memory_space<vmem_shared>> -> memref<128xf32, #tpu.memory_space<vmem_shared>>
      tpu.enqueue_indirect_dma source(%dma_start3A_1993 : memref<128xf32, #tpu.memory_space<vmem>>) target(%dma_start3A_1999 : memref<128xf32, #tpu.memory_space<vmem_shared>>) offsets(%dma_start3A_1996 : memref<128xi32, #tpu.memory_space<vmem>>) semaphore(%arg27 : memref<!tpu.dma_semaphore, #tpu.memory_space<semaphore_mem>>) {add = true}
      %lt3A = arith.constant 1 : i32
      %lt3A_2000 = arith.cmpi slt, %scan3A_1751, %lt3A : i32
      %convert_element_type3A = arith.extui %lt3A_2000 : i1 to i32
      %cond3A = arith.constant 0 : i32
      %cond3A_2001 = arith.cmpi ne, %convert_element_type3A, %cond3A : i32
      scf.if %cond3A_2001 {
        %add3A_2235 = arith.constant 2 : i32
        %add3A_2236 = arith.addi %mul3A_1753, %add3A_2235 : i32
        %mul3A_2237 = arith.constant 128 : i32
        %mul3A_2238 = arith.muli %add3A_2236, %mul3A_2237 : i32
        %dma_start3A_2239 = tpu.memref_slice %arg8[%mul3A_2238] : memref<512xi32, #tpu.memory_space<vmem>> -> memref<128xi32, #tpu.memory_space<vmem>>
        %dma_start3A_2240 = arith.constant 0 : i32
        %dma_start3A_2241 = arith.constant 0 : i32
        %dma_start3A_2242 = tpu.memref_slice %arg5[%dma_start3A_2240, %dma_start3A_2241] : memref<1000000x128xf32, #tpu.memory_space<hbm>> -> memref<1000000x128xf32, #tpu.memory_space<hbm>>
        tpu.enqueue_indirect_dma source(%dma_start3A_2242 : memref<1000000x128xf32, #tpu.memory_space<hbm>>) target(%arg11 : memref<128x128xf32, #tpu.memory_space<vmem>>) offsets(%dma_start3A_2239 : memref<128xi32, #tpu.memory_space<vmem>>) semaphore(%arg21 : memref<!tpu.dma_semaphore, #tpu.memory_space<semaphore_mem>>)
        %dma_start3A_2243 = tpu.memref_slice %arg9[%mul3A_2238] : memref<512xi32, #tpu.memory_space<vmem>> -> memref<128xi32, #tpu.memory_space<vmem>>
        %dma_start3A_2244 = arith.constant 0 : i32
        %dma_start3A_2245 = arith.constant 0 : i32
        %dma_start3A_2246 = tpu.memref_slice %arg6[%dma_start3A_2244, %dma_start3A_2245] : memref<1000x128xf32, #tpu.memory_space<hbm>> -> memref<1000x128xf32, #tpu.memory_space<hbm>>
        tpu.enqueue_indirect_dma source(%dma_start3A_2246 : memref<1000x128xf32, #tpu.memory_space<hbm>>) target(%arg12 : memref<128x128xf32, #tpu.memory_space<vmem>>) offsets(%dma_start3A_2243 : memref<128xi32, #tpu.memory_space<vmem>>) semaphore(%arg22 : memref<!tpu.dma_semaphore, #tpu.memory_space<semaphore_mem>>)
        %dma_start3A_2247 = tpu.memref_slice %arg10[%mul3A_2238] : memref<512xi32, #tpu.memory_space<vmem>> -> memref<128xi32, #tpu.memory_space<vmem>>
        %dma_start3A_2248 = arith.constant 0 : i32
        %dma_start3A_2249 = arith.constant 0 : i32
        %dma_start3A_2250 = tpu.memref_slice %arg5[%dma_start3A_2248, %dma_start3A_2249] : memref<1000000x128xf32, #tpu.memory_space<hbm>> -> memref<1000000x128xf32, #tpu.memory_space<hbm>>
        tpu.enqueue_indirect_dma source(%dma_start3A_2250 : memref<1000000x128xf32, #tpu.memory_space<hbm>>) target(%arg13 : memref<128x128xf32, #tpu.memory_space<vmem>>) offsets(%dma_start3A_2247 : memref<128xi32, #tpu.memory_space<vmem>>) semaphore(%arg23 : memref<!tpu.dma_semaphore, #tpu.memory_space<semaphore_mem>>)
      } else {
      }
      %dma_wait3A_2002 = arith.constant 0 : i32
      %dma_wait3A_2003 = arith.constant 0 : i32
      %dma_wait3A_2004 = tpu.memref_slice %arg5[%dma_wait3A_2002, %dma_wait3A_2003] : memref<1000000x128xf32, #tpu.memory_space<hbm>> -> memref<128x128xf32, #tpu.memory_space<hbm>>
      %dma_wait3A_2005 = arith.constant 0 : i32
      %dma_wait3A_2006 = arith.constant 0 : i32
      %dma_wait3A_2007 = tpu.memref_slice %arg5[%dma_wait3A_2005, %dma_wait3A_2006] : memref<1000000x128xf32, #tpu.memory_space<hbm>> -> memref<128x128xf32, #tpu.memory_space<hbm>>
      tpu.wait_dma2 semaphore(%arg24 : memref<!tpu.dma_semaphore, #tpu.memory_space<semaphore_mem>>) src(%dma_wait3A_2007 : memref<128x128xf32, #tpu.memory_space<hbm>>) dst(%arg14 : memref<128x128xf32, #tpu.memory_space<vmem>>)
      %dma_wait3A_2008 = arith.constant 0 : i32
      %dma_wait3A_2009 = arith.constant 0 : i32
      %dma_wait3A_2010 = tpu.memref_slice %arg5[%dma_wait3A_2008, %dma_wait3A_2009] : memref<1000000x128xf32, #tpu.memory_space<hbm>> -> memref<128x128xf32, #tpu.memory_space<hbm>>
      %dma_wait3A_2011 = arith.constant 0 : i32
      %dma_wait3A_2012 = arith.constant 0 : i32
      %dma_wait3A_2013 = tpu.memref_slice %arg5[%dma_wait3A_2011, %dma_wait3A_2012] : memref<1000000x128xf32, #tpu.memory_space<hbm>> -> memref<128x128xf32, #tpu.memory_space<hbm>>
      tpu.wait_dma2 semaphore(%arg25 : memref<!tpu.dma_semaphore, #tpu.memory_space<semaphore_mem>>) src(%dma_wait3A_2013 : memref<128x128xf32, #tpu.memory_space<hbm>>) dst(%arg15 : memref<128x128xf32, #tpu.memory_space<vmem>>)
      %dma_wait3A_2014 = arith.constant 0 : i32
      %dma_wait3A_2015 = arith.constant 0 : i32
      %dma_wait3A_2016 = tpu.memref_slice %arg5[%dma_wait3A_2014, %dma_wait3A_2015] : memref<1000000x128xf32, #tpu.memory_space<hbm>> -> memref<128x128xf32, #tpu.memory_space<hbm>>
      %dma_wait3A_2017 = arith.constant 0 : i32
      %dma_wait3A_2018 = arith.constant 0 : i32
      %dma_wait3A_2019 = tpu.memref_slice %arg5[%dma_wait3A_2017, %dma_wait3A_2018] : memref<1000000x128xf32, #tpu.memory_space<hbm>> -> memref<128x128xf32, #tpu.memory_space<hbm>>
      tpu.wait_dma2 semaphore(%arg26 : memref<!tpu.dma_semaphore, #tpu.memory_space<semaphore_mem>>) src(%dma_wait3A_2019 : memref<128x128xf32, #tpu.memory_space<hbm>>) dst(%arg16 : memref<128x128xf32, #tpu.memory_space<vmem>>)
      %add3A_2020 = arith.constant 1 : i32
      %add3A_2021 = arith.addi %mul3A_1753, %add3A_2020 : i32
      %mul3A_2022 = arith.constant 128 : i32
      %mul3A_2023 = arith.muli %add3A_2021, %mul3A_2022 : i32
      %parallel_loop3A_2024 = arith.constant 0 : i32
      %parallel_loop3A_2025 = arith.constant 128 : i32
      %parallel_loop3A_2026 = arith.constant 1 : i32
      scf.for %parallel_loop3A_2235 = %parallel_loop3A_2024 to %parallel_loop3A_2025 step %parallel_loop3A_2026  : i32 {
        %parallel_loop3A_2236 = arith.constant 0.000000e+00 : f32
        %parallel_loop3A_2237 = vector.broadcast %parallel_loop3A_2236 : f32 to vector<16xf32>
        %parallel_loop3A_2238 = arith.index_cast %parallel_loop3A_2235 : i32 to index
        %parallel_loop3A_2239 = arith.constant 0 : index
        %parallel_loop3A_2240 = tpu.vector_load %arg14[%parallel_loop3A_2238, %parallel_loop3A_2239] {strides = array<i32>} : memref<128x128xf32, #tpu.memory_space<vmem>>, vector<1x16xf32>,
        %parallel_loop3A_2241 = vector.shape_cast %parallel_loop3A_2240 : vector<1x16xf32> to vector<16xf32>
        %parallel_loop3A_2242 = arith.index_cast %parallel_loop3A_2235 : i32 to index
        %parallel_loop3A_2243 = arith.constant 0 : index
        %parallel_loop3A_2244 = tpu.vector_load %arg15[%parallel_loop3A_2242, %parallel_loop3A_2243] {strides = array<i32>} : memref<128x128xf32, #tpu.memory_space<vmem>>, vector<1x16xf32>,
        %parallel_loop3A_2245 = vector.shape_cast %parallel_loop3A_2244 : vector<1x16xf32> to vector<16xf32>
        %parallel_loop3A_2246 = arith.mulf %parallel_loop3A_2241, %parallel_loop3A_2245 : vector<16xf32>
        %parallel_loop3A_2247 = arith.index_cast %parallel_loop3A_2235 : i32 to index
        %parallel_loop3A_2248 = arith.constant 0 : index
        %parallel_loop3A_2249 = tpu.vector_load %arg16[%parallel_loop3A_2247, %parallel_loop3A_2248] {strides = array<i32>} : memref<128x128xf32, #tpu.memory_space<vmem>>, vector<1x16xf32>,
        %parallel_loop3A_2250 = vector.shape_cast %parallel_loop3A_2249 : vector<1x16xf32> to vector<16xf32>
        %parallel_loop3A_2251 = arith.mulf %parallel_loop3A_2246, %parallel_loop3A_2250 : vector<16xf32>
        %parallel_loop3A_2252 = arith.addf %parallel_loop3A_2237, %parallel_loop3A_2251 : vector<16xf32>
        %parallel_loop3A_2253 = arith.index_cast %parallel_loop3A_2235 : i32 to index
        %parallel_loop3A_2254 = arith.constant 16 : index
        %parallel_loop3A_2255 = tpu.vector_load %arg14[%parallel_loop3A_2253, %parallel_loop3A_2254] {strides = array<i32>} : memref<128x128xf32, #tpu.memory_space<vmem>>, vector<1x16xf32>,
        %parallel_loop3A_2256 = vector.shape_cast %parallel_loop3A_2255 : vector<1x16xf32> to vector<16xf32>
        %parallel_loop3A_2257 = arith.index_cast %parallel_loop3A_2235 : i32 to index
        %parallel_loop3A_2258 = arith.constant 16 : index
        %parallel_loop3A_2259 = tpu.vector_load %arg15[%parallel_loop3A_2257, %parallel_loop3A_2258] {strides = array<i32>} : memref<128x128xf32, #tpu.memory_space<vmem>>, vector<1x16xf32>,
        %parallel_loop3A_2260 = vector.shape_cast %parallel_loop3A_2259 : vector<1x16xf32> to vector<16xf32>
        %parallel_loop3A_2261 = arith.mulf %parallel_loop3A_2256, %parallel_loop3A_2260 : vector<16xf32>
        %parallel_loop3A_2262 = arith.index_cast %parallel_loop3A_2235 : i32 to index
        %parallel_loop3A_2263 = arith.constant 16 : index
        %parallel_loop3A_2264 = tpu.vector_load %arg16[%parallel_loop3A_2262, %parallel_loop3A_2263] {strides = array<i32>} : memref<128x128xf32, #tpu.memory_space<vmem>>, vector<1x16xf32>,
        %parallel_loop3A_2265 = vector.shape_cast %parallel_loop3A_2264 : vector<1x16xf32> to vector<16xf32>
        %parallel_loop3A_2266 = arith.mulf %parallel_loop3A_2261, %parallel_loop3A_2265 : vector<16xf32>
        %parallel_loop3A_2267 = arith.addf %parallel_loop3A_2252, %parallel_loop3A_2266 : vector<16xf32>
        %parallel_loop3A_2268 = arith.index_cast %parallel_loop3A_2235 : i32 to index
        %parallel_loop3A_2269 = arith.constant 32 : index
        %parallel_loop3A_2270 = tpu.vector_load %arg14[%parallel_loop3A_2268, %parallel_loop3A_2269] {strides = array<i32>} : memref<128x128xf32, #tpu.memory_space<vmem>>, vector<1x16xf32>,
        %parallel_loop3A_2271 = vector.shape_cast %parallel_loop3A_2270 : vector<1x16xf32> to vector<16xf32>
        %parallel_loop3A_2272 = arith.index_cast %parallel_loop3A_2235 : i32 to index
        %parallel_loop3A_2273 = arith.constant 32 : index
        %parallel_loop3A_2274 = tpu.vector_load %arg15[%parallel_loop3A_2272, %parallel_loop3A_2273] {strides = array<i32>} : memref<128x128xf32, #tpu.memory_space<vmem>>, vector<1x16xf32>,
        %parallel_loop3A_2275 = vector.shape_cast %parallel_loop3A_2274 : vector<1x16xf32> to vector<16xf32>
        %parallel_loop3A_2276 = arith.mulf %parallel_loop3A_2271, %parallel_loop3A_2275 : vector<16xf32>
        %parallel_loop3A_2277 = arith.index_cast %parallel_loop3A_2235 : i32 to index
        %parallel_loop3A_2278 = arith.constant 32 : index
        %parallel_loop3A_2279 = tpu.vector_load %arg16[%parallel_loop3A_2277, %parallel_loop3A_2278] {strides = array<i32>} : memref<128x128xf32, #tpu.memory_space<vmem>>, vector<1x16xf32>,
        %parallel_loop3A_2280 = vector.shape_cast %parallel_loop3A_2279 : vector<1x16xf32> to vector<16xf32>
        %parallel_loop3A_2281 = arith.mulf %parallel_loop3A_2276, %parallel_loop3A_2280 : vector<16xf32>
        %parallel_loop3A_2282 = arith.addf %parallel_loop3A_2267, %parallel_loop3A_2281 : vector<16xf32>
        %parallel_loop3A_2283 = arith.index_cast %parallel_loop3A_2235 : i32 to index
        %parallel_loop3A_2284 = arith.constant 48 : index
        %parallel_loop3A_2285 = tpu.vector_load %arg14[%parallel_loop3A_2283, %parallel_loop3A_2284] {strides = array<i32>} : memref<128x128xf32, #tpu.memory_space<vmem>>, vector<1x16xf32>,
        %parallel_loop3A_2286 = vector.shape_cast %parallel_loop3A_2285 : vector<1x16xf32> to vector<16xf32>
        %parallel_loop3A_2287 = arith.index_cast %parallel_loop3A_2235 : i32 to index
        %parallel_loop3A_2288 = arith.constant 48 : index
        %parallel_loop3A_2289 = tpu.vector_load %arg15[%parallel_loop3A_2287, %parallel_loop3A_2288] {strides = array<i32>} : memref<128x128xf32, #tpu.memory_space<vmem>>, vector<1x16xf32>,
        %parallel_loop3A_2290 = vector.shape_cast %parallel_loop3A_2289 : vector<1x16xf32> to vector<16xf32>
        %parallel_loop3A_2291 = arith.mulf %parallel_loop3A_2286, %parallel_loop3A_2290 : vector<16xf32>
        %parallel_loop3A_2292 = arith.index_cast %parallel_loop3A_2235 : i32 to index
        %parallel_loop3A_2293 = arith.constant 48 : index
        %parallel_loop3A_2294 = tpu.vector_load %arg16[%parallel_loop3A_2292, %parallel_loop3A_2293] {strides = array<i32>} : memref<128x128xf32, #tpu.memory_space<vmem>>, vector<1x16xf32>,
        %parallel_loop3A_2295 = vector.shape_cast %parallel_loop3A_2294 : vector<1x16xf32> to vector<16xf32>
        %parallel_loop3A_2296 = arith.mulf %parallel_loop3A_2291, %parallel_loop3A_2295 : vector<16xf32>
        %parallel_loop3A_2297 = arith.addf %parallel_loop3A_2282, %parallel_loop3A_2296 : vector<16xf32>
        %parallel_loop3A_2298 = arith.index_cast %parallel_loop3A_2235 : i32 to index
        %parallel_loop3A_2299 = arith.constant 64 : index
        %parallel_loop3A_2300 = tpu.vector_load %arg14[%parallel_loop3A_2298, %parallel_loop3A_2299] {strides = array<i32>} : memref<128x128xf32, #tpu.memory_space<vmem>>, vector<1x16xf32>,
        %parallel_loop3A_2301 = vector.shape_cast %parallel_loop3A_2300 : vector<1x16xf32> to vector<16xf32>
        %parallel_loop3A_2302 = arith.index_cast %parallel_loop3A_2235 : i32 to index
        %parallel_loop3A_2303 = arith.constant 64 : index
        %parallel_loop3A_2304 = tpu.vector_load %arg15[%parallel_loop3A_2302, %parallel_loop3A_2303] {strides = array<i32>} : memref<128x128xf32, #tpu.memory_space<vmem>>, vector<1x16xf32>,
        %parallel_loop3A_2305 = vector.shape_cast %parallel_loop3A_2304 : vector<1x16xf32> to vector<16xf32>
        %parallel_loop3A_2306 = arith.mulf %parallel_loop3A_2301, %parallel_loop3A_2305 : vector<16xf32>
        %parallel_loop3A_2307 = arith.index_cast %parallel_loop3A_2235 : i32 to index
        %parallel_loop3A_2308 = arith.constant 64 : index
        %parallel_loop3A_2309 = tpu.vector_load %arg16[%parallel_loop3A_2307, %parallel_loop3A_2308] {strides = array<i32>} : memref<128x128xf32, #tpu.memory_space<vmem>>, vector<1x16xf32>,
        %parallel_loop3A_2310 = vector.shape_cast %parallel_loop3A_2309 : vector<1x16xf32> to vector<16xf32>
        %parallel_loop3A_2311 = arith.mulf %parallel_loop3A_2306, %parallel_loop3A_2310 : vector<16xf32>
        %parallel_loop3A_2312 = arith.addf %parallel_loop3A_2297, %parallel_loop3A_2311 : vector<16xf32>
        %parallel_loop3A_2313 = arith.index_cast %parallel_loop3A_2235 : i32 to index
        %parallel_loop3A_2314 = arith.constant 80 : index
        %parallel_loop3A_2315 = tpu.vector_load %arg14[%parallel_loop3A_2313, %parallel_loop3A_2314] {strides = array<i32>} : memref<128x128xf32, #tpu.memory_space<vmem>>, vector<1x16xf32>,
        %parallel_loop3A_2316 = vector.shape_cast %parallel_loop3A_2315 : vector<1x16xf32> to vector<16xf32>
        %parallel_loop3A_2317 = arith.index_cast %parallel_loop3A_2235 : i32 to index
        %parallel_loop3A_2318 = arith.constant 80 : index
        %parallel_loop3A_2319 = tpu.vector_load %arg15[%parallel_loop3A_2317, %parallel_loop3A_2318] {strides = array<i32>} : memref<128x128xf32, #tpu.memory_space<vmem>>, vector<1x16xf32>,
        %parallel_loop3A_2320 = vector.shape_cast %parallel_loop3A_2319 : vector<1x16xf32> to vector<16xf32>
        %parallel_loop3A_2321 = arith.mulf %parallel_loop3A_2316, %parallel_loop3A_2320 : vector<16xf32>
        %parallel_loop3A_2322 = arith.index_cast %parallel_loop3A_2235 : i32 to index
        %parallel_loop3A_2323 = arith.constant 80 : index
        %parallel_loop3A_2324 = tpu.vector_load %arg16[%parallel_loop3A_2322, %parallel_loop3A_2323] {strides = array<i32>} : memref<128x128xf32, #tpu.memory_space<vmem>>, vector<1x16xf32>,
        %parallel_loop3A_2325 = vector.shape_cast %parallel_loop3A_2324 : vector<1x16xf32> to vector<16xf32>
        %parallel_loop3A_2326 = arith.mulf %parallel_loop3A_2321, %parallel_loop3A_2325 : vector<16xf32>
        %parallel_loop3A_2327 = arith.addf %parallel_loop3A_2312, %parallel_loop3A_2326 : vector<16xf32>
        %parallel_loop3A_2328 = arith.index_cast %parallel_loop3A_2235 : i32 to index
        %parallel_loop3A_2329 = arith.constant 96 : index
        %parallel_loop3A_2330 = tpu.vector_load %arg14[%parallel_loop3A_2328, %parallel_loop3A_2329] {strides = array<i32>} : memref<128x128xf32, #tpu.memory_space<vmem>>, vector<1x16xf32>,
        %parallel_loop3A_2331 = vector.shape_cast %parallel_loop3A_2330 : vector<1x16xf32> to vector<16xf32>
        %parallel_loop3A_2332 = arith.index_cast %parallel_loop3A_2235 : i32 to index
        %parallel_loop3A_2333 = arith.constant 96 : index
        %parallel_loop3A_2334 = tpu.vector_load %arg15[%parallel_loop3A_2332, %parallel_loop3A_2333] {strides = array<i32>} : memref<128x128xf32, #tpu.memory_space<vmem>>, vector<1x16xf32>,
        %parallel_loop3A_2335 = vector.shape_cast %parallel_loop3A_2334 : vector<1x16xf32> to vector<16xf32>
        %parallel_loop3A_2336 = arith.mulf %parallel_loop3A_2331, %parallel_loop3A_2335 : vector<16xf32>
        %parallel_loop3A_2337 = arith.index_cast %parallel_loop3A_2235 : i32 to index
        %parallel_loop3A_2338 = arith.constant 96 : index
        %parallel_loop3A_2339 = tpu.vector_load %arg16[%parallel_loop3A_2337, %parallel_loop3A_2338] {strides = array<i32>} : memref<128x128xf32, #tpu.memory_space<vmem>>, vector<1x16xf32>,
        %parallel_loop3A_2340 = vector.shape_cast %parallel_loop3A_2339 : vector<1x16xf32> to vector<16xf32>
        %parallel_loop3A_2341 = arith.mulf %parallel_loop3A_2336, %parallel_loop3A_2340 : vector<16xf32>
        %parallel_loop3A_2342 = arith.addf %parallel_loop3A_2327, %parallel_loop3A_2341 : vector<16xf32>
        %parallel_loop3A_2343 = arith.index_cast %parallel_loop3A_2235 : i32 to index
        %parallel_loop3A_2344 = arith.constant 112 : index
        %parallel_loop3A_2345 = tpu.vector_load %arg14[%parallel_loop3A_2343, %parallel_loop3A_2344] {strides = array<i32>} : memref<128x128xf32, #tpu.memory_space<vmem>>, vector<1x16xf32>,
        %parallel_loop3A_2346 = vector.shape_cast %parallel_loop3A_2345 : vector<1x16xf32> to vector<16xf32>
        %parallel_loop3A_2347 = arith.index_cast %parallel_loop3A_2235 : i32 to index
        %parallel_loop3A_2348 = arith.constant 112 : index
        %parallel_loop3A_2349 = tpu.vector_load %arg15[%parallel_loop3A_2347, %parallel_loop3A_2348] {strides = array<i32>} : memref<128x128xf32, #tpu.memory_space<vmem>>, vector<1x16xf32>,
        %parallel_loop3A_2350 = vector.shape_cast %parallel_loop3A_2349 : vector<1x16xf32> to vector<16xf32>
        %parallel_loop3A_2351 = arith.mulf %parallel_loop3A_2346, %parallel_loop3A_2350 : vector<16xf32>
        %parallel_loop3A_2352 = arith.index_cast %parallel_loop3A_2235 : i32 to index
        %parallel_loop3A_2353 = arith.constant 112 : index
        %parallel_loop3A_2354 = tpu.vector_load %arg16[%parallel_loop3A_2352, %parallel_loop3A_2353] {strides = array<i32>} : memref<128x128xf32, #tpu.memory_space<vmem>>, vector<1x16xf32>,
        %parallel_loop3A_2355 = vector.shape_cast %parallel_loop3A_2354 : vector<1x16xf32> to vector<16xf32>
        %parallel_loop3A_2356 = arith.mulf %parallel_loop3A_2351, %parallel_loop3A_2355 : vector<16xf32>
        %parallel_loop3A_2357 = arith.addf %parallel_loop3A_2342, %parallel_loop3A_2356 : vector<16xf32>
        %parallel_loop3A_2358 = arith.addi %mul3A_2023, %parallel_loop3A_2235 : i32
        %parallel_loop3A_2359 = arith.constant 16 : i32
        %parallel_loop3A_2360 = arith.muli %parallel_loop3A_2358, %parallel_loop3A_2359 : i32
        %parallel_loop3A_2361 = arith.index_cast %parallel_loop3A_2360 : i32 to index
        %parallel_loop3A_2362 = tpu.vector_load %arg17[%parallel_loop3A_2361] {strides = array<i32>} : memref<8192xf32, #tpu.memory_space<vmem>>, vector<16xf32>,
        %parallel_loop3A_2363 = vector.shape_cast %parallel_loop3A_2362 : vector<16xf32> to vector<16xf32>
        %parallel_loop3A_2364 = vector.shape_cast %parallel_loop3A_2357 : vector<16xf32> to vector<16xf32>
        tpu.vector_store %arg17[%parallel_loop3A_2361], %parallel_loop3A_2364 {strides = array<i32>} : memref<8192xf32, #tpu.memory_space<vmem>>, vector<16xf32>,
      } {sc.loop_unroll_factor = 8 : i64, sc.parallel_access}
      %add3A_2027 = arith.constant 0 : i32
      %add3A_2028 = arith.addi %mul3A_2023, %add3A_2027 : i32
      %mul3A_2029 = arith.constant 16 : i32
      %mul3A_2030 = arith.muli %add3A_2028, %mul3A_2029 : i32
      %add3A_2031 = arith.addi %mul3A_4, %mul3A_2023 : i32
      %dma_start3A_2032 = arith.constant 0 : i32
      %dma_start3A_2033 = tpu.memref_slice %arg17[%mul3A_2030] : memref<8192xf32, #tpu.memory_space<vmem>> -> memref<128xf32, #tpu.memory_space<vmem>>
      %dma_start3A_2034 = arith.constant 0 : i32
      %dma_start3A_2035 = tpu.memref_slice %arg18[%dma_start3A_2032, %dma_start3A_2034] : memref<16x128xi32, #tpu.memory_space<vmem>> -> memref<1x128xi32, #tpu.memory_space<vmem>>
      %dma_start3A_2036 = tpu.memref_squeeze %dma_start3A_2035 : memref<1x128xi32, #tpu.memory_space<vmem>> -> memref<128xi32, #tpu.memory_space<vmem>>
      %dma_start3A_2037 = tpu.memref_slice %arg19[%add3A_2031] : memref<8192xf32, #tpu.memory_space<vmem_shared>> -> memref<128xf32, #tpu.memory_space<vmem_shared>>
      %dma_start3A_2038 = arith.constant 0 : i32
      %dma_start3A_2039 = tpu.memref_slice %dma_start3A_2037[%dma_start3A_2038] : memref<128xf32, #tpu.memory_space<vmem_shared>> -> memref<128xf32, #tpu.memory_space<vmem_shared>>
      tpu.enqueue_indirect_dma source(%dma_start3A_2033 : memref<128xf32, #tpu.memory_space<vmem>>) target(%dma_start3A_2039 : memref<128xf32, #tpu.memory_space<vmem_shared>>) offsets(%dma_start3A_2036 : memref<128xi32, #tpu.memory_space<vmem>>) semaphore(%arg27 : memref<!tpu.dma_semaphore, #tpu.memory_space<semaphore_mem>>) {add = true}
      %add3A_2040 = arith.constant 8 : i32
      %add3A_2041 = arith.addi %mul3A_2023, %add3A_2040 : i32
      %mul3A_2042 = arith.constant 16 : i32
      %mul3A_2043 = arith.muli %add3A_2041, %mul3A_2042 : i32
      %add3A_2044 = arith.addi %mul3A_4, %mul3A_2023 : i32
      %dma_start3A_2045 = arith.constant 1 : i32
      %dma_start3A_2046 = tpu.memref_slice %arg17[%mul3A_2043] : memref<8192xf32, #tpu.memory_space<vmem>> -> memref<128xf32, #tpu.memory_space<vmem>>
      %dma_start3A_2047 = arith.constant 0 : i32
      %dma_start3A_2048 = tpu.memref_slice %arg18[%dma_start3A_2045, %dma_start3A_2047] : memref<16x128xi32, #tpu.memory_space<vmem>> -> memref<1x128xi32, #tpu.memory_space<vmem>>
      %dma_start3A_2049 = tpu.memref_squeeze %dma_start3A_2048 : memref<1x128xi32, #tpu.memory_space<vmem>> -> memref<128xi32, #tpu.memory_space<vmem>>
      %dma_start3A_2050 = tpu.memref_slice %arg19[%add3A_2044] : memref<8192xf32, #tpu.memory_space<vmem_shared>> -> memref<128xf32, #tpu.memory_space<vmem_shared>>
      %dma_start3A_2051 = arith.constant 0 : i32
      %dma_start3A_2052 = tpu.memref_slice %dma_start3A_2050[%dma_start3A_2051] : memref<128xf32, #tpu.memory_space<vmem_shared>> -> memref<128xf32, #tpu.memory_space<vmem_shared>>
      tpu.enqueue_indirect_dma source(%dma_start3A_2046 : memref<128xf32, #tpu.memory_space<vmem>>) target(%dma_start3A_2052 : memref<128xf32, #tpu.memory_space<vmem_shared>>) offsets(%dma_start3A_2049 : memref<128xi32, #tpu.memory_space<vmem>>) semaphore(%arg27 : memref<!tpu.dma_semaphore, #tpu.memory_space<semaphore_mem>>) {add = true}
      %add3A_2053 = arith.constant 16 : i32
      %add3A_2054 = arith.addi %mul3A_2023, %add3A_2053 : i32
      %mul3A_2055 = arith.constant 16 : i32
      %mul3A_2056 = arith.muli %add3A_2054, %mul3A_2055 : i32
      %add3A_2057 = arith.addi %mul3A_4, %mul3A_2023 : i32
      %dma_start3A_2058 = arith.constant 2 : i32
      %dma_start3A_2059 = tpu.memref_slice %arg17[%mul3A_2056] : memref<8192xf32, #tpu.memory_space<vmem>> -> memref<128xf32, #tpu.memory_space<vmem>>
      %dma_start3A_2060 = arith.constant 0 : i32
      %dma_start3A_2061 = tpu.memref_slice %arg18[%dma_start3A_2058, %dma_start3A_2060] : memref<16x128xi32, #tpu.memory_space<vmem>> -> memref<1x128xi32, #tpu.memory_space<vmem>>
      %dma_start3A_2062 = tpu.memref_squeeze %dma_start3A_2061 : memref<1x128xi32, #tpu.memory_space<vmem>> -> memref<128xi32, #tpu.memory_space<vmem>>
      %dma_start3A_2063 = tpu.memref_slice %arg19[%add3A_2057] : memref<8192xf32, #tpu.memory_space<vmem_shared>> -> memref<128xf32, #tpu.memory_space<vmem_shared>>
      %dma_start3A_2064 = arith.constant 0 : i32
      %dma_start3A_2065 = tpu.memref_slice %dma_start3A_2063[%dma_start3A_2064] : memref<128xf32, #tpu.memory_space<vmem_shared>> -> memref<128xf32, #tpu.memory_space<vmem_shared>>
      tpu.enqueue_indirect_dma source(%dma_start3A_2059 : memref<128xf32, #tpu.memory_space<vmem>>) target(%dma_start3A_2065 : memref<128xf32, #tpu.memory_space<vmem_shared>>) offsets(%dma_start3A_2062 : memref<128xi32, #tpu.memory_space<vmem>>) semaphore(%arg27 : memref<!tpu.dma_semaphore, #tpu.memory_space<semaphore_mem>>) {add = true}
      %add3A_2066 = arith.constant 24 : i32
      %add3A_2067 = arith.addi %mul3A_2023, %add3A_2066 : i32
      %mul3A_2068 = arith.constant 16 : i32
      %mul3A_2069 = arith.muli %add3A_2067, %mul3A_2068 : i32
      %add3A_2070 = arith.addi %mul3A_4, %mul3A_2023 : i32
      %dma_start3A_2071 = arith.constant 3 : i32
      %dma_start3A_2072 = tpu.memref_slice %arg17[%mul3A_2069] : memref<8192xf32, #tpu.memory_space<vmem>> -> memref<128xf32, #tpu.memory_space<vmem>>
      %dma_start3A_2073 = arith.constant 0 : i32
      %dma_start3A_2074 = tpu.memref_slice %arg18[%dma_start3A_2071, %dma_start3A_2073] : memref<16x128xi32, #tpu.memory_space<vmem>> -> memref<1x128xi32, #tpu.memory_space<vmem>>
      %dma_start3A_2075 = tpu.memref_squeeze %dma_start3A_2074 : memref<1x128xi32, #tpu.memory_space<vmem>> -> memref<128xi32, #tpu.memory_space<vmem>>
      %dma_start3A_2076 = tpu.memref_slice %arg19[%add3A_2070] : memref<8192xf32, #tpu.memory_space<vmem_shared>> -> memref<128xf32, #tpu.memory_space<vmem_shared>>
      %dma_start3A_2077 = arith.constant 0 : i32
      %dma_start3A_2078 = tpu.memref_slice %dma_start3A_2076[%dma_start3A_2077] : memref<128xf32, #tpu.memory_space<vmem_shared>> -> memref<128xf32, #tpu.memory_space<vmem_shared>>
      tpu.enqueue_indirect_dma source(%dma_start3A_2072 : memref<128xf32, #tpu.memory_space<vmem>>) target(%dma_start3A_2078 : memref<128xf32, #tpu.memory_space<vmem_shared>>) offsets(%dma_start3A_2075 : memref<128xi32, #tpu.memory_space<vmem>>) semaphore(%arg27 : memref<!tpu.dma_semaphore, #tpu.memory_space<semaphore_mem>>) {add = true}
      %add3A_2079 = arith.constant 32 : i32
      %add3A_2080 = arith.addi %mul3A_2023, %add3A_2079 : i32
      %mul3A_2081 = arith.constant 16 : i32
      %mul3A_2082 = arith.muli %add3A_2080, %mul3A_2081 : i32
      %add3A_2083 = arith.addi %mul3A_4, %mul3A_2023 : i32
      %dma_start3A_2084 = arith.constant 4 : i32
      %dma_start3A_2085 = tpu.memref_slice %arg17[%mul3A_2082] : memref<8192xf32, #tpu.memory_space<vmem>> -> memref<128xf32, #tpu.memory_space<vmem>>
      %dma_start3A_2086 = arith.constant 0 : i32
      %dma_start3A_2087 = tpu.memref_slice %arg18[%dma_start3A_2084, %dma_start3A_2086] : memref<16x128xi32, #tpu.memory_space<vmem>> -> memref<1x128xi32, #tpu.memory_space<vmem>>
      %dma_start3A_2088 = tpu.memref_squeeze %dma_start3A_2087 : memref<1x128xi32, #tpu.memory_space<vmem>> -> memref<128xi32, #tpu.memory_space<vmem>>
      %dma_start3A_2089 = tpu.memref_slice %arg19[%add3A_2083] : memref<8192xf32, #tpu.memory_space<vmem_shared>> -> memref<128xf32, #tpu.memory_space<vmem_shared>>
      %dma_start3A_2090 = arith.constant 0 : i32
      %dma_start3A_2091 = tpu.memref_slice %dma_start3A_2089[%dma_start3A_2090] : memref<128xf32, #tpu.memory_space<vmem_shared>> -> memref<128xf32, #tpu.memory_space<vmem_shared>>
      tpu.enqueue_indirect_dma source(%dma_start3A_2085 : memref<128xf32, #tpu.memory_space<vmem>>) target(%dma_start3A_2091 : memref<128xf32, #tpu.memory_space<vmem_shared>>) offsets(%dma_start3A_2088 : memref<128xi32, #tpu.memory_space<vmem>>) semaphore(%arg27 : memref<!tpu.dma_semaphore, #tpu.memory_space<semaphore_mem>>) {add = true}
      %add3A_2092 = arith.constant 40 : i32
      %add3A_2093 = arith.addi %mul3A_2023, %add3A_2092 : i32
      %mul3A_2094 = arith.constant 16 : i32
      %mul3A_2095 = arith.muli %add3A_2093, %mul3A_2094 : i32
      %add3A_2096 = arith.addi %mul3A_4, %mul3A_2023 : i32
      %dma_start3A_2097 = arith.constant 5 : i32
      %dma_start3A_2098 = tpu.memref_slice %arg17[%mul3A_2095] : memref<8192xf32, #tpu.memory_space<vmem>> -> memref<128xf32, #tpu.memory_space<vmem>>
      %dma_start3A_2099 = arith.constant 0 : i32
      %dma_start3A_2100 = tpu.memref_slice %arg18[%dma_start3A_2097, %dma_start3A_2099] : memref<16x128xi32, #tpu.memory_space<vmem>> -> memref<1x128xi32, #tpu.memory_space<vmem>>
      %dma_start3A_2101 = tpu.memref_squeeze %dma_start3A_2100 : memref<1x128xi32, #tpu.memory_space<vmem>> -> memref<128xi32, #tpu.memory_space<vmem>>
      %dma_start3A_2102 = tpu.memref_slice %arg19[%add3A_2096] : memref<8192xf32, #tpu.memory_space<vmem_shared>> -> memref<128xf32, #tpu.memory_space<vmem_shared>>
      %dma_start3A_2103 = arith.constant 0 : i32
      %dma_start3A_2104 = tpu.memref_slice %dma_start3A_2102[%dma_start3A_2103] : memref<128xf32, #tpu.memory_space<vmem_shared>> -> memref<128xf32, #tpu.memory_space<vmem_shared>>
      tpu.enqueue_indirect_dma source(%dma_start3A_2098 : memref<128xf32, #tpu.memory_space<vmem>>) target(%dma_start3A_2104 : memref<128xf32, #tpu.memory_space<vmem_shared>>) offsets(%dma_start3A_2101 : memref<128xi32, #tpu.memory_space<vmem>>) semaphore(%arg27 : memref<!tpu.dma_semaphore, #tpu.memory_space<semaphore_mem>>) {add = true}
      %add3A_2105 = arith.constant 48 : i32
      %add3A_2106 = arith.addi %mul3A_2023, %add3A_2105 : i32
      %mul3A_2107 = arith.constant 16 : i32
      %mul3A_2108 = arith.muli %add3A_2106, %mul3A_2107 : i32
      %add3A_2109 = arith.addi %mul3A_4, %mul3A_2023 : i32
      %dma_start3A_2110 = arith.constant 6 : i32
      %dma_start3A_2111 = tpu.memref_slice %arg17[%mul3A_2108] : memref<8192xf32, #tpu.memory_space<vmem>> -> memref<128xf32, #tpu.memory_space<vmem>>
      %dma_start3A_2112 = arith.constant 0 : i32
      %dma_start3A_2113 = tpu.memref_slice %arg18[%dma_start3A_2110, %dma_start3A_2112] : memref<16x128xi32, #tpu.memory_space<vmem>> -> memref<1x128xi32, #tpu.memory_space<vmem>>
      %dma_start3A_2114 = tpu.memref_squeeze %dma_start3A_2113 : memref<1x128xi32, #tpu.memory_space<vmem>> -> memref<128xi32, #tpu.memory_space<vmem>>
      %dma_start3A_2115 = tpu.memref_slice %arg19[%add3A_2109] : memref<8192xf32, #tpu.memory_space<vmem_shared>> -> memref<128xf32, #tpu.memory_space<vmem_shared>>
      %dma_start3A_2116 = arith.constant 0 : i32
      %dma_start3A_2117 = tpu.memref_slice %dma_start3A_2115[%dma_start3A_2116] : memref<128xf32, #tpu.memory_space<vmem_shared>> -> memref<128xf32, #tpu.memory_space<vmem_shared>>
      tpu.enqueue_indirect_dma source(%dma_start3A_2111 : memref<128xf32, #tpu.memory_space<vmem>>) target(%dma_start3A_2117 : memref<128xf32, #tpu.memory_space<vmem_shared>>) offsets(%dma_start3A_2114 : memref<128xi32, #tpu.memory_space<vmem>>) semaphore(%arg27 : memref<!tpu.dma_semaphore, #tpu.memory_space<semaphore_mem>>) {add = true}
      %add3A_2118 = arith.constant 56 : i32
      %add3A_2119 = arith.addi %mul3A_2023, %add3A_2118 : i32
      %mul3A_2120 = arith.constant 16 : i32
      %mul3A_2121 = arith.muli %add3A_2119, %mul3A_2120 : i32
      %add3A_2122 = arith.addi %mul3A_4, %mul3A_2023 : i32
      %dma_start3A_2123 = arith.constant 7 : i32
      %dma_start3A_2124 = tpu.memref_slice %arg17[%mul3A_2121] : memref<8192xf32, #tpu.memory_space<vmem>> -> memref<128xf32, #tpu.memory_space<vmem>>
      %dma_start3A_2125 = arith.constant 0 : i32
      %dma_start3A_2126 = tpu.memref_slice %arg18[%dma_start3A_2123, %dma_start3A_2125] : memref<16x128xi32, #tpu.memory_space<vmem>> -> memref<1x128xi32, #tpu.memory_space<vmem>>
      %dma_start3A_2127 = tpu.memref_squeeze %dma_start3A_2126 : memref<1x128xi32, #tpu.memory_space<vmem>> -> memref<128xi32, #tpu.memory_space<vmem>>
      %dma_start3A_2128 = tpu.memref_slice %arg19[%add3A_2122] : memref<8192xf32, #tpu.memory_space<vmem_shared>> -> memref<128xf32, #tpu.memory_space<vmem_shared>>
      %dma_start3A_2129 = arith.constant 0 : i32
      %dma_start3A_2130 = tpu.memref_slice %dma_start3A_2128[%dma_start3A_2129] : memref<128xf32, #tpu.memory_space<vmem_shared>> -> memref<128xf32, #tpu.memory_space<vmem_shared>>
      tpu.enqueue_indirect_dma source(%dma_start3A_2124 : memref<128xf32, #tpu.memory_space<vmem>>) target(%dma_start3A_2130 : memref<128xf32, #tpu.memory_space<vmem_shared>>) offsets(%dma_start3A_2127 : memref<128xi32, #tpu.memory_space<vmem>>) semaphore(%arg27 : memref<!tpu.dma_semaphore, #tpu.memory_space<semaphore_mem>>) {add = true}
      %add3A_2131 = arith.constant 64 : i32
      %add3A_2132 = arith.addi %mul3A_2023, %add3A_2131 : i32
      %mul3A_2133 = arith.constant 16 : i32
      %mul3A_2134 = arith.muli %add3A_2132, %mul3A_2133 : i32
      %add3A_2135 = arith.addi %mul3A_4, %mul3A_2023 : i32
      %dma_start3A_2136 = arith.constant 8 : i32
      %dma_start3A_2137 = tpu.memref_slice %arg17[%mul3A_2134] : memref<8192xf32, #tpu.memory_space<vmem>> -> memref<128xf32, #tpu.memory_space<vmem>>
      %dma_start3A_2138 = arith.constant 0 : i32
      %dma_start3A_2139 = tpu.memref_slice %arg18[%dma_start3A_2136, %dma_start3A_2138] : memref<16x128xi32, #tpu.memory_space<vmem>> -> memref<1x128xi32, #tpu.memory_space<vmem>>
      %dma_start3A_2140 = tpu.memref_squeeze %dma_start3A_2139 : memref<1x128xi32, #tpu.memory_space<vmem>> -> memref<128xi32, #tpu.memory_space<vmem>>
      %dma_start3A_2141 = tpu.memref_slice %arg19[%add3A_2135] : memref<8192xf32, #tpu.memory_space<vmem_shared>> -> memref<128xf32, #tpu.memory_space<vmem_shared>>
      %dma_start3A_2142 = arith.constant 0 : i32
      %dma_start3A_2143 = tpu.memref_slice %dma_start3A_2141[%dma_start3A_2142] : memref<128xf32, #tpu.memory_space<vmem_shared>> -> memref<128xf32, #tpu.memory_space<vmem_shared>>
      tpu.enqueue_indirect_dma source(%dma_start3A_2137 : memref<128xf32, #tpu.memory_space<vmem>>) target(%dma_start3A_2143 : memref<128xf32, #tpu.memory_space<vmem_shared>>) offsets(%dma_start3A_2140 : memref<128xi32, #tpu.memory_space<vmem>>) semaphore(%arg27 : memref<!tpu.dma_semaphore, #tpu.memory_space<semaphore_mem>>) {add = true}
      %add3A_2144 = arith.constant 72 : i32
      %add3A_2145 = arith.addi %mul3A_2023, %add3A_2144 : i32
      %mul3A_2146 = arith.constant 16 : i32
      %mul3A_2147 = arith.muli %add3A_2145, %mul3A_2146 : i32
      %add3A_2148 = arith.addi %mul3A_4, %mul3A_2023 : i32
      %dma_start3A_2149 = arith.constant 9 : i32
      %dma_start3A_2150 = tpu.memref_slice %arg17[%mul3A_2147] : memref<8192xf32, #tpu.memory_space<vmem>> -> memref<128xf32, #tpu.memory_space<vmem>>
      %dma_start3A_2151 = arith.constant 0 : i32
      %dma_start3A_2152 = tpu.memref_slice %arg18[%dma_start3A_2149, %dma_start3A_2151] : memref<16x128xi32, #tpu.memory_space<vmem>> -> memref<1x128xi32, #tpu.memory_space<vmem>>
      %dma_start3A_2153 = tpu.memref_squeeze %dma_start3A_2152 : memref<1x128xi32, #tpu.memory_space<vmem>> -> memref<128xi32, #tpu.memory_space<vmem>>
      %dma_start3A_2154 = tpu.memref_slice %arg19[%add3A_2148] : memref<8192xf32, #tpu.memory_space<vmem_shared>> -> memref<128xf32, #tpu.memory_space<vmem_shared>>
      %dma_start3A_2155 = arith.constant 0 : i32
      %dma_start3A_2156 = tpu.memref_slice %dma_start3A_2154[%dma_start3A_2155] : memref<128xf32, #tpu.memory_space<vmem_shared>> -> memref<128xf32, #tpu.memory_space<vmem_shared>>
      tpu.enqueue_indirect_dma source(%dma_start3A_2150 : memref<128xf32, #tpu.memory_space<vmem>>) target(%dma_start3A_2156 : memref<128xf32, #tpu.memory_space<vmem_shared>>) offsets(%dma_start3A_2153 : memref<128xi32, #tpu.memory_space<vmem>>) semaphore(%arg27 : memref<!tpu.dma_semaphore, #tpu.memory_space<semaphore_mem>>) {add = true}
      %add3A_2157 = arith.constant 80 : i32
      %add3A_2158 = arith.addi %mul3A_2023, %add3A_2157 : i32
      %mul3A_2159 = arith.constant 16 : i32
      %mul3A_2160 = arith.muli %add3A_2158, %mul3A_2159 : i32
      %add3A_2161 = arith.addi %mul3A_4, %mul3A_2023 : i32
      %dma_start3A_2162 = arith.constant 10 : i32
      %dma_start3A_2163 = tpu.memref_slice %arg17[%mul3A_2160] : memref<8192xf32, #tpu.memory_space<vmem>> -> memref<128xf32, #tpu.memory_space<vmem>>
      %dma_start3A_2164 = arith.constant 0 : i32
      %dma_start3A_2165 = tpu.memref_slice %arg18[%dma_start3A_2162, %dma_start3A_2164] : memref<16x128xi32, #tpu.memory_space<vmem>> -> memref<1x128xi32, #tpu.memory_space<vmem>>
      %dma_start3A_2166 = tpu.memref_squeeze %dma_start3A_2165 : memref<1x128xi32, #tpu.memory_space<vmem>> -> memref<128xi32, #tpu.memory_space<vmem>>
      %dma_start3A_2167 = tpu.memref_slice %arg19[%add3A_2161] : memref<8192xf32, #tpu.memory_space<vmem_shared>> -> memref<128xf32, #tpu.memory_space<vmem_shared>>
      %dma_start3A_2168 = arith.constant 0 : i32
      %dma_start3A_2169 = tpu.memref_slice %dma_start3A_2167[%dma_start3A_2168] : memref<128xf32, #tpu.memory_space<vmem_shared>> -> memref<128xf32, #tpu.memory_space<vmem_shared>>
      tpu.enqueue_indirect_dma source(%dma_start3A_2163 : memref<128xf32, #tpu.memory_space<vmem>>) target(%dma_start3A_2169 : memref<128xf32, #tpu.memory_space<vmem_shared>>) offsets(%dma_start3A_2166 : memref<128xi32, #tpu.memory_space<vmem>>) semaphore(%arg27 : memref<!tpu.dma_semaphore, #tpu.memory_space<semaphore_mem>>) {add = true}
      %add3A_2170 = arith.constant 88 : i32
      %add3A_2171 = arith.addi %mul3A_2023, %add3A_2170 : i32
      %mul3A_2172 = arith.constant 16 : i32
      %mul3A_2173 = arith.muli %add3A_2171, %mul3A_2172 : i32
      %add3A_2174 = arith.addi %mul3A_4, %mul3A_2023 : i32
      %dma_start3A_2175 = arith.constant 11 : i32
      %dma_start3A_2176 = tpu.memref_slice %arg17[%mul3A_2173] : memref<8192xf32, #tpu.memory_space<vmem>> -> memref<128xf32, #tpu.memory_space<vmem>>
      %dma_start3A_2177 = arith.constant 0 : i32
      %dma_start3A_2178 = tpu.memref_slice %arg18[%dma_start3A_2175, %dma_start3A_2177] : memref<16x128xi32, #tpu.memory_space<vmem>> -> memref<1x128xi32, #tpu.memory_space<vmem>>
      %dma_start3A_2179 = tpu.memref_squeeze %dma_start3A_2178 : memref<1x128xi32, #tpu.memory_space<vmem>> -> memref<128xi32, #tpu.memory_space<vmem>>
      %dma_start3A_2180 = tpu.memref_slice %arg19[%add3A_2174] : memref<8192xf32, #tpu.memory_space<vmem_shared>> -> memref<128xf32, #tpu.memory_space<vmem_shared>>
      %dma_start3A_2181 = arith.constant 0 : i32
      %dma_start3A_2182 = tpu.memref_slice %dma_start3A_2180[%dma_start3A_2181] : memref<128xf32, #tpu.memory_space<vmem_shared>> -> memref<128xf32, #tpu.memory_space<vmem_shared>>
      tpu.enqueue_indirect_dma source(%dma_start3A_2176 : memref<128xf32, #tpu.memory_space<vmem>>) target(%dma_start3A_2182 : memref<128xf32, #tpu.memory_space<vmem_shared>>) offsets(%dma_start3A_2179 : memref<128xi32, #tpu.memory_space<vmem>>) semaphore(%arg27 : memref<!tpu.dma_semaphore, #tpu.memory_space<semaphore_mem>>) {add = true}
      %add3A_2183 = arith.constant 96 : i32
      %add3A_2184 = arith.addi %mul3A_2023, %add3A_2183 : i32
      %mul3A_2185 = arith.constant 16 : i32
      %mul3A_2186 = arith.muli %add3A_2184, %mul3A_2185 : i32
      %add3A_2187 = arith.addi %mul3A_4, %mul3A_2023 : i32
      %dma_start3A_2188 = arith.constant 12 : i32
      %dma_start3A_2189 = tpu.memref_slice %arg17[%mul3A_2186] : memref<8192xf32, #tpu.memory_space<vmem>> -> memref<128xf32, #tpu.memory_space<vmem>>
      %dma_start3A_2190 = arith.constant 0 : i32
      %dma_start3A_2191 = tpu.memref_slice %arg18[%dma_start3A_2188, %dma_start3A_2190] : memref<16x128xi32, #tpu.memory_space<vmem>> -> memref<1x128xi32, #tpu.memory_space<vmem>>
      %dma_start3A_2192 = tpu.memref_squeeze %dma_start3A_2191 : memref<1x128xi32, #tpu.memory_space<vmem>> -> memref<128xi32, #tpu.memory_space<vmem>>
      %dma_start3A_2193 = tpu.memref_slice %arg19[%add3A_2187] : memref<8192xf32, #tpu.memory_space<vmem_shared>> -> memref<128xf32, #tpu.memory_space<vmem_shared>>
      %dma_start3A_2194 = arith.constant 0 : i32
      %dma_start3A_2195 = tpu.memref_slice %dma_start3A_2193[%dma_start3A_2194] : memref<128xf32, #tpu.memory_space<vmem_shared>> -> memref<128xf32, #tpu.memory_space<vmem_shared>>
      tpu.enqueue_indirect_dma source(%dma_start3A_2189 : memref<128xf32, #tpu.memory_space<vmem>>) target(%dma_start3A_2195 : memref<128xf32, #tpu.memory_space<vmem_shared>>) offsets(%dma_start3A_2192 : memref<128xi32, #tpu.memory_space<vmem>>) semaphore(%arg27 : memref<!tpu.dma_semaphore, #tpu.memory_space<semaphore_mem>>) {add = true}
      %add3A_2196 = arith.constant 104 : i32
      %add3A_2197 = arith.addi %mul3A_2023, %add3A_2196 : i32
      %mul3A_2198 = arith.constant 16 : i32
      %mul3A_2199 = arith.muli %add3A_2197, %mul3A_2198 : i32
      %add3A_2200 = arith.addi %mul3A_4, %mul3A_2023 : i32
      %dma_start3A_2201 = arith.constant 13 : i32
      %dma_start3A_2202 = tpu.memref_slice %arg17[%mul3A_2199] : memref<8192xf32, #tpu.memory_space<vmem>> -> memref<128xf32, #tpu.memory_space<vmem>>
      %dma_start3A_2203 = arith.constant 0 : i32
      %dma_start3A_2204 = tpu.memref_slice %arg18[%dma_start3A_2201, %dma_start3A_2203] : memref<16x128xi32, #tpu.memory_space<vmem>> -> memref<1x128xi32, #tpu.memory_space<vmem>>
      %dma_start3A_2205 = tpu.memref_squeeze %dma_start3A_2204 : memref<1x128xi32, #tpu.memory_space<vmem>> -> memref<128xi32, #tpu.memory_space<vmem>>
      %dma_start3A_2206 = tpu.memref_slice %arg19[%add3A_2200] : memref<8192xf32, #tpu.memory_space<vmem_shared>> -> memref<128xf32, #tpu.memory_space<vmem_shared>>
      %dma_start3A_2207 = arith.constant 0 : i32
      %dma_start3A_2208 = tpu.memref_slice %dma_start3A_2206[%dma_start3A_2207] : memref<128xf32, #tpu.memory_space<vmem_shared>> -> memref<128xf32, #tpu.memory_space<vmem_shared>>
      tpu.enqueue_indirect_dma source(%dma_start3A_2202 : memref<128xf32, #tpu.memory_space<vmem>>) target(%dma_start3A_2208 : memref<128xf32, #tpu.memory_space<vmem_shared>>) offsets(%dma_start3A_2205 : memref<128xi32, #tpu.memory_space<vmem>>) semaphore(%arg27 : memref<!tpu.dma_semaphore, #tpu.memory_space<semaphore_mem>>) {add = true}
      %add3A_2209 = arith.constant 112 : i32
      %add3A_2210 = arith.addi %mul3A_2023, %add3A_2209 : i32
      %mul3A_2211 = arith.constant 16 : i32
      %mul3A_2212 = arith.muli %add3A_2210, %mul3A_2211 : i32
      %add3A_2213 = arith.addi %mul3A_4, %mul3A_2023 : i32
      %dma_start3A_2214 = arith.constant 14 : i32
      %dma_start3A_2215 = tpu.memref_slice %arg17[%mul3A_2212] : memref<8192xf32, #tpu.memory_space<vmem>> -> memref<128xf32, #tpu.memory_space<vmem>>
      %dma_start3A_2216 = arith.constant 0 : i32
      %dma_start3A_2217 = tpu.memref_slice %arg18[%dma_start3A_2214, %dma_start3A_2216] : memref<16x128xi32, #tpu.memory_space<vmem>> -> memref<1x128xi32, #tpu.memory_space<vmem>>
      %dma_start3A_2218 = tpu.memref_squeeze %dma_start3A_2217 : memref<1x128xi32, #tpu.memory_space<vmem>> -> memref<128xi32, #tpu.memory_space<vmem>>
      %dma_start3A_2219 = tpu.memref_slice %arg19[%add3A_2213] : memref<8192xf32, #tpu.memory_space<vmem_shared>> -> memref<128xf32, #tpu.memory_space<vmem_shared>>
      %dma_start3A_2220 = arith.constant 0 : i32
      %dma_start3A_2221 = tpu.memref_slice %dma_start3A_2219[%dma_start3A_2220] : memref<128xf32, #tpu.memory_space<vmem_shared>> -> memref<128xf32, #tpu.memory_space<vmem_shared>>
      tpu.enqueue_indirect_dma source(%dma_start3A_2215 : memref<128xf32, #tpu.memory_space<vmem>>) target(%dma_start3A_2221 : memref<128xf32, #tpu.memory_space<vmem_shared>>) offsets(%dma_start3A_2218 : memref<128xi32, #tpu.memory_space<vmem>>) semaphore(%arg27 : memref<!tpu.dma_semaphore, #tpu.memory_space<semaphore_mem>>) {add = true}
      %add3A_2222 = arith.constant 120 : i32
      %add3A_2223 = arith.addi %mul3A_2023, %add3A_2222 : i32
      %mul3A_2224 = arith.constant 16 : i32
      %mul3A_2225 = arith.muli %add3A_2223, %mul3A_2224 : i32
      %add3A_2226 = arith.addi %mul3A_4, %mul3A_2023 : i32
      %dma_start3A_2227 = arith.constant 15 : i32
      %dma_start3A_2228 = tpu.memref_slice %arg17[%mul3A_2225] : memref<8192xf32, #tpu.memory_space<vmem>> -> memref<128xf32, #tpu.memory_space<vmem>>
      %dma_start3A_2229 = arith.constant 0 : i32
      %dma_start3A_2230 = tpu.memref_slice %arg18[%dma_start3A_2227, %dma_start3A_2229] : memref<16x128xi32, #tpu.memory_space<vmem>> -> memref<1x128xi32, #tpu.memory_space<vmem>>
      %dma_start3A_2231 = tpu.memref_squeeze %dma_start3A_2230 : memref<1x128xi32, #tpu.memory_space<vmem>> -> memref<128xi32, #tpu.memory_space<vmem>>
      %dma_start3A_2232 = tpu.memref_slice %arg19[%add3A_2226] : memref<8192xf32, #tpu.memory_space<vmem_shared>> -> memref<128xf32, #tpu.memory_space<vmem_shared>>
      %dma_start3A_2233 = arith.constant 0 : i32
      %dma_start3A_2234 = tpu.memref_slice %dma_start3A_2232[%dma_start3A_2233] : memref<128xf32, #tpu.memory_space<vmem_shared>> -> memref<128xf32, #tpu.memory_space<vmem_shared>>
      tpu.enqueue_indirect_dma source(%dma_start3A_2228 : memref<128xf32, #tpu.memory_space<vmem>>) target(%dma_start3A_2234 : memref<128xf32, #tpu.memory_space<vmem_shared>>) offsets(%dma_start3A_2231 : memref<128xi32, #tpu.memory_space<vmem>>) semaphore(%arg27 : memref<!tpu.dma_semaphore, #tpu.memory_space<semaphore_mem>>) {add = true}
    }
    %scan3A_1175 = arith.constant 2 : i32
    %dma_wait3A = arith.constant 0 : i32
    %dma_wait3A_1176 = arith.constant 0 : i32
    %dma_wait3A_1177 = tpu.memref_slice %arg17[%dma_wait3A_1176] : memref<8192xf32, #tpu.memory_space<vmem>> -> memref<128xf32, #tpu.memory_space<vmem>>
    %dma_wait3A_1178 = arith.constant 0 : i32
    %dma_wait3A_1179 = tpu.memref_slice %arg18[%dma_wait3A, %dma_wait3A_1178] : memref<16x128xi32, #tpu.memory_space<vmem>> -> memref<1x128xi32, #tpu.memory_space<vmem>>
    %dma_wait3A_1180 = tpu.memref_squeeze %dma_wait3A_1179 : memref<1x128xi32, #tpu.memory_space<vmem>> -> memref<128xi32, #tpu.memory_space<vmem>>
    %dma_wait3A_1181 = tpu.memref_slice %arg19[%mul3A_4] : memref<8192xf32, #tpu.memory_space<vmem_shared>> -> memref<128xf32, #tpu.memory_space<vmem_shared>>
    %dma_wait3A_1182 = arith.constant 0 : i32
    %dma_wait3A_1183 = tpu.memref_slice %dma_wait3A_1181[%dma_wait3A_1182] : memref<128xf32, #tpu.memory_space<vmem_shared>> -> memref<128xf32, #tpu.memory_space<vmem_shared>>
    tpu.wait_indirect_dma semaphore(%arg27 : memref<!tpu.dma_semaphore, #tpu.memory_space<semaphore_mem>>) src(%dma_wait3A_1177 : memref<128xf32, #tpu.memory_space<vmem>>) dst(%dma_wait3A_1183 : memref<128xf32, #tpu.memory_space<vmem_shared>>)
    %dma_wait3A_1184 = arith.constant 0 : i32
    %dma_wait3A_1185 = arith.constant 0 : i32
    %dma_wait3A_1186 = tpu.memref_slice %arg17[%dma_wait3A_1185] : memref<8192xf32, #tpu.memory_space<vmem>> -> memref<128xf32, #tpu.memory_space<vmem>>
    %dma_wait3A_1187 = arith.constant 0 : i32
    %dma_wait3A_1188 = tpu.memref_slice %arg18[%dma_wait3A_1184, %dma_wait3A_1187] : memref<16x128xi32, #tpu.memory_space<vmem>> -> memref<1x128xi32, #tpu.memory_space<vmem>>
    %dma_wait3A_1189 = tpu.memref_squeeze %dma_wait3A_1188 : memref<1x128xi32, #tpu.memory_space<vmem>> -> memref<128xi32, #tpu.memory_space<vmem>>
    %dma_wait3A_1190 = tpu.memref_slice %arg19[%mul3A_4] : memref<8192xf32, #tpu.memory_space<vmem_shared>> -> memref<128xf32, #tpu.memory_space<vmem_shared>>
    %dma_wait3A_1191 = arith.constant 0 : i32
    %dma_wait3A_1192 = tpu.memref_slice %dma_wait3A_1190[%dma_wait3A_1191] : memref<128xf32, #tpu.memory_space<vmem_shared>> -> memref<128xf32, #tpu.memory_space<vmem_shared>>
    tpu.wait_indirect_dma semaphore(%arg27 : memref<!tpu.dma_semaphore, #tpu.memory_space<semaphore_mem>>) src(%dma_wait3A_1186 : memref<128xf32, #tpu.memory_space<vmem>>) dst(%dma_wait3A_1192 : memref<128xf32, #tpu.memory_space<vmem_shared>>)
    %dma_wait3A_1193 = arith.constant 0 : i32
    %dma_wait3A_1194 = arith.constant 0 : i32
    %dma_wait3A_1195 = tpu.memref_slice %arg17[%dma_wait3A_1194] : memref<8192xf32, #tpu.memory_space<vmem>> -> memref<128xf32, #tpu.memory_space<vmem>>
    %dma_wait3A_1196 = arith.constant 0 : i32
    %dma_wait3A_1197 = tpu.memref_slice %arg18[%dma_wait3A_1193, %dma_wait3A_1196] : memref<16x128xi32, #tpu.memory_space<vmem>> -> memref<1x128xi32, #tpu.memory_space<vmem>>
    %dma_wait3A_1198 = tpu.memref_squeeze %dma_wait3A_1197 : memref<1x128xi32, #tpu.memory_space<vmem>> -> memref<128xi32, #tpu.memory_space<vmem>>
    %dma_wait3A_1199 = tpu.memref_slice %arg19[%mul3A_4] : memref<8192xf32, #tpu.memory_space<vmem_shared>> -> memref<128xf32, #tpu.memory_space<vmem_shared>>
    %dma_wait3A_1200 = arith.constant 0 : i32
    %dma_wait3A_1201 = tpu.memref_slice %dma_wait3A_1199[%dma_wait3A_1200] : memref<128xf32, #tpu.memory_space<vmem_shared>> -> memref<128xf32, #tpu.memory_space<vmem_shared>>
    tpu.wait_indirect_dma semaphore(%arg27 : memref<!tpu.dma_semaphore, #tpu.memory_space<semaphore_mem>>) src(%dma_wait3A_1195 : memref<128xf32, #tpu.memory_space<vmem>>) dst(%dma_wait3A_1201 : memref<128xf32, #tpu.memory_space<vmem_shared>>)
    %dma_wait3A_1202 = arith.constant 0 : i32
    %dma_wait3A_1203 = arith.constant 0 : i32
    %dma_wait3A_1204 = tpu.memref_slice %arg17[%dma_wait3A_1203] : memref<8192xf32, #tpu.memory_space<vmem>> -> memref<128xf32, #tpu.memory_space<vmem>>
    %dma_wait3A_1205 = arith.constant 0 : i32
    %dma_wait3A_1206 = tpu.memref_slice %arg18[%dma_wait3A_1202, %dma_wait3A_1205] : memref<16x128xi32, #tpu.memory_space<vmem>> -> memref<1x128xi32, #tpu.memory_space<vmem>>
    %dma_wait3A_1207 = tpu.memref_squeeze %dma_wait3A_1206 : memref<1x128xi32, #tpu.memory_space<vmem>> -> memref<128xi32, #tpu.memory_space<vmem>>
    %dma_wait3A_1208 = tpu.memref_slice %arg19[%mul3A_4] : memref<8192xf32, #tpu.memory_space<vmem_shared>> -> memref<128xf32, #tpu.memory_space<vmem_shared>>
    %dma_wait3A_1209 = arith.constant 0 : i32
    %dma_wait3A_1210 = tpu.memref_slice %dma_wait3A_1208[%dma_wait3A_1209] : memref<128xf32, #tpu.memory_space<vmem_shared>> -> memref<128xf32, #tpu.memory_space<vmem_shared>>
    tpu.wait_indirect_dma semaphore(%arg27 : memref<!tpu.dma_semaphore, #tpu.memory_space<semaphore_mem>>) src(%dma_wait3A_1204 : memref<128xf32, #tpu.memory_space<vmem>>) dst(%dma_wait3A_1210 : memref<128xf32, #tpu.memory_space<vmem_shared>>)
    %dma_wait3A_1211 = arith.constant 0 : i32
    %dma_wait3A_1212 = arith.constant 0 : i32
    %dma_wait3A_1213 = tpu.memref_slice %arg17[%dma_wait3A_1212] : memref<8192xf32, #tpu.memory_space<vmem>> -> memref<128xf32, #tpu.memory_space<vmem>>
    %dma_wait3A_1214 = arith.constant 0 : i32
    %dma_wait3A_1215 = tpu.memref_slice %arg18[%dma_wait3A_1211, %dma_wait3A_1214] : memref<16x128xi32, #tpu.memory_space<vmem>> -> memref<1x128xi32, #tpu.memory_space<vmem>>
    %dma_wait3A_1216 = tpu.memref_squeeze %dma_wait3A_1215 : memref<1x128xi32, #tpu.memory_space<vmem>> -> memref<128xi32, #tpu.memory_space<vmem>>
    %dma_wait3A_1217 = tpu.memref_slice %arg19[%mul3A_4] : memref<8192xf32, #tpu.memory_space<vmem_shared>> -> memref<128xf32, #tpu.memory_space<vmem_shared>>
    %dma_wait3A_1218 = arith.constant 0 : i32
    %dma_wait3A_1219 = tpu.memref_slice %dma_wait3A_1217[%dma_wait3A_1218] : memref<128xf32, #tpu.memory_space<vmem_shared>> -> memref<128xf32, #tpu.memory_space<vmem_shared>>
    tpu.wait_indirect_dma semaphore(%arg27 : memref<!tpu.dma_semaphore, #tpu.memory_space<semaphore_mem>>) src(%dma_wait3A_1213 : memref<128xf32, #tpu.memory_space<vmem>>) dst(%dma_wait3A_1219 : memref<128xf32, #tpu.memory_space<vmem_shared>>)
    %dma_wait3A_1220 = arith.constant 0 : i32
    %dma_wait3A_1221 = arith.constant 0 : i32
    %dma_wait3A_1222 = tpu.memref_slice %arg17[%dma_wait3A_1221] : memref<8192xf32, #tpu.memory_space<vmem>> -> memref<128xf32, #tpu.memory_space<vmem>>
    %dma_wait3A_1223 = arith.constant 0 : i32
    %dma_wait3A_1224 = tpu.memref_slice %arg18[%dma_wait3A_1220, %dma_wait3A_1223] : memref<16x128xi32, #tpu.memory_space<vmem>> -> memref<1x128xi32, #tpu.memory_space<vmem>>
    %dma_wait3A_1225 = tpu.memref_squeeze %dma_wait3A_1224 : memref<1x128xi32, #tpu.memory_space<vmem>> -> memref<128xi32, #tpu.memory_space<vmem>>
    %dma_wait3A_1226 = tpu.memref_slice %arg19[%mul3A_4] : memref<8192xf32, #tpu.memory_space<vmem_shared>> -> memref<128xf32, #tpu.memory_space<vmem_shared>>
    %dma_wait3A_1227 = arith.constant 0 : i32
    %dma_wait3A_1228 = tpu.memref_slice %dma_wait3A_1226[%dma_wait3A_1227] : memref<128xf32, #tpu.memory_space<vmem_shared>> -> memref<128xf32, #tpu.memory_space<vmem_shared>>
    tpu.wait_indirect_dma semaphore(%arg27 : memref<!tpu.dma_semaphore, #tpu.memory_space<semaphore_mem>>) src(%dma_wait3A_1222 : memref<128xf32, #tpu.memory_space<vmem>>) dst(%dma_wait3A_1228 : memref<128xf32, #tpu.memory_space<vmem_shared>>)
    %dma_wait3A_1229 = arith.constant 0 : i32
    %dma_wait3A_1230 = arith.constant 0 : i32
    %dma_wait3A_1231 = tpu.memref_slice %arg17[%dma_wait3A_1230] : memref<8192xf32, #tpu.memory_space<vmem>> -> memref<128xf32, #tpu.memory_space<vmem>>
    %dma_wait3A_1232 = arith.constant 0 : i32
    %dma_wait3A_1233 = tpu.memref_slice %arg18[%dma_wait3A_1229, %dma_wait3A_1232] : memref<16x128xi32, #tpu.memory_space<vmem>> -> memref<1x128xi32, #tpu.memory_space<vmem>>
    %dma_wait3A_1234 = tpu.memref_squeeze %dma_wait3A_1233 : memref<1x128xi32, #tpu.memory_space<vmem>> -> memref<128xi32, #tpu.memory_space<vmem>>
    %dma_wait3A_1235 = tpu.memref_slice %arg19[%mul3A_4] : memref<8192xf32, #tpu.memory_space<vmem_shared>> -> memref<128xf32, #tpu.memory_space<vmem_shared>>
    %dma_wait3A_1236 = arith.constant 0 : i32
    %dma_wait3A_1237 = tpu.memref_slice %dma_wait3A_1235[%dma_wait3A_1236] : memref<128xf32, #tpu.memory_space<vmem_shared>> -> memref<128xf32, #tpu.memory_space<vmem_shared>>
    tpu.wait_indirect_dma semaphore(%arg27 : memref<!tpu.dma_semaphore, #tpu.memory_space<semaphore_mem>>) src(%dma_wait3A_1231 : memref<128xf32, #tpu.memory_space<vmem>>) dst(%dma_wait3A_1237 : memref<128xf32, #tpu.memory_space<vmem_shared>>)
    %dma_wait3A_1238 = arith.constant 0 : i32
    %dma_wait3A_1239 = arith.constant 0 : i32
    %dma_wait3A_1240 = tpu.memref_slice %arg17[%dma_wait3A_1239] : memref<8192xf32, #tpu.memory_space<vmem>> -> memref<128xf32, #tpu.memory_space<vmem>>
    %dma_wait3A_1241 = arith.constant 0 : i32
    %dma_wait3A_1242 = tpu.memref_slice %arg18[%dma_wait3A_1238, %dma_wait3A_1241] : memref<16x128xi32, #tpu.memory_space<vmem>> -> memref<1x128xi32, #tpu.memory_space<vmem>>
    %dma_wait3A_1243 = tpu.memref_squeeze %dma_wait3A_1242 : memref<1x128xi32, #tpu.memory_space<vmem>> -> memref<128xi32, #tpu.memory_space<vmem>>
    %dma_wait3A_1244 = tpu.memref_slice %arg19[%mul3A_4] : memref<8192xf32, #tpu.memory_space<vmem_shared>> -> memref<128xf32, #tpu.memory_space<vmem_shared>>
    %dma_wait3A_1245 = arith.constant 0 : i32
    %dma_wait3A_1246 = tpu.memref_slice %dma_wait3A_1244[%dma_wait3A_1245] : memref<128xf32, #tpu.memory_space<vmem_shared>> -> memref<128xf32, #tpu.memory_space<vmem_shared>>
    tpu.wait_indirect_dma semaphore(%arg27 : memref<!tpu.dma_semaphore, #tpu.memory_space<semaphore_mem>>) src(%dma_wait3A_1240 : memref<128xf32, #tpu.memory_space<vmem>>) dst(%dma_wait3A_1246 : memref<128xf32, #tpu.memory_space<vmem_shared>>)
    %dma_wait3A_1247 = arith.constant 0 : i32
    %dma_wait3A_1248 = arith.constant 0 : i32
    %dma_wait3A_1249 = tpu.memref_slice %arg17[%dma_wait3A_1248] : memref<8192xf32, #tpu.memory_space<vmem>> -> memref<128xf32, #tpu.memory_space<vmem>>
    %dma_wait3A_1250 = arith.constant 0 : i32
    %dma_wait3A_1251 = tpu.memref_slice %arg18[%dma_wait3A_1247, %dma_wait3A_1250] : memref<16x128xi32, #tpu.memory_space<vmem>> -> memref<1x128xi32, #tpu.memory_space<vmem>>
    %dma_wait3A_1252 = tpu.memref_squeeze %dma_wait3A_1251 : memref<1x128xi32, #tpu.memory_space<vmem>> -> memref<128xi32, #tpu.memory_space<vmem>>
    %dma_wait3A_1253 = tpu.memref_slice %arg19[%mul3A_4] : memref<8192xf32, #tpu.memory_space<vmem_shared>> -> memref<128xf32, #tpu.memory_space<vmem_shared>>
    %dma_wait3A_1254 = arith.constant 0 : i32
    %dma_wait3A_1255 = tpu.memref_slice %dma_wait3A_1253[%dma_wait3A_1254] : memref<128xf32, #tpu.memory_space<vmem_shared>> -> memref<128xf32, #tpu.memory_space<vmem_shared>>
    tpu.wait_indirect_dma semaphore(%arg27 : memref<!tpu.dma_semaphore, #tpu.memory_space<semaphore_mem>>) src(%dma_wait3A_1249 : memref<128xf32, #tpu.memory_space<vmem>>) dst(%dma_wait3A_1255 : memref<128xf32, #tpu.memory_space<vmem_shared>>)
    %dma_wait3A_1256 = arith.constant 0 : i32
    %dma_wait3A_1257 = arith.constant 0 : i32
    %dma_wait3A_1258 = tpu.memref_slice %arg17[%dma_wait3A_1257] : memref<8192xf32, #tpu.memory_space<vmem>> -> memref<128xf32, #tpu.memory_space<vmem>>
    %dma_wait3A_1259 = arith.constant 0 : i32
    %dma_wait3A_1260 = tpu.memref_slice %arg18[%dma_wait3A_1256, %dma_wait3A_1259] : memref<16x128xi32, #tpu.memory_space<vmem>> -> memref<1x128xi32, #tpu.memory_space<vmem>>
    %dma_wait3A_1261 = tpu.memref_squeeze %dma_wait3A_1260 : memref<1x128xi32, #tpu.memory_space<vmem>> -> memref<128xi32, #tpu.memory_space<vmem>>
    %dma_wait3A_1262 = tpu.memref_slice %arg19[%mul3A_4] : memref<8192xf32, #tpu.memory_space<vmem_shared>> -> memref<128xf32, #tpu.memory_space<vmem_shared>>
    %dma_wait3A_1263 = arith.constant 0 : i32
    %dma_wait3A_1264 = tpu.memref_slice %dma_wait3A_1262[%dma_wait3A_1263] : memref<128xf32, #tpu.memory_space<vmem_shared>> -> memref<128xf32, #tpu.memory_space<vmem_shared>>
    tpu.wait_indirect_dma semaphore(%arg27 : memref<!tpu.dma_semaphore, #tpu.memory_space<semaphore_mem>>) src(%dma_wait3A_1258 : memref<128xf32, #tpu.memory_space<vmem>>) dst(%dma_wait3A_1264 : memref<128xf32, #tpu.memory_space<vmem_shared>>)
    %dma_wait3A_1265 = arith.constant 0 : i32
    %dma_wait3A_1266 = arith.constant 0 : i32
    %dma_wait3A_1267 = tpu.memref_slice %arg17[%dma_wait3A_1266] : memref<8192xf32, #tpu.memory_space<vmem>> -> memref<128xf32, #tpu.memory_space<vmem>>
    %dma_wait3A_1268 = arith.constant 0 : i32
    %dma_wait3A_1269 = tpu.memref_slice %arg18[%dma_wait3A_1265, %dma_wait3A_1268] : memref<16x128xi32, #tpu.memory_space<vmem>> -> memref<1x128xi32, #tpu.memory_space<vmem>>
    %dma_wait3A_1270 = tpu.memref_squeeze %dma_wait3A_1269 : memref<1x128xi32, #tpu.memory_space<vmem>> -> memref<128xi32, #tpu.memory_space<vmem>>
    %dma_wait3A_1271 = tpu.memref_slice %arg19[%mul3A_4] : memref<8192xf32, #tpu.memory_space<vmem_shared>> -> memref<128xf32, #tpu.memory_space<vmem_shared>>
    %dma_wait3A_1272 = arith.constant 0 : i32
    %dma_wait3A_1273 = tpu.memref_slice %dma_wait3A_1271[%dma_wait3A_1272] : memref<128xf32, #tpu.memory_space<vmem_shared>> -> memref<128xf32, #tpu.memory_space<vmem_shared>>
    tpu.wait_indirect_dma semaphore(%arg27 : memref<!tpu.dma_semaphore, #tpu.memory_space<semaphore_mem>>) src(%dma_wait3A_1267 : memref<128xf32, #tpu.memory_space<vmem>>) dst(%dma_wait3A_1273 : memref<128xf32, #tpu.memory_space<vmem_shared>>)
    %dma_wait3A_1274 = arith.constant 0 : i32
    %dma_wait3A_1275 = arith.constant 0 : i32
    %dma_wait3A_1276 = tpu.memref_slice %arg17[%dma_wait3A_1275] : memref<8192xf32, #tpu.memory_space<vmem>> -> memref<128xf32, #tpu.memory_space<vmem>>
    %dma_wait3A_1277 = arith.constant 0 : i32
    %dma_wait3A_1278 = tpu.memref_slice %arg18[%dma_wait3A_1274, %dma_wait3A_1277] : memref<16x128xi32, #tpu.memory_space<vmem>> -> memref<1x128xi32, #tpu.memory_space<vmem>>
    %dma_wait3A_1279 = tpu.memref_squeeze %dma_wait3A_1278 : memref<1x128xi32, #tpu.memory_space<vmem>> -> memref<128xi32, #tpu.memory_space<vmem>>
    %dma_wait3A_1280 = tpu.memref_slice %arg19[%mul3A_4] : memref<8192xf32, #tpu.memory_space<vmem_shared>> -> memref<128xf32, #tpu.memory_space<vmem_shared>>
    %dma_wait3A_1281 = arith.constant 0 : i32
    %dma_wait3A_1282 = tpu.memref_slice %dma_wait3A_1280[%dma_wait3A_1281] : memref<128xf32, #tpu.memory_space<vmem_shared>> -> memref<128xf32, #tpu.memory_space<vmem_shared>>
    tpu.wait_indirect_dma semaphore(%arg27 : memref<!tpu.dma_semaphore, #tpu.memory_space<semaphore_mem>>) src(%dma_wait3A_1276 : memref<128xf32, #tpu.memory_space<vmem>>) dst(%dma_wait3A_1282 : memref<128xf32, #tpu.memory_space<vmem_shared>>)
    %dma_wait3A_1283 = arith.constant 0 : i32
    %dma_wait3A_1284 = arith.constant 0 : i32
    %dma_wait3A_1285 = tpu.memref_slice %arg17[%dma_wait3A_1284] : memref<8192xf32, #tpu.memory_space<vmem>> -> memref<128xf32, #tpu.memory_space<vmem>>
    %dma_wait3A_1286 = arith.constant 0 : i32
    %dma_wait3A_1287 = tpu.memref_slice %arg18[%dma_wait3A_1283, %dma_wait3A_1286] : memref<16x128xi32, #tpu.memory_space<vmem>> -> memref<1x128xi32, #tpu.memory_space<vmem>>
    %dma_wait3A_1288 = tpu.memref_squeeze %dma_wait3A_1287 : memref<1x128xi32, #tpu.memory_space<vmem>> -> memref<128xi32, #tpu.memory_space<vmem>>
    %dma_wait3A_1289 = tpu.memref_slice %arg19[%mul3A_4] : memref<8192xf32, #tpu.memory_space<vmem_shared>> -> memref<128xf32, #tpu.memory_space<vmem_shared>>
    %dma_wait3A_1290 = arith.constant 0 : i32
    %dma_wait3A_1291 = tpu.memref_slice %dma_wait3A_1289[%dma_wait3A_1290] : memref<128xf32, #tpu.memory_space<vmem_shared>> -> memref<128xf32, #tpu.memory_space<vmem_shared>>
    tpu.wait_indirect_dma semaphore(%arg27 : memref<!tpu.dma_semaphore, #tpu.memory_space<semaphore_mem>>) src(%dma_wait3A_1285 : memref<128xf32, #tpu.memory_space<vmem>>) dst(%dma_wait3A_1291 : memref<128xf32, #tpu.memory_space<vmem_shared>>)
    %dma_wait3A_1292 = arith.constant 0 : i32
    %dma_wait3A_1293 = arith.constant 0 : i32
    %dma_wait3A_1294 = tpu.memref_slice %arg17[%dma_wait3A_1293] : memref<8192xf32, #tpu.memory_space<vmem>> -> memref<128xf32, #tpu.memory_space<vmem>>
    %dma_wait3A_1295 = arith.constant 0 : i32
    %dma_wait3A_1296 = tpu.memref_slice %arg18[%dma_wait3A_1292, %dma_wait3A_1295] : memref<16x128xi32, #tpu.memory_space<vmem>> -> memref<1x128xi32, #tpu.memory_space<vmem>>
    %dma_wait3A_1297 = tpu.memref_squeeze %dma_wait3A_1296 : memref<1x128xi32, #tpu.memory_space<vmem>> -> memref<128xi32, #tpu.memory_space<vmem>>
    %dma_wait3A_1298 = tpu.memref_slice %arg19[%mul3A_4] : memref<8192xf32, #tpu.memory_space<vmem_shared>> -> memref<128xf32, #tpu.memory_space<vmem_shared>>
    %dma_wait3A_1299 = arith.constant 0 : i32
    %dma_wait3A_1300 = tpu.memref_slice %dma_wait3A_1298[%dma_wait3A_1299] : memref<128xf32, #tpu.memory_space<vmem_shared>> -> memref<128xf32, #tpu.memory_space<vmem_shared>>
    tpu.wait_indirect_dma semaphore(%arg27 : memref<!tpu.dma_semaphore, #tpu.memory_space<semaphore_mem>>) src(%dma_wait3A_1294 : memref<128xf32, #tpu.memory_space<vmem>>) dst(%dma_wait3A_1300 : memref<128xf32, #tpu.memory_space<vmem_shared>>)
    %dma_wait3A_1301 = arith.constant 0 : i32
    %dma_wait3A_1302 = arith.constant 0 : i32
    %dma_wait3A_1303 = tpu.memref_slice %arg17[%dma_wait3A_1302] : memref<8192xf32, #tpu.memory_space<vmem>> -> memref<128xf32, #tpu.memory_space<vmem>>
    %dma_wait3A_1304 = arith.constant 0 : i32
    %dma_wait3A_1305 = tpu.memref_slice %arg18[%dma_wait3A_1301, %dma_wait3A_1304] : memref<16x128xi32, #tpu.memory_space<vmem>> -> memref<1x128xi32, #tpu.memory_space<vmem>>
    %dma_wait3A_1306 = tpu.memref_squeeze %dma_wait3A_1305 : memref<1x128xi32, #tpu.memory_space<vmem>> -> memref<128xi32, #tpu.memory_space<vmem>>
    %dma_wait3A_1307 = tpu.memref_slice %arg19[%mul3A_4] : memref<8192xf32, #tpu.memory_space<vmem_shared>> -> memref<128xf32, #tpu.memory_space<vmem_shared>>
    %dma_wait3A_1308 = arith.constant 0 : i32
    %dma_wait3A_1309 = tpu.memref_slice %dma_wait3A_1307[%dma_wait3A_1308] : memref<128xf32, #tpu.memory_space<vmem_shared>> -> memref<128xf32, #tpu.memory_space<vmem_shared>>
    tpu.wait_indirect_dma semaphore(%arg27 : memref<!tpu.dma_semaphore, #tpu.memory_space<semaphore_mem>>) src(%dma_wait3A_1303 : memref<128xf32, #tpu.memory_space<vmem>>) dst(%dma_wait3A_1309 : memref<128xf32, #tpu.memory_space<vmem_shared>>)
    %dma_wait3A_1310 = arith.constant 0 : i32
    %dma_wait3A_1311 = arith.constant 0 : i32
    %dma_wait3A_1312 = tpu.memref_slice %arg17[%dma_wait3A_1311] : memref<8192xf32, #tpu.memory_space<vmem>> -> memref<128xf32, #tpu.memory_space<vmem>>
    %dma_wait3A_1313 = arith.constant 0 : i32
    %dma_wait3A_1314 = tpu.memref_slice %arg18[%dma_wait3A_1310, %dma_wait3A_1313] : memref<16x128xi32, #tpu.memory_space<vmem>> -> memref<1x128xi32, #tpu.memory_space<vmem>>
    %dma_wait3A_1315 = tpu.memref_squeeze %dma_wait3A_1314 : memref<1x128xi32, #tpu.memory_space<vmem>> -> memref<128xi32, #tpu.memory_space<vmem>>
    %dma_wait3A_1316 = tpu.memref_slice %arg19[%mul3A_4] : memref<8192xf32, #tpu.memory_space<vmem_shared>> -> memref<128xf32, #tpu.memory_space<vmem_shared>>
    %dma_wait3A_1317 = arith.constant 0 : i32
    %dma_wait3A_1318 = tpu.memref_slice %dma_wait3A_1316[%dma_wait3A_1317] : memref<128xf32, #tpu.memory_space<vmem_shared>> -> memref<128xf32, #tpu.memory_space<vmem_shared>>
    tpu.wait_indirect_dma semaphore(%arg27 : memref<!tpu.dma_semaphore, #tpu.memory_space<semaphore_mem>>) src(%dma_wait3A_1312 : memref<128xf32, #tpu.memory_space<vmem>>) dst(%dma_wait3A_1318 : memref<128xf32, #tpu.memory_space<vmem_shared>>)
    %dma_wait3A_1319 = arith.constant 0 : i32
    %dma_wait3A_1320 = arith.constant 0 : i32
    %dma_wait3A_1321 = tpu.memref_slice %arg17[%dma_wait3A_1320] : memref<8192xf32, #tpu.memory_space<vmem>> -> memref<128xf32, #tpu.memory_space<vmem>>
    %dma_wait3A_1322 = arith.constant 0 : i32
    %dma_wait3A_1323 = tpu.memref_slice %arg18[%dma_wait3A_1319, %dma_wait3A_1322] : memref<16x128xi32, #tpu.memory_space<vmem>> -> memref<1x128xi32, #tpu.memory_space<vmem>>
    %dma_wait3A_1324 = tpu.memref_squeeze %dma_wait3A_1323 : memref<1x128xi32, #tpu.memory_space<vmem>> -> memref<128xi32, #tpu.memory_space<vmem>>
    %dma_wait3A_1325 = tpu.memref_slice %arg19[%mul3A_4] : memref<8192xf32, #tpu.memory_space<vmem_shared>> -> memref<128xf32, #tpu.memory_space<vmem_shared>>
    %dma_wait3A_1326 = arith.constant 0 : i32
    %dma_wait3A_1327 = tpu.memref_slice %dma_wait3A_1325[%dma_wait3A_1326] : memref<128xf32, #tpu.memory_space<vmem_shared>> -> memref<128xf32, #tpu.memory_space<vmem_shared>>
    tpu.wait_indirect_dma semaphore(%arg27 : memref<!tpu.dma_semaphore, #tpu.memory_space<semaphore_mem>>) src(%dma_wait3A_1321 : memref<128xf32, #tpu.memory_space<vmem>>) dst(%dma_wait3A_1327 : memref<128xf32, #tpu.memory_space<vmem_shared>>)
    %dma_wait3A_1328 = arith.constant 0 : i32
    %dma_wait3A_1329 = arith.constant 0 : i32
    %dma_wait3A_1330 = tpu.memref_slice %arg17[%dma_wait3A_1329] : memref<8192xf32, #tpu.memory_space<vmem>> -> memref<128xf32, #tpu.memory_space<vmem>>
    %dma_wait3A_1331 = arith.constant 0 : i32
    %dma_wait3A_1332 = tpu.memref_slice %arg18[%dma_wait3A_1328, %dma_wait3A_1331] : memref<16x128xi32, #tpu.memory_space<vmem>> -> memref<1x128xi32, #tpu.memory_space<vmem>>
    %dma_wait3A_1333 = tpu.memref_squeeze %dma_wait3A_1332 : memref<1x128xi32, #tpu.memory_space<vmem>> -> memref<128xi32, #tpu.memory_space<vmem>>
    %dma_wait3A_1334 = tpu.memref_slice %arg19[%mul3A_4] : memref<8192xf32, #tpu.memory_space<vmem_shared>> -> memref<128xf32, #tpu.memory_space<vmem_shared>>
    %dma_wait3A_1335 = arith.constant 0 : i32
    %dma_wait3A_1336 = tpu.memref_slice %dma_wait3A_1334[%dma_wait3A_1335] : memref<128xf32, #tpu.memory_space<vmem_shared>> -> memref<128xf32, #tpu.memory_space<vmem_shared>>
    tpu.wait_indirect_dma semaphore(%arg27 : memref<!tpu.dma_semaphore, #tpu.memory_space<semaphore_mem>>) src(%dma_wait3A_1330 : memref<128xf32, #tpu.memory_space<vmem>>) dst(%dma_wait3A_1336 : memref<128xf32, #tpu.memory_space<vmem_shared>>)
    %dma_wait3A_1337 = arith.constant 0 : i32
    %dma_wait3A_1338 = arith.constant 0 : i32
    %dma_wait3A_1339 = tpu.memref_slice %arg17[%dma_wait3A_1338] : memref<8192xf32, #tpu.memory_space<vmem>> -> memref<128xf32, #tpu.memory_space<vmem>>
    %dma_wait3A_1340 = arith.constant 0 : i32
    %dma_wait3A_1341 = tpu.memref_slice %arg18[%dma_wait3A_1337, %dma_wait3A_1340] : memref<16x128xi32, #tpu.memory_space<vmem>> -> memref<1x128xi32, #tpu.memory_space<vmem>>
    %dma_wait3A_1342 = tpu.memref_squeeze %dma_wait3A_1341 : memref<1x128xi32, #tpu.memory_space<vmem>> -> memref<128xi32, #tpu.memory_space<vmem>>
    %dma_wait3A_1343 = tpu.memref_slice %arg19[%mul3A_4] : memref<8192xf32, #tpu.memory_space<vmem_shared>> -> memref<128xf32, #tpu.memory_space<vmem_shared>>
    %dma_wait3A_1344 = arith.constant 0 : i32
    %dma_wait3A_1345 = tpu.memref_slice %dma_wait3A_1343[%dma_wait3A_1344] : memref<128xf32, #tpu.memory_space<vmem_shared>> -> memref<128xf32, #tpu.memory_space<vmem_shared>>
    tpu.wait_indirect_dma semaphore(%arg27 : memref<!tpu.dma_semaphore, #tpu.memory_space<semaphore_mem>>) src(%dma_wait3A_1339 : memref<128xf32, #tpu.memory_space<vmem>>) dst(%dma_wait3A_1345 : memref<128xf32, #tpu.memory_space<vmem_shared>>)
    %dma_wait3A_1346 = arith.constant 0 : i32
    %dma_wait3A_1347 = arith.constant 0 : i32
    %dma_wait3A_1348 = tpu.memref_slice %arg17[%dma_wait3A_1347] : memref<8192xf32, #tpu.memory_space<vmem>> -> memref<128xf32, #tpu.memory_space<vmem>>
    %dma_wait3A_1349 = arith.constant 0 : i32
    %dma_wait3A_1350 = tpu.memref_slice %arg18[%dma_wait3A_1346, %dma_wait3A_1349] : memref<16x128xi32, #tpu.memory_space<vmem>> -> memref<1x128xi32, #tpu.memory_space<vmem>>
    %dma_wait3A_1351 = tpu.memref_squeeze %dma_wait3A_1350 : memref<1x128xi32, #tpu.memory_space<vmem>> -> memref<128xi32, #tpu.memory_space<vmem>>
    %dma_wait3A_1352 = tpu.memref_slice %arg19[%mul3A_4] : memref<8192xf32, #tpu.memory_space<vmem_shared>> -> memref<128xf32, #tpu.memory_space<vmem_shared>>
    %dma_wait3A_1353 = arith.constant 0 : i32
    %dma_wait3A_1354 = tpu.memref_slice %dma_wait3A_1352[%dma_wait3A_1353] : memref<128xf32, #tpu.memory_space<vmem_shared>> -> memref<128xf32, #tpu.memory_space<vmem_shared>>
    tpu.wait_indirect_dma semaphore(%arg27 : memref<!tpu.dma_semaphore, #tpu.memory_space<semaphore_mem>>) src(%dma_wait3A_1348 : memref<128xf32, #tpu.memory_space<vmem>>) dst(%dma_wait3A_1354 : memref<128xf32, #tpu.memory_space<vmem_shared>>)
    %dma_wait3A_1355 = arith.constant 0 : i32
    %dma_wait3A_1356 = arith.constant 0 : i32
    %dma_wait3A_1357 = tpu.memref_slice %arg17[%dma_wait3A_1356] : memref<8192xf32, #tpu.memory_space<vmem>> -> memref<128xf32, #tpu.memory_space<vmem>>
    %dma_wait3A_1358 = arith.constant 0 : i32
    %dma_wait3A_1359 = tpu.memref_slice %arg18[%dma_wait3A_1355, %dma_wait3A_1358] : memref<16x128xi32, #tpu.memory_space<vmem>> -> memref<1x128xi32, #tpu.memory_space<vmem>>
    %dma_wait3A_1360 = tpu.memref_squeeze %dma_wait3A_1359 : memref<1x128xi32, #tpu.memory_space<vmem>> -> memref<128xi32, #tpu.memory_space<vmem>>
    %dma_wait3A_1361 = tpu.memref_slice %arg19[%mul3A_4] : memref<8192xf32, #tpu.memory_space<vmem_shared>> -> memref<128xf32, #tpu.memory_space<vmem_shared>>
    %dma_wait3A_1362 = arith.constant 0 : i32
    %dma_wait3A_1363 = tpu.memref_slice %dma_wait3A_1361[%dma_wait3A_1362] : memref<128xf32, #tpu.memory_space<vmem_shared>> -> memref<128xf32, #tpu.memory_space<vmem_shared>>
    tpu.wait_indirect_dma semaphore(%arg27 : memref<!tpu.dma_semaphore, #tpu.memory_space<semaphore_mem>>) src(%dma_wait3A_1357 : memref<128xf32, #tpu.memory_space<vmem>>) dst(%dma_wait3A_1363 : memref<128xf32, #tpu.memory_space<vmem_shared>>)
    %dma_wait3A_1364 = arith.constant 0 : i32
    %dma_wait3A_1365 = arith.constant 0 : i32
    %dma_wait3A_1366 = tpu.memref_slice %arg17[%dma_wait3A_1365] : memref<8192xf32, #tpu.memory_space<vmem>> -> memref<128xf32, #tpu.memory_space<vmem>>
    %dma_wait3A_1367 = arith.constant 0 : i32
    %dma_wait3A_1368 = tpu.memref_slice %arg18[%dma_wait3A_1364, %dma_wait3A_1367] : memref<16x128xi32, #tpu.memory_space<vmem>> -> memref<1x128xi32, #tpu.memory_space<vmem>>
    %dma_wait3A_1369 = tpu.memref_squeeze %dma_wait3A_1368 : memref<1x128xi32, #tpu.memory_space<vmem>> -> memref<128xi32, #tpu.memory_space<vmem>>
    %dma_wait3A_1370 = tpu.memref_slice %arg19[%mul3A_4] : memref<8192xf32, #tpu.memory_space<vmem_shared>> -> memref<128xf32, #tpu.memory_space<vmem_shared>>
    %dma_wait3A_1371 = arith.constant 0 : i32
    %dma_wait3A_1372 = tpu.memref_slice %dma_wait3A_1370[%dma_wait3A_1371] : memref<128xf32, #tpu.memory_space<vmem_shared>> -> memref<128xf32, #tpu.memory_space<vmem_shared>>
    tpu.wait_indirect_dma semaphore(%arg27 : memref<!tpu.dma_semaphore, #tpu.memory_space<semaphore_mem>>) src(%dma_wait3A_1366 : memref<128xf32, #tpu.memory_space<vmem>>) dst(%dma_wait3A_1372 : memref<128xf32, #tpu.memory_space<vmem_shared>>)
    %dma_wait3A_1373 = arith.constant 0 : i32
    %dma_wait3A_1374 = arith.constant 0 : i32
    %dma_wait3A_1375 = tpu.memref_slice %arg17[%dma_wait3A_1374] : memref<8192xf32, #tpu.memory_space<vmem>> -> memref<128xf32, #tpu.memory_space<vmem>>
    %dma_wait3A_1376 = arith.constant 0 : i32
    %dma_wait3A_1377 = tpu.memref_slice %arg18[%dma_wait3A_1373, %dma_wait3A_1376] : memref<16x128xi32, #tpu.memory_space<vmem>> -> memref<1x128xi32, #tpu.memory_space<vmem>>
    %dma_wait3A_1378 = tpu.memref_squeeze %dma_wait3A_1377 : memref<1x128xi32, #tpu.memory_space<vmem>> -> memref<128xi32, #tpu.memory_space<vmem>>
    %dma_wait3A_1379 = tpu.memref_slice %arg19[%mul3A_4] : memref<8192xf32, #tpu.memory_space<vmem_shared>> -> memref<128xf32, #tpu.memory_space<vmem_shared>>
    %dma_wait3A_1380 = arith.constant 0 : i32
    %dma_wait3A_1381 = tpu.memref_slice %dma_wait3A_1379[%dma_wait3A_1380] : memref<128xf32, #tpu.memory_space<vmem_shared>> -> memref<128xf32, #tpu.memory_space<vmem_shared>>
    tpu.wait_indirect_dma semaphore(%arg27 : memref<!tpu.dma_semaphore, #tpu.memory_space<semaphore_mem>>) src(%dma_wait3A_1375 : memref<128xf32, #tpu.memory_space<vmem>>) dst(%dma_wait3A_1381 : memref<128xf32, #tpu.memory_space<vmem_shared>>)
    %dma_wait3A_1382 = arith.constant 0 : i32
    %dma_wait3A_1383 = arith.constant 0 : i32
    %dma_wait3A_1384 = tpu.memref_slice %arg17[%dma_wait3A_1383] : memref<8192xf32, #tpu.memory_space<vmem>> -> memref<128xf32, #tpu.memory_space<vmem>>
    %dma_wait3A_1385 = arith.constant 0 : i32
    %dma_wait3A_1386 = tpu.memref_slice %arg18[%dma_wait3A_1382, %dma_wait3A_1385] : memref<16x128xi32, #tpu.memory_space<vmem>> -> memref<1x128xi32, #tpu.memory_space<vmem>>
    %dma_wait3A_1387 = tpu.memref_squeeze %dma_wait3A_1386 : memref<1x128xi32, #tpu.memory_space<vmem>> -> memref<128xi32, #tpu.memory_space<vmem>>
    %dma_wait3A_1388 = tpu.memref_slice %arg19[%mul3A_4] : memref<8192xf32, #tpu.memory_space<vmem_shared>> -> memref<128xf32, #tpu.memory_space<vmem_shared>>
    %dma_wait3A_1389 = arith.constant 0 : i32
    %dma_wait3A_1390 = tpu.memref_slice %dma_wait3A_1388[%dma_wait3A_1389] : memref<128xf32, #tpu.memory_space<vmem_shared>> -> memref<128xf32, #tpu.memory_space<vmem_shared>>
    tpu.wait_indirect_dma semaphore(%arg27 : memref<!tpu.dma_semaphore, #tpu.memory_space<semaphore_mem>>) src(%dma_wait3A_1384 : memref<128xf32, #tpu.memory_space<vmem>>) dst(%dma_wait3A_1390 : memref<128xf32, #tpu.memory_space<vmem_shared>>)
    %dma_wait3A_1391 = arith.constant 0 : i32
    %dma_wait3A_1392 = arith.constant 0 : i32
    %dma_wait3A_1393 = tpu.memref_slice %arg17[%dma_wait3A_1392] : memref<8192xf32, #tpu.memory_space<vmem>> -> memref<128xf32, #tpu.memory_space<vmem>>
    %dma_wait3A_1394 = arith.constant 0 : i32
    %dma_wait3A_1395 = tpu.memref_slice %arg18[%dma_wait3A_1391, %dma_wait3A_1394] : memref<16x128xi32, #tpu.memory_space<vmem>> -> memref<1x128xi32, #tpu.memory_space<vmem>>
    %dma_wait3A_1396 = tpu.memref_squeeze %dma_wait3A_1395 : memref<1x128xi32, #tpu.memory_space<vmem>> -> memref<128xi32, #tpu.memory_space<vmem>>
    %dma_wait3A_1397 = tpu.memref_slice %arg19[%mul3A_4] : memref<8192xf32, #tpu.memory_space<vmem_shared>> -> memref<128xf32, #tpu.memory_space<vmem_shared>>
    %dma_wait3A_1398 = arith.constant 0 : i32
    %dma_wait3A_1399 = tpu.memref_slice %dma_wait3A_1397[%dma_wait3A_1398] : memref<128xf32, #tpu.memory_space<vmem_shared>> -> memref<128xf32, #tpu.memory_space<vmem_shared>>
    tpu.wait_indirect_dma semaphore(%arg27 : memref<!tpu.dma_semaphore, #tpu.memory_space<semaphore_mem>>) src(%dma_wait3A_1393 : memref<128xf32, #tpu.memory_space<vmem>>) dst(%dma_wait3A_1399 : memref<128xf32, #tpu.memory_space<vmem_shared>>)
    %dma_wait3A_1400 = arith.constant 0 : i32
    %dma_wait3A_1401 = arith.constant 0 : i32
    %dma_wait3A_1402 = tpu.memref_slice %arg17[%dma_wait3A_1401] : memref<8192xf32, #tpu.memory_space<vmem>> -> memref<128xf32, #tpu.memory_space<vmem>>
    %dma_wait3A_1403 = arith.constant 0 : i32
    %dma_wait3A_1404 = tpu.memref_slice %arg18[%dma_wait3A_1400, %dma_wait3A_1403] : memref<16x128xi32, #tpu.memory_space<vmem>> -> memref<1x128xi32, #tpu.memory_space<vmem>>
    %dma_wait3A_1405 = tpu.memref_squeeze %dma_wait3A_1404 : memref<1x128xi32, #tpu.memory_space<vmem>> -> memref<128xi32, #tpu.memory_space<vmem>>
    %dma_wait3A_1406 = tpu.memref_slice %arg19[%mul3A_4] : memref<8192xf32, #tpu.memory_space<vmem_shared>> -> memref<128xf32, #tpu.memory_space<vmem_shared>>
    %dma_wait3A_1407 = arith.constant 0 : i32
    %dma_wait3A_1408 = tpu.memref_slice %dma_wait3A_1406[%dma_wait3A_1407] : memref<128xf32, #tpu.memory_space<vmem_shared>> -> memref<128xf32, #tpu.memory_space<vmem_shared>>
    tpu.wait_indirect_dma semaphore(%arg27 : memref<!tpu.dma_semaphore, #tpu.memory_space<semaphore_mem>>) src(%dma_wait3A_1402 : memref<128xf32, #tpu.memory_space<vmem>>) dst(%dma_wait3A_1408 : memref<128xf32, #tpu.memory_space<vmem_shared>>)
    %dma_wait3A_1409 = arith.constant 0 : i32
    %dma_wait3A_1410 = arith.constant 0 : i32
    %dma_wait3A_1411 = tpu.memref_slice %arg17[%dma_wait3A_1410] : memref<8192xf32, #tpu.memory_space<vmem>> -> memref<128xf32, #tpu.memory_space<vmem>>
    %dma_wait3A_1412 = arith.constant 0 : i32
    %dma_wait3A_1413 = tpu.memref_slice %arg18[%dma_wait3A_1409, %dma_wait3A_1412] : memref<16x128xi32, #tpu.memory_space<vmem>> -> memref<1x128xi32, #tpu.memory_space<vmem>>
    %dma_wait3A_1414 = tpu.memref_squeeze %dma_wait3A_1413 : memref<1x128xi32, #tpu.memory_space<vmem>> -> memref<128xi32, #tpu.memory_space<vmem>>
    %dma_wait3A_1415 = tpu.memref_slice %arg19[%mul3A_4] : memref<8192xf32, #tpu.memory_space<vmem_shared>> -> memref<128xf32, #tpu.memory_space<vmem_shared>>
    %dma_wait3A_1416 = arith.constant 0 : i32
    %dma_wait3A_1417 = tpu.memref_slice %dma_wait3A_1415[%dma_wait3A_1416] : memref<128xf32, #tpu.memory_space<vmem_shared>> -> memref<128xf32, #tpu.memory_space<vmem_shared>>
    tpu.wait_indirect_dma semaphore(%arg27 : memref<!tpu.dma_semaphore, #tpu.memory_space<semaphore_mem>>) src(%dma_wait3A_1411 : memref<128xf32, #tpu.memory_space<vmem>>) dst(%dma_wait3A_1417 : memref<128xf32, #tpu.memory_space<vmem_shared>>)
    %dma_wait3A_1418 = arith.constant 0 : i32
    %dma_wait3A_1419 = arith.constant 0 : i32
    %dma_wait3A_1420 = tpu.memref_slice %arg17[%dma_wait3A_1419] : memref<8192xf32, #tpu.memory_space<vmem>> -> memref<128xf32, #tpu.memory_space<vmem>>
    %dma_wait3A_1421 = arith.constant 0 : i32
    %dma_wait3A_1422 = tpu.memref_slice %arg18[%dma_wait3A_1418, %dma_wait3A_1421] : memref<16x128xi32, #tpu.memory_space<vmem>> -> memref<1x128xi32, #tpu.memory_space<vmem>>
    %dma_wait3A_1423 = tpu.memref_squeeze %dma_wait3A_1422 : memref<1x128xi32, #tpu.memory_space<vmem>> -> memref<128xi32, #tpu.memory_space<vmem>>
    %dma_wait3A_1424 = tpu.memref_slice %arg19[%mul3A_4] : memref<8192xf32, #tpu.memory_space<vmem_shared>> -> memref<128xf32, #tpu.memory_space<vmem_shared>>
    %dma_wait3A_1425 = arith.constant 0 : i32
    %dma_wait3A_1426 = tpu.memref_slice %dma_wait3A_1424[%dma_wait3A_1425] : memref<128xf32, #tpu.memory_space<vmem_shared>> -> memref<128xf32, #tpu.memory_space<vmem_shared>>
    tpu.wait_indirect_dma semaphore(%arg27 : memref<!tpu.dma_semaphore, #tpu.memory_space<semaphore_mem>>) src(%dma_wait3A_1420 : memref<128xf32, #tpu.memory_space<vmem>>) dst(%dma_wait3A_1426 : memref<128xf32, #tpu.memory_space<vmem_shared>>)
    %dma_wait3A_1427 = arith.constant 0 : i32
    %dma_wait3A_1428 = arith.constant 0 : i32
    %dma_wait3A_1429 = tpu.memref_slice %arg17[%dma_wait3A_1428] : memref<8192xf32, #tpu.memory_space<vmem>> -> memref<128xf32, #tpu.memory_space<vmem>>
    %dma_wait3A_1430 = arith.constant 0 : i32
    %dma_wait3A_1431 = tpu.memref_slice %arg18[%dma_wait3A_1427, %dma_wait3A_1430] : memref<16x128xi32, #tpu.memory_space<vmem>> -> memref<1x128xi32, #tpu.memory_space<vmem>>
    %dma_wait3A_1432 = tpu.memref_squeeze %dma_wait3A_1431 : memref<1x128xi32, #tpu.memory_space<vmem>> -> memref<128xi32, #tpu.memory_space<vmem>>
    %dma_wait3A_1433 = tpu.memref_slice %arg19[%mul3A_4] : memref<8192xf32, #tpu.memory_space<vmem_shared>> -> memref<128xf32, #tpu.memory_space<vmem_shared>>
    %dma_wait3A_1434 = arith.constant 0 : i32
    %dma_wait3A_1435 = tpu.memref_slice %dma_wait3A_1433[%dma_wait3A_1434] : memref<128xf32, #tpu.memory_space<vmem_shared>> -> memref<128xf32, #tpu.memory_space<vmem_shared>>
    tpu.wait_indirect_dma semaphore(%arg27 : memref<!tpu.dma_semaphore, #tpu.memory_space<semaphore_mem>>) src(%dma_wait3A_1429 : memref<128xf32, #tpu.memory_space<vmem>>) dst(%dma_wait3A_1435 : memref<128xf32, #tpu.memory_space<vmem_shared>>)
    %dma_wait3A_1436 = arith.constant 0 : i32
    %dma_wait3A_1437 = arith.constant 0 : i32
    %dma_wait3A_1438 = tpu.memref_slice %arg17[%dma_wait3A_1437] : memref<8192xf32, #tpu.memory_space<vmem>> -> memref<128xf32, #tpu.memory_space<vmem>>
    %dma_wait3A_1439 = arith.constant 0 : i32
    %dma_wait3A_1440 = tpu.memref_slice %arg18[%dma_wait3A_1436, %dma_wait3A_1439] : memref<16x128xi32, #tpu.memory_space<vmem>> -> memref<1x128xi32, #tpu.memory_space<vmem>>
    %dma_wait3A_1441 = tpu.memref_squeeze %dma_wait3A_1440 : memref<1x128xi32, #tpu.memory_space<vmem>> -> memref<128xi32, #tpu.memory_space<vmem>>
    %dma_wait3A_1442 = tpu.memref_slice %arg19[%mul3A_4] : memref<8192xf32, #tpu.memory_space<vmem_shared>> -> memref<128xf32, #tpu.memory_space<vmem_shared>>
    %dma_wait3A_1443 = arith.constant 0 : i32
    %dma_wait3A_1444 = tpu.memref_slice %dma_wait3A_1442[%dma_wait3A_1443] : memref<128xf32, #tpu.memory_space<vmem_shared>> -> memref<128xf32, #tpu.memory_space<vmem_shared>>
    tpu.wait_indirect_dma semaphore(%arg27 : memref<!tpu.dma_semaphore, #tpu.memory_space<semaphore_mem>>) src(%dma_wait3A_1438 : memref<128xf32, #tpu.memory_space<vmem>>) dst(%dma_wait3A_1444 : memref<128xf32, #tpu.memory_space<vmem_shared>>)
    %dma_wait3A_1445 = arith.constant 0 : i32
    %dma_wait3A_1446 = arith.constant 0 : i32
    %dma_wait3A_1447 = tpu.memref_slice %arg17[%dma_wait3A_1446] : memref<8192xf32, #tpu.memory_space<vmem>> -> memref<128xf32, #tpu.memory_space<vmem>>
    %dma_wait3A_1448 = arith.constant 0 : i32
    %dma_wait3A_1449 = tpu.memref_slice %arg18[%dma_wait3A_1445, %dma_wait3A_1448] : memref<16x128xi32, #tpu.memory_space<vmem>> -> memref<1x128xi32, #tpu.memory_space<vmem>>
    %dma_wait3A_1450 = tpu.memref_squeeze %dma_wait3A_1449 : memref<1x128xi32, #tpu.memory_space<vmem>> -> memref<128xi32, #tpu.memory_space<vmem>>
    %dma_wait3A_1451 = tpu.memref_slice %arg19[%mul3A_4] : memref<8192xf32, #tpu.memory_space<vmem_shared>> -> memref<128xf32, #tpu.memory_space<vmem_shared>>
    %dma_wait3A_1452 = arith.constant 0 : i32
    %dma_wait3A_1453 = tpu.memref_slice %dma_wait3A_1451[%dma_wait3A_1452] : memref<128xf32, #tpu.memory_space<vmem_shared>> -> memref<128xf32, #tpu.memory_space<vmem_shared>>
    tpu.wait_indirect_dma semaphore(%arg27 : memref<!tpu.dma_semaphore, #tpu.memory_space<semaphore_mem>>) src(%dma_wait3A_1447 : memref<128xf32, #tpu.memory_space<vmem>>) dst(%dma_wait3A_1453 : memref<128xf32, #tpu.memory_space<vmem_shared>>)
    %dma_wait3A_1454 = arith.constant 0 : i32
    %dma_wait3A_1455 = arith.constant 0 : i32
    %dma_wait3A_1456 = tpu.memref_slice %arg17[%dma_wait3A_1455] : memref<8192xf32, #tpu.memory_space<vmem>> -> memref<128xf32, #tpu.memory_space<vmem>>
    %dma_wait3A_1457 = arith.constant 0 : i32
    %dma_wait3A_1458 = tpu.memref_slice %arg18[%dma_wait3A_1454, %dma_wait3A_1457] : memref<16x128xi32, #tpu.memory_space<vmem>> -> memref<1x128xi32, #tpu.memory_space<vmem>>
    %dma_wait3A_1459 = tpu.memref_squeeze %dma_wait3A_1458 : memref<1x128xi32, #tpu.memory_space<vmem>> -> memref<128xi32, #tpu.memory_space<vmem>>
    %dma_wait3A_1460 = tpu.memref_slice %arg19[%mul3A_4] : memref<8192xf32, #tpu.memory_space<vmem_shared>> -> memref<128xf32, #tpu.memory_space<vmem_shared>>
    %dma_wait3A_1461 = arith.constant 0 : i32
    %dma_wait3A_1462 = tpu.memref_slice %dma_wait3A_1460[%dma_wait3A_1461] : memref<128xf32, #tpu.memory_space<vmem_shared>> -> memref<128xf32, #tpu.memory_space<vmem_shared>>
    tpu.wait_indirect_dma semaphore(%arg27 : memref<!tpu.dma_semaphore, #tpu.memory_space<semaphore_mem>>) src(%dma_wait3A_1456 : memref<128xf32, #tpu.memory_space<vmem>>) dst(%dma_wait3A_1462 : memref<128xf32, #tpu.memory_space<vmem_shared>>)
    %dma_wait3A_1463 = arith.constant 0 : i32
    %dma_wait3A_1464 = arith.constant 0 : i32
    %dma_wait3A_1465 = tpu.memref_slice %arg17[%dma_wait3A_1464] : memref<8192xf32, #tpu.memory_space<vmem>> -> memref<128xf32, #tpu.memory_space<vmem>>
    %dma_wait3A_1466 = arith.constant 0 : i32
    %dma_wait3A_1467 = tpu.memref_slice %arg18[%dma_wait3A_1463, %dma_wait3A_1466] : memref<16x128xi32, #tpu.memory_space<vmem>> -> memref<1x128xi32, #tpu.memory_space<vmem>>
    %dma_wait3A_1468 = tpu.memref_squeeze %dma_wait3A_1467 : memref<1x128xi32, #tpu.memory_space<vmem>> -> memref<128xi32, #tpu.memory_space<vmem>>
    %dma_wait3A_1469 = tpu.memref_slice %arg19[%mul3A_4] : memref<8192xf32, #tpu.memory_space<vmem_shared>> -> memref<128xf32, #tpu.memory_space<vmem_shared>>
    %dma_wait3A_1470 = arith.constant 0 : i32
    %dma_wait3A_1471 = tpu.memref_slice %dma_wait3A_1469[%dma_wait3A_1470] : memref<128xf32, #tpu.memory_space<vmem_shared>> -> memref<128xf32, #tpu.memory_space<vmem_shared>>
    tpu.wait_indirect_dma semaphore(%arg27 : memref<!tpu.dma_semaphore, #tpu.memory_space<semaphore_mem>>) src(%dma_wait3A_1465 : memref<128xf32, #tpu.memory_space<vmem>>) dst(%dma_wait3A_1471 : memref<128xf32, #tpu.memory_space<vmem_shared>>)
    %dma_wait3A_1472 = arith.constant 0 : i32
    %dma_wait3A_1473 = arith.constant 0 : i32
    %dma_wait3A_1474 = tpu.memref_slice %arg17[%dma_wait3A_1473] : memref<8192xf32, #tpu.memory_space<vmem>> -> memref<128xf32, #tpu.memory_space<vmem>>
    %dma_wait3A_1475 = arith.constant 0 : i32
    %dma_wait3A_1476 = tpu.memref_slice %arg18[%dma_wait3A_1472, %dma_wait3A_1475] : memref<16x128xi32, #tpu.memory_space<vmem>> -> memref<1x128xi32, #tpu.memory_space<vmem>>
    %dma_wait3A_1477 = tpu.memref_squeeze %dma_wait3A_1476 : memref<1x128xi32, #tpu.memory_space<vmem>> -> memref<128xi32, #tpu.memory_space<vmem>>
    %dma_wait3A_1478 = tpu.memref_slice %arg19[%mul3A_4] : memref<8192xf32, #tpu.memory_space<vmem_shared>> -> memref<128xf32, #tpu.memory_space<vmem_shared>>
    %dma_wait3A_1479 = arith.constant 0 : i32
    %dma_wait3A_1480 = tpu.memref_slice %dma_wait3A_1478[%dma_wait3A_1479] : memref<128xf32, #tpu.memory_space<vmem_shared>> -> memref<128xf32, #tpu.memory_space<vmem_shared>>
    tpu.wait_indirect_dma semaphore(%arg27 : memref<!tpu.dma_semaphore, #tpu.memory_space<semaphore_mem>>) src(%dma_wait3A_1474 : memref<128xf32, #tpu.memory_space<vmem>>) dst(%dma_wait3A_1480 : memref<128xf32, #tpu.memory_space<vmem_shared>>)
    %dma_wait3A_1481 = arith.constant 0 : i32
    %dma_wait3A_1482 = arith.constant 0 : i32
    %dma_wait3A_1483 = tpu.memref_slice %arg17[%dma_wait3A_1482] : memref<8192xf32, #tpu.memory_space<vmem>> -> memref<128xf32, #tpu.memory_space<vmem>>
    %dma_wait3A_1484 = arith.constant 0 : i32
    %dma_wait3A_1485 = tpu.memref_slice %arg18[%dma_wait3A_1481, %dma_wait3A_1484] : memref<16x128xi32, #tpu.memory_space<vmem>> -> memref<1x128xi32, #tpu.memory_space<vmem>>
    %dma_wait3A_1486 = tpu.memref_squeeze %dma_wait3A_1485 : memref<1x128xi32, #tpu.memory_space<vmem>> -> memref<128xi32, #tpu.memory_space<vmem>>
    %dma_wait3A_1487 = tpu.memref_slice %arg19[%mul3A_4] : memref<8192xf32, #tpu.memory_space<vmem_shared>> -> memref<128xf32, #tpu.memory_space<vmem_shared>>
    %dma_wait3A_1488 = arith.constant 0 : i32
    %dma_wait3A_1489 = tpu.memref_slice %dma_wait3A_1487[%dma_wait3A_1488] : memref<128xf32, #tpu.memory_space<vmem_shared>> -> memref<128xf32, #tpu.memory_space<vmem_shared>>
    tpu.wait_indirect_dma semaphore(%arg27 : memref<!tpu.dma_semaphore, #tpu.memory_space<semaphore_mem>>) src(%dma_wait3A_1483 : memref<128xf32, #tpu.memory_space<vmem>>) dst(%dma_wait3A_1489 : memref<128xf32, #tpu.memory_space<vmem_shared>>)
    %dma_wait3A_1490 = arith.constant 0 : i32
    %dma_wait3A_1491 = arith.constant 0 : i32
    %dma_wait3A_1492 = tpu.memref_slice %arg17[%dma_wait3A_1491] : memref<8192xf32, #tpu.memory_space<vmem>> -> memref<128xf32, #tpu.memory_space<vmem>>
    %dma_wait3A_1493 = arith.constant 0 : i32
    %dma_wait3A_1494 = tpu.memref_slice %arg18[%dma_wait3A_1490, %dma_wait3A_1493] : memref<16x128xi32, #tpu.memory_space<vmem>> -> memref<1x128xi32, #tpu.memory_space<vmem>>
    %dma_wait3A_1495 = tpu.memref_squeeze %dma_wait3A_1494 : memref<1x128xi32, #tpu.memory_space<vmem>> -> memref<128xi32, #tpu.memory_space<vmem>>
    %dma_wait3A_1496 = tpu.memref_slice %arg19[%mul3A_4] : memref<8192xf32, #tpu.memory_space<vmem_shared>> -> memref<128xf32, #tpu.memory_space<vmem_shared>>
    %dma_wait3A_1497 = arith.constant 0 : i32
    %dma_wait3A_1498 = tpu.memref_slice %dma_wait3A_1496[%dma_wait3A_1497] : memref<128xf32, #tpu.memory_space<vmem_shared>> -> memref<128xf32, #tpu.memory_space<vmem_shared>>
    tpu.wait_indirect_dma semaphore(%arg27 : memref<!tpu.dma_semaphore, #tpu.memory_space<semaphore_mem>>) src(%dma_wait3A_1492 : memref<128xf32, #tpu.memory_space<vmem>>) dst(%dma_wait3A_1498 : memref<128xf32, #tpu.memory_space<vmem_shared>>)
    %dma_wait3A_1499 = arith.constant 0 : i32
    %dma_wait3A_1500 = arith.constant 0 : i32
    %dma_wait3A_1501 = tpu.memref_slice %arg17[%dma_wait3A_1500] : memref<8192xf32, #tpu.memory_space<vmem>> -> memref<128xf32, #tpu.memory_space<vmem>>
    %dma_wait3A_1502 = arith.constant 0 : i32
    %dma_wait3A_1503 = tpu.memref_slice %arg18[%dma_wait3A_1499, %dma_wait3A_1502] : memref<16x128xi32, #tpu.memory_space<vmem>> -> memref<1x128xi32, #tpu.memory_space<vmem>>
    %dma_wait3A_1504 = tpu.memref_squeeze %dma_wait3A_1503 : memref<1x128xi32, #tpu.memory_space<vmem>> -> memref<128xi32, #tpu.memory_space<vmem>>
    %dma_wait3A_1505 = tpu.memref_slice %arg19[%mul3A_4] : memref<8192xf32, #tpu.memory_space<vmem_shared>> -> memref<128xf32, #tpu.memory_space<vmem_shared>>
    %dma_wait3A_1506 = arith.constant 0 : i32
    %dma_wait3A_1507 = tpu.memref_slice %dma_wait3A_1505[%dma_wait3A_1506] : memref<128xf32, #tpu.memory_space<vmem_shared>> -> memref<128xf32, #tpu.memory_space<vmem_shared>>
    tpu.wait_indirect_dma semaphore(%arg27 : memref<!tpu.dma_semaphore, #tpu.memory_space<semaphore_mem>>) src(%dma_wait3A_1501 : memref<128xf32, #tpu.memory_space<vmem>>) dst(%dma_wait3A_1507 : memref<128xf32, #tpu.memory_space<vmem_shared>>)
    %dma_wait3A_1508 = arith.constant 0 : i32
    %dma_wait3A_1509 = arith.constant 0 : i32
    %dma_wait3A_1510 = tpu.memref_slice %arg17[%dma_wait3A_1509] : memref<8192xf32, #tpu.memory_space<vmem>> -> memref<128xf32, #tpu.memory_space<vmem>>
    %dma_wait3A_1511 = arith.constant 0 : i32
    %dma_wait3A_1512 = tpu.memref_slice %arg18[%dma_wait3A_1508, %dma_wait3A_1511] : memref<16x128xi32, #tpu.memory_space<vmem>> -> memref<1x128xi32, #tpu.memory_space<vmem>>
    %dma_wait3A_1513 = tpu.memref_squeeze %dma_wait3A_1512 : memref<1x128xi32, #tpu.memory_space<vmem>> -> memref<128xi32, #tpu.memory_space<vmem>>
    %dma_wait3A_1514 = tpu.memref_slice %arg19[%mul3A_4] : memref<8192xf32, #tpu.memory_space<vmem_shared>> -> memref<128xf32, #tpu.memory_space<vmem_shared>>
    %dma_wait3A_1515 = arith.constant 0 : i32
    %dma_wait3A_1516 = tpu.memref_slice %dma_wait3A_1514[%dma_wait3A_1515] : memref<128xf32, #tpu.memory_space<vmem_shared>> -> memref<128xf32, #tpu.memory_space<vmem_shared>>
    tpu.wait_indirect_dma semaphore(%arg27 : memref<!tpu.dma_semaphore, #tpu.memory_space<semaphore_mem>>) src(%dma_wait3A_1510 : memref<128xf32, #tpu.memory_space<vmem>>) dst(%dma_wait3A_1516 : memref<128xf32, #tpu.memory_space<vmem_shared>>)
    %dma_wait3A_1517 = arith.constant 0 : i32
    %dma_wait3A_1518 = arith.constant 0 : i32
    %dma_wait3A_1519 = tpu.memref_slice %arg17[%dma_wait3A_1518] : memref<8192xf32, #tpu.memory_space<vmem>> -> memref<128xf32, #tpu.memory_space<vmem>>
    %dma_wait3A_1520 = arith.constant 0 : i32
    %dma_wait3A_1521 = tpu.memref_slice %arg18[%dma_wait3A_1517, %dma_wait3A_1520] : memref<16x128xi32, #tpu.memory_space<vmem>> -> memref<1x128xi32, #tpu.memory_space<vmem>>
    %dma_wait3A_1522 = tpu.memref_squeeze %dma_wait3A_1521 : memref<1x128xi32, #tpu.memory_space<vmem>> -> memref<128xi32, #tpu.memory_space<vmem>>
    %dma_wait3A_1523 = tpu.memref_slice %arg19[%mul3A_4] : memref<8192xf32, #tpu.memory_space<vmem_shared>> -> memref<128xf32, #tpu.memory_space<vmem_shared>>
    %dma_wait3A_1524 = arith.constant 0 : i32
    %dma_wait3A_1525 = tpu.memref_slice %dma_wait3A_1523[%dma_wait3A_1524] : memref<128xf32, #tpu.memory_space<vmem_shared>> -> memref<128xf32, #tpu.memory_space<vmem_shared>>
    tpu.wait_indirect_dma semaphore(%arg27 : memref<!tpu.dma_semaphore, #tpu.memory_space<semaphore_mem>>) src(%dma_wait3A_1519 : memref<128xf32, #tpu.memory_space<vmem>>) dst(%dma_wait3A_1525 : memref<128xf32, #tpu.memory_space<vmem_shared>>)
    %dma_wait3A_1526 = arith.constant 0 : i32
    %dma_wait3A_1527 = arith.constant 0 : i32
    %dma_wait3A_1528 = tpu.memref_slice %arg17[%dma_wait3A_1527] : memref<8192xf32, #tpu.memory_space<vmem>> -> memref<128xf32, #tpu.memory_space<vmem>>
    %dma_wait3A_1529 = arith.constant 0 : i32
    %dma_wait3A_1530 = tpu.memref_slice %arg18[%dma_wait3A_1526, %dma_wait3A_1529] : memref<16x128xi32, #tpu.memory_space<vmem>> -> memref<1x128xi32, #tpu.memory_space<vmem>>
    %dma_wait3A_1531 = tpu.memref_squeeze %dma_wait3A_1530 : memref<1x128xi32, #tpu.memory_space<vmem>> -> memref<128xi32, #tpu.memory_space<vmem>>
    %dma_wait3A_1532 = tpu.memref_slice %arg19[%mul3A_4] : memref<8192xf32, #tpu.memory_space<vmem_shared>> -> memref<128xf32, #tpu.memory_space<vmem_shared>>
    %dma_wait3A_1533 = arith.constant 0 : i32
    %dma_wait3A_1534 = tpu.memref_slice %dma_wait3A_1532[%dma_wait3A_1533] : memref<128xf32, #tpu.memory_space<vmem_shared>> -> memref<128xf32, #tpu.memory_space<vmem_shared>>
    tpu.wait_indirect_dma semaphore(%arg27 : memref<!tpu.dma_semaphore, #tpu.memory_space<semaphore_mem>>) src(%dma_wait3A_1528 : memref<128xf32, #tpu.memory_space<vmem>>) dst(%dma_wait3A_1534 : memref<128xf32, #tpu.memory_space<vmem_shared>>)
    %dma_wait3A_1535 = arith.constant 0 : i32
    %dma_wait3A_1536 = arith.constant 0 : i32
    %dma_wait3A_1537 = tpu.memref_slice %arg17[%dma_wait3A_1536] : memref<8192xf32, #tpu.memory_space<vmem>> -> memref<128xf32, #tpu.memory_space<vmem>>
    %dma_wait3A_1538 = arith.constant 0 : i32
    %dma_wait3A_1539 = tpu.memref_slice %arg18[%dma_wait3A_1535, %dma_wait3A_1538] : memref<16x128xi32, #tpu.memory_space<vmem>> -> memref<1x128xi32, #tpu.memory_space<vmem>>
    %dma_wait3A_1540 = tpu.memref_squeeze %dma_wait3A_1539 : memref<1x128xi32, #tpu.memory_space<vmem>> -> memref<128xi32, #tpu.memory_space<vmem>>
    %dma_wait3A_1541 = tpu.memref_slice %arg19[%mul3A_4] : memref<8192xf32, #tpu.memory_space<vmem_shared>> -> memref<128xf32, #tpu.memory_space<vmem_shared>>
    %dma_wait3A_1542 = arith.constant 0 : i32
    %dma_wait3A_1543 = tpu.memref_slice %dma_wait3A_1541[%dma_wait3A_1542] : memref<128xf32, #tpu.memory_space<vmem_shared>> -> memref<128xf32, #tpu.memory_space<vmem_shared>>
    tpu.wait_indirect_dma semaphore(%arg27 : memref<!tpu.dma_semaphore, #tpu.memory_space<semaphore_mem>>) src(%dma_wait3A_1537 : memref<128xf32, #tpu.memory_space<vmem>>) dst(%dma_wait3A_1543 : memref<128xf32, #tpu.memory_space<vmem_shared>>)
    %dma_wait3A_1544 = arith.constant 0 : i32
    %dma_wait3A_1545 = arith.constant 0 : i32
    %dma_wait3A_1546 = tpu.memref_slice %arg17[%dma_wait3A_1545] : memref<8192xf32, #tpu.memory_space<vmem>> -> memref<128xf32, #tpu.memory_space<vmem>>
    %dma_wait3A_1547 = arith.constant 0 : i32
    %dma_wait3A_1548 = tpu.memref_slice %arg18[%dma_wait3A_1544, %dma_wait3A_1547] : memref<16x128xi32, #tpu.memory_space<vmem>> -> memref<1x128xi32, #tpu.memory_space<vmem>>
    %dma_wait3A_1549 = tpu.memref_squeeze %dma_wait3A_1548 : memref<1x128xi32, #tpu.memory_space<vmem>> -> memref<128xi32, #tpu.memory_space<vmem>>
    %dma_wait3A_1550 = tpu.memref_slice %arg19[%mul3A_4] : memref<8192xf32, #tpu.memory_space<vmem_shared>> -> memref<128xf32, #tpu.memory_space<vmem_shared>>
    %dma_wait3A_1551 = arith.constant 0 : i32
    %dma_wait3A_1552 = tpu.memref_slice %dma_wait3A_1550[%dma_wait3A_1551] : memref<128xf32, #tpu.memory_space<vmem_shared>> -> memref<128xf32, #tpu.memory_space<vmem_shared>>
    tpu.wait_indirect_dma semaphore(%arg27 : memref<!tpu.dma_semaphore, #tpu.memory_space<semaphore_mem>>) src(%dma_wait3A_1546 : memref<128xf32, #tpu.memory_space<vmem>>) dst(%dma_wait3A_1552 : memref<128xf32, #tpu.memory_space<vmem_shared>>)
    %dma_wait3A_1553 = arith.constant 0 : i32
    %dma_wait3A_1554 = arith.constant 0 : i32
    %dma_wait3A_1555 = tpu.memref_slice %arg17[%dma_wait3A_1554] : memref<8192xf32, #tpu.memory_space<vmem>> -> memref<128xf32, #tpu.memory_space<vmem>>
    %dma_wait3A_1556 = arith.constant 0 : i32
    %dma_wait3A_1557 = tpu.memref_slice %arg18[%dma_wait3A_1553, %dma_wait3A_1556] : memref<16x128xi32, #tpu.memory_space<vmem>> -> memref<1x128xi32, #tpu.memory_space<vmem>>
    %dma_wait3A_1558 = tpu.memref_squeeze %dma_wait3A_1557 : memref<1x128xi32, #tpu.memory_space<vmem>> -> memref<128xi32, #tpu.memory_space<vmem>>
    %dma_wait3A_1559 = tpu.memref_slice %arg19[%mul3A_4] : memref<8192xf32, #tpu.memory_space<vmem_shared>> -> memref<128xf32, #tpu.memory_space<vmem_shared>>
    %dma_wait3A_1560 = arith.constant 0 : i32
    %dma_wait3A_1561 = tpu.memref_slice %dma_wait3A_1559[%dma_wait3A_1560] : memref<128xf32, #tpu.memory_space<vmem_shared>> -> memref<128xf32, #tpu.memory_space<vmem_shared>>
    tpu.wait_indirect_dma semaphore(%arg27 : memref<!tpu.dma_semaphore, #tpu.memory_space<semaphore_mem>>) src(%dma_wait3A_1555 : memref<128xf32, #tpu.memory_space<vmem>>) dst(%dma_wait3A_1561 : memref<128xf32, #tpu.memory_space<vmem_shared>>)
    %dma_wait3A_1562 = arith.constant 0 : i32
    %dma_wait3A_1563 = arith.constant 0 : i32
    %dma_wait3A_1564 = tpu.memref_slice %arg17[%dma_wait3A_1563] : memref<8192xf32, #tpu.memory_space<vmem>> -> memref<128xf32, #tpu.memory_space<vmem>>
    %dma_wait3A_1565 = arith.constant 0 : i32
    %dma_wait3A_1566 = tpu.memref_slice %arg18[%dma_wait3A_1562, %dma_wait3A_1565] : memref<16x128xi32, #tpu.memory_space<vmem>> -> memref<1x128xi32, #tpu.memory_space<vmem>>
    %dma_wait3A_1567 = tpu.memref_squeeze %dma_wait3A_1566 : memref<1x128xi32, #tpu.memory_space<vmem>> -> memref<128xi32, #tpu.memory_space<vmem>>
    %dma_wait3A_1568 = tpu.memref_slice %arg19[%mul3A_4] : memref<8192xf32, #tpu.memory_space<vmem_shared>> -> memref<128xf32, #tpu.memory_space<vmem_shared>>
    %dma_wait3A_1569 = arith.constant 0 : i32
    %dma_wait3A_1570 = tpu.memref_slice %dma_wait3A_1568[%dma_wait3A_1569] : memref<128xf32, #tpu.memory_space<vmem_shared>> -> memref<128xf32, #tpu.memory_space<vmem_shared>>
    tpu.wait_indirect_dma semaphore(%arg27 : memref<!tpu.dma_semaphore, #tpu.memory_space<semaphore_mem>>) src(%dma_wait3A_1564 : memref<128xf32, #tpu.memory_space<vmem>>) dst(%dma_wait3A_1570 : memref<128xf32, #tpu.memory_space<vmem_shared>>)
    %dma_wait3A_1571 = arith.constant 0 : i32
    %dma_wait3A_1572 = arith.constant 0 : i32
    %dma_wait3A_1573 = tpu.memref_slice %arg17[%dma_wait3A_1572] : memref<8192xf32, #tpu.memory_space<vmem>> -> memref<128xf32, #tpu.memory_space<vmem>>
    %dma_wait3A_1574 = arith.constant 0 : i32
    %dma_wait3A_1575 = tpu.memref_slice %arg18[%dma_wait3A_1571, %dma_wait3A_1574] : memref<16x128xi32, #tpu.memory_space<vmem>> -> memref<1x128xi32, #tpu.memory_space<vmem>>
    %dma_wait3A_1576 = tpu.memref_squeeze %dma_wait3A_1575 : memref<1x128xi32, #tpu.memory_space<vmem>> -> memref<128xi32, #tpu.memory_space<vmem>>
    %dma_wait3A_1577 = tpu.memref_slice %arg19[%mul3A_4] : memref<8192xf32, #tpu.memory_space<vmem_shared>> -> memref<128xf32, #tpu.memory_space<vmem_shared>>
    %dma_wait3A_1578 = arith.constant 0 : i32
    %dma_wait3A_1579 = tpu.memref_slice %dma_wait3A_1577[%dma_wait3A_1578] : memref<128xf32, #tpu.memory_space<vmem_shared>> -> memref<128xf32, #tpu.memory_space<vmem_shared>>
    tpu.wait_indirect_dma semaphore(%arg27 : memref<!tpu.dma_semaphore, #tpu.memory_space<semaphore_mem>>) src(%dma_wait3A_1573 : memref<128xf32, #tpu.memory_space<vmem>>) dst(%dma_wait3A_1579 : memref<128xf32, #tpu.memory_space<vmem_shared>>)
    %dma_wait3A_1580 = arith.constant 0 : i32
    %dma_wait3A_1581 = arith.constant 0 : i32
    %dma_wait3A_1582 = tpu.memref_slice %arg17[%dma_wait3A_1581] : memref<8192xf32, #tpu.memory_space<vmem>> -> memref<128xf32, #tpu.memory_space<vmem>>
    %dma_wait3A_1583 = arith.constant 0 : i32
    %dma_wait3A_1584 = tpu.memref_slice %arg18[%dma_wait3A_1580, %dma_wait3A_1583] : memref<16x128xi32, #tpu.memory_space<vmem>> -> memref<1x128xi32, #tpu.memory_space<vmem>>
    %dma_wait3A_1585 = tpu.memref_squeeze %dma_wait3A_1584 : memref<1x128xi32, #tpu.memory_space<vmem>> -> memref<128xi32, #tpu.memory_space<vmem>>
    %dma_wait3A_1586 = tpu.memref_slice %arg19[%mul3A_4] : memref<8192xf32, #tpu.memory_space<vmem_shared>> -> memref<128xf32, #tpu.memory_space<vmem_shared>>
    %dma_wait3A_1587 = arith.constant 0 : i32
    %dma_wait3A_1588 = tpu.memref_slice %dma_wait3A_1586[%dma_wait3A_1587] : memref<128xf32, #tpu.memory_space<vmem_shared>> -> memref<128xf32, #tpu.memory_space<vmem_shared>>
    tpu.wait_indirect_dma semaphore(%arg27 : memref<!tpu.dma_semaphore, #tpu.memory_space<semaphore_mem>>) src(%dma_wait3A_1582 : memref<128xf32, #tpu.memory_space<vmem>>) dst(%dma_wait3A_1588 : memref<128xf32, #tpu.memory_space<vmem_shared>>)
    %dma_wait3A_1589 = arith.constant 0 : i32
    %dma_wait3A_1590 = arith.constant 0 : i32
    %dma_wait3A_1591 = tpu.memref_slice %arg17[%dma_wait3A_1590] : memref<8192xf32, #tpu.memory_space<vmem>> -> memref<128xf32, #tpu.memory_space<vmem>>
    %dma_wait3A_1592 = arith.constant 0 : i32
    %dma_wait3A_1593 = tpu.memref_slice %arg18[%dma_wait3A_1589, %dma_wait3A_1592] : memref<16x128xi32, #tpu.memory_space<vmem>> -> memref<1x128xi32, #tpu.memory_space<vmem>>
    %dma_wait3A_1594 = tpu.memref_squeeze %dma_wait3A_1593 : memref<1x128xi32, #tpu.memory_space<vmem>> -> memref<128xi32, #tpu.memory_space<vmem>>
    %dma_wait3A_1595 = tpu.memref_slice %arg19[%mul3A_4] : memref<8192xf32, #tpu.memory_space<vmem_shared>> -> memref<128xf32, #tpu.memory_space<vmem_shared>>
    %dma_wait3A_1596 = arith.constant 0 : i32
    %dma_wait3A_1597 = tpu.memref_slice %dma_wait3A_1595[%dma_wait3A_1596] : memref<128xf32, #tpu.memory_space<vmem_shared>> -> memref<128xf32, #tpu.memory_space<vmem_shared>>
    tpu.wait_indirect_dma semaphore(%arg27 : memref<!tpu.dma_semaphore, #tpu.memory_space<semaphore_mem>>) src(%dma_wait3A_1591 : memref<128xf32, #tpu.memory_space<vmem>>) dst(%dma_wait3A_1597 : memref<128xf32, #tpu.memory_space<vmem_shared>>)
    %dma_wait3A_1598 = arith.constant 0 : i32
    %dma_wait3A_1599 = arith.constant 0 : i32
    %dma_wait3A_1600 = tpu.memref_slice %arg17[%dma_wait3A_1599] : memref<8192xf32, #tpu.memory_space<vmem>> -> memref<128xf32, #tpu.memory_space<vmem>>
    %dma_wait3A_1601 = arith.constant 0 : i32
    %dma_wait3A_1602 = tpu.memref_slice %arg18[%dma_wait3A_1598, %dma_wait3A_1601] : memref<16x128xi32, #tpu.memory_space<vmem>> -> memref<1x128xi32, #tpu.memory_space<vmem>>
    %dma_wait3A_1603 = tpu.memref_squeeze %dma_wait3A_1602 : memref<1x128xi32, #tpu.memory_space<vmem>> -> memref<128xi32, #tpu.memory_space<vmem>>
    %dma_wait3A_1604 = tpu.memref_slice %arg19[%mul3A_4] : memref<8192xf32, #tpu.memory_space<vmem_shared>> -> memref<128xf32, #tpu.memory_space<vmem_shared>>
    %dma_wait3A_1605 = arith.constant 0 : i32
    %dma_wait3A_1606 = tpu.memref_slice %dma_wait3A_1604[%dma_wait3A_1605] : memref<128xf32, #tpu.memory_space<vmem_shared>> -> memref<128xf32, #tpu.memory_space<vmem_shared>>
    tpu.wait_indirect_dma semaphore(%arg27 : memref<!tpu.dma_semaphore, #tpu.memory_space<semaphore_mem>>) src(%dma_wait3A_1600 : memref<128xf32, #tpu.memory_space<vmem>>) dst(%dma_wait3A_1606 : memref<128xf32, #tpu.memory_space<vmem_shared>>)
    %dma_wait3A_1607 = arith.constant 0 : i32
    %dma_wait3A_1608 = arith.constant 0 : i32
    %dma_wait3A_1609 = tpu.memref_slice %arg17[%dma_wait3A_1608] : memref<8192xf32, #tpu.memory_space<vmem>> -> memref<128xf32, #tpu.memory_space<vmem>>
    %dma_wait3A_1610 = arith.constant 0 : i32
    %dma_wait3A_1611 = tpu.memref_slice %arg18[%dma_wait3A_1607, %dma_wait3A_1610] : memref<16x128xi32, #tpu.memory_space<vmem>> -> memref<1x128xi32, #tpu.memory_space<vmem>>
    %dma_wait3A_1612 = tpu.memref_squeeze %dma_wait3A_1611 : memref<1x128xi32, #tpu.memory_space<vmem>> -> memref<128xi32, #tpu.memory_space<vmem>>
    %dma_wait3A_1613 = tpu.memref_slice %arg19[%mul3A_4] : memref<8192xf32, #tpu.memory_space<vmem_shared>> -> memref<128xf32, #tpu.memory_space<vmem_shared>>
    %dma_wait3A_1614 = arith.constant 0 : i32
    %dma_wait3A_1615 = tpu.memref_slice %dma_wait3A_1613[%dma_wait3A_1614] : memref<128xf32, #tpu.memory_space<vmem_shared>> -> memref<128xf32, #tpu.memory_space<vmem_shared>>
    tpu.wait_indirect_dma semaphore(%arg27 : memref<!tpu.dma_semaphore, #tpu.memory_space<semaphore_mem>>) src(%dma_wait3A_1609 : memref<128xf32, #tpu.memory_space<vmem>>) dst(%dma_wait3A_1615 : memref<128xf32, #tpu.memory_space<vmem_shared>>)
    %dma_wait3A_1616 = arith.constant 0 : i32
    %dma_wait3A_1617 = arith.constant 0 : i32
    %dma_wait3A_1618 = tpu.memref_slice %arg17[%dma_wait3A_1617] : memref<8192xf32, #tpu.memory_space<vmem>> -> memref<128xf32, #tpu.memory_space<vmem>>
    %dma_wait3A_1619 = arith.constant 0 : i32
    %dma_wait3A_1620 = tpu.memref_slice %arg18[%dma_wait3A_1616, %dma_wait3A_1619] : memref<16x128xi32, #tpu.memory_space<vmem>> -> memref<1x128xi32, #tpu.memory_space<vmem>>
    %dma_wait3A_1621 = tpu.memref_squeeze %dma_wait3A_1620 : memref<1x128xi32, #tpu.memory_space<vmem>> -> memref<128xi32, #tpu.memory_space<vmem>>
    %dma_wait3A_1622 = tpu.memref_slice %arg19[%mul3A_4] : memref<8192xf32, #tpu.memory_space<vmem_shared>> -> memref<128xf32, #tpu.memory_space<vmem_shared>>
    %dma_wait3A_1623 = arith.constant 0 : i32
    %dma_wait3A_1624 = tpu.memref_slice %dma_wait3A_1622[%dma_wait3A_1623] : memref<128xf32, #tpu.memory_space<vmem_shared>> -> memref<128xf32, #tpu.memory_space<vmem_shared>>
    tpu.wait_indirect_dma semaphore(%arg27 : memref<!tpu.dma_semaphore, #tpu.memory_space<semaphore_mem>>) src(%dma_wait3A_1618 : memref<128xf32, #tpu.memory_space<vmem>>) dst(%dma_wait3A_1624 : memref<128xf32, #tpu.memory_space<vmem_shared>>)
    %dma_wait3A_1625 = arith.constant 0 : i32
    %dma_wait3A_1626 = arith.constant 0 : i32
    %dma_wait3A_1627 = tpu.memref_slice %arg17[%dma_wait3A_1626] : memref<8192xf32, #tpu.memory_space<vmem>> -> memref<128xf32, #tpu.memory_space<vmem>>
    %dma_wait3A_1628 = arith.constant 0 : i32
    %dma_wait3A_1629 = tpu.memref_slice %arg18[%dma_wait3A_1625, %dma_wait3A_1628] : memref<16x128xi32, #tpu.memory_space<vmem>> -> memref<1x128xi32, #tpu.memory_space<vmem>>
    %dma_wait3A_1630 = tpu.memref_squeeze %dma_wait3A_1629 : memref<1x128xi32, #tpu.memory_space<vmem>> -> memref<128xi32, #tpu.memory_space<vmem>>
    %dma_wait3A_1631 = tpu.memref_slice %arg19[%mul3A_4] : memref<8192xf32, #tpu.memory_space<vmem_shared>> -> memref<128xf32, #tpu.memory_space<vmem_shared>>
    %dma_wait3A_1632 = arith.constant 0 : i32
    %dma_wait3A_1633 = tpu.memref_slice %dma_wait3A_1631[%dma_wait3A_1632] : memref<128xf32, #tpu.memory_space<vmem_shared>> -> memref<128xf32, #tpu.memory_space<vmem_shared>>
    tpu.wait_indirect_dma semaphore(%arg27 : memref<!tpu.dma_semaphore, #tpu.memory_space<semaphore_mem>>) src(%dma_wait3A_1627 : memref<128xf32, #tpu.memory_space<vmem>>) dst(%dma_wait3A_1633 : memref<128xf32, #tpu.memory_space<vmem_shared>>)
    %dma_wait3A_1634 = arith.constant 0 : i32
    %dma_wait3A_1635 = arith.constant 0 : i32
    %dma_wait3A_1636 = tpu.memref_slice %arg17[%dma_wait3A_1635] : memref<8192xf32, #tpu.memory_space<vmem>> -> memref<128xf32, #tpu.memory_space<vmem>>
    %dma_wait3A_1637 = arith.constant 0 : i32
    %dma_wait3A_1638 = tpu.memref_slice %arg18[%dma_wait3A_1634, %dma_wait3A_1637] : memref<16x128xi32, #tpu.memory_space<vmem>> -> memref<1x128xi32, #tpu.memory_space<vmem>>
    %dma_wait3A_1639 = tpu.memref_squeeze %dma_wait3A_1638 : memref<1x128xi32, #tpu.memory_space<vmem>> -> memref<128xi32, #tpu.memory_space<vmem>>
    %dma_wait3A_1640 = tpu.memref_slice %arg19[%mul3A_4] : memref<8192xf32, #tpu.memory_space<vmem_shared>> -> memref<128xf32, #tpu.memory_space<vmem_shared>>
    %dma_wait3A_1641 = arith.constant 0 : i32
    %dma_wait3A_1642 = tpu.memref_slice %dma_wait3A_1640[%dma_wait3A_1641] : memref<128xf32, #tpu.memory_space<vmem_shared>> -> memref<128xf32, #tpu.memory_space<vmem_shared>>
    tpu.wait_indirect_dma semaphore(%arg27 : memref<!tpu.dma_semaphore, #tpu.memory_space<semaphore_mem>>) src(%dma_wait3A_1636 : memref<128xf32, #tpu.memory_space<vmem>>) dst(%dma_wait3A_1642 : memref<128xf32, #tpu.memory_space<vmem_shared>>)
    %dma_wait3A_1643 = arith.constant 0 : i32
    %dma_wait3A_1644 = arith.constant 0 : i32
    %dma_wait3A_1645 = tpu.memref_slice %arg17[%dma_wait3A_1644] : memref<8192xf32, #tpu.memory_space<vmem>> -> memref<128xf32, #tpu.memory_space<vmem>>
    %dma_wait3A_1646 = arith.constant 0 : i32
    %dma_wait3A_1647 = tpu.memref_slice %arg18[%dma_wait3A_1643, %dma_wait3A_1646] : memref<16x128xi32, #tpu.memory_space<vmem>> -> memref<1x128xi32, #tpu.memory_space<vmem>>
    %dma_wait3A_1648 = tpu.memref_squeeze %dma_wait3A_1647 : memref<1x128xi32, #tpu.memory_space<vmem>> -> memref<128xi32, #tpu.memory_space<vmem>>
    %dma_wait3A_1649 = tpu.memref_slice %arg19[%mul3A_4] : memref<8192xf32, #tpu.memory_space<vmem_shared>> -> memref<128xf32, #tpu.memory_space<vmem_shared>>
    %dma_wait3A_1650 = arith.constant 0 : i32
    %dma_wait3A_1651 = tpu.memref_slice %dma_wait3A_1649[%dma_wait3A_1650] : memref<128xf32, #tpu.memory_space<vmem_shared>> -> memref<128xf32, #tpu.memory_space<vmem_shared>>
    tpu.wait_indirect_dma semaphore(%arg27 : memref<!tpu.dma_semaphore, #tpu.memory_space<semaphore_mem>>) src(%dma_wait3A_1645 : memref<128xf32, #tpu.memory_space<vmem>>) dst(%dma_wait3A_1651 : memref<128xf32, #tpu.memory_space<vmem_shared>>)
    %dma_wait3A_1652 = arith.constant 0 : i32
    %dma_wait3A_1653 = arith.constant 0 : i32
    %dma_wait3A_1654 = tpu.memref_slice %arg17[%dma_wait3A_1653] : memref<8192xf32, #tpu.memory_space<vmem>> -> memref<128xf32, #tpu.memory_space<vmem>>
    %dma_wait3A_1655 = arith.constant 0 : i32
    %dma_wait3A_1656 = tpu.memref_slice %arg18[%dma_wait3A_1652, %dma_wait3A_1655] : memref<16x128xi32, #tpu.memory_space<vmem>> -> memref<1x128xi32, #tpu.memory_space<vmem>>
    %dma_wait3A_1657 = tpu.memref_squeeze %dma_wait3A_1656 : memref<1x128xi32, #tpu.memory_space<vmem>> -> memref<128xi32, #tpu.memory_space<vmem>>
    %dma_wait3A_1658 = tpu.memref_slice %arg19[%mul3A_4] : memref<8192xf32, #tpu.memory_space<vmem_shared>> -> memref<128xf32, #tpu.memory_space<vmem_shared>>
    %dma_wait3A_1659 = arith.constant 0 : i32
    %dma_wait3A_1660 = tpu.memref_slice %dma_wait3A_1658[%dma_wait3A_1659] : memref<128xf32, #tpu.memory_space<vmem_shared>> -> memref<128xf32, #tpu.memory_space<vmem_shared>>
    tpu.wait_indirect_dma semaphore(%arg27 : memref<!tpu.dma_semaphore, #tpu.memory_space<semaphore_mem>>) src(%dma_wait3A_1654 : memref<128xf32, #tpu.memory_space<vmem>>) dst(%dma_wait3A_1660 : memref<128xf32, #tpu.memory_space<vmem_shared>>)
    %dma_wait3A_1661 = arith.constant 0 : i32
    %dma_wait3A_1662 = arith.constant 0 : i32
    %dma_wait3A_1663 = tpu.memref_slice %arg17[%dma_wait3A_1662] : memref<8192xf32, #tpu.memory_space<vmem>> -> memref<128xf32, #tpu.memory_space<vmem>>
    %dma_wait3A_1664 = arith.constant 0 : i32
    %dma_wait3A_1665 = tpu.memref_slice %arg18[%dma_wait3A_1661, %dma_wait3A_1664] : memref<16x128xi32, #tpu.memory_space<vmem>> -> memref<1x128xi32, #tpu.memory_space<vmem>>
    %dma_wait3A_1666 = tpu.memref_squeeze %dma_wait3A_1665 : memref<1x128xi32, #tpu.memory_space<vmem>> -> memref<128xi32, #tpu.memory_space<vmem>>
    %dma_wait3A_1667 = tpu.memref_slice %arg19[%mul3A_4] : memref<8192xf32, #tpu.memory_space<vmem_shared>> -> memref<128xf32, #tpu.memory_space<vmem_shared>>
    %dma_wait3A_1668 = arith.constant 0 : i32
    %dma_wait3A_1669 = tpu.memref_slice %dma_wait3A_1667[%dma_wait3A_1668] : memref<128xf32, #tpu.memory_space<vmem_shared>> -> memref<128xf32, #tpu.memory_space<vmem_shared>>
    tpu.wait_indirect_dma semaphore(%arg27 : memref<!tpu.dma_semaphore, #tpu.memory_space<semaphore_mem>>) src(%dma_wait3A_1663 : memref<128xf32, #tpu.memory_space<vmem>>) dst(%dma_wait3A_1669 : memref<128xf32, #tpu.memory_space<vmem_shared>>)
    %dma_wait3A_1670 = arith.constant 0 : i32
    %dma_wait3A_1671 = arith.constant 0 : i32
    %dma_wait3A_1672 = tpu.memref_slice %arg17[%dma_wait3A_1671] : memref<8192xf32, #tpu.memory_space<vmem>> -> memref<128xf32, #tpu.memory_space<vmem>>
    %dma_wait3A_1673 = arith.constant 0 : i32
    %dma_wait3A_1674 = tpu.memref_slice %arg18[%dma_wait3A_1670, %dma_wait3A_1673] : memref<16x128xi32, #tpu.memory_space<vmem>> -> memref<1x128xi32, #tpu.memory_space<vmem>>
    %dma_wait3A_1675 = tpu.memref_squeeze %dma_wait3A_1674 : memref<1x128xi32, #tpu.memory_space<vmem>> -> memref<128xi32, #tpu.memory_space<vmem>>
    %dma_wait3A_1676 = tpu.memref_slice %arg19[%mul3A_4] : memref<8192xf32, #tpu.memory_space<vmem_shared>> -> memref<128xf32, #tpu.memory_space<vmem_shared>>
    %dma_wait3A_1677 = arith.constant 0 : i32
    %dma_wait3A_1678 = tpu.memref_slice %dma_wait3A_1676[%dma_wait3A_1677] : memref<128xf32, #tpu.memory_space<vmem_shared>> -> memref<128xf32, #tpu.memory_space<vmem_shared>>
    tpu.wait_indirect_dma semaphore(%arg27 : memref<!tpu.dma_semaphore, #tpu.memory_space<semaphore_mem>>) src(%dma_wait3A_1672 : memref<128xf32, #tpu.memory_space<vmem>>) dst(%dma_wait3A_1678 : memref<128xf32, #tpu.memory_space<vmem_shared>>)
    %dma_wait3A_1679 = arith.constant 0 : i32
    %dma_wait3A_1680 = arith.constant 0 : i32
    %dma_wait3A_1681 = tpu.memref_slice %arg17[%dma_wait3A_1680] : memref<8192xf32, #tpu.memory_space<vmem>> -> memref<128xf32, #tpu.memory_space<vmem>>
    %dma_wait3A_1682 = arith.constant 0 : i32
    %dma_wait3A_1683 = tpu.memref_slice %arg18[%dma_wait3A_1679, %dma_wait3A_1682] : memref<16x128xi32, #tpu.memory_space<vmem>> -> memref<1x128xi32, #tpu.memory_space<vmem>>
    %dma_wait3A_1684 = tpu.memref_squeeze %dma_wait3A_1683 : memref<1x128xi32, #tpu.memory_space<vmem>> -> memref<128xi32, #tpu.memory_space<vmem>>
    %dma_wait3A_1685 = tpu.memref_slice %arg19[%mul3A_4] : memref<8192xf32, #tpu.memory_space<vmem_shared>> -> memref<128xf32, #tpu.memory_space<vmem_shared>>
    %dma_wait3A_1686 = arith.constant 0 : i32
    %dma_wait3A_1687 = tpu.memref_slice %dma_wait3A_1685[%dma_wait3A_1686] : memref<128xf32, #tpu.memory_space<vmem_shared>> -> memref<128xf32, #tpu.memory_space<vmem_shared>>
    tpu.wait_indirect_dma semaphore(%arg27 : memref<!tpu.dma_semaphore, #tpu.memory_space<semaphore_mem>>) src(%dma_wait3A_1681 : memref<128xf32, #tpu.memory_space<vmem>>) dst(%dma_wait3A_1687 : memref<128xf32, #tpu.memory_space<vmem_shared>>)
    %dma_wait3A_1688 = arith.constant 0 : i32
    %dma_wait3A_1689 = arith.constant 0 : i32
    %dma_wait3A_1690 = tpu.memref_slice %arg17[%dma_wait3A_1689] : memref<8192xf32, #tpu.memory_space<vmem>> -> memref<128xf32, #tpu.memory_space<vmem>>
    %dma_wait3A_1691 = arith.constant 0 : i32
    %dma_wait3A_1692 = tpu.memref_slice %arg18[%dma_wait3A_1688, %dma_wait3A_1691] : memref<16x128xi32, #tpu.memory_space<vmem>> -> memref<1x128xi32, #tpu.memory_space<vmem>>
    %dma_wait3A_1693 = tpu.memref_squeeze %dma_wait3A_1692 : memref<1x128xi32, #tpu.memory_space<vmem>> -> memref<128xi32, #tpu.memory_space<vmem>>
    %dma_wait3A_1694 = tpu.memref_slice %arg19[%mul3A_4] : memref<8192xf32, #tpu.memory_space<vmem_shared>> -> memref<128xf32, #tpu.memory_space<vmem_shared>>
    %dma_wait3A_1695 = arith.constant 0 : i32
    %dma_wait3A_1696 = tpu.memref_slice %dma_wait3A_1694[%dma_wait3A_1695] : memref<128xf32, #tpu.memory_space<vmem_shared>> -> memref<128xf32, #tpu.memory_space<vmem_shared>>
    tpu.wait_indirect_dma semaphore(%arg27 : memref<!tpu.dma_semaphore, #tpu.memory_space<semaphore_mem>>) src(%dma_wait3A_1690 : memref<128xf32, #tpu.memory_space<vmem>>) dst(%dma_wait3A_1696 : memref<128xf32, #tpu.memory_space<vmem_shared>>)
    %dma_wait3A_1697 = arith.constant 0 : i32
    %dma_wait3A_1698 = arith.constant 0 : i32
    %dma_wait3A_1699 = tpu.memref_slice %arg17[%dma_wait3A_1698] : memref<8192xf32, #tpu.memory_space<vmem>> -> memref<128xf32, #tpu.memory_space<vmem>>
    %dma_wait3A_1700 = arith.constant 0 : i32
    %dma_wait3A_1701 = tpu.memref_slice %arg18[%dma_wait3A_1697, %dma_wait3A_1700] : memref<16x128xi32, #tpu.memory_space<vmem>> -> memref<1x128xi32, #tpu.memory_space<vmem>>
    %dma_wait3A_1702 = tpu.memref_squeeze %dma_wait3A_1701 : memref<1x128xi32, #tpu.memory_space<vmem>> -> memref<128xi32, #tpu.memory_space<vmem>>
    %dma_wait3A_1703 = tpu.memref_slice %arg19[%mul3A_4] : memref<8192xf32, #tpu.memory_space<vmem_shared>> -> memref<128xf32, #tpu.memory_space<vmem_shared>>
    %dma_wait3A_1704 = arith.constant 0 : i32
    %dma_wait3A_1705 = tpu.memref_slice %dma_wait3A_1703[%dma_wait3A_1704] : memref<128xf32, #tpu.memory_space<vmem_shared>> -> memref<128xf32, #tpu.memory_space<vmem_shared>>
    tpu.wait_indirect_dma semaphore(%arg27 : memref<!tpu.dma_semaphore, #tpu.memory_space<semaphore_mem>>) src(%dma_wait3A_1699 : memref<128xf32, #tpu.memory_space<vmem>>) dst(%dma_wait3A_1705 : memref<128xf32, #tpu.memory_space<vmem_shared>>)
    %dma_wait3A_1706 = arith.constant 0 : i32
    %dma_wait3A_1707 = arith.constant 0 : i32
    %dma_wait3A_1708 = tpu.memref_slice %arg17[%dma_wait3A_1707] : memref<8192xf32, #tpu.memory_space<vmem>> -> memref<128xf32, #tpu.memory_space<vmem>>
    %dma_wait3A_1709 = arith.constant 0 : i32
    %dma_wait3A_1710 = tpu.memref_slice %arg18[%dma_wait3A_1706, %dma_wait3A_1709] : memref<16x128xi32, #tpu.memory_space<vmem>> -> memref<1x128xi32, #tpu.memory_space<vmem>>
    %dma_wait3A_1711 = tpu.memref_squeeze %dma_wait3A_1710 : memref<1x128xi32, #tpu.memory_space<vmem>> -> memref<128xi32, #tpu.memory_space<vmem>>
    %dma_wait3A_1712 = tpu.memref_slice %arg19[%mul3A_4] : memref<8192xf32, #tpu.memory_space<vmem_shared>> -> memref<128xf32, #tpu.memory_space<vmem_shared>>
    %dma_wait3A_1713 = arith.constant 0 : i32
    %dma_wait3A_1714 = tpu.memref_slice %dma_wait3A_1712[%dma_wait3A_1713] : memref<128xf32, #tpu.memory_space<vmem_shared>> -> memref<128xf32, #tpu.memory_space<vmem_shared>>
    tpu.wait_indirect_dma semaphore(%arg27 : memref<!tpu.dma_semaphore, #tpu.memory_space<semaphore_mem>>) src(%dma_wait3A_1708 : memref<128xf32, #tpu.memory_space<vmem>>) dst(%dma_wait3A_1714 : memref<128xf32, #tpu.memory_space<vmem_shared>>)
    %dma_wait3A_1715 = arith.constant 0 : i32
    %dma_wait3A_1716 = arith.constant 0 : i32
    %dma_wait3A_1717 = tpu.memref_slice %arg17[%dma_wait3A_1716] : memref<8192xf32, #tpu.memory_space<vmem>> -> memref<128xf32, #tpu.memory_space<vmem>>
    %dma_wait3A_1718 = arith.constant 0 : i32
    %dma_wait3A_1719 = tpu.memref_slice %arg18[%dma_wait3A_1715, %dma_wait3A_1718] : memref<16x128xi32, #tpu.memory_space<vmem>> -> memref<1x128xi32, #tpu.memory_space<vmem>>
    %dma_wait3A_1720 = tpu.memref_squeeze %dma_wait3A_1719 : memref<1x128xi32, #tpu.memory_space<vmem>> -> memref<128xi32, #tpu.memory_space<vmem>>
    %dma_wait3A_1721 = tpu.memref_slice %arg19[%mul3A_4] : memref<8192xf32, #tpu.memory_space<vmem_shared>> -> memref<128xf32, #tpu.memory_space<vmem_shared>>
    %dma_wait3A_1722 = arith.constant 0 : i32
    %dma_wait3A_1723 = tpu.memref_slice %dma_wait3A_1721[%dma_wait3A_1722] : memref<128xf32, #tpu.memory_space<vmem_shared>> -> memref<128xf32, #tpu.memory_space<vmem_shared>>
    tpu.wait_indirect_dma semaphore(%arg27 : memref<!tpu.dma_semaphore, #tpu.memory_space<semaphore_mem>>) src(%dma_wait3A_1717 : memref<128xf32, #tpu.memory_space<vmem>>) dst(%dma_wait3A_1723 : memref<128xf32, #tpu.memory_space<vmem_shared>>)
    %dma_wait3A_1724 = arith.constant 0 : i32
    %dma_wait3A_1725 = arith.constant 0 : i32
    %dma_wait3A_1726 = tpu.memref_slice %arg17[%dma_wait3A_1725] : memref<8192xf32, #tpu.memory_space<vmem>> -> memref<128xf32, #tpu.memory_space<vmem>>
    %dma_wait3A_1727 = arith.constant 0 : i32
    %dma_wait3A_1728 = tpu.memref_slice %arg18[%dma_wait3A_1724, %dma_wait3A_1727] : memref<16x128xi32, #tpu.memory_space<vmem>> -> memref<1x128xi32, #tpu.memory_space<vmem>>
    %dma_wait3A_1729 = tpu.memref_squeeze %dma_wait3A_1728 : memref<1x128xi32, #tpu.memory_space<vmem>> -> memref<128xi32, #tpu.memory_space<vmem>>
    %dma_wait3A_1730 = tpu.memref_slice %arg19[%mul3A_4] : memref<8192xf32, #tpu.memory_space<vmem_shared>> -> memref<128xf32, #tpu.memory_space<vmem_shared>>
    %dma_wait3A_1731 = arith.constant 0 : i32
    %dma_wait3A_1732 = tpu.memref_slice %dma_wait3A_1730[%dma_wait3A_1731] : memref<128xf32, #tpu.memory_space<vmem_shared>> -> memref<128xf32, #tpu.memory_space<vmem_shared>>
    tpu.wait_indirect_dma semaphore(%arg27 : memref<!tpu.dma_semaphore, #tpu.memory_space<semaphore_mem>>) src(%dma_wait3A_1726 : memref<128xf32, #tpu.memory_space<vmem>>) dst(%dma_wait3A_1732 : memref<128xf32, #tpu.memory_space<vmem_shared>>)
    %dma_wait3A_1733 = arith.constant 0 : i32
    %dma_wait3A_1734 = arith.constant 0 : i32
    %dma_wait3A_1735 = tpu.memref_slice %arg17[%dma_wait3A_1734] : memref<8192xf32, #tpu.memory_space<vmem>> -> memref<128xf32, #tpu.memory_space<vmem>>
    %dma_wait3A_1736 = arith.constant 0 : i32
    %dma_wait3A_1737 = tpu.memref_slice %arg18[%dma_wait3A_1733, %dma_wait3A_1736] : memref<16x128xi32, #tpu.memory_space<vmem>> -> memref<1x128xi32, #tpu.memory_space<vmem>>
    %dma_wait3A_1738 = tpu.memref_squeeze %dma_wait3A_1737 : memref<1x128xi32, #tpu.memory_space<vmem>> -> memref<128xi32, #tpu.memory_space<vmem>>
    %dma_wait3A_1739 = tpu.memref_slice %arg19[%mul3A_4] : memref<8192xf32, #tpu.memory_space<vmem_shared>> -> memref<128xf32, #tpu.memory_space<vmem_shared>>
    %dma_wait3A_1740 = arith.constant 0 : i32
    %dma_wait3A_1741 = tpu.memref_slice %dma_wait3A_1739[%dma_wait3A_1740] : memref<128xf32, #tpu.memory_space<vmem_shared>> -> memref<128xf32, #tpu.memory_space<vmem_shared>>
    tpu.wait_indirect_dma semaphore(%arg27 : memref<!tpu.dma_semaphore, #tpu.memory_space<semaphore_mem>>) src(%dma_wait3A_1735 : memref<128xf32, #tpu.memory_space<vmem>>) dst(%dma_wait3A_1741 : memref<128xf32, #tpu.memory_space<vmem_shared>>)
    %dma_wait3A_1742 = arith.constant 0 : i32
    %dma_wait3A_1743 = arith.constant 0 : i32
    %dma_wait3A_1744 = tpu.memref_slice %arg17[%dma_wait3A_1743] : memref<8192xf32, #tpu.memory_space<vmem>> -> memref<128xf32, #tpu.memory_space<vmem>>
    %dma_wait3A_1745 = arith.constant 0 : i32
    %dma_wait3A_1746 = tpu.memref_slice %arg18[%dma_wait3A_1742, %dma_wait3A_1745] : memref<16x128xi32, #tpu.memory_space<vmem>> -> memref<1x128xi32, #tpu.memory_space<vmem>>
    %dma_wait3A_1747 = tpu.memref_squeeze %dma_wait3A_1746 : memref<1x128xi32, #tpu.memory_space<vmem>> -> memref<128xi32, #tpu.memory_space<vmem>>
    %dma_wait3A_1748 = tpu.memref_slice %arg19[%mul3A_4] : memref<8192xf32, #tpu.memory_space<vmem_shared>> -> memref<128xf32, #tpu.memory_space<vmem_shared>>
    %dma_wait3A_1749 = arith.constant 0 : i32
    %dma_wait3A_1750 = tpu.memref_slice %dma_wait3A_1748[%dma_wait3A_1749] : memref<128xf32, #tpu.memory_space<vmem_shared>> -> memref<128xf32, #tpu.memory_space<vmem_shared>>
    tpu.wait_indirect_dma semaphore(%arg27 : memref<!tpu.dma_semaphore, #tpu.memory_space<semaphore_mem>>) src(%dma_wait3A_1744 : memref<128xf32, #tpu.memory_space<vmem>>) dst(%dma_wait3A_1750 : memref<128xf32, #tpu.memory_space<vmem_shared>>)
    "tpu.region"() ({
      %run_scoped3A = tpu.sem_alloc : memref<!tpu.dma_semaphore, #tpu.memory_space<semaphore_mem>>
      %dma_start3A_1751 = tpu.memref_slice %arg7[%mul3A_2] : memref<16384xf32, #tpu.memory_space<hbm>> -> memref<512xf32, #tpu.memory_space<hbm>>
      %dma_start3A_1752 = tpu.memref_slice %arg19[%mul3A_4] : memref<8192xf32, #tpu.memory_space<vmem_shared>> -> memref<512xf32, #tpu.memory_space<vmem_shared>>
      tpu.enqueue_dma source(%dma_start3A_1752 : memref<512xf32, #tpu.memory_space<vmem_shared>>) target(%dma_start3A_1751 : memref<512xf32, #tpu.memory_space<hbm>>) target_semaphore(%run_scoped3A : memref<!tpu.dma_semaphore, #tpu.memory_space<semaphore_mem>>)
      %dma_wait3A_1753 = tpu.memref_slice %arg7[%mul3A_2] : memref<16384xf32, #tpu.memory_space<hbm>> -> memref<512xf32, #tpu.memory_space<hbm>>
      %dma_wait3A_1754 = tpu.memref_slice %arg19[%mul3A_4] : memref<8192xf32, #tpu.memory_space<vmem_shared>> -> memref<512xf32, #tpu.memory_space<vmem_shared>>
      tpu.wait_dma2 semaphore(%run_scoped3A : memref<!tpu.dma_semaphore, #tpu.memory_space<semaphore_mem>>) src(%dma_wait3A_1754 : memref<512xf32, #tpu.memory_space<vmem_shared>>) dst(%dma_wait3A_1753 : memref<512xf32, #tpu.memory_space<hbm>>)
      tpu.yield
    }) : () -> ()
    return
  }
}

</mosaic_0001>

<sc_bundles>
// kernel: kernel.3.cloned.1.call-start
scs
__scs_entry_jumppad:
0x0: {  	(pc) =	sbr.rel $0x88, $3  }
0x1: {  	(tag) =	ssettag $0x0;
	lr =	simm.s32 $0x1  }
0x2: {  	[smem:$0x3F9C] =	sst lr;
	_ =	strace $0xD0000000  }
0x3: {  	_ = 	snop  }
0x4: {  	_ = 	snop  }
0x5: {  	_ = 	snop  }
0x6: {  	_ = 	snop  }
0x7: {  	_ = 	snop  }
__scs_overlays_trampoline_lowered:
0x8: {  	[smem:$0x3FAB] =	sst s0  }
0x9: {  	[smem:$0x3FAC] =	sst s1  }
0xa: {  	[smem:$0x3FAD] =	sst s2  }
0xb: {  	[smem:$0x3FAE] =	sst s3  }
0xc: {  	[smem:$0x3FAF] =	sst s4  }
0xd: {  	[smem:$0x3FB0] =	sst s5  }
0xe: {  	[smem:$0x3FB1] =	sst s6  }
0xf: {  	[smem:$0x3FB2] =	sst s7  }
0x10: {  	[smem:$0x3FB3] =	sst s8  }
0x11: {  	[smem:$0x3FB4] =	sst s9;
	s0 =	simm.s32 @!p0 $0x0  }
0x12: {  	s1 =	sld [smem:$0x3F9A];
	s0 =	simm.s32 @p0 $0x1  }
0x13: {  	[smem:$0x3FB5] =	sst s0;
	s0 =	simm.s32 @!p1 $0x0  }
0x14: {  	s2 =	sld [smem:$0x3F99];
	s0 =	simm.s32 @p1 $0x1  }
0x15: {  	[smem:$0x3FB6] =	sst s0;
	s0 =	simm.s32 @!p2 $0x0  }
0x16: {  	s3 =	sld [smem:$0x3FDB];
	s0 =	simm.s32 @p2 $0x1  }
0x17: {  	s4 =	simm.s32 $0x1BF5;
	[smem:$0x3FB8] =	sst s0  }
0x18: {  	s0 =	sld [smem:$0x3F9B];
	_ =	swait.ge [sflag:s4], $0x0  }
0x19: {  	s7 =	sld [smem:$0x3F9C]  }
0x1a: {  	s8 =	sadd.s32 $0xFFFFE003, lr  }
0x1b: {  	s9 =	sadd.s32 $0xFFFFFEF7, lr;
	s5 =	simm.s32 $0xFFFFFFFF;
	p2 =	slt.u32 s8, $0xFFFFF086  }
0x1c: {  	p1 =	slt.u32 s9, $0xF7A;
	s5 =	simm.s32 @!p2 $0x0  }
0x1d: {  	s5 =	simm.s32 @p1 $0x1;
	p0 =	seq.s32 s7, s2  }
0x1e: {  	s7 =	smul.u32 @!p0 $0xF7A, s2;
	p2 =	seq.s32 @!p0 s5, $0x0  }
0x1f: {  	s9 =	smul.u32 $0xF7A, s1;
	s8 =	simm.s32 @!p0 $0x1BF5;
	p2 =	por !p2, p0  }
0x20: {  	[sflag:s8] =	ssyncset.s32 @!p0 $0xFFFFF086;
	s6 =	sadd.s32 @!p0 s3, s7;
	s7 =	simm.s32 @!p0 $0x108  }
0x21: {  	s3 =	sadd.s32 s3, s9;
	s6 =	sadd.s32 @!p0 $0x88, s6;
	s7 =	simm.s32 @p2 $0x1082  }
0x22: {  	[simem:s7], [sflag:s8] =	dma.local @!p0 [hbm:s6], $0xF7A  }
0x23: {  	s9 =	sor.u32 $0xD0000000, s2;
	s6 =	simm.s32 $0x108;
	_ =	swait.ge @!p0 [sflag:s8], $0x0  }
0x24: {  	s3 =	sadd.s32 $0x88, s3;
	s6 =	simm.s32 @!p1 $0x1082;
	[sflag:s4] =	ssyncset.s32 $0xFFFFF086  }
0x25: {  	[simem:s6], [sflag:s4] =	dma.local [hbm:s3], $0xF7A  }
0x26: {  	[smem:$0x3F9C] =	sst s1;
	(tag) =	ssettag s2;
	_ =	strace s9  }
0x27: {  	s1 =	sld [smem:$0x3FAC]  }
0x28: {  	s2 =	sld [smem:$0x3FAD]  }
0x29: {  	s4 =	sld [smem:$0x3FAF]  }
0x2a: {  	p0 =	seq.s32 s5, $0x0;
	s5 =	sld [smem:$0x3FB0]  }
0x2b: {  	s6 =	sld [smem:$0x3FB1]  }
0x2c: {  	s7 =	sld [smem:$0x3FB2]  }
0x2d: {  	s3 =	simm.s32 $0x108;
	s8 =	sld [smem:$0x3FB3]  }
0x2e: {  	s3 =	simm.s32 @!p0 $0x1082;
	s9 =	sld [smem:$0x3FB4]  }
0x2f: {  	lr =	sadd.s32 s0, s3;
	s0 =	sld [smem:$0x3FAB]  }
0x30: {  	s3 =	sld [smem:$0x3FAE]  }
0x31: {  	[smem:$0x3FB7] =	sst s10  }
0x32: {  	s10 =	sld [smem:$0x3FB5];
	_ =	sdelay $0x3  }
0x33: {  	p0 =	seq.s32 s10, $0x1;
	s10 =	sld [smem:$0x3FB7];
	_ =	sdelay $0x3  }
0x34: {  	[smem:$0x3FB7] =	sst s10  }
0x35: {  	s10 =	sld [smem:$0x3FB6];
	_ =	sdelay $0x3  }
0x36: {  	p1 =	seq.s32 s10, $0x1;
	s10 =	sld [smem:$0x3FB7];
	_ =	sdelay $0x3  }
0x37: {  	[smem:$0x3FB7] =	sst s10  }
0x38: {  	s10 =	sld [smem:$0x3FB8]  }
0x39: {  	_ = 	snop;
	(pc) =	sbr.ind lr, $3  }
0x3a: {  	_ = 	snop  }
0x3b: {  	_ = 	snop  }
0x3c: {  	p2 =	seq.s32 s10, $0x1;
	s10 =	sld [smem:$0x3FB7]  }
0x3d: {  	_ =	shalt  }
0x3e: {  	_ =	shalt  }
0x3f: {  	_ =	shalt  }
0x40: {  	_ =	shalt  }
0x41: {  	_ =	shalt  }
0x42: {  	_ =	shalt  }
0x43: {  	_ =	shalt  }
0x44: {  	_ =	shalt  }
0x45: {  	_ =	shalt  }
0x46: {  	_ =	shalt  }
0x47: {  	_ =	shalt  }
0x48: {  	_ =	shalt  }
0x49: {  	_ =	shalt  }
0x4a: {  	_ =	shalt  }
0x4b: {  	_ =	shalt  }
0x4c: {  	_ =	shalt  }
0x4d: {  	_ =	shalt  }
0x4e: {  	_ =	shalt  }
0x4f: {  	_ =	shalt  }
0x50: {  	_ =	shalt  }
0x51: {  	_ =	shalt  }
0x52: {  	_ =	shalt  }
0x53: {  	_ =	shalt  }
0x54: {  	_ =	shalt  }
0x55: {  	_ =	shalt  }
0x56: {  	_ =	shalt  }
0x57: {  	_ =	shalt  }
0x58: {  	_ =	shalt  }
0x59: {  	_ =	shalt  }
0x5a: {  	_ =	shalt  }
0x5b: {  	_ =	shalt  }
0x5c: {  	_ =	shalt  }
0x5d: {  	_ =	shalt  }
0x5e: {  	_ =	shalt  }
0x5f: {  	_ =	shalt  }
0x60: {  	_ =	shalt  }
0x61: {  	_ =	shalt  }
0x62: {  	_ =	shalt  }
0x63: {  	_ =	shalt  }
0x64: {  	_ =	shalt  }
0x65: {  	_ =	shalt  }
0x66: {  	_ =	shalt  }
0x67: {  	_ =	shalt  }
0x68: {  	_ =	shalt  }
0x69: {  	_ =	shalt  }
0x6a: {  	_ =	shalt  }
0x6b: {  	_ =	shalt  }
0x6c: {  	_ =	shalt  }
0x6d: {  	_ =	shalt  }
0x6e: {  	_ =	shalt  }
0x6f: {  	_ =	shalt  }
0x70: {  	_ =	shalt  }
0x71: {  	_ =	shalt  }
0x72: {  	_ =	shalt  }
0x73: {  	_ =	shalt  }
0x74: {  	_ =	shalt  }
0x75: {  	_ =	shalt  }
0x76: {  	_ =	shalt  }
0x77: {  	_ =	shalt  }
0x78: {  	_ =	shalt  }
0x79: {  	_ =	shalt  }
0x7a: {  	_ =	shalt  }
0x7b: {  	_ =	shalt  }
0x7c: {  	_ =	shalt  }
0x7d: {  	_ =	shalt  }
0x7e: {  	_ =	shalt  }
0x7f: {  	_ =	shalt  }
0x80: {  	_ =	shalt  }
0x81: {  	_ =	shalt  }
0x82: {  	_ =	shalt  }
0x83: {  	_ =	shalt  }
0x84: {  	_ =	shalt  }
0x85: {  	_ =	shalt  }
0x86: {  	_ =	shalt  }
0x87: {  	_ =	shalt  }
.Lfunc_end0:
.L_simem_size_0:
called_computation_lowered:
.L_overlay_start_0:
0x88: {  	s2 =	sld [smem:$0x3FD9]  }
0x89: {  	s3 =	sld [smem:$0x3FFE];
	_ =	sdelay $0x1  }
0x8a: {  	s1 =	srdreg.scid  }
0x8b: {  	s0 =	sand.u32 $0x1, s1  }
0x8c: {  	s18 =	sshll.u32 s0, $0xA;
	s2 =	sadd.s32 s3, s2  }
0x8d: {  	s2 =	sadd.s32 s2, s18  }
0x8e: {  	[smem:$0x3FC3] =	sst s2  }
0x8f: {  	_ = 	snop  }
0x90: {  	s2 =	sld [smem:$0x3FC9]  }
0x91: {  	s19 =	sld [smem:$0x3FC8]  }
0x92: {  	s4 =	sld [smem:$0x3FC7]  }
0x93: {  	s5 =	sld [smem:$0x3FC6]  }
0x94: {  	s6 =	sld [smem:$0x3FC5]  }
0x95: {  	s7 =	sld [smem:$0x3FD0];
	(tm) =	ssettm $0x1  }
0x96: {  	s8 =	sld [smem:$0x3FFB];
	_ =	sdelay $0x3  }
0x97: {  	_ =	strace s8  }
0x98: {  	s8 =	sld [smem:$0x3FFC];
	_ =	sdelay $0x3  }
0x99: {  	_ =	strace s8  }
0x9a: {  	s8 =	sld [smem:$0x3FFD];
	_ =	sdelay $0x3  }
0x9b: {  	_ =	strace s8  }
0x9c: {  	_ =	strace $0x8FFFFFFF  }
0x9d: {  	s20 =	sld [smem:$0x3FDB];
	_ =	sdelay $0x1  }
0x9e: {  	s9 =	simm.s32 $_scs_section_size  }
0x9f: {  	s10 =	simm.s32 $_size__tile_overlayer_lowered;
	s11 =	simm.s32 $_tile_overlayer_lowered  }
0xa0: {  	s23 =	simm.s32 $0x1BFF;
	s22 =	sshll.u32 s11, $0x1;
	s8 =	sadd.s32 s9, s20  }
0xa1: {  	s12 =	simm.s32 $0x0;
	s21 =	sshll.u32 s10, $0x1;
	s10 =	sadd.s32 s22, s8  }
0xa2: {  	[timem:s12], [sflag:s23] =	dma.local [hbm:s10], s21  }
0xa3: {  	_ =	swait.ge [sflag:s23], s21  }
0xa4: {  	s9 =	ssub.s32 $0x0, s21;
	[sflag:s23] =	ssyncset.done $0x0  }
0xa5: {  	[sflag:s23] =	ssyncadd.s32 s9;
	_ =	sdelay $0x1  }
0xa6: {  	s24 =	simm.s32 $0x1B8B  }
0xa7: {  	_ =	swait.ge [sflag:s24], $0x1  }
0xa8: {  	[sflag:s24] =	ssyncset.done $0x0  }
0xa9: {  	s25 =	simm.s32 $0x1B8E;
	[sflag:s24] =	ssyncadd.s32 $0xFFFFFFFF  }
0xaa: {  	s26 =	simm.s32 $execute0_lowered;
	[smem:$0x3FD2] =	sst s25  }
0xab: {  	s9 =	sshll.u32 s26, $0x1;
	_ =	strace $0x80000046;
	[dreg:$0x1] =	wrdreg $0xFFFFFFFF  }
0xac: {  	s28 =	simm.s32 $_size_execute0_lowered;
	s8 =	sadd.s32 s8, s9;
	[dreg:$0x0] =	wrdreg $0x0  }
0xad: {  	s9 =	sshll.u32 s28, $0x1;
	[dreg:$0x2] =	wrdreg s8  }
0xae: {  	[dreg:$0x3] =	wrdreg s9  }
0xaf: {  	[dreg:$0x4] =	wrdreg $0xC0  }
0xb0: {  	_ =	task [dreg:s12], $0x5FFFF  }
0xb1: {  	[dreg:$0x1] =	wrdreg $0xFFFFFFFF  }
0xb2: {  	[dreg:$0x0] =	wrdreg $0x60  }
0xb3: {  	[dreg:$0x2] =	wrdreg s2  }
0xb4: {  	[dreg:$0x3] =	wrdreg s19  }
0xb5: {  	[dreg:$0x4] =	wrdreg s4  }
0xb6: {  	[dreg:$0x5] =	wrdreg s5  }
0xb7: {  	[dreg:$0x6] =	wrdreg s6  }
0xb8: {  	[dreg:$0x7] =	wrdreg s7  }
0xb9: {  	[dreg:$0x8] =	wrdreg $0x1AE000  }
0xba: {  	[dreg:$0x9] =	wrdreg $0x9  }
0xbb: {  	_ =	task.clear_ibuf [dreg:s12], $0xAFFFF;
	_ =	strace $0x90000046  }
0xbc: {  	s29 =	simm.s32 $0x9;
	_ =	strace $0x80000048  }
0xbd: {  	_ =	swait.ge [sflag:s29], $0x1  }
0xbe: {  	[sflag:s29] =	ssyncadd.s32 $0xFFFFFFFF  }
0xbf: {  	_ =	strace $0x90000048  }
0xc0: {  	_ =	sfence  }
0xc1: {  	s30 =	sld [smem:$0x0];
	_ =	sdelay $0x2  }
0xc2: {  	s31 =	sshll.u32 s1, $0xD;
	s1 =	sshrl.u32 s1, $0x2  }
0xc3: {  	s3 =	sand.u32 $0x4000, s31;
	s1 =	sadd.s32 s1, s30  }
0xc4: {  	s0 =	sor.u32 s3, s0;
	s1 =	sshll.u32 s1, $0x11  }
0xc5: {  	s0 =	sor.u32 s1, s0  }
0xc6: {  	s0 =	sadd.s32 $0x8F2B, s0  }
0xc7: {  	[sflag:s0] =	ssyncadd.remote.s32 $0x1  }
0xc8: {  	_ =	sfence.sel $0xFFFF  }
0xc9: {  	[dreg:$0x0] =	wrdreg $0xFFFFFFFF;
	(pc) =	sbr.abs _section_cstart, $3  }
0xca: {  	[dreg:$0x1] =	wrdreg $0xFFFFFFFF  }
0xcb: {  	_ =	task.clear_ibuf [dreg:s12], $0x2FFFF;
	_ =	strace $0x9FFFFFFF  }
0xcc: {  	(tm) =	ssettm $0x7FFFFFFF  }
0xcd: {  	_ =	shalt  }
tec
execute0_lowered:
.L_overlay_start_1:
0x0: {  	(tag) =	ssettag $0x1  }
0x1: {  	s1 =	rddreg [dreg:$0x0]  }
0x2: {  	s2 =	rddreg [dreg:$0x1]  }
0x3: {  	s3 =	rddreg [dreg:$0x2]  }
0x4: {  	s0 =	rddreg [dreg:$0x3]  }
0x5: {  	s30 =	rddreg [dreg:$0x4]  }
0x6: {  	s4 =	rddreg [dreg:$0x5]  }
0x7: {  	s5 =	rddreg [dreg:$0x6];
	s6 =	srdreg.scid  }
0x8: {  	s7 =	simm.s32 $0x0;
	s10 =	stileid.u32;
	s11 =	simm.s32 $0x8  }
0x9: {  	s15 =	simm.s32 $0x80;
	s22 =	simm.s32 $0x1;
	s23 =	simm.s32 $0x2  }
0xa: {  	s18 =	simm.s32 $0x1AB00;
	s12 =	simm.s32 $0x1AC00;
	s13 =	simm.s32 $0x1AC80  }
0xb: {  	s6 =	sand.u32 $0x1, s6;
	[smem:$0x7FF] =	sst s7;
	s9 =	sshll.u32 s10, $0x7  }
0xc: {  	s26 =	sshll.u32 s10, $0x9;
	s10 =	simm.s32 $0x6;
	s24 =	ssub.s32 $0x2, s6  }
0xd: {  	s6 =	sshll.u32 s6, $0x6;
	_ =	strace $0x80000047;
	s8 =	sshrl.u32 s24, $0x1  }
0xe: {  	s6 =	sor.u32 s6, s9;
	s9 =	simm.s32 $0x5;
	s7 =	ssub.s32 s24, s8  }
0xf: {  	s1 =	sadd.s32 s1, s6;
	s25 =	sadd.s32 s2, s6;
	s28 =	sadd.s32 s3, s6  }
0x10: {  	s8 =	sadd.s32 s26, s5;
	s29 =	sadd.s32 s4, s6;
	[dreg:$0x8] =	wrdreg s1  }
0x11: {  	s24 =	simm.s32 $0x3;
	s4 =	simm.s32 $0x1AB80;
	[dreg:$0x9] =	wrdreg s25  }
0x12: {  	s5 =	simm.s32 $0x1AD00;
	s6 =	simm.s32 $0x1AD80;
	[dreg:$0xa] =	wrdreg s28  }
0x13: {  	s3 =	simm.s32 $0x7;
	[dreg:$0xb] =	wrdreg s29;
	s31 =	smax.u32 s7, $0x1  }
0x14: {  	s2 =	simm.s32 $0x0;
	s7 =	simm.s32 $0x4;
	[dreg:$0xc] =	wrdreg s31  }
.LBB2_1:
0x15: {  	[dreg:$0xd] =	wrdreg s2  }
0x16: {  	s1 =	simm.s32 $0x0;
	s20 =	rddreg [dreg:$0x8]  }
0x17: {  	[tilespmem:s1], [sflag:$0x8] =	stream.linear.gather [hbm4b:s20+s1], $0x200, $0x38;
	[tilespmem:$0x1B200] =	vst v63  }
0x18: {  	_ =	swait.ge [sflag:s11], $0x200  }
0x19: {  	[sflag:s11] =	ssyncset.done $0x0  }
0x1a: {  	s14 =	simm.s32 $0x200;
	s21 =	rddreg [dreg:$0x9];
	[sflag:s11] =	ssyncadd.s32 $0xFFFFFE00  }
0x1b: {  	[tilespmem:s14], [sflag:$0x8] =	stream.linear.gather [hbm4b:s21+s1], $0x200, $0x38;
	[tilespmem:$0x1B200] =	vst v63  }
0x1c: {  	_ =	swait.ge [sflag:s11], $0x200  }
0x1d: {  	[sflag:s11] =	ssyncset.done $0x0  }
0x1e: {  	s16 =	simm.s32 $0x400;
	s25 =	rddreg [dreg:$0xa];
	[sflag:s11] =	ssyncadd.s32 $0xFFFFFE00  }
0x1f: {  	[tilespmem:s16], [sflag:$0x8] =	stream.linear.gather [hbm4b:s25+s1], $0x200, $0x38;
	[tilespmem:$0x1B200] =	vst v63  }
0x20: {  	_ =	swait.ge [sflag:s11], $0x200  }
0x21: {  	[sflag:s11] =	ssyncset.done $0x0  }
0x22: {  	v0 =	vimm.f32 $0.0e+00;
	[sflag:s11] =	ssyncadd.s32 $0xFFFFFE00  }
0x23: {  	[tilespmem:$0x1B000] =	vst v0  }
0x24: {  	[tilespmem:$0x1B010] =	vst v0  }
0x25: {  	[tilespmem:$0x1B020] =	vst v0  }
0x26: {  	[tilespmem:$0x1B030] =	vst v0  }
0x27: {  	[tilespmem:$0x1B040] =	vst v0  }
0x28: {  	[tilespmem:$0x1B050] =	vst v0  }
0x29: {  	[tilespmem:$0x1B060] =	vst v0  }
0x2a: {  	[tilespmem:$0x1B070] =	vst v0  }
0x2b: {  	[tilespmem:$0x1B080] =	vst v0  }
0x2c: {  	[tilespmem:$0x1B090] =	vst v0  }
0x2d: {  	[tilespmem:$0x1B0A0] =	vst v0  }
0x2e: {  	[tilespmem:$0x1B0B0] =	vst v0  }
0x2f: {  	[tilespmem:$0x1B0C0] =	vst v0  }
0x30: {  	[tilespmem:$0x1B0D0] =	vst v0  }
0x31: {  	[tilespmem:$0x1B0E0] =	vst v0  }
0x32: {  	[tilespmem:$0x1B0F0] =	vst v0  }
0x33: {  	[tilespmem:$0x1B100] =	vst v0  }
0x34: {  	[tilespmem:$0x1B110] =	vst v0  }
0x35: {  	[tilespmem:$0x1B120] =	vst v0  }
0x36: {  	[tilespmem:$0x1B130] =	vst v0  }
0x37: {  	[tilespmem:$0x1B140] =	vst v0  }
0x38: {  	[tilespmem:$0x1B150] =	vst v0  }
0x39: {  	[tilespmem:$0x1B160] =	vst v0  }
0x3a: {  	[tilespmem:$0x1B170] =	vst v0  }
0x3b: {  	[tilespmem:$0x1B180] =	vst v0  }
0x3c: {  	[tilespmem:$0x1B190] =	vst v0  }
0x3d: {  	[tilespmem:$0x1B1A0] =	vst v0  }
0x3e: {  	[tilespmem:$0x1B1B0] =	vst v0  }
0x3f: {  	[tilespmem:$0x1B1C0] =	vst v0  }
0x40: {  	[tilespmem:$0x1B1D0] =	vst v0  }
0x41: {  	[tilespmem:$0x1B1E0] =	vst v0  }
0x42: {  	s26 =	simm.s32 $0x1B000;
	[tilespmem:$0x1B1F0] =	vst v0  }
0x43: {  	[spmem:s8] =	stream.linear.scatter [tilespmem:s26], [sflag:$0x8], $0x200, $0x38;
	[tilespmem:$0x1B200] =	vst v63  }
0x44: {  	_ =	swait.ge [sflag:s11], $0x200  }
0x45: {  	[sflag:s11] =	ssyncset.done $0x0  }
0x46: {  	v56 =	vimm.s32 $0x0;
	[sflag:s11] =	ssyncadd.s32 $0xFFFFFE00  }
0x47: {  	v57 =	vimm.s32 $0x1;
	[tilespmem:$0x1A600] =	vst v56  }
0x48: {  	v58 =	vimm.s32 $0x2;
	[tilespmem:$0x1A610] =	vst v57  }
0x49: {  	v59 =	vimm.s32 $0x3;
	[tilespmem:$0x1A620] =	vst v58  }
0x4a: {  	v60 =	vimm.s32 $0x4;
	[tilespmem:$0x1A630] =	vst v59  }
0x4b: {  	v61 =	vimm.s32 $0x5;
	[tilespmem:$0x1A640] =	vst v60  }
0x4c: {  	v62 =	vimm.s32 $0x6;
	[tilespmem:$0x1A650] =	vst v61  }
0x4d: {  	v63 =	vimm.s32 $0x7;
	[tilespmem:$0x1A660] =	vst v62  }
0x4e: {  	v4 =	vimm.s32 $0x8;
	[tilespmem:$0x1A670] =	vst v63  }
0x4f: {  	v5 =	vimm.s32 $0x9;
	[tilespmem:$0x1A680] =	vst v4  }
0x50: {  	v6 =	vimm.s32 $0xA;
	[tilespmem:$0x1A690] =	vst v5  }
0x51: {  	v7 =	vimm.s32 $0xB;
	[tilespmem:$0x1A6A0] =	vst v6  }
0x52: {  	v8 =	vimm.s32 $0xC;
	[tilespmem:$0x1A6B0] =	vst v7  }
0x53: {  	v9 =	vimm.s32 $0xD;
	[tilespmem:$0x1A6C0] =	vst v8  }
0x54: {  	v10 =	vimm.s32 $0xE;
	[tilespmem:$0x1A6D0] =	vst v9  }
0x55: {  	v11 =	vimm.s32 $0xF;
	[tilespmem:$0x1A6E0] =	vst v10  }
0x56: {  	v12 =	vimm.s32 $0x10;
	[tilespmem:$0x1A6F0] =	vst v11  }
0x57: {  	v13 =	vimm.s32 $0x11;
	[tilespmem:$0x1A700] =	vst v12  }
0x58: {  	v14 =	vimm.s32 $0x12;
	[tilespmem:$0x1A710] =	vst v13  }
0x59: {  	v15 =	vimm.s32 $0x13;
	[tilespmem:$0x1A720] =	vst v14  }
0x5a: {  	v16 =	vimm.s32 $0x14;
	[tilespmem:$0x1A730] =	vst v15  }
0x5b: {  	v17 =	vimm.s32 $0x15;
	[tilespmem:$0x1A740] =	vst v16  }
0x5c: {  	v18 =	vimm.s32 $0x16;
	[tilespmem:$0x1A750] =	vst v17  }
0x5d: {  	v19 =	vimm.s32 $0x17;
	[tilespmem:$0x1A760] =	vst v18  }
0x5e: {  	v20 =	vimm.s32 $0x18;
	[tilespmem:$0x1A770] =	vst v19  }
0x5f: {  	v21 =	vimm.s32 $0x19;
	[tilespmem:$0x1A780] =	vst v20  }
0x60: {  	v22 =	vimm.s32 $0x1A;
	[tilespmem:$0x1A790] =	vst v21  }
0x61: {  	v23 =	vimm.s32 $0x1B;
	[tilespmem:$0x1A7A0] =	vst v22  }
0x62: {  	v24 =	vimm.s32 $0x1C;
	[tilespmem:$0x1A7B0] =	vst v23  }
0x63: {  	v25 =	vimm.s32 $0x1D;
	[tilespmem:$0x1A7C0] =	vst v24  }
0x64: {  	v26 =	vimm.s32 $0x1E;
	[tilespmem:$0x1A7D0] =	vst v25  }
0x65: {  	v27 =	vimm.s32 $0x1F;
	[tilespmem:$0x1A7E0] =	vst v26  }
0x66: {  	v28 =	vimm.s32 $0x20;
	[tilespmem:$0x1A7F0] =	vst v27  }
0x67: {  	v29 =	vimm.s32 $0x21;
	[tilespmem:$0x1A800] =	vst v28  }
0x68: {  	v30 =	vimm.s32 $0x22;
	[tilespmem:$0x1A810] =	vst v29  }
0x69: {  	v31 =	vimm.s32 $0x23;
	[tilespmem:$0x1A820] =	vst v30  }
0x6a: {  	v32 =	vimm.s32 $0x24;
	[tilespmem:$0x1A830] =	vst v31  }
0x6b: {  	v33 =	vimm.s32 $0x25;
	[tilespmem:$0x1A840] =	vst v32  }
0x6c: {  	v34 =	vimm.s32 $0x26;
	[tilespmem:$0x1A850] =	vst v33  }
0x6d: {  	v35 =	vimm.s32 $0x27;
	[tilespmem:$0x1A860] =	vst v34  }
0x6e: {  	v36 =	vimm.s32 $0x28;
	[tilespmem:$0x1A870] =	vst v35  }
0x6f: {  	v37 =	vimm.s32 $0x29;
	[tilespmem:$0x1A880] =	vst v36  }
0x70: {  	v38 =	vimm.s32 $0x2A;
	[tilespmem:$0x1A890] =	vst v37  }
0x71: {  	v39 =	vimm.s32 $0x2B;
	[tilespmem:$0x1A8A0] =	vst v38  }
0x72: {  	v40 =	vimm.s32 $0x2C;
	[tilespmem:$0x1A8B0] =	vst v39  }
0x73: {  	v41 =	vimm.s32 $0x2D;
	[tilespmem:$0x1A8C0] =	vst v40  }
0x74: {  	v42 =	vimm.s32 $0x2E;
	[tilespmem:$0x1A8D0] =	vst v41  }
0x75: {  	v43 =	vimm.s32 $0x2F;
	[tilespmem:$0x1A8E0] =	vst v42  }
0x76: {  	v44 =	vimm.s32 $0x30;
	[tilespmem:$0x1A8F0] =	vst v43  }
0x77: {  	v45 =	vimm.s32 $0x31;
	[tilespmem:$0x1A900] =	vst v44  }
0x78: {  	v46 =	vimm.s32 $0x32;
	[tilespmem:$0x1A910] =	vst v45  }
0x79: {  	v47 =	vimm.s32 $0x33;
	[tilespmem:$0x1A920] =	vst v46  }
0x7a: {  	v48 =	vimm.s32 $0x34;
	[tilespmem:$0x1A930] =	vst v47  }
0x7b: {  	v49 =	vimm.s32 $0x35;
	[tilespmem:$0x1A940] =	vst v48  }
0x7c: {  	v50 =	vimm.s32 $0x36;
	[tilespmem:$0x1A950] =	vst v49  }
0x7d: {  	v51 =	vimm.s32 $0x37;
	[tilespmem:$0x1A960] =	vst v50  }
0x7e: {  	v52 =	vimm.s32 $0x38;
	[tilespmem:$0x1A970] =	vst v51  }
0x7f: {  	v53 =	vimm.s32 $0x39;
	[tilespmem:$0x1A980] =	vst v52  }
0x80: {  	v54 =	vimm.s32 $0x3A;
	[tilespmem:$0x1A990] =	vst v53  }
0x81: {  	v55 =	vimm.s32 $0x3B;
	[tilespmem:$0x1A9A0] =	vst v54  }
0x82: {  	[tilespmem:$0x1A9B0] =	vst v55;
	v56 =	vimm.s32 $0x3C  }
0x83: {  	v57 =	vimm.s32 $0x3D;
	[tilespmem:$0x1A9C0] =	vst v56  }
0x84: {  	v58 =	vimm.s32 $0x3E;
	[tilespmem:$0x1A9D0] =	vst v57  }
0x85: {  	v59 =	vimm.s32 $0x3F;
	[tilespmem:$0x1A9E0] =	vst v58  }
0x86: {  	v60 =	vimm.s32 $0x40;
	[tilespmem:$0x1A9F0] =	vst v59  }
0x87: {  	v61 =	vimm.s32 $0x41;
	[tilespmem:$0x1AA00] =	vst v60  }
0x88: {  	v62 =	vimm.s32 $0x42;
	[tilespmem:$0x1AA10] =	vst v61  }
0x89: {  	v63 =	vimm.s32 $0x43;
	[tilespmem:$0x1AA20] =	vst v62  }
0x8a: {  	v4 =	vimm.s32 $0x44;
	[tilespmem:$0x1AA30] =	vst v63  }
0x8b: {  	v5 =	vimm.s32 $0x45;
	[tilespmem:$0x1AA40] =	vst v4  }
0x8c: {  	v6 =	vimm.s32 $0x46;
	[tilespmem:$0x1AA50] =	vst v5  }
0x8d: {  	v7 =	vimm.s32 $0x47;
	[tilespmem:$0x1AA60] =	vst v6  }
0x8e: {  	v8 =	vimm.s32 $0x48;
	[tilespmem:$0x1AA70] =	vst v7  }
0x8f: {  	v9 =	vimm.s32 $0x49;
	[tilespmem:$0x1AA80] =	vst v8  }
0x90: {  	v10 =	vimm.s32 $0x4A;
	[tilespmem:$0x1AA90] =	vst v9  }
0x91: {  	v11 =	vimm.s32 $0x4B;
	[tilespmem:$0x1AAA0] =	vst v10  }
0x92: {  	v12 =	vimm.s32 $0x4C;
	[tilespmem:$0x1AAB0] =	vst v11  }
0x93: {  	v13 =	vimm.s32 $0x4D;
	[tilespmem:$0x1AAC0] =	vst v12  }
0x94: {  	v14 =	vimm.s32 $0x4E;
	[tilespmem:$0x1AAD0] =	vst v13  }
0x95: {  	v15 =	vimm.s32 $0x4F;
	[tilespmem:$0x1AAE0] =	vst v14  }
0x96: {  	v16 =	vimm.s32 $0x50;
	[tilespmem:$0x1AAF0] =	vst v15  }
0x97: {  	v17 =	vimm.s32 $0x51;
	[tilespmem:$0x1AB00] =	vst v16  }
0x98: {  	v18 =	vimm.s32 $0x52;
	[tilespmem:$0x1AB10] =	vst v17  }
0x99: {  	v19 =	vimm.s32 $0x53;
	[tilespmem:$0x1AB20] =	vst v18  }
0x9a: {  	v20 =	vimm.s32 $0x54;
	[tilespmem:$0x1AB30] =	vst v19  }
0x9b: {  	v21 =	vimm.s32 $0x55;
	[tilespmem:$0x1AB40] =	vst v20  }
0x9c: {  	v22 =	vimm.s32 $0x56;
	[tilespmem:$0x1AB50] =	vst v21  }
0x9d: {  	v23 =	vimm.s32 $0x57;
	[tilespmem:$0x1AB60] =	vst v22  }
0x9e: {  	v24 =	vimm.s32 $0x58;
	[tilespmem:$0x1AB70] =	vst v23  }
0x9f: {  	v25 =	vimm.s32 $0x59;
	[tilespmem:$0x1AB80] =	vst v24  }
0xa0: {  	v26 =	vimm.s32 $0x5A;
	[tilespmem:$0x1AB90] =	vst v25  }
0xa1: {  	v27 =	vimm.s32 $0x5B;
	[tilespmem:$0x1ABA0] =	vst v26  }
0xa2: {  	v28 =	vimm.s32 $0x5C;
	[tilespmem:$0x1ABB0] =	vst v27  }
0xa3: {  	v29 =	vimm.s32 $0x5D;
	[tilespmem:$0x1ABC0] =	vst v28  }
0xa4: {  	v30 =	vimm.s32 $0x5E;
	[tilespmem:$0x1ABD0] =	vst v29  }
0xa5: {  	v31 =	vimm.s32 $0x5F;
	[tilespmem:$0x1ABE0] =	vst v30  }
0xa6: {  	v32 =	vimm.s32 $0x60;
	[tilespmem:$0x1ABF0] =	vst v31  }
0xa7: {  	v33 =	vimm.s32 $0x61;
	[tilespmem:$0x1AC00] =	vst v32  }
0xa8: {  	v34 =	vimm.s32 $0x62;
	[tilespmem:$0x1AC10] =	vst v33  }
0xa9: {  	v35 =	vimm.s32 $0x63;
	[tilespmem:$0x1AC20] =	vst v34  }
0xaa: {  	v36 =	vimm.s32 $0x64;
	[tilespmem:$0x1AC30] =	vst v35  }
0xab: {  	v37 =	vimm.s32 $0x65;
	[tilespmem:$0x1AC40] =	vst v36  }
0xac: {  	v38 =	vimm.s32 $0x66;
	[tilespmem:$0x1AC50] =	vst v37  }
0xad: {  	v39 =	vimm.s32 $0x67;
	[tilespmem:$0x1AC60] =	vst v38  }
0xae: {  	v40 =	vimm.s32 $0x68;
	[tilespmem:$0x1AC70] =	vst v39  }
0xaf: {  	v41 =	vimm.s32 $0x69;
	[tilespmem:$0x1AC80] =	vst v40  }
0xb0: {  	v42 =	vimm.s32 $0x6A;
	[tilespmem:$0x1AC90] =	vst v41  }
0xb1: {  	v43 =	vimm.s32 $0x6B;
	[tilespmem:$0x1ACA0] =	vst v42  }
0xb2: {  	v44 =	vimm.s32 $0x6C;
	[tilespmem:$0x1ACB0] =	vst v43  }
0xb3: {  	v45 =	vimm.s32 $0x6D;
	[tilespmem:$0x1ACC0] =	vst v44  }
0xb4: {  	v46 =	vimm.s32 $0x6E;
	[tilespmem:$0x1ACD0] =	vst v45  }
0xb5: {  	v47 =	vimm.s32 $0x6F;
	[tilespmem:$0x1ACE0] =	vst v46  }
0xb6: {  	v48 =	vimm.s32 $0x70;
	[tilespmem:$0x1ACF0] =	vst v47  }
0xb7: {  	v49 =	vimm.s32 $0x71;
	[tilespmem:$0x1AD00] =	vst v48  }
0xb8: {  	v50 =	vimm.s32 $0x72;
	[tilespmem:$0x1AD10] =	vst v49  }
0xb9: {  	v51 =	vimm.s32 $0x73;
	[tilespmem:$0x1AD20] =	vst v50  }
0xba: {  	v52 =	vimm.s32 $0x74;
	[tilespmem:$0x1AD30] =	vst v51  }
0xbb: {  	v53 =	vimm.s32 $0x75;
	[tilespmem:$0x1AD40] =	vst v52  }
0xbc: {  	v54 =	vimm.s32 $0x76;
	[tilespmem:$0x1AD50] =	vst v53  }
0xbd: {  	v55 =	vimm.s32 $0x77;
	[tilespmem:$0x1AD60] =	vst v54  }
0xbe: {  	[tilespmem:$0x1AD70] =	vst v55;
	v56 =	vimm.s32 $0x78  }
0xbf: {  	v57 =	vimm.s32 $0x79;
	[tilespmem:$0x1AD80] =	vst v56  }
0xc0: {  	v58 =	vimm.s32 $0x7A;
	[tilespmem:$0x1AD90] =	vst v57  }
0xc1: {  	v59 =	vimm.s32 $0x7B;
	[tilespmem:$0x1ADA0] =	vst v58  }
0xc2: {  	v60 =	vimm.s32 $0x7C;
	[tilespmem:$0x1ADB0] =	vst v59  }
0xc3: {  	v61 =	vimm.s32 $0x7D;
	[tilespmem:$0x1ADC0] =	vst v60  }
0xc4: {  	v62 =	vimm.s32 $0x7E;
	[tilespmem:$0x1ADD0] =	vst v61  }
0xc5: {  	v63 =	vimm.s32 $0x7F;
	[tilespmem:$0x1ADE0] =	vst v62  }
0xc6: {  	s28 =	simm.s32 $0x600;
	[tilespmem:$0x1ADF0] =	vst v63  }
0xc7: {  	[tilespmem:s28], [sflag:$0x1] =	stream.indirect.gather [hbm4b:s0+s15], $0x80, s1, s15, $0xb8;
	[tilespmem:$0x1B200] =	vst v63  }
0xc8: {  	s29 =	simm.s32 $0x4600;
	s31 =	simm.s32 $0x8600  }
0xc9: {  	[tilespmem:s29], [sflag:$0x2] =	stream.indirect.gather [hbm4b:s30+s15], $0x80, s14, s15, $0xb8;
	[tilespmem:$0x1B200] =	vst v63  }
0xca: {  	p2 =	por $0x1, $0x1;
	p1 =	por $0x0, $0x0;
	s20 =	simm.s32 $0x0  }
0xcb: {  	[tilespmem:s31], [sflag:$0x3] =	stream.indirect.gather [hbm4b:s0+s15], $0x80, s16, s15, $0xb8;
	[tilespmem:$0x1B200] =	vst v63  }
.LBB2_2:
0xcc: {  	s19 =	sshllo.u32 s20, $0x1  }
0xcd: {  	s1 =	simm.s32 $0xC600;
	s11 =	sshll.u32 s19, $0x7  }
0xce: {  	[tilespmem:s1], [sflag:$0x4] =	stream.indirect.gather [hbm4b:s0+s15], $0x80, s11, s15, $0xb8;
	[tilespmem:$0x1B200] =	vst v63  }
0xcf: {  	s2 =	simm.s32 $0x10600;
	s29 =	sadd.s32 $0x200, s11  }
0xd0: {  	[tilespmem:s2], [sflag:$0x5] =	stream.indirect.gather [hbm4b:s30+s15], $0x80, s29, s15, $0xb8;
	[tilespmem:$0x1B200] =	vst v63  }
0xd1: {  	s17 =	smov.u32 s30;
	s31 =	simm.s32 $0x14600;
	s30 =	sadd.s32 $0x400, s11  }
0xd2: {  	[tilespmem:s31], [sflag:$0x6] =	stream.indirect.gather [hbm4b:s0+s15], $0x80, s30, s15, $0xb8;
	[tilespmem:$0x1B200] =	vst v63  }
0xd3: {  	_ =	swait.ge [sflag:s22], $0x4000  }
0xd4: {  	[sflag:s22] =	ssyncset.done $0x0  }
0xd5: {  	[sflag:s22] =	ssyncadd.s32 $0xFFFFC000  }
0xd6: {  	_ =	swait.ge [sflag:s23], $0x4000  }
0xd7: {  	[sflag:s23] =	ssyncset.done $0x0  }
0xd8: {  	[sflag:s23] =	ssyncadd.s32 $0xFFFFC000  }
0xd9: {  	_ =	swait.ge [sflag:s24], $0x4000  }
0xda: {  	p0 =	por p2, p2;
	[sflag:s24] =	ssyncset.done $0x0  }
0xdb: {  	s21 =	sshll.u32 s20, $0x8;
	s1 =	simm.s32 $0x0;
	[sflag:s24] =	ssyncadd.s32 $0xFFFFC000  }
.LBB2_3:
0xdc: {  	s2 =	sshll.u32 s1, $0x7  }
0xdd: {  	v23 =	vld [tilespmem:s2+$0x600]  }
0xde: {  	v16 =	vld [tilespmem:s2+$0x4600]  }
0xdf: {  	v47 =	vld [tilespmem:s2+$0x8600]  }
0xe0: {  	v18 =	vld [tilespmem:s2+$0x610]  }
0xe1: {  	v14 =	vld [tilespmem:s2+$0x4610]  }
0xe2: {  	v28 =	vld [tilespmem:s2+$0x8610]  }
0xe3: {  	v20 =	vld [tilespmem:s2+$0x620]  }
0xe4: {  	v13 =	vld [tilespmem:s2+$0x4620]  }
0xe5: {  	v29 =	vld [tilespmem:s2+$0x8620]  }
0xe6: {  	v26 =	vld [tilespmem:s2+$0x630]  }
0xe7: {  	v25 =	vld [tilespmem:s2+$0x4630]  }
0xe8: {  	v41 =	vld [tilespmem:s2+$0x8630]  }
0xe9: {  	v33 =	vld [tilespmem:s2+$0x640]  }
0xea: {  	v32 =	vld [tilespmem:s2+$0x4640]  }
0xeb: {  	v56 =	vld [tilespmem:s2+$0x8640]  }
0xec: {  	v55 =	vld [tilespmem:s2+$0x650]  }
0xed: {  	v37 =	vld [tilespmem:s2+$0x4650]  }
0xee: {  	v0 =	vld [tilespmem:s2+$0x8650]  }
0xef: {  	v45 =	vld [tilespmem:s2+$0x660]  }
0xf0: {  	v46 =	vld [tilespmem:s2+$0x4660]  }
0xf1: {  	v48 =	vld [tilespmem:s2+$0x8660]  }
0xf2: {  	v49 =	vld [tilespmem:s2+$0x670]  }
0xf3: {  	s25 =	sor.u32 $0x1, s1;
	v50 =	vld [tilespmem:s2+$0x4670]  }
0xf4: {  	v51 =	vld [tilespmem:s2+$0x8670];
	s29 =	sshll.u32 s25, $0x7  }
0xf5: {  	v1 =	vld [tilespmem:s29+$0x600]  }
0xf6: {  	v4 =	vld [tilespmem:s29+$0x8600]  }
0xf7: {  	v3 =	vld [tilespmem:s29+$0x610]  }
0xf8: {  	v2 =	vld [tilespmem:s29+$0x4610]  }
0xf9: {  	v6 =	vld [tilespmem:s29+$0x8610]  }
0xfa: {  	v7 =	vld [tilespmem:s29+$0x620]  }
0xfb: {  	v5 =	vld [tilespmem:s29+$0x4620]  }
0xfc: {  	v11 =	vld [tilespmem:s29+$0x8620]  }
0xfd: {  	v12 =	vld [tilespmem:s29+$0x630]  }
0xfe: {  	v9 =	vld [tilespmem:s29+$0x4630]  }
0xff: {  	v24 =	vld [tilespmem:s29+$0x8630]  }
0x100: {  	v22 =	vld [tilespmem:s29+$0x640]  }
0x101: {  	v21 =	vld [tilespmem:s29+$0x4640]  }
0x102: {  	v36 =	vld [tilespmem:s29+$0x8640]  }
0x103: {  	v38 =	vld [tilespmem:s29+$0x650]  }
0x104: {  	v34 =	vld [tilespmem:s29+$0x4650]  }
0x105: {  	v58 =	vld [tilespmem:s29+$0x8650]  }
0x106: {  	v43 =	vld [tilespmem:s29+$0x660]  }
0x107: {  	v39 =	vld [tilespmem:s29+$0x4660]  }
0x108: {  	v62 =	vld [tilespmem:s29+$0x8660]  }
0x109: {  	s26 =	sor.u32 $0x2, s1;
	v44 =	vld [tilespmem:s29+$0x4670]  }
0x10a: {  	s30 =	sshll.u32 s26, $0x7;
	v63 =	vld [tilespmem:s29+$0x8670]  }
0x10b: {  	v40 =	vld [tilespmem:s30+$0x4600]  }
0x10c: {  	v8 =	vld [tilespmem:s30+$0x8600]  }
0x10d: {  	v52 =	vld [tilespmem:s30+$0x8610]  }
0x10e: {  	v54 =	vld [tilespmem:s30+$0x620]  }
0x10f: {  	v53 =	vld [tilespmem:s30+$0x8620]  }
0x110: {  	v57 =	vld [tilespmem:s30+$0x630]  }
0x111: {  	v59 =	vld [tilespmem:s30+$0x4630]  }
0x112: {  	v60 =	vld [tilespmem:s30+$0x8630]  }
0x113: {  	v61 =	vld [tilespmem:s30+$0x640]  }
0x114: {  	v15 =	vld [tilespmem:s30+$0x4640]  }
0x115: {  	v17 =	vld [tilespmem:s30+$0x8640]  }
0x116: {  	v19 =	vld [tilespmem:s30+$0x650]  }
0x117: {  	v27 =	vld [tilespmem:s30+$0x4650]  }
0x118: {  	v30 =	vld [tilespmem:s30+$0x8650]  }
0x119: {  	v31 =	vld [tilespmem:s30+$0x660]  }
0x11a: {  	s28 =	sor.u32 $0x3, s1;
	v35 =	vld [tilespmem:s30+$0x4660]  }
0x11b: {  	s14 =	sshll.u32 s28, $0x7;
	v42 =	vld [tilespmem:s30+$0x8660]  }
0x11c: {  	v10 =	vld [tilespmem:s14+$0x600]  }
0x11d: {  	[tilespmem:$0x1FB60] =	vst v0;
	v0 =	vld [tilespmem:s29+$0x4600]  }
0x11e: {  	[tilespmem:$0x1FBA0] =	vst v49;
	v49 =	vld [tilespmem:s29+$0x670]  }
0x11f: {  	[tilespmem:$0x1FB70] =	vst v45;
	v45 =	vld [tilespmem:s30+$0x600]  }
0x120: {  	[tilespmem:$0x1FBB0] =	vst v50;
	v50 =	vld [tilespmem:s30+$0x610]  }
0x121: {  	[tilespmem:$0x1FB80] =	vst v46;
	v46 =	vld [tilespmem:s30+$0x4610]  }
0x122: {  	[tilespmem:$0x1FBC0] =	vst v51;
	v51 =	vld [tilespmem:s30+$0x4620]  }
0x123: {  	[tilespmem:$0x1FB90] =	vst v48;
	v48 =	vld [tilespmem:s30+$0x670]  }
0x124: {  	[tilespmem:$0x1FBE0] =	vst v52;
	v52 =	vld [tilespmem:s30+$0x4670]  }
0x125: {  	[tilespmem:$0x1FBF0] =	vst v53;
	v53 =	vld [tilespmem:s30+$0x8670]  }
0x126: {  	[tilespmem:$0x1FBD0] =	vst v8;
	v8 =	vld [tilespmem:s14+$0x4600]  }
0x127: {  	[tilespmem:$0x1FC50] =	vst v17;
	v17 =	vld [tilespmem:s14+$0x8600]  }
0x128: {  	[tilespmem:$0x1FC60] =	vst v19;
	v19 =	vld [tilespmem:s14+$0x610]  }
0x129: {  	[tilespmem:$0x1FC40] =	vst v15;
	v15 =	vld [tilespmem:s14+$0x4610]  }
0x12a: {  	[tilespmem:$0x1FC80] =	vst v30;
	v30 =	vld [tilespmem:s14+$0x8610]  }
0x12b: {  	[tilespmem:$0x1FC90] =	vst v31;
	v31 =	vld [tilespmem:s14+$0x620]  }
0x12c: {  	[tilespmem:$0x1FC70] =	vst v27;
	v27 =	vld [tilespmem:s14+$0x4620]  }
0x12d: {  	[tilespmem:$0x1FCA0] =	vst v35;
	v35 =	vld [tilespmem:s14+$0x8630]  }
0x12e: {  	[tilespmem:$0x1FC00] =	vst v57;
	v57 =	vld [tilespmem:s14+$0x640]  }
0x12f: {  	[tilespmem:$0x1FC10] =	vst v59;
	v59 =	vld [tilespmem:s14+$0x4640]  }
0x130: {  	[tilespmem:$0x1FC20] =	vst v60;
	v60 =	vld [tilespmem:s14+$0x8640]  }
0x131: {  	[tilespmem:$0x1FC30] =	vst v61;
	v61 =	vld [tilespmem:s14+$0x650]  }
0x132: {  	[tilespmem:$0x1FCE0] =	vst v42;
	v42 =	vld [tilespmem:s14+$0x4650];
	s30 =	sor.u32 $0x5, s1  }
0x133: {  	v13 =	vmul.f32 v13, v20;
	v20 =	vld [tilespmem:$0x1FB70];
	s16 =	sshll.u32 s30, $0x7  }
0x134: {  	v16 =	vmul.f32 v16, v23;
	v23 =	vld [tilespmem:s16+$0x4640]  }
0x135: {  	[tilespmem:$0x1FCD0] =	vst v59;
	v59 =	vld [tilespmem:s14+$0x660]  }
0x136: {  	v16 =	vmul.f32 v47, v16;
	v47 =	vld [tilespmem:s16+$0x8640]  }
0x137: {  	v14 =	vmul.f32 v14, v18;
	v18 =	vld [tilespmem:s16+$0x4660]  }
0x138: {  	v5 =	vmul.f32 v5, v7;
	v7 =	vld [tilespmem:s16+$0x8670]  }
0x139: {  	[tilespmem:$0x1FCF0] =	vst v48;
	v48 =	vld [tilespmem:s14+$0x4630]  }
0x13a: {  	[tilespmem:$0x1FD50] =	vst v59;
	v59 =	vld [tilespmem:s14+$0x8670]  }
0x13b: {  	v46 =	vmul.f32 v46, v50;
	v50 =	vmul.f32 v51, v54;
	v54 =	vld [tilespmem:$0x1FBE0]  }
0x13c: {  	v45 =	vmul.f32 v40, v45;
	v40 =	vld [tilespmem:$0x1FC80]  }
0x13d: {  	s29 =	sor.u32 $0x4, s1;
	[tilespmem:$0x1FD00] =	vst v52;
	v52 =	vld [tilespmem:s14+$0x8620]  }
0x13e: {  	s31 =	sshll.u32 s29, $0x7;
	[tilespmem:$0x1FD40] =	vst v53;
	v53 =	vld [tilespmem:s14+$0x630]  }
0x13f: {  	[tilespmem:$0x1FDD0] =	vst v59;
	v59 =	vld [tilespmem:s31+$0x4610]  }
0x140: {  	[tilespmem:$0x1FCC0] =	vst v57;
	v57 =	vld [tilespmem:s14+$0x8650]  }
0x141: {  	[tilespmem:$0x1FD10] =	vst v60;
	v60 =	vld [tilespmem:s14+$0x4660]  }
0x142: {  	[tilespmem:$0x1FD20] =	vst v61;
	v61 =	vld [tilespmem:s14+$0x8660]  }
0x143: {  	[tilespmem:$0x1FD30] =	vst v42;
	v42 =	vld [tilespmem:s14+$0x670]  }
0x144: {  	v0 =	vmul.f32 v0, v1;
	[tilespmem:$0x1FDF0] =	vst v59;
	v59 =	vld [tilespmem:s31+$0x630]  }
0x145: {  	[tilespmem:$0x1FCB0] =	vst v35;
	v35 =	vld [tilespmem:s16+$0x4600]  }
0x146: {  	v0 =	vmul.f32 v4, v0;
	v4 =	vld [tilespmem:s16+$0x8660]  }
0x147: {  	[tilespmem:$0x1FF80] =	vst v23;
	v23 =	vmul.f32 v25, v26;
	v25 =	vld [tilespmem:s16+$0x650]  }
0x148: {  	v14 =	vmul.f32 v28, v14;
	v28 =	vadd.f32 $0.0e+00, v16;
	[tilespmem:$0x1FFC0] =	vst v47;
	v47 =	vld [tilespmem:s16+$0x4650]  }
0x149: {  	v2 =	vmul.f32 v2, v3;
	[tilespmem:$0x1FE50] =	vst v59;
	v59 =	vld [tilespmem:s31+$0x8640]  }
0x14a: {  	v26 =	vmul.f32 v32, v33;
	v32 =	vadd.f32 v14, v28;
	v33 =	vmul.f32 v37, v55;
	v28 =	vld [tilespmem:$0x1FBA0]  }
0x14b: {  	v55 =	vmul.f32 v9, v12;
	v3 =	vmul.f32 v41, v23;
	v41 =	vld [tilespmem:s16+$0x660]  }
0x14c: {  	v23 =	vld [tilespmem:$0x1FB80]  }
0x14d: {  	v24 =	vmul.f32 v24, v55;
	v55 =	vmul.f32 v54, v46;
	v46 =	vld [tilespmem:$0x1FCC0]  }
0x14e: {  	[tilespmem:$0x1FED0] =	vst v59;
	v59 =	vld [tilespmem:s31+$0x4660]  }
0x14f: {  	v54 =	vld [tilespmem:$0x1FD30]  }
0x150: {  	[tilespmem:$0x1FD70] =	vst v57;
	v57 =	vld [tilespmem:s14+$0x4670]  }
0x151: {  	v2 =	vmul.f32 v6, v2;
	v0 =	vadd.f32 $0.0e+00, v0;
	[tilespmem:$0x1FD60] =	vst v60;
	v60 =	vld [tilespmem:s31+$0x600]  }
0x152: {  	[tilespmem:$0x1FDA0] =	vst v61;
	v61 =	vld [tilespmem:s31+$0x4600]  }
0x153: {  	v37 =	vmul.f32 v11, v5;
	v0 =	vadd.f32 v2, v0;
	[tilespmem:$0x1FF50] =	vst v59;
	v59 =	vld [tilespmem:s16+$0x8610]  }
0x154: {  	[tilespmem:$0x1FD80] =	vst v42;
	v42 =	vld [tilespmem:s31+$0x8600]  }
0x155: {  	v0 =	vadd.f32 v37, v0;
	v37 =	vld [tilespmem:s16+$0x4670]  }
0x156: {  	v6 =	vmul.f32 v23, v20;
	v20 =	vld [tilespmem:s16+$0x670]  }
0x157: {  	[tilespmem:$0x1FD90] =	vst v57;
	v57 =	vld [tilespmem:s31+$0x610]  }
0x158: {  	[tilespmem:$0x1FEA0] =	vst v59;
	v59 =	vld [tilespmem:s16+$0x620]  }
0x159: {  	[tilespmem:$0x1FE00] =	vst v42;
	v42 =	vld [tilespmem:s31+$0x4620]  }
0x15a: {  	[tilespmem:$0x1FDB0] =	vst v60;
	v60 =	vld [tilespmem:s31+$0x8610]  }
0x15b: {  	[tilespmem:$0x1FDC0] =	vst v61;
	v61 =	vld [tilespmem:s31+$0x620]  }
0x15c: {  	[tilespmem:$0x1FDE0] =	vst v57;
	v57 =	vld [tilespmem:s31+$0x8620]  }
0x15d: {  	[tilespmem:$0x1FEB0] =	vst v59;
	v59 =	vld [tilespmem:s16+$0x4620]  }
0x15e: {  	[tilespmem:$0x1FE20] =	vst v42;
	v42 =	vld [tilespmem:s31+$0x640]  }
0x15f: {  	[tilespmem:$0x1FE30] =	vst v60;
	v60 =	vld [tilespmem:s31+$0x4630]  }
0x160: {  	[tilespmem:$0x1FE10] =	vst v61;
	v61 =	vld [tilespmem:s31+$0x8630]  }
0x161: {  	[tilespmem:$0x1FE40] =	vst v57;
	v57 =	vld [tilespmem:s31+$0x4640]  }
0x162: {  	[tilespmem:$0x1FEC0] =	vst v59;
	v59 =	vld [tilespmem:s16+$0x8620]  }
0x163: {  	[tilespmem:$0x1FE80] =	vst v42;
	v42 =	vld [tilespmem:s31+$0x8650]  }
0x164: {  	[tilespmem:$0x1FE60] =	vst v60;
	v60 =	vld [tilespmem:s31+$0x650]  }
0x165: {  	[tilespmem:$0x1FE70] =	vst v61;
	v61 =	vld [tilespmem:s31+$0x4650]  }
0x166: {  	[tilespmem:$0x1FE90] =	vst v57;
	v57 =	vld [tilespmem:s31+$0x660]  }
0x167: {  	[tilespmem:$0x1FF00] =	vst v59;
	v59 =	vld [tilespmem:s16+$0x630]  }
0x168: {  	[tilespmem:$0x1FF30] =	vst v42;
	v42 =	vld [tilespmem:s31+$0x4670]  }
0x169: {  	[tilespmem:$0x1FEE0] =	vst v60;
	v60 =	vld [tilespmem:s31+$0x8660]  }
0x16a: {  	[tilespmem:$0x1FEF0] =	vst v61;
	v61 =	vld [tilespmem:s31+$0x670]  }
0x16b: {  	[tilespmem:$0x1FF40] =	vst v57;
	v57 =	vld [tilespmem:s31+$0x8670]  }
0x16c: {  	[tilespmem:$0x1FF20] =	vst v59;
	v59 =	vld [tilespmem:s16+$0x4630]  }
0x16d: {  	[tilespmem:$0x1FFB0] =	vst v42;
	v42 =	vld [tilespmem:s16+$0x600]  }
0x16e: {  	[tilespmem:$0x1FF90] =	vst v60;
	v60 =	vld [tilespmem:s16+$0x8600];
	s31 =	sor.u32 $0x6, s1  }
0x16f: {  	[tilespmem:$0x1FFA0] =	vst v61;
	v61 =	vld [tilespmem:s16+$0x610];
	s2 =	sshll.u32 s31, $0x7  }
0x170: {  	v16 =	vld [tilespmem:s2+$0x600]  }
0x171: {  	[tilespmem:$0x1FF10] =	vst v59;
	v59 =	vld [tilespmem:s16+$0x8630]  }
0x172: {  	v12 =	vld [tilespmem:s2+$0x8600]  }
0x173: {  	v11 =	vld [tilespmem:s2+$0x610]  }
0x174: {  	v9 =	vld [tilespmem:s2+$0x4610]  }
0x175: {  	v14 =	vld [tilespmem:s2+$0x620]  }
0x176: {  	[tilespmem:$0x1FF60] =	vst v59;
	v59 =	vld [tilespmem:s16+$0x640]  }
0x177: {  	v15 =	vmul.f32 v15, v19;
	v2 =	vld [tilespmem:s2+$0x4620]  }
0x178: {  	v23 =	vld [tilespmem:s2+$0x4630]  }
0x179: {  	v15 =	vmul.f32 v30, v15;
	v30 =	vld [tilespmem:s2+$0x4650]  }
0x17a: {  	[tilespmem:$0x1FFE0] =	vst v57;
	v57 =	vld [tilespmem:s16+$0x4610]  }
0x17b: {  	[tilespmem:$0x1FF70] =	vst v59;
	v59 =	vmul.f32 v29, v13;
	v29 =	vld [tilespmem:s16+$0x8650]  }
0x17c: {  	s14 =	sor.u32 $0x7, s1;
	[tilespmem:$0x1FFD0] =	vst v25;
	v25 =	vmul.f32 v21, v22;
	v13 =	vmul.f32 v56, v26;
	v56 =	vld [tilespmem:$0x1FB60]  }
0x17d: {  	v0 =	vadd.f32 v24, v0;
	v26 =	vld [tilespmem:$0x1FB90];
	s16 =	sshll.u32 s14, $0x7  }
0x17e: {  	v18 =	vmul.f32 v18, v41;
	v41 =	vld [tilespmem:s16+$0x4660];
	v1 =	vadd.f32 v59, v32;
	v32 =	vmul.f32 v36, v25  }
0x17f: {  	v25 =	vld [tilespmem:$0x1FC20]  }
0x180: {  	v0 =	vadd.f32 v32, v0;
	v32 =	vmul.f32 v27, v31;
	v27 =	vld [tilespmem:s2+$0x4640]  }
0x181: {  	v31 =	vld [tilespmem:s2+$0x8650]  }
0x182: {  	[tilespmem:$0x1FFF0] =	vst v29;
	v29 =	vld [tilespmem:$0x1FBB0]  }
0x183: {  	v59 =	vmul.f32 v56, v33;
	v33 =	vmul.f32 v34, v38;
	v34 =	vld [tilespmem:$0x1FBC0]  }
0x184: {  	v38 =	vmul.f32 v39, v43;
	v43 =	vmul.f32 v44, v49;
	v49 =	vld [tilespmem:$0x1FBD0]  }
0x185: {  	v1 =	vadd.f32 v3, v1;
	v56 =	vld [tilespmem:$0x1FBF0]  }
0x186: {  	v3 =	vmul.f32 v26, v6;
	v26 =	vld [tilespmem:$0x1FC30]  }
0x187: {  	v1 =	vadd.f32 v13, v1;
	v13 =	vld [tilespmem:s2+$0x8610]  }
0x188: {  	v8 =	vmul.f32 v8, v10;
	v44 =	vmul.f32 v62, v38;
	v62 =	vld [tilespmem:$0x1FC10]  }
0x189: {  	v39 =	vmul.f32 v58, v33;
	v33 =	vld [tilespmem:$0x1FC50]  }
0x18a: {  	v8 =	vmul.f32 v17, v8;
	v5 =	vmul.f32 v63, v43;
	v43 =	vld [tilespmem:$0x1FC90]  }
0x18b: {  	v38 =	vmul.f32 v52, v32;
	v52 =	vld [tilespmem:$0x1FD10]  }
0x18c: {  	v8 =	vadd.f32 $0.0e+00, v8;
	v32 =	vld [tilespmem:s2+$0x660]  }
0x18d: {  	v1 =	vadd.f32 v59, v1;
	v59 =	vld [tilespmem:$0x1FC00]  }
0x18e: {  	v8 =	vadd.f32 v15, v8;
	v0 =	vadd.f32 v39, v0;
	v39 =	vmul.f32 v48, v53;
	v48 =	vld [tilespmem:$0x1FCD0]  }
0x18f: {  	v53 =	vld [tilespmem:$0x1FD20]  }
0x190: {  	v8 =	vadd.f32 v38, v8;
	v38 =	vld [tilespmem:$0x1FDB0]  }
0x191: {  	v6 =	vmul.f32 v29, v28;
	v28 =	vld [tilespmem:$0x1FC40]  }
0x192: {  	v1 =	vadd.f32 v3, v1;
	v3 =	vmul.f32 v49, v45;
	v45 =	vld [tilespmem:$0x1FCB0]  }
0x193: {  	v49 =	vld [tilespmem:$0x1FCE0]  }
0x194: {  	v58 =	vmul.f32 v56, v50;
	v50 =	vld [tilespmem:$0x1FCF0]  }
0x195: {  	v56 =	vld [tilespmem:$0x1FD50]  }
0x196: {  	v51 =	vadd.f32 v44, v0;
	v44 =	vld [tilespmem:$0x1FCA0]  }
0x197: {  	v36 =	vmul.f32 v34, v6;
	v6 =	vld [tilespmem:s2+$0x4600]  }
0x198: {  	v29 =	vadd.f32 $0.0e+00, v3;
	v3 =	vld [tilespmem:s2+$0x630]  }
0x199: {  	v34 =	vld [tilespmem:$0x1FC60]  }
0x19a: {  	v63 =	vmul.f32 v62, v59;
	v59 =	vld [tilespmem:$0x1FD70]  }
0x19b: {  	v62 =	vld [tilespmem:$0x1FD80]  }
0x19c: {  	v0 =	vadd.f32 v36, v1;
	v1 =	vadd.f32 v5, v51;
	v5 =	vld [tilespmem:s2+$0x8620]  }
0x19d: {  	v36 =	vld [tilespmem:$0x1FC70]  }
0x19e: {  	v51 =	vld [tilespmem:$0x1FD00]  }
0x19f: {  	v21 =	vadd.f32 v55, v29;
	v29 =	vld [tilespmem:s2+$0x650]  }
0x1a0: {  	v55 =	vld [tilespmem:$0x1FD40]  }
0x1a1: {  	v22 =	vmul.f32 v48, v46;
	v46 =	vld [tilespmem:$0x1FE10]  }
0x1a2: {  	v48 =	vld [tilespmem:$0x1FE20]  }
0x1a3: {  	v17 =	vmul.f32 v25, v63;
	v25 =	vld [tilespmem:s2+$0x8630]  }
0x1a4: {  	v19 =	vmul.f32 v28, v26;
	v26 =	vld [tilespmem:s2+$0x640]  }
0x1a5: {  	v28 =	vld [tilespmem:s2+$0x8640]  }
0x1a6: {  	v63 =	vld [tilespmem:$0x1FD90]  }
0x1a7: {  	v15 =	vmul.f32 v45, v39;
	v39 =	vld [tilespmem:$0x1FDC0]  }
0x1a8: {  	v45 =	vld [tilespmem:$0x1FE00]  }
0x1a9: {  	v10 =	vadd.f32 v58, v21;
	v58 =	vld [tilespmem:$0x1FD60]  }
0x1aa: {  	v19 =	vmul.f32 v33, v19;
	v33 =	vld [tilespmem:s2+$0x4660]  }
0x1ab: {  	v8 =	vadd.f32 v15, v8;
	v15 =	vmul.f32 v52, v22;
	v52 =	vld [tilespmem:$0x1FE50]  }
0x1ac: {  	v22 =	vmul.f32 v54, v53;
	v53 =	vld [tilespmem:$0x1FE60]  }
0x1ad: {  	v24 =	vmul.f32 v36, v34;
	v36 =	vld [tilespmem:$0x1FDA0]  }
0x1ae: {  	v34 =	vld [tilespmem:s2+$0x8660]  }
0x1af: {  	v8 =	vadd.f32 v15, v8;
	v15 =	vmul.f32 v59, v22;
	v59 =	vld [tilespmem:$0x1FEA0]  }
0x1b0: {  	v22 =	vmul.f32 v63, v62;
	v62 =	vld [tilespmem:$0x1FED0]  }
0x1b1: {  	v63 =	vld [tilespmem:$0x1FEE0]  }
0x1b2: {  	v21 =	vmul.f32 v40, v24;
	v40 =	vld [tilespmem:$0x1FDD0]  }
0x1b3: {  	v24 =	vmul.f32 v44, v43;
	v43 =	vld [tilespmem:$0x1FDE0]  }
0x1b4: {  	v44 =	vld [tilespmem:$0x1FDF0]  }
0x1b5: {  	v10 =	vadd.f32 v17, v10;
	v17 =	vmul.f32 v49, v24;
	v49 =	vld [tilespmem:$0x1FE30]  }
0x1b6: {  	v24 =	vmul.f32 v51, v50;
	v50 =	vmul.f32 v35, v42;
	v35 =	vld [tilespmem:s2+$0x4670]  }
0x1b7: {  	v51 =	vld [tilespmem:$0x1FE40]  }
0x1b8: {  	v42 =	vld [tilespmem:s16+$0x8600]  }
0x1b9: {  	v10 =	vadd.f32 v19, v10;
	v19 =	vmul.f32 v55, v24;
	v24 =	vmul.f32 v58, v56;
	v56 =	vld [tilespmem:$0x1FE70]  }
0x1ba: {  	v55 =	vmul.f32 v57, v61;
	v57 =	vld [tilespmem:$0x1FE80]  }
0x1bb: {  	v58 =	vld [tilespmem:$0x1FE90]  }
0x1bc: {  	v54 =	vmul.f32 v60, v50;
	v60 =	vld [tilespmem:$0x1FEB0]  }
0x1bd: {  	v61 =	vld [tilespmem:$0x1FEC0]  }
0x1be: {  	v50 =	vld [tilespmem:$0x1FF10]  }
0x1bf: {  	v8 =	vadd.f32 v15, v8;
	v15 =	vmul.f32 v40, v22;
	v22 =	vmul.f32 v44, v43;
	v44 =	vld [tilespmem:s16+$0x610]  }
0x1c0: {  	v10 =	vadd.f32 v21, v10;
	v21 =	vmul.f32 v36, v24;
	v36 =	vld [tilespmem:s2+$0x670]  }
0x1c1: {  	v24 =	vmul.f32 v39, v38;
	v38 =	vld [tilespmem:s16+$0x600]  }
0x1c2: {  	v39 =	vld [tilespmem:s16+$0x4600]  }
0x1c3: {  	v10 =	vadd.f32 v17, v10;
	v17 =	vmul.f32 v45, v24;
	v24 =	vmul.f32 v48, v46;
	v48 =	vld [tilespmem:$0x1FEF0]  }
0x1c4: {  	v45 =	vld [tilespmem:s16+$0x4610]  }
0x1c5: {  	v8 =	vadd.f32 v21, v8;
	v21 =	vmul.f32 v49, v22;
	v49 =	vld [tilespmem:$0x1FF00]  }
0x1c6: {  	v46 =	vld [tilespmem:s16+$0x8610]  }
0x1c7: {  	v22 =	vmul.f32 v59, v55;
	v55 =	vld [tilespmem:$0x1FF60]  }
0x1c8: {  	v59 =	vld [tilespmem:$0x1FFA0]  }
0x1c9: {  	v40 =	vmul.f32 v58, v57;
	v57 =	vld [tilespmem:$0x1FF80]  }
0x1ca: {  	v58 =	vld [tilespmem:$0x1FF90]  }
0x1cb: {  	v43 =	vmul.f32 v61, v60;
	v60 =	vld [tilespmem:$0x1FFB0]  }
0x1cc: {  	v61 =	vld [tilespmem:$0x1FFC0]  }
0x1cd: {  	v10 =	vadd.f32 v19, v10;
	v19 =	vmul.f32 v51, v24;
	v51 =	vld [tilespmem:$0x1FF20]  }
0x1ce: {  	v24 =	vmul.f32 v53, v52;
	v52 =	vld [tilespmem:$0x1FF30]  }
0x1cf: {  	v20 =	vmul.f32 v37, v20;
	v8 =	vadd.f32 v15, v8;
	v53 =	vld [tilespmem:$0x1FF40]  }
0x1d0: {  	v4 =	vmul.f32 v4, v18;
	v17 =	vadd.f32 $0.0e+00, v17;
	v15 =	vadd.f32 $0.0e+00, v54;
	v54 =	vld [tilespmem:$0x1FF50]  }
0x1d1: {  	v7 =	vmul.f32 v7, v20;
	v24 =	vmul.f32 v56, v24;
	v56 =	vld [tilespmem:$0x1FF70]  }
0x1d2: {  	v9 =	vmul.f32 v9, v11;
	v17 =	vadd.f32 v21, v17;
	v21 =	vmul.f32 v62, v40;
	v62 =	vld [tilespmem:$0x1FFD0]  }
0x1d3: {  	v2 =	vmul.f32 v2, v14;
	v40 =	vmul.f32 v48, v63;
	v48 =	vld [tilespmem:s16+$0x620]  }
0x1d4: {  	v6 =	vmul.f32 v6, v16;
	v15 =	vadd.f32 v22, v15;
	v22 =	vmul.f32 v49, v43;
	v49 =	vld [tilespmem:s16+$0x4620]  }
0x1d5: {  	v9 =	vmul.f32 v13, v9;
	v3 =	vmul.f32 v23, v3;
	v63 =	vld [tilespmem:$0x1FFE0]  }
0x1d6: {  	v6 =	vmul.f32 v12, v6;
	v43 =	vmul.f32 v50, v51;
	v50 =	vld [tilespmem:s16+$0x8620]  }
0x1d7: {  	v2 =	vmul.f32 v5, v2;
	v17 =	vadd.f32 v19, v17;
	v19 =	vmul.f32 v52, v40;
	v51 =	vld [tilespmem:$0x1FFF0]  }
0x1d8: {  	v6 =	vadd.f32 $0.0e+00, v6;
	v40 =	vmul.f32 v54, v53;
	v52 =	vld [tilespmem:s16+$0x8630];
	v54 =	vmul.f32 v39, v38  }
0x1d9: {  	v15 =	vadd.f32 v22, v15;
	v53 =	vld [tilespmem:s16+$0x640];
	v22 =	vmul.f32 v55, v43;
	v43 =	vmul.f32 v57, v56  }
0x1da: {  	v17 =	vadd.f32 v24, v17;
	v24 =	vmul.f32 v58, v40;
	v40 =	vmul.f32 v60, v59;
	v55 =	vld [tilespmem:s16+$0x4640]  }
0x1db: {  	v15 =	vadd.f32 v22, v15;
	v22 =	vmul.f32 v61, v43;
	v43 =	vmul.f32 v47, v62;
	v47 =	vld [tilespmem:s16+$0x630]  }
0x1dc: {  	v6 =	vadd.f32 v9, v6;
	v17 =	vadd.f32 v21, v17;
	v21 =	vmul.f32 v63, v40;
	v40 =	vld [tilespmem:s16+$0x4630]  }
0x1dd: {  	v56 =	vld [tilespmem:s16+$0x8640];
	v57 =	vmul.f32 v42, v54;
	v58 =	vmul.f32 v45, v44  }
0x1de: {  	v3 =	vmul.f32 v25, v3;
	v2 =	vadd.f32 v2, v6;
	v59 =	vld [tilespmem:s16+$0x650];
	v42 =	vmul.f32 v27, v26  }
0x1df: {  	v60 =	vld [tilespmem:s16+$0x4650];
	v61 =	vmul.f32 v46, v58;
	v12 =	vadd.f32 $0.0e+00, v57;
	v62 =	vmul.f32 v49, v48  }
0x1e0: {  	v63 =	vld [tilespmem:s16+$0x8650];
	v48 =	vmul.f32 v30, v29;
	v57 =	vmul.f32 v35, v36;
	v17 =	vadd.f32 v19, v17  }
0x1e1: {  	v46 =	vld [tilespmem:s16+$0x670];
	v38 =	vadd.f32 v61, v12;
	v39 =	vmul.f32 v50, v62;
	v40 =	vmul.f32 v40, v47  }
0x1e2: {  	v15 =	vadd.f32 v22, v15;
	v22 =	vmul.f32 v51, v43;
	v17 =	vadd.f32 v24, v17;
	v24 =	vld [tilespmem:s16+$0x660]  }
0x1e3: {  	v49 =	vld [tilespmem:s16+$0x4670];
	v45 =	vmul.f32 v55, v53;
	v9 =	vadd.f32 v39, v38;
	v44 =	vmul.f32 v52, v40  }
0x1e4: {  	v2 =	vadd.f32 v3, v2;
	v43 =	vld [tilespmem:s16+$0x8660];
	v13 =	vmul.f32 v60, v59;
	v47 =	vmul.f32 v28, v42  }
0x1e5: {  	p2 =	slt.u32 s1, $0x78;
	s26 =	sadd.s32 s21, s26;
	v50 =	vld [tilespmem:s2+$0x8670];
	v53 =	vmul.f32 v33, v32;
	v11 =	vmul.f32 v56, v45;
	v9 =	vadd.f32 v44, v9  }
0x1e6: {  	s25 =	sadd.s32 s21, s25;
	s26 =	sshll.u32 s26, $0x4;
	s2 =	sadd.s32 s21, s1;
	v51 =	vld [tilespmem:s16+$0x8670];
	v15 =	vadd.f32 v22, v15;
	v2 =	vadd.f32 v47, v2;
	v52 =	vmul.f32 v31, v48  }
0x1e7: {  	s28 =	sadd.s32 s21, s28;
	s26 =	sand.u32 $0x3FFFFFF0, s26;
	s2 =	sshll.u32 s2, $0x4;
	v54 =	vmul.f32 v63, v13;
	v5 =	vmul.f32 v41, v24;
	v9 =	vadd.f32 v11, v9  }
0x1e8: {  	s28 =	sshll.u32 s28, $0x4;
	[tilespmem:s26+$0x18600] =	vst v10;
	s16 =	sshll.u32 s25, $0x4;
	s2 =	sand.u32 $0x3FFFFFF0, s2;
	v56 =	vmul.f32 v34, v53;
	v59 =	vmul.f32 v49, v46;
	v55 =	vadd.f32 v52, v2  }
0x1e9: {  	s29 =	sadd.s32 s21, s29;
	s31 =	sadd.s32 s21, s31;
	s16 =	sand.u32 $0x3FFFFFF0, s16;
	[tilespmem:s2+$0x18600] =	vst v0;
	v4 =	vadd.f32 v4, v15;
	v5 =	vmul.f32 v43, v5;
	v58 =	vadd.f32 v54, v9  }
0x1ea: {  	s26 =	sshll.u32 s29, $0x4;
	[tilespmem:s16+$0x18600] =	vst v1;
	v60 =	vadd.f32 v21, v17;
	s16 =	sand.u32 $0x3FFFFFF0, s28;
	s28 =	sadd.s32 s21, s30;
	v61 =	vmul.f32 v50, v57;
	v0 =	vadd.f32 v56, v55  }
.Ltmp0:
0x1eb: {  	s29 =	sand.u32 $0x3FFFFFF0, s26;
	[tilespmem:s16+$0x18600] =	vst v8;
	s30 =	sshll.u32 s28, $0x4;
	v63 =	vmul.f32 v51, v59;
	v62 =	vadd.f32 v7, v4;
	v1 =	vadd.f32 v5, v58;
	(pc) =	sbr.rel @p2 .LBB2_3-.Ltmp0, $4  }
0x1ec: {  	s14 =	sadd.s32 s21, s14;
	s28 =	sshll.u32 s31, $0x4;
	[tilespmem:s29+$0x18600] =	vst v60;
	s26 =	sand.u32 $0x3FFFFFF0, s30;
	v0 =	vadd.f32 v61, v0  }
0x1ed: {  	s14 =	sshll.u32 s14, $0x4;
	s29 =	sand.u32 $0x3FFFFFF0, s28;
	[tilespmem:s26+$0x18600] =	vst v62;
	v1 =	vadd.f32 v63, v1  }
0x1ee: {  	s31 =	sadd.s32 $0x8, s1;
	s30 =	sand.u32 $0x3FFFFFF0, s14;
	[tilespmem:s29+$0x18600] =	vst v0  }
0x1ef: {  	s1 =	smov.u32 s31;
	[tilespmem:s30+$0x18600] =	vst v1  }
0x1f0: {  	s1 =	sshll.u32 s20, $0xC  }
0x1f1: {  	s1 =	sand.u32 $0x3FFFF000, s1  }
0x1f2: {  	s14 =	sadd.s32 s21, s8;
	s31 =	simm.s32 $0x1A600;
	s2 =	sadd.s32 $0x18600, s1  }
0x1f3: {  	[spmem:s14] =	stream.indirect.scatter.add.f32 [tilespmem:s2], [sflag:$0x7], $0x1, s31, s15, $0xb8;
	[tilespmem:$0x1B200] =	vst v63  }
0x1f4: {  	s16 =	simm.s32 $0x1A680;
	s26 =	sadd.s32 $0x18680, s1  }
0x1f5: {  	[spmem:s14] =	stream.indirect.scatter.add.f32 [tilespmem:s26], [sflag:$0x7], $0x1, s16, s15, $0xb8;
	[tilespmem:$0x1B200] =	vst v63  }
0x1f6: {  	s29 =	simm.s32 $0x1A700;
	s28 =	sadd.s32 $0x18700, s1  }
0x1f7: {  	[spmem:s14] =	stream.indirect.scatter.add.f32 [tilespmem:s28], [sflag:$0x7], $0x1, s29, s15, $0xb8;
	[tilespmem:$0x1B200] =	vst v63  }
0x1f8: {  	s21 =	simm.s32 $0x1A780;
	s20 =	sadd.s32 $0x18780, s1  }
0x1f9: {  	[spmem:s14] =	stream.indirect.scatter.add.f32 [tilespmem:s20], [sflag:$0x7], $0x1, s21, s15, $0xb8;
	[tilespmem:$0x1B200] =	vst v63  }
0x1fa: {  	s25 =	sadd.s32 $0x18800, s1;
	s26 =	simm.s32 $0x1A800  }
0x1fb: {  	[spmem:s14] =	stream.indirect.scatter.add.f32 [tilespmem:s25], [sflag:$0x7], $0x1, s26, s15, $0xb8;
	[tilespmem:$0x1B200] =	vst v63  }
0x1fc: {  	s28 =	sadd.s32 $0x18880, s1;
	s29 =	simm.s32 $0x1A880  }
0x1fd: {  	[spmem:s14] =	stream.indirect.scatter.add.f32 [tilespmem:s28], [sflag:$0x7], $0x1, s29, s15, $0xb8;
	[tilespmem:$0x1B200] =	vst v63  }
0x1fe: {  	s20 =	sadd.s32 $0x18900, s1;
	s21 =	simm.s32 $0x1A900  }
0x1ff: {  	[spmem:s14] =	stream.indirect.scatter.add.f32 [tilespmem:s20], [sflag:$0x7], $0x1, s21, s15, $0xb8;
	[tilespmem:$0x1B200] =	vst v63  }
0x200: {  	s25 =	sadd.s32 $0x18980, s1;
	s26 =	simm.s32 $0x1A980  }
0x201: {  	[spmem:s14] =	stream.indirect.scatter.add.f32 [tilespmem:s25], [sflag:$0x7], $0x1, s26, s15, $0xb8;
	[tilespmem:$0x1B200] =	vst v63  }
0x202: {  	s28 =	sadd.s32 $0x18A00, s1;
	s29 =	simm.s32 $0x1AA00  }
0x203: {  	[spmem:s14] =	stream.indirect.scatter.add.f32 [tilespmem:s28], [sflag:$0x7], $0x1, s29, s15, $0xb8;
	[tilespmem:$0x1B200] =	vst v63  }
0x204: {  	s16 =	sadd.s32 $0x18A80, s1;
	s20 =	simm.s32 $0x1AA80  }
0x205: {  	[spmem:s14] =	stream.indirect.scatter.add.f32 [tilespmem:s16], [sflag:$0x7], $0x1, s20, s15, $0xb8;
	[tilespmem:$0x1B200] =	vst v63  }
0x206: {  	s21 =	sadd.s32 $0x18B00, s1  }
0x207: {  	[spmem:s14] =	stream.indirect.scatter.add.f32 [tilespmem:s21], [sflag:$0x7], $0x1, s18, s15, $0xb8;
	[tilespmem:$0x1B200] =	vst v63  }
0x208: {  	s25 =	sadd.s32 $0x18B80, s1  }
0x209: {  	[spmem:s14] =	stream.indirect.scatter.add.f32 [tilespmem:s25], [sflag:$0x7], $0x1, s4, s15, $0xb8;
	[tilespmem:$0x1B200] =	vst v63  }
0x20a: {  	s26 =	sadd.s32 $0x18C00, s1  }
0x20b: {  	[spmem:s14] =	stream.indirect.scatter.add.f32 [tilespmem:s26], [sflag:$0x7], $0x1, s12, s15, $0xb8;
	[tilespmem:$0x1B200] =	vst v63  }
0x20c: {  	s28 =	sadd.s32 $0x18C80, s1  }
0x20d: {  	[spmem:s14] =	stream.indirect.scatter.add.f32 [tilespmem:s28], [sflag:$0x7], $0x1, s13, s15, $0xb8;
	[tilespmem:$0x1B200] =	vst v63  }
0x20e: {  	s29 =	sadd.s32 $0x18D00, s1  }
0x20f: {  	[spmem:s14] =	stream.indirect.scatter.add.f32 [tilespmem:s29], [sflag:$0x7], $0x1, s5, s15, $0xb8;
	[tilespmem:$0x1B200] =	vst v63  }
0x210: {  	s1 =	sadd.s32 $0x18D80, s1  }
0x211: {  	[spmem:s14] =	stream.indirect.scatter.add.f32 [tilespmem:s1], [sflag:$0x7], $0x1, s6, s15, $0xb8;
	[tilespmem:$0x1B200] =	vst v63  }
0x212: {  	s2 =	simm.s32 @!p1 $0x100;
	s1 =	simm.s32 @!p1 $0x80;
	s14 =	simm.s32 @!p1 $0x600  }
0x213: {  	[tilespmem:s14], [sflag:$0x1] =	stream.indirect.gather @!p1 [hbm4b:s0+s1], $0x80, s2, s1, $0xb8;
	[tilespmem:$0x1B200] =	vst v63  }
0x214: {  	s2 =	simm.s32 @!p1 $0x300;
	s14 =	simm.s32 @!p1 $0x4600  }
0x215: {  	[tilespmem:s14], [sflag:$0x2] =	stream.indirect.gather @!p1 [hbm4b:s17+s1], $0x80, s2, s1, $0xb8;
	[tilespmem:$0x1B200] =	vst v63  }
0x216: {  	s2 =	simm.s32 @!p1 $0x500;
	s14 =	simm.s32 @!p1 $0x8600  }
0x217: {  	[tilespmem:s14], [sflag:$0x3] =	stream.indirect.gather @!p1 [hbm4b:s0+s1], $0x80, s2, s1, $0xb8;
	[tilespmem:$0x1B200] =	vst v63  }
0x218: {  	_ =	swait.ge [sflag:s7], $0x4000  }
0x219: {  	[sflag:s7] =	ssyncset.done $0x0  }
0x21a: {  	[sflag:s7] =	ssyncadd.s32 $0xFFFFC000  }
0x21b: {  	_ =	swait.ge [sflag:s9], $0x4000  }
0x21c: {  	[sflag:s9] =	ssyncset.done $0x0  }
0x21d: {  	[sflag:s9] =	ssyncadd.s32 $0xFFFFC000  }
0x21e: {  	_ =	swait.ge [sflag:s10], $0x4000  }
0x21f: {  	[sflag:s10] =	ssyncset.done $0x0  }
0x220: {  	s30 =	smov.u32 s17;
	s1 =	simm.s32 $0x0;
	[sflag:s10] =	ssyncadd.s32 $0xFFFFC000  }
.LBB2_5:
0x221: {  	s2 =	sshll.u32 s1, $0x7  }
0x222: {  	v23 =	vld [tilespmem:s2+$0xC600]  }
0x223: {  	v16 =	vld [tilespmem:s2+$0x10600]  }
0x224: {  	v47 =	vld [tilespmem:s2+$0x14600]  }
0x225: {  	v18 =	vld [tilespmem:s2+$0xC610]  }
0x226: {  	v14 =	vld [tilespmem:s2+$0x10610]  }
0x227: {  	v28 =	vld [tilespmem:s2+$0x14610]  }
0x228: {  	v20 =	vld [tilespmem:s2+$0xC620]  }
0x229: {  	v13 =	vld [tilespmem:s2+$0x10620]  }
0x22a: {  	v29 =	vld [tilespmem:s2+$0x14620]  }
0x22b: {  	v26 =	vld [tilespmem:s2+$0xC630]  }
0x22c: {  	v25 =	vld [tilespmem:s2+$0x10630]  }
0x22d: {  	v63 =	vld [tilespmem:s2+$0x14630]  }
0x22e: {  	v33 =	vld [tilespmem:s2+$0xC640]  }
0x22f: {  	v32 =	vld [tilespmem:s2+$0x10640]  }
0x230: {  	v55 =	vld [tilespmem:s2+$0x14640]  }
0x231: {  	v54 =	vld [tilespmem:s2+$0xC650]  }
0x232: {  	v37 =	vld [tilespmem:s2+$0x10650]  }
0x233: {  	v0 =	vld [tilespmem:s2+$0x14650]  }
0x234: {  	v44 =	vld [tilespmem:s2+$0xC660]  }
0x235: {  	v45 =	vld [tilespmem:s2+$0x10660]  }
0x236: {  	v46 =	vld [tilespmem:s2+$0x14660]  }
0x237: {  	v48 =	vld [tilespmem:s2+$0xC670]  }
0x238: {  	s20 =	sor.u32 $0x1, s1;
	v49 =	vld [tilespmem:s2+$0x10670]  }
0x239: {  	v50 =	vld [tilespmem:s2+$0x14670];
	s26 =	sshll.u32 s20, $0x7  }
0x23a: {  	v1 =	vld [tilespmem:s26+$0xC600]  }
0x23b: {  	v4 =	vld [tilespmem:s26+$0x14600]  }
0x23c: {  	v3 =	vld [tilespmem:s26+$0xC610]  }
0x23d: {  	v2 =	vld [tilespmem:s26+$0x10610]  }
0x23e: {  	v6 =	vld [tilespmem:s26+$0x14610]  }
0x23f: {  	v7 =	vld [tilespmem:s26+$0xC620]  }
0x240: {  	v5 =	vld [tilespmem:s26+$0x10620]  }
0x241: {  	v11 =	vld [tilespmem:s26+$0x14620]  }
0x242: {  	v12 =	vld [tilespmem:s26+$0xC630]  }
0x243: {  	v9 =	vld [tilespmem:s26+$0x10630]  }
0x244: {  	v24 =	vld [tilespmem:s26+$0x14630]  }
0x245: {  	v22 =	vld [tilespmem:s26+$0xC640]  }
0x246: {  	v21 =	vld [tilespmem:s26+$0x10640]  }
0x247: {  	v36 =	vld [tilespmem:s26+$0x14640]  }
0x248: {  	v38 =	vld [tilespmem:s26+$0xC650]  }
0x249: {  	v34 =	vld [tilespmem:s26+$0x10650]  }
0x24a: {  	v57 =	vld [tilespmem:s26+$0x14650]  }
0x24b: {  	v42 =	vld [tilespmem:s26+$0xC660]  }
0x24c: {  	v39 =	vld [tilespmem:s26+$0x10660]  }
0x24d: {  	v61 =	vld [tilespmem:s26+$0x14660]  }
0x24e: {  	s21 =	sor.u32 $0x2, s1;
	v43 =	vld [tilespmem:s26+$0x10670]  }
0x24f: {  	s28 =	sshll.u32 s21, $0x7;
	v62 =	vld [tilespmem:s26+$0x14670]  }
0x250: {  	v40 =	vld [tilespmem:s28+$0x10600]  }
0x251: {  	v8 =	vld [tilespmem:s28+$0x14600]  }
0x252: {  	v51 =	vld [tilespmem:s28+$0x14610]  }
0x253: {  	v53 =	vld [tilespmem:s28+$0xC620]  }
0x254: {  	v52 =	vld [tilespmem:s28+$0x14620]  }
0x255: {  	v56 =	vld [tilespmem:s28+$0xC630]  }
0x256: {  	v58 =	vld [tilespmem:s28+$0x10630]  }
0x257: {  	v59 =	vld [tilespmem:s28+$0x14630]  }
0x258: {  	v60 =	vld [tilespmem:s28+$0xC640]  }
0x259: {  	v15 =	vld [tilespmem:s28+$0x10640]  }
0x25a: {  	v17 =	vld [tilespmem:s28+$0x14640]  }
0x25b: {  	v19 =	vld [tilespmem:s28+$0xC650]  }
0x25c: {  	v27 =	vld [tilespmem:s28+$0x10650]  }
0x25d: {  	v30 =	vld [tilespmem:s28+$0x14650]  }
0x25e: {  	v31 =	vld [tilespmem:s28+$0xC660]  }
0x25f: {  	s25 =	sor.u32 $0x3, s1;
	v35 =	vld [tilespmem:s28+$0x10660]  }
0x260: {  	s14 =	sshll.u32 s25, $0x7;
	v41 =	vld [tilespmem:s28+$0x14660]  }
0x261: {  	v10 =	vld [tilespmem:s14+$0xC600]  }
0x262: {  	[tilespmem:$0x1F6C0] =	vst v0;
	v0 =	vld [tilespmem:s26+$0x10600]  }
0x263: {  	[tilespmem:$0x1F700] =	vst v48;
	v48 =	vld [tilespmem:s26+$0xC670]  }
0x264: {  	[tilespmem:$0x1F6D0] =	vst v44;
	v44 =	vld [tilespmem:s28+$0xC600]  }
0x265: {  	[tilespmem:$0x1F710] =	vst v49;
	v49 =	vld [tilespmem:s28+$0xC610]  }
0x266: {  	[tilespmem:$0x1F6E0] =	vst v45;
	v45 =	vld [tilespmem:s28+$0x10610]  }
0x267: {  	[tilespmem:$0x1F720] =	vst v50;
	v50 =	vld [tilespmem:s28+$0x10620]  }
0x268: {  	[tilespmem:$0x1F6F0] =	vst v46;
	v46 =	vld [tilespmem:s28+$0xC670]  }
0x269: {  	[tilespmem:$0x1F740] =	vst v51;
	v51 =	vld [tilespmem:s28+$0x10670]  }
0x26a: {  	[tilespmem:$0x1F750] =	vst v52;
	v52 =	vld [tilespmem:s28+$0x14670]  }
0x26b: {  	[tilespmem:$0x1F730] =	vst v8;
	v8 =	vld [tilespmem:s14+$0x10600]  }
0x26c: {  	[tilespmem:$0x1F7B0] =	vst v17;
	v17 =	vld [tilespmem:s14+$0x14600]  }
0x26d: {  	[tilespmem:$0x1F7C0] =	vst v19;
	v19 =	vld [tilespmem:s14+$0xC610]  }
0x26e: {  	[tilespmem:$0x1F7A0] =	vst v15;
	v15 =	vld [tilespmem:s14+$0x10610]  }
0x26f: {  	[tilespmem:$0x1F7E0] =	vst v30;
	v30 =	vld [tilespmem:s14+$0x14610]  }
0x270: {  	[tilespmem:$0x1F7F0] =	vst v31;
	v31 =	vld [tilespmem:s14+$0xC620]  }
0x271: {  	[tilespmem:$0x1F7D0] =	vst v27;
	v27 =	vld [tilespmem:s14+$0x10620]  }
0x272: {  	[tilespmem:$0x1F800] =	vst v35;
	v35 =	vld [tilespmem:s14+$0x14630]  }
0x273: {  	[tilespmem:$0x1F760] =	vst v56;
	v56 =	vld [tilespmem:s14+$0xC640]  }
0x274: {  	[tilespmem:$0x1F770] =	vst v58;
	v58 =	vld [tilespmem:s14+$0x10640]  }
0x275: {  	[tilespmem:$0x1F780] =	vst v59;
	v59 =	vld [tilespmem:s14+$0x14640]  }
0x276: {  	[tilespmem:$0x1F790] =	vst v60;
	v60 =	vld [tilespmem:s14+$0xC650]  }
0x277: {  	[tilespmem:$0x1F840] =	vst v41;
	v41 =	vld [tilespmem:s14+$0x10650];
	s28 =	sor.u32 $0x5, s1  }
0x278: {  	v13 =	vmul.f32 v13, v20;
	v20 =	vld [tilespmem:$0x1F6D0];
	s16 =	sshll.u32 s28, $0x7  }
0x279: {  	v16 =	vmul.f32 v16, v23;
	v23 =	vld [tilespmem:s16+$0x10640]  }
0x27a: {  	[tilespmem:$0x1F830] =	vst v58;
	v58 =	vld [tilespmem:s14+$0xC660]  }
0x27b: {  	v16 =	vmul.f32 v47, v16;
	v47 =	vld [tilespmem:s16+$0x14640]  }
0x27c: {  	v14 =	vmul.f32 v14, v18;
	v18 =	vld [tilespmem:s16+$0x10660]  }
0x27d: {  	v5 =	vmul.f32 v5, v7;
	v7 =	vld [tilespmem:s16+$0x14670]  }
0x27e: {  	[tilespmem:$0x1F850] =	vst v46;
	v46 =	vld [tilespmem:s14+$0x10630]  }
0x27f: {  	[tilespmem:$0x1F8B0] =	vst v58;
	v58 =	vld [tilespmem:s14+$0x14670]  }
0x280: {  	v45 =	vmul.f32 v45, v49;
	v49 =	vmul.f32 v50, v53;
	v53 =	vld [tilespmem:$0x1F740]  }
0x281: {  	v44 =	vmul.f32 v40, v44;
	v40 =	vld [tilespmem:$0x1F7E0]  }
0x282: {  	s26 =	sor.u32 $0x4, s1;
	[tilespmem:$0x1F860] =	vst v51;
	v51 =	vld [tilespmem:s14+$0x14620]  }
0x283: {  	s29 =	sshll.u32 s26, $0x7;
	[tilespmem:$0x1F8A0] =	vst v52;
	v52 =	vld [tilespmem:s14+$0xC630]  }
0x284: {  	[tilespmem:$0x1F930] =	vst v58;
	v58 =	vld [tilespmem:s29+$0x10610]  }
0x285: {  	[tilespmem:$0x1F820] =	vst v56;
	v56 =	vld [tilespmem:s14+$0x14650]  }
0x286: {  	[tilespmem:$0x1F870] =	vst v59;
	v59 =	vld [tilespmem:s14+$0x10660]  }
0x287: {  	[tilespmem:$0x1F880] =	vst v60;
	v60 =	vld [tilespmem:s14+$0x14660]  }
0x288: {  	[tilespmem:$0x1F890] =	vst v41;
	v41 =	vld [tilespmem:s14+$0xC670]  }
0x289: {  	v0 =	vmul.f32 v0, v1;
	[tilespmem:$0x1F950] =	vst v58;
	v58 =	vld [tilespmem:s29+$0xC630]  }
0x28a: {  	[tilespmem:$0x1F810] =	vst v35;
	v35 =	vld [tilespmem:s16+$0x10600]  }
0x28b: {  	v0 =	vmul.f32 v4, v0;
	v4 =	vld [tilespmem:s16+$0x14660]  }
0x28c: {  	[tilespmem:$0x1FAE0] =	vst v23;
	v23 =	vmul.f32 v25, v26;
	v25 =	vld [tilespmem:s16+$0xC650]  }
0x28d: {  	v14 =	vmul.f32 v28, v14;
	v28 =	vadd.f32 $0.0e+00, v16;
	[tilespmem:$0x1FB20] =	vst v47;
	v47 =	vld [tilespmem:s16+$0x10650]  }
0x28e: {  	v2 =	vmul.f32 v2, v3;
	[tilespmem:$0x1F9B0] =	vst v58;
	v58 =	vld [tilespmem:s29+$0x14640]  }
0x28f: {  	v26 =	vmul.f32 v32, v33;
	v32 =	vadd.f32 v14, v28;
	v33 =	vmul.f32 v37, v54;
	v28 =	vld [tilespmem:$0x1F700]  }
0x290: {  	v54 =	vmul.f32 v9, v12;
	v3 =	vmul.f32 v63, v23;
	v63 =	vld [tilespmem:s16+$0xC660]  }
0x291: {  	v23 =	vld [tilespmem:$0x1F6E0]  }
0x292: {  	v24 =	vmul.f32 v24, v54;
	v54 =	vmul.f32 v53, v45;
	v45 =	vld [tilespmem:$0x1F820]  }
0x293: {  	[tilespmem:$0x1FA30] =	vst v58;
	v58 =	vld [tilespmem:s29+$0x10660]  }
0x294: {  	v53 =	vld [tilespmem:$0x1F890]  }
0x295: {  	[tilespmem:$0x1F8D0] =	vst v56;
	v56 =	vld [tilespmem:s14+$0x10670]  }
0x296: {  	v2 =	vmul.f32 v6, v2;
	v0 =	vadd.f32 $0.0e+00, v0;
	[tilespmem:$0x1F8C0] =	vst v59;
	v59 =	vld [tilespmem:s29+$0xC600]  }
0x297: {  	[tilespmem:$0x1F900] =	vst v60;
	v60 =	vld [tilespmem:s29+$0x10600]  }
0x298: {  	v37 =	vmul.f32 v11, v5;
	v0 =	vadd.f32 v2, v0;
	[tilespmem:$0x1FAB0] =	vst v58;
	v58 =	vld [tilespmem:s16+$0x14610]  }
0x299: {  	[tilespmem:$0x1F8E0] =	vst v41;
	v41 =	vld [tilespmem:s29+$0x14600]  }
0x29a: {  	v0 =	vadd.f32 v37, v0;
	v37 =	vld [tilespmem:s16+$0x10670]  }
0x29b: {  	v6 =	vmul.f32 v23, v20;
	v20 =	vld [tilespmem:s16+$0xC670]  }
0x29c: {  	[tilespmem:$0x1F8F0] =	vst v56;
	v56 =	vld [tilespmem:s29+$0xC610]  }
0x29d: {  	[tilespmem:$0x1FA00] =	vst v58;
	v58 =	vld [tilespmem:s16+$0xC620]  }
0x29e: {  	[tilespmem:$0x1F960] =	vst v41;
	v41 =	vld [tilespmem:s29+$0x10620]  }
0x29f: {  	[tilespmem:$0x1F910] =	vst v59;
	v59 =	vld [tilespmem:s29+$0x14610]  }
0x2a0: {  	[tilespmem:$0x1F920] =	vst v60;
	v60 =	vld [tilespmem:s29+$0xC620]  }
0x2a1: {  	[tilespmem:$0x1F940] =	vst v56;
	v56 =	vld [tilespmem:s29+$0x14620]  }
0x2a2: {  	[tilespmem:$0x1FA10] =	vst v58;
	v58 =	vld [tilespmem:s16+$0x10620]  }
0x2a3: {  	[tilespmem:$0x1F980] =	vst v41;
	v41 =	vld [tilespmem:s29+$0xC640]  }
0x2a4: {  	[tilespmem:$0x1F990] =	vst v59;
	v59 =	vld [tilespmem:s29+$0x10630]  }
0x2a5: {  	[tilespmem:$0x1F970] =	vst v60;
	v60 =	vld [tilespmem:s29+$0x14630]  }
0x2a6: {  	[tilespmem:$0x1F9A0] =	vst v56;
	v56 =	vld [tilespmem:s29+$0x10640]  }
0x2a7: {  	[tilespmem:$0x1FA20] =	vst v58;
	v58 =	vld [tilespmem:s16+$0x14620]  }
0x2a8: {  	[tilespmem:$0x1F9E0] =	vst v41;
	v41 =	vld [tilespmem:s29+$0x14650]  }
0x2a9: {  	[tilespmem:$0x1F9C0] =	vst v59;
	v59 =	vld [tilespmem:s29+$0xC650]  }
0x2aa: {  	[tilespmem:$0x1F9D0] =	vst v60;
	v60 =	vld [tilespmem:s29+$0x10650]  }
0x2ab: {  	[tilespmem:$0x1F9F0] =	vst v56;
	v56 =	vld [tilespmem:s29+$0xC660]  }
0x2ac: {  	[tilespmem:$0x1FA60] =	vst v58;
	v58 =	vld [tilespmem:s16+$0xC630]  }
0x2ad: {  	[tilespmem:$0x1FA90] =	vst v41;
	v41 =	vld [tilespmem:s29+$0x10670]  }
0x2ae: {  	[tilespmem:$0x1FA40] =	vst v59;
	v59 =	vld [tilespmem:s29+$0x14660]  }
0x2af: {  	[tilespmem:$0x1FA50] =	vst v60;
	v60 =	vld [tilespmem:s29+$0xC670]  }
0x2b0: {  	[tilespmem:$0x1FAA0] =	vst v56;
	v56 =	vld [tilespmem:s29+$0x14670]  }
0x2b1: {  	[tilespmem:$0x1FA80] =	vst v58;
	v58 =	vld [tilespmem:s16+$0x10630]  }
0x2b2: {  	[tilespmem:$0x1FB10] =	vst v41;
	v41 =	vld [tilespmem:s16+$0xC600]  }
0x2b3: {  	[tilespmem:$0x1FAF0] =	vst v59;
	v59 =	vld [tilespmem:s16+$0x14600];
	s29 =	sor.u32 $0x6, s1  }
0x2b4: {  	[tilespmem:$0x1FB00] =	vst v60;
	v60 =	vld [tilespmem:s16+$0xC610];
	s17 =	sshll.u32 s29, $0x7  }
0x2b5: {  	v16 =	vld [tilespmem:s17+$0xC600]  }
0x2b6: {  	[tilespmem:$0x1FA70] =	vst v58;
	v58 =	vld [tilespmem:s16+$0x14630]  }
0x2b7: {  	v12 =	vld [tilespmem:s17+$0x14600]  }
0x2b8: {  	v11 =	vld [tilespmem:s17+$0xC610]  }
0x2b9: {  	v9 =	vld [tilespmem:s17+$0x10610]  }
0x2ba: {  	v14 =	vld [tilespmem:s17+$0xC620]  }
0x2bb: {  	[tilespmem:$0x1FAC0] =	vst v58;
	v58 =	vld [tilespmem:s16+$0xC640]  }
0x2bc: {  	v15 =	vmul.f32 v15, v19;
	v2 =	vld [tilespmem:s17+$0x10620]  }
0x2bd: {  	v23 =	vld [tilespmem:s17+$0x10630]  }
0x2be: {  	v15 =	vmul.f32 v30, v15;
	v30 =	vld [tilespmem:s17+$0x10650]  }
0x2bf: {  	[tilespmem:$0x1FB40] =	vst v56;
	v56 =	vld [tilespmem:s16+$0x10610]  }
0x2c0: {  	[tilespmem:$0x1FAD0] =	vst v58;
	v58 =	vmul.f32 v29, v13;
	v29 =	vld [tilespmem:s16+$0x14650]  }
0x2c1: {  	s14 =	sor.u32 $0x7, s1;
	[tilespmem:$0x1FB30] =	vst v25;
	v25 =	vmul.f32 v21, v22;
	v13 =	vmul.f32 v55, v26;
	v55 =	vld [tilespmem:$0x1F6C0]  }
0x2c2: {  	v0 =	vadd.f32 v24, v0;
	v26 =	vld [tilespmem:$0x1F6F0];
	s16 =	sshll.u32 s14, $0x7  }
0x2c3: {  	v18 =	vmul.f32 v18, v63;
	v63 =	vld [tilespmem:s16+$0x14650];
	v1 =	vadd.f32 v58, v32;
	v32 =	vmul.f32 v36, v25  }
0x2c4: {  	v25 =	vld [tilespmem:$0x1F780]  }
0x2c5: {  	v0 =	vadd.f32 v32, v0;
	v32 =	vmul.f32 v27, v31;
	v27 =	vld [tilespmem:s17+$0x10640]  }
0x2c6: {  	v31 =	vld [tilespmem:s17+$0x14650]  }
0x2c7: {  	[tilespmem:$0x1FB50] =	vst v29;
	v29 =	vld [tilespmem:$0x1F710]  }
0x2c8: {  	v58 =	vmul.f32 v55, v33;
	v33 =	vmul.f32 v34, v38;
	v34 =	vld [tilespmem:$0x1F720]  }
0x2c9: {  	v38 =	vmul.f32 v39, v42;
	v42 =	vmul.f32 v43, v48;
	v48 =	vld [tilespmem:$0x1F730]  }
0x2ca: {  	v1 =	vadd.f32 v3, v1;
	v55 =	vld [tilespmem:$0x1F750]  }
0x2cb: {  	v3 =	vmul.f32 v26, v6;
	v26 =	vld [tilespmem:$0x1F790]  }
0x2cc: {  	v1 =	vadd.f32 v13, v1;
	v13 =	vld [tilespmem:s17+$0x14610]  }
0x2cd: {  	v8 =	vmul.f32 v8, v10;
	v43 =	vmul.f32 v61, v38;
	v61 =	vld [tilespmem:$0x1F770]  }
0x2ce: {  	v39 =	vmul.f32 v57, v33;
	v33 =	vld [tilespmem:$0x1F7B0]  }
0x2cf: {  	v8 =	vmul.f32 v17, v8;
	v5 =	vmul.f32 v62, v42;
	v42 =	vld [tilespmem:$0x1F7F0]  }
0x2d0: {  	v38 =	vmul.f32 v51, v32;
	v51 =	vld [tilespmem:$0x1F870]  }
0x2d1: {  	v8 =	vadd.f32 $0.0e+00, v8;
	v32 =	vld [tilespmem:s17+$0xC660]  }
0x2d2: {  	v1 =	vadd.f32 v58, v1;
	v58 =	vld [tilespmem:$0x1F760]  }
0x2d3: {  	v8 =	vadd.f32 v15, v8;
	v0 =	vadd.f32 v39, v0;
	v39 =	vmul.f32 v46, v52;
	v46 =	vld [tilespmem:$0x1F830]  }
0x2d4: {  	v52 =	vld [tilespmem:$0x1F880]  }
0x2d5: {  	v8 =	vadd.f32 v38, v8;
	v38 =	vld [tilespmem:$0x1F920]  }
0x2d6: {  	v6 =	vmul.f32 v29, v28;
	v28 =	vld [tilespmem:$0x1F7A0]  }
0x2d7: {  	v1 =	vadd.f32 v3, v1;
	v3 =	vmul.f32 v48, v44;
	v44 =	vld [tilespmem:$0x1F810]  }
0x2d8: {  	v48 =	vld [tilespmem:$0x1F840]  }
0x2d9: {  	v57 =	vmul.f32 v55, v49;
	v49 =	vld [tilespmem:$0x1F850]  }
0x2da: {  	v55 =	vld [tilespmem:$0x1F8B0]  }
0x2db: {  	v50 =	vadd.f32 v43, v0;
	v43 =	vld [tilespmem:$0x1F800]  }
0x2dc: {  	v36 =	vmul.f32 v34, v6;
	v6 =	vld [tilespmem:s17+$0x10600]  }
0x2dd: {  	v29 =	vadd.f32 $0.0e+00, v3;
	v3 =	vld [tilespmem:s17+$0xC630]  }
0x2de: {  	v34 =	vld [tilespmem:$0x1F7C0]  }
0x2df: {  	v62 =	vmul.f32 v61, v58;
	v58 =	vld [tilespmem:$0x1F8D0]  }
0x2e0: {  	v61 =	vld [tilespmem:$0x1F8E0]  }
0x2e1: {  	v0 =	vadd.f32 v36, v1;
	v1 =	vadd.f32 v5, v50;
	v5 =	vld [tilespmem:s17+$0x14620]  }
0x2e2: {  	v36 =	vld [tilespmem:$0x1F7D0]  }
0x2e3: {  	v50 =	vld [tilespmem:$0x1F860]  }
0x2e4: {  	v21 =	vadd.f32 v54, v29;
	v29 =	vld [tilespmem:s17+$0xC650]  }
0x2e5: {  	v54 =	vld [tilespmem:$0x1F8A0]  }
0x2e6: {  	v22 =	vmul.f32 v46, v45;
	v45 =	vld [tilespmem:$0x1F980]  }
0x2e7: {  	v46 =	vld [tilespmem:$0x1F990]  }
0x2e8: {  	v17 =	vmul.f32 v25, v62;
	v25 =	vld [tilespmem:s17+$0x14630]  }
0x2e9: {  	v19 =	vmul.f32 v28, v26;
	v26 =	vld [tilespmem:s17+$0xC640]  }
0x2ea: {  	v28 =	vld [tilespmem:s17+$0x14640]  }
0x2eb: {  	v62 =	vld [tilespmem:$0x1F8F0]  }
0x2ec: {  	v15 =	vmul.f32 v44, v39;
	v39 =	vld [tilespmem:$0x1F930]  }
0x2ed: {  	v44 =	vld [tilespmem:$0x1F970]  }
0x2ee: {  	v10 =	vadd.f32 v57, v21;
	v57 =	vld [tilespmem:$0x1F8C0]  }
0x2ef: {  	v19 =	vmul.f32 v33, v19;
	v33 =	vld [tilespmem:s17+$0x10660]  }
0x2f0: {  	v8 =	vadd.f32 v15, v8;
	v15 =	vmul.f32 v51, v22;
	v51 =	vld [tilespmem:$0x1F9C0]  }
0x2f1: {  	v22 =	vmul.f32 v53, v52;
	v53 =	vmul.f32 v56, v60;
	v56 =	vld [tilespmem:$0x1F9F0]  }
0x2f2: {  	v60 =	vld [tilespmem:$0x1FA30]  }
0x2f3: {  	v24 =	vmul.f32 v36, v34;
	v34 =	vld [tilespmem:$0x1F900]  }
0x2f4: {  	v36 =	vld [tilespmem:$0x1F910]  }
0x2f5: {  	v8 =	vadd.f32 v15, v8;
	v15 =	vmul.f32 v58, v22;
	v58 =	vld [tilespmem:$0x1FA10]  }
0x2f6: {  	v22 =	vmul.f32 v62, v61;
	v61 =	vld [tilespmem:$0x1FA40]  }
0x2f7: {  	v62 =	vld [tilespmem:$0x1FA50]  }
0x2f8: {  	v21 =	vmul.f32 v40, v24;
	v40 =	vld [tilespmem:$0x1F940]  }
0x2f9: {  	v24 =	vmul.f32 v43, v42;
	v42 =	vld [tilespmem:$0x1F950]  }
0x2fa: {  	v43 =	vld [tilespmem:$0x1F960]  }
0x2fb: {  	v8 =	vadd.f32 v15, v8;
	v15 =	vmul.f32 v39, v22;
	v39 =	vld [tilespmem:s16+$0x10600]  }
0x2fc: {  	v10 =	vadd.f32 v17, v10;
	v17 =	vmul.f32 v48, v24;
	v48 =	vmul.f32 v35, v41;
	v35 =	vld [tilespmem:s17+$0x10670]  }
0x2fd: {  	v24 =	vmul.f32 v50, v49;
	v49 =	vld [tilespmem:$0x1F9A0]  }
0x2fe: {  	v50 =	vld [tilespmem:$0x1F9B0]  }
0x2ff: {  	v41 =	vld [tilespmem:s16+$0x14600]  }
0x300: {  	v10 =	vadd.f32 v19, v10;
	v19 =	vmul.f32 v54, v24;
	v54 =	vld [tilespmem:$0x1F9D0]  }
0x301: {  	v24 =	vmul.f32 v57, v55;
	v55 =	vld [tilespmem:$0x1F9E0]  }
0x302: {  	v57 =	vld [tilespmem:$0x1FA00]  }
0x303: {  	v52 =	vmul.f32 v59, v48;
	v59 =	vld [tilespmem:$0x1FA20]  }
0x304: {  	v48 =	vld [tilespmem:$0x1FA60]  }
0x305: {  	v10 =	vadd.f32 v21, v10;
	v21 =	vmul.f32 v34, v24;
	v34 =	vld [tilespmem:s17+$0x14660]  }
0x306: {  	v24 =	vmul.f32 v38, v36;
	v36 =	vld [tilespmem:s17+$0xC670]  }
0x307: {  	v38 =	vld [tilespmem:s16+$0xC600]  }
0x308: {  	v10 =	vadd.f32 v17, v10;
	v17 =	vmul.f32 v43, v24;
	v43 =	vld [tilespmem:s16+$0xC610]  }
0x309: {  	v22 =	vmul.f32 v42, v40;
	v24 =	vmul.f32 v45, v44;
	v44 =	vld [tilespmem:s16+$0x10610]  }
0x30a: {  	v45 =	vld [tilespmem:s16+$0x14610]  }
0x30b: {  	v8 =	vadd.f32 v21, v8;
	v21 =	vmul.f32 v46, v22;
	v46 =	vld [tilespmem:s16+$0xC620]  }
0x30c: {  	v22 =	vmul.f32 v57, v53;
	v53 =	vld [tilespmem:$0x1FAB0]  }
0x30d: {  	v40 =	vmul.f32 v56, v55;
	v55 =	vld [tilespmem:$0x1FAD0]  }
0x30e: {  	v56 =	vld [tilespmem:$0x1FAE0]  }
0x30f: {  	v57 =	vld [tilespmem:$0x1FAF0]  }
0x310: {  	v42 =	vmul.f32 v59, v58;
	v58 =	vld [tilespmem:$0x1FB00]  }
0x311: {  	v59 =	vld [tilespmem:$0x1FB10]  }
0x312: {  	v10 =	vadd.f32 v19, v10;
	v19 =	vmul.f32 v49, v24;
	v49 =	vld [tilespmem:$0x1FA70]  }
0x313: {  	v24 =	vmul.f32 v51, v50;
	v50 =	vld [tilespmem:$0x1FA80]  }
0x314: {  	v51 =	vld [tilespmem:$0x1FA90]  }
0x315: {  	v20 =	vmul.f32 v37, v20;
	v8 =	vadd.f32 v15, v8;
	v15 =	vadd.f32 $0.0e+00, v52;
	v52 =	vld [tilespmem:$0x1FAA0]  }
0x316: {  	v4 =	vmul.f32 v4, v18;
	v17 =	vadd.f32 $0.0e+00, v17;
	v24 =	vmul.f32 v54, v24;
	v54 =	vld [tilespmem:$0x1FAC0]  }
0x317: {  	v7 =	vmul.f32 v7, v20;
	v15 =	vadd.f32 v22, v15;
	v22 =	vmul.f32 v48, v42;
	v48 =	vld [tilespmem:s16+$0x10620]  }
0x318: {  	v6 =	vmul.f32 v6, v16;
	v17 =	vadd.f32 v21, v17;
	v21 =	vmul.f32 v60, v40;
	v60 =	vld [tilespmem:$0x1FB20]  }
0x319: {  	v9 =	vmul.f32 v9, v11;
	v40 =	vmul.f32 v62, v61;
	v61 =	vld [tilespmem:$0x1FB30]  }
0x31a: {  	v2 =	vmul.f32 v2, v14;
	v6 =	vmul.f32 v12, v6;
	v62 =	vld [tilespmem:$0x1FB40]  }
0x31b: {  	v9 =	vmul.f32 v13, v9;
	v42 =	vmul.f32 v49, v50;
	v49 =	vld [tilespmem:s16+$0x14620]  }
0x31c: {  	v3 =	vmul.f32 v23, v3;
	v2 =	vmul.f32 v5, v2;
	v6 =	vadd.f32 $0.0e+00, v6;
	v50 =	vld [tilespmem:s16+$0x10630]  }
0x31d: {  	v17 =	vadd.f32 v19, v17;
	v19 =	vmul.f32 v51, v40;
	v40 =	vmul.f32 v53, v52;
	v51 =	vld [tilespmem:$0x1FB50]  }
0x31e: {  	v15 =	vadd.f32 v22, v15;
	v52 =	vld [tilespmem:s16+$0x14630];
	v22 =	vmul.f32 v54, v42;
	v42 =	vmul.f32 v56, v55  }
0x31f: {  	v53 =	vld [tilespmem:s16+$0xC640];
	v17 =	vadd.f32 v24, v17;
	v24 =	vmul.f32 v57, v40;
	v40 =	vmul.f32 v59, v58  }
0x320: {  	v6 =	vadd.f32 v9, v6;
	v54 =	vmul.f32 v39, v38;
	v55 =	vld [tilespmem:s16+$0x10640];
	v58 =	vmul.f32 v44, v43  }
0x321: {  	v15 =	vadd.f32 v22, v15;
	v22 =	vmul.f32 v60, v42;
	v42 =	vmul.f32 v47, v61;
	v47 =	vld [tilespmem:s16+$0xC630]  }
0x322: {  	v3 =	vmul.f32 v25, v3;
	v2 =	vadd.f32 v2, v6;
	v56 =	vld [tilespmem:s16+$0x14640];
	v57 =	vmul.f32 v41, v54  }
0x323: {  	v59 =	vld [tilespmem:s16+$0xC650];
	v17 =	vadd.f32 v21, v17;
	v21 =	vmul.f32 v62, v40;
	v61 =	vmul.f32 v45, v58  }
0x324: {  	v43 =	vld [tilespmem:s16+$0x14660];
	v62 =	vmul.f32 v48, v46;
	v48 =	vmul.f32 v30, v29;
	v12 =	vadd.f32 $0.0e+00, v57  }
0x325: {  	v60 =	vld [tilespmem:s16+$0x10650];
	v17 =	vadd.f32 v19, v17;
	v15 =	vadd.f32 v22, v15;
	v22 =	vmul.f32 v51, v42  }
0x326: {  	v41 =	vld [tilespmem:s16+$0x10660];
	v39 =	vmul.f32 v49, v62;
	v38 =	vadd.f32 v61, v12;
	v40 =	vmul.f32 v50, v47  }
0x327: {  	v42 =	vmul.f32 v27, v26;
	v57 =	vmul.f32 v35, v36;
	v17 =	vadd.f32 v24, v17;
	v24 =	vld [tilespmem:s16+$0xC660]  }
0x328: {  	v46 =	vld [tilespmem:s16+$0xC670];
	v45 =	vmul.f32 v55, v53;
	v9 =	vadd.f32 v39, v38;
	v44 =	vmul.f32 v52, v40  }
0x329: {  	s21 =	sadd.s32 s11, s21;
	v2 =	vadd.f32 v3, v2;
	v49 =	vld [tilespmem:s16+$0x10670];
	v53 =	vmul.f32 v33, v32;
	v47 =	vmul.f32 v28, v42  }
0x32a: {  	s21 =	sshll.u32 s21, $0x4;
	v11 =	vmul.f32 v56, v45;
	v50 =	vld [tilespmem:s17+$0x14670];
	v13 =	vmul.f32 v60, v59;
	v9 =	vadd.f32 v44, v9  }
0x32b: {  	p1 =	slt.u32 s1, $0x78;
	s20 =	sadd.s32 s11, s20;
	s21 =	sand.u32 $0x3FFFFFF0, s21;
	v51 =	vld [tilespmem:s16+$0x14670];
	v15 =	vadd.f32 v22, v15;
	v2 =	vadd.f32 v47, v2;
	v52 =	vmul.f32 v31, v48  }
0x32c: {  	s26 =	sadd.s32 s11, s26;
	s16 =	sshll.u32 s20, $0x4;
	s17 =	sadd.s32 s11, s1;
	v54 =	vmul.f32 v63, v13;
	v5 =	vmul.f32 v41, v24;
	v9 =	vadd.f32 v11, v9  }
0x32d: {  	[tilespmem:s21+$0x18600] =	vst v10;
	s16 =	sand.u32 $0x3FFFFFF0, s16;
	v56 =	vmul.f32 v34, v53;
	v4 =	vadd.f32 v4, v15;
	s2 =	sshll.u32 s17, $0x4;
	s17 =	sadd.s32 s11, s25;
	v55 =	vadd.f32 v52, v2  }
0x32e: {  	s21 =	sshll.u32 s26, $0x4;
	[tilespmem:s16+$0x18600] =	vst v1;
	s2 =	sand.u32 $0x3FFFFFF0, s2;
	v59 =	vmul.f32 v49, v46;
	s25 =	sshll.u32 s17, $0x4;
	v5 =	vmul.f32 v43, v5;
	v58 =	vadd.f32 v54, v9  }
0x32f: {  	s26 =	sand.u32 $0x3FFFFFF0, s21;
	v60 =	vadd.f32 v21, v17;
	[tilespmem:s2+$0x18600] =	vst v0;
	s17 =	sand.u32 $0x3FFFFFF0, s25;
	s25 =	sadd.s32 s11, s28;
	v61 =	vmul.f32 v50, v57;
	v0 =	vadd.f32 v56, v55  }
.Ltmp1:
0x330: {  	v62 =	vadd.f32 v7, v4;
	[tilespmem:s17+$0x18600] =	vst v8;
	v63 =	vmul.f32 v51, v59;
	s28 =	sshll.u32 s25, $0x4;
	s17 =	sadd.s32 s11, s29;
	v1 =	vadd.f32 v5, v58;
	(pc) =	sbr.rel @p1 .LBB2_5-.Ltmp1, $4  }
0x331: {  	s14 =	sadd.s32 s11, s14;
	[tilespmem:s26+$0x18600] =	vst v60;
	s21 =	sand.u32 $0x3FFFFFF0, s28;
	s25 =	sshll.u32 s17, $0x4;
	v0 =	vadd.f32 v61, v0  }
0x332: {  	s14 =	sshll.u32 s14, $0x4;
	[tilespmem:s21+$0x18600] =	vst v62;
	s26 =	sand.u32 $0x3FFFFFF0, s25;
	v1 =	vadd.f32 v63, v1  }
0x333: {  	s29 =	sadd.s32 $0x8, s1;
	s28 =	sand.u32 $0x3FFFFFF0, s14;
	[tilespmem:s26+$0x18600] =	vst v0  }
0x334: {  	s1 =	smov.u32 s29;
	[tilespmem:s28+$0x18600] =	vst v1  }
0x335: {  	s1 =	sshll.u32 s19, $0xB  }
0x336: {  	s1 =	sand.u32 $0x3FFFF800, s1  }
0x337: {  	s11 =	sadd.s32 s11, s8;
	s2 =	sadd.s32 $0x18600, s1  }
0x338: {  	[spmem:s11] =	stream.indirect.scatter.add.f32 [tilespmem:s2], [sflag:$0x7], $0x1, s31, s15, $0xb8;
	[tilespmem:$0x1B200] =	vst v63  }
0x339: {  	s14 =	simm.s32 $0x1A680;
	s31 =	sadd.s32 $0x18680, s1  }
0x33a: {  	[spmem:s11] =	stream.indirect.scatter.add.f32 [tilespmem:s31], [sflag:$0x7], $0x1, s14, s15, $0xb8;
	[tilespmem:$0x1B200] =	vst v63  }
0x33b: {  	s17 =	simm.s32 $0x1A700;
	s16 =	sadd.s32 $0x18700, s1  }
0x33c: {  	[spmem:s11] =	stream.indirect.scatter.add.f32 [tilespmem:s16], [sflag:$0x7], $0x1, s17, s15, $0xb8;
	[tilespmem:$0x1B200] =	vst v63  }
0x33d: {  	s20 =	simm.s32 $0x1A780;
	s19 =	sadd.s32 $0x18780, s1  }
0x33e: {  	[spmem:s11] =	stream.indirect.scatter.add.f32 [tilespmem:s19], [sflag:$0x7], $0x1, s20, s15, $0xb8;
	[tilespmem:$0x1B200] =	vst v63  }
0x33f: {  	s25 =	simm.s32 $0x1A800;
	s21 =	sadd.s32 $0x18800, s1  }
0x340: {  	[spmem:s11] =	stream.indirect.scatter.add.f32 [tilespmem:s21], [sflag:$0x7], $0x1, s25, s15, $0xb8;
	[tilespmem:$0x1B200] =	vst v63  }
0x341: {  	s28 =	simm.s32 $0x1A880;
	s26 =	sadd.s32 $0x18880, s1  }
0x342: {  	[spmem:s11] =	stream.indirect.scatter.add.f32 [tilespmem:s26], [sflag:$0x7], $0x1, s28, s15, $0xb8;
	[tilespmem:$0x1B200] =	vst v63  }
0x343: {  	s29 =	sadd.s32 $0x18900, s1;
	s31 =	simm.s32 $0x1A900  }
0x344: {  	[spmem:s11] =	stream.indirect.scatter.add.f32 [tilespmem:s29], [sflag:$0x7], $0x1, s31, s15, $0xb8;
	[tilespmem:$0x1B200] =	vst v63  }
0x345: {  	s14 =	sadd.s32 $0x18980, s1;
	s16 =	simm.s32 $0x1A980  }
0x346: {  	[spmem:s11] =	stream.indirect.scatter.add.f32 [tilespmem:s14], [sflag:$0x7], $0x1, s16, s15, $0xb8;
	[tilespmem:$0x1B200] =	vst v63  }
0x347: {  	s17 =	sadd.s32 $0x18A00, s1;
	s19 =	simm.s32 $0x1AA00  }
0x348: {  	[spmem:s11] =	stream.indirect.scatter.add.f32 [tilespmem:s17], [sflag:$0x7], $0x1, s19, s15, $0xb8;
	[tilespmem:$0x1B200] =	vst v63  }
0x349: {  	s20 =	sadd.s32 $0x18A80, s1;
	s21 =	simm.s32 $0x1AA80  }
0x34a: {  	[spmem:s11] =	stream.indirect.scatter.add.f32 [tilespmem:s20], [sflag:$0x7], $0x1, s21, s15, $0xb8;
	[tilespmem:$0x1B200] =	vst v63  }
0x34b: {  	s25 =	sadd.s32 $0x18B00, s1  }
0x34c: {  	[spmem:s11] =	stream.indirect.scatter.add.f32 [tilespmem:s25], [sflag:$0x7], $0x1, s18, s15, $0xb8;
	[tilespmem:$0x1B200] =	vst v63  }
0x34d: {  	s26 =	sadd.s32 $0x18B80, s1  }
0x34e: {  	[spmem:s11] =	stream.indirect.scatter.add.f32 [tilespmem:s26], [sflag:$0x7], $0x1, s4, s15, $0xb8;
	[tilespmem:$0x1B200] =	vst v63  }
0x34f: {  	s28 =	sadd.s32 $0x18C00, s1  }
0x350: {  	[spmem:s11] =	stream.indirect.scatter.add.f32 [tilespmem:s28], [sflag:$0x7], $0x1, s12, s15, $0xb8;
	[tilespmem:$0x1B200] =	vst v63  }
0x351: {  	s29 =	sadd.s32 $0x18C80, s1  }
0x352: {  	[spmem:s11] =	stream.indirect.scatter.add.f32 [tilespmem:s29], [sflag:$0x7], $0x1, s13, s15, $0xb8;
	[tilespmem:$0x1B200] =	vst v63  }
.Ltmp2:
0x353: {  	_ = 	snop;
	(pc) =	sbr.rel @p0 .LBB2_2-.Ltmp2, $4  }
0x354: {  	p2 =	por $0x0, $0x0;
	s31 =	sadd.s32 $0x18D00, s1  }
0x355: {  	[spmem:s11] =	stream.indirect.scatter.add.f32 [tilespmem:s31], [sflag:$0x7], $0x1, s5, s15, $0xb8;
	[tilespmem:$0x1B200] =	vst v63  }
0x356: {  	p1 =	por $0x1, $0x1;
	s1 =	sadd.s32 $0x18D80, s1;
	s20 =	simm.s32 $0x1  }
0x357: {  	[spmem:s11] =	stream.indirect.scatter.add.f32 [tilespmem:s1], [sflag:$0x7], $0x1, s6, s15, $0xb8;
	[tilespmem:$0x1B200] =	vst v63  }
0x358: {  	_ =	swait.ge [sflag:s3], $0x80  }
0x359: {  	[sflag:s3] =	ssyncset.done $0x0  }
0x35a: {  	[sflag:s3] =	ssyncadd.s32 $0xFFFFFF80  }
0x35b: {  	_ =	swait.ge [sflag:s3], $0x80  }
0x35c: {  	[sflag:s3] =	ssyncset.done $0x0  }
0x35d: {  	[sflag:s3] =	ssyncadd.s32 $0xFFFFFF80  }
0x35e: {  	_ =	swait.ge [sflag:s3], $0x80  }
0x35f: {  	[sflag:s3] =	ssyncset.done $0x0  }
0x360: {  	[sflag:s3] =	ssyncadd.s32 $0xFFFFFF80  }
0x361: {  	_ =	swait.ge [sflag:s3], $0x80  }
0x362: {  	[sflag:s3] =	ssyncset.done $0x0  }
0x363: {  	[sflag:s3] =	ssyncadd.s32 $0xFFFFFF80  }
0x364: {  	_ =	swait.ge [sflag:s3], $0x80  }
0x365: {  	[sflag:s3] =	ssyncset.done $0x0  }
0x366: {  	[sflag:s3] =	ssyncadd.s32 $0xFFFFFF80  }
0x367: {  	_ =	swait.ge [sflag:s3], $0x80  }
0x368: {  	[sflag:s3] =	ssyncset.done $0x0  }
0x369: {  	[sflag:s3] =	ssyncadd.s32 $0xFFFFFF80  }
0x36a: {  	_ =	swait.ge [sflag:s3], $0x80  }
0x36b: {  	[sflag:s3] =	ssyncset.done $0x0  }
0x36c: {  	[sflag:s3] =	ssyncadd.s32 $0xFFFFFF80  }
0x36d: {  	_ =	swait.ge [sflag:s3], $0x80  }
0x36e: {  	[sflag:s3] =	ssyncset.done $0x0  }
0x36f: {  	[sflag:s3] =	ssyncadd.s32 $0xFFFFFF80  }
0x370: {  	_ =	swait.ge [sflag:s3], $0x80  }
0x371: {  	[sflag:s3] =	ssyncset.done $0x0  }
0x372: {  	[sflag:s3] =	ssyncadd.s32 $0xFFFFFF80  }
0x373: {  	_ =	swait.ge [sflag:s3], $0x80  }
0x374: {  	[sflag:s3] =	ssyncset.done $0x0  }
0x375: {  	[sflag:s3] =	ssyncadd.s32 $0xFFFFFF80  }
0x376: {  	_ =	swait.ge [sflag:s3], $0x80  }
0x377: {  	[sflag:s3] =	ssyncset.done $0x0  }
0x378: {  	[sflag:s3] =	ssyncadd.s32 $0xFFFFFF80  }
0x379: {  	_ =	swait.ge [sflag:s3], $0x80  }
0x37a: {  	[sflag:s3] =	ssyncset.done $0x0  }
0x37b: {  	[sflag:s3] =	ssyncadd.s32 $0xFFFFFF80  }
0x37c: {  	_ =	swait.ge [sflag:s3], $0x80  }
0x37d: {  	[sflag:s3] =	ssyncset.done $0x0  }
0x37e: {  	[sflag:s3] =	ssyncadd.s32 $0xFFFFFF80  }
0x37f: {  	_ =	swait.ge [sflag:s3], $0x80  }
0x380: {  	[sflag:s3] =	ssyncset.done $0x0  }
0x381: {  	[sflag:s3] =	ssyncadd.s32 $0xFFFFFF80  }
0x382: {  	_ =	swait.ge [sflag:s3], $0x80  }
0x383: {  	[sflag:s3] =	ssyncset.done $0x0  }
0x384: {  	[sflag:s3] =	ssyncadd.s32 $0xFFFFFF80  }
0x385: {  	_ =	swait.ge [sflag:s3], $0x80  }
0x386: {  	[sflag:s3] =	ssyncset.done $0x0  }
0x387: {  	[sflag:s3] =	ssyncadd.s32 $0xFFFFFF80  }
0x388: {  	_ =	swait.ge [sflag:s3], $0x80  }
0x389: {  	[sflag:s3] =	ssyncset.done $0x0  }
0x38a: {  	[sflag:s3] =	ssyncadd.s32 $0xFFFFFF80  }
0x38b: {  	_ =	swait.ge [sflag:s3], $0x80  }
0x38c: {  	[sflag:s3] =	ssyncset.done $0x0  }
0x38d: {  	[sflag:s3] =	ssyncadd.s32 $0xFFFFFF80  }
0x38e: {  	_ =	swait.ge [sflag:s3], $0x80  }
0x38f: {  	[sflag:s3] =	ssyncset.done $0x0  }
0x390: {  	[sflag:s3] =	ssyncadd.s32 $0xFFFFFF80  }
0x391: {  	_ =	swait.ge [sflag:s3], $0x80  }
0x392: {  	[sflag:s3] =	ssyncset.done $0x0  }
0x393: {  	[sflag:s3] =	ssyncadd.s32 $0xFFFFFF80  }
0x394: {  	_ =	swait.ge [sflag:s3], $0x80  }
0x395: {  	[sflag:s3] =	ssyncset.done $0x0  }
0x396: {  	[sflag:s3] =	ssyncadd.s32 $0xFFFFFF80  }
0x397: {  	_ =	swait.ge [sflag:s3], $0x80  }
0x398: {  	[sflag:s3] =	ssyncset.done $0x0  }
0x399: {  	[sflag:s3] =	ssyncadd.s32 $0xFFFFFF80  }
0x39a: {  	_ =	swait.ge [sflag:s3], $0x80  }
0x39b: {  	[sflag:s3] =	ssyncset.done $0x0  }
0x39c: {  	[sflag:s3] =	ssyncadd.s32 $0xFFFFFF80  }
0x39d: {  	_ =	swait.ge [sflag:s3], $0x80  }
0x39e: {  	[sflag:s3] =	ssyncset.done $0x0  }
0x39f: {  	[sflag:s3] =	ssyncadd.s32 $0xFFFFFF80  }
0x3a0: {  	_ =	swait.ge [sflag:s3], $0x80  }
0x3a1: {  	[sflag:s3] =	ssyncset.done $0x0  }
0x3a2: {  	[sflag:s3] =	ssyncadd.s32 $0xFFFFFF80  }
0x3a3: {  	_ =	swait.ge [sflag:s3], $0x80  }
0x3a4: {  	[sflag:s3] =	ssyncset.done $0x0  }
0x3a5: {  	[sflag:s3] =	ssyncadd.s32 $0xFFFFFF80  }
0x3a6: {  	_ =	swait.ge [sflag:s3], $0x80  }
0x3a7: {  	[sflag:s3] =	ssyncset.done $0x0  }
0x3a8: {  	[sflag:s3] =	ssyncadd.s32 $0xFFFFFF80  }
0x3a9: {  	_ =	swait.ge [sflag:s3], $0x80  }
0x3aa: {  	[sflag:s3] =	ssyncset.done $0x0  }
0x3ab: {  	[sflag:s3] =	ssyncadd.s32 $0xFFFFFF80  }
0x3ac: {  	_ =	swait.ge [sflag:s3], $0x80  }
0x3ad: {  	[sflag:s3] =	ssyncset.done $0x0  }
0x3ae: {  	[sflag:s3] =	ssyncadd.s32 $0xFFFFFF80  }
0x3af: {  	_ =	swait.ge [sflag:s3], $0x80  }
0x3b0: {  	[sflag:s3] =	ssyncset.done $0x0  }
0x3b1: {  	[sflag:s3] =	ssyncadd.s32 $0xFFFFFF80  }
0x3b2: {  	_ =	swait.ge [sflag:s3], $0x80  }
0x3b3: {  	[sflag:s3] =	ssyncset.done $0x0  }
0x3b4: {  	[sflag:s3] =	ssyncadd.s32 $0xFFFFFF80  }
0x3b5: {  	_ =	swait.ge [sflag:s3], $0x80  }
0x3b6: {  	[sflag:s3] =	ssyncset.done $0x0  }
0x3b7: {  	[sflag:s3] =	ssyncadd.s32 $0xFFFFFF80  }
0x3b8: {  	_ =	swait.ge [sflag:s3], $0x80  }
0x3b9: {  	[sflag:s3] =	ssyncset.done $0x0  }
0x3ba: {  	[sflag:s3] =	ssyncadd.s32 $0xFFFFFF80  }
0x3bb: {  	_ =	swait.ge [sflag:s3], $0x80  }
0x3bc: {  	[sflag:s3] =	ssyncset.done $0x0  }
0x3bd: {  	[sflag:s3] =	ssyncadd.s32 $0xFFFFFF80  }
0x3be: {  	_ =	swait.ge [sflag:s3], $0x80  }
0x3bf: {  	[sflag:s3] =	ssyncset.done $0x0  }
0x3c0: {  	[sflag:s3] =	ssyncadd.s32 $0xFFFFFF80  }
0x3c1: {  	_ =	swait.ge [sflag:s3], $0x80  }
0x3c2: {  	[sflag:s3] =	ssyncset.done $0x0  }
0x3c3: {  	[sflag:s3] =	ssyncadd.s32 $0xFFFFFF80  }
0x3c4: {  	_ =	swait.ge [sflag:s3], $0x80  }
0x3c5: {  	[sflag:s3] =	ssyncset.done $0x0  }
0x3c6: {  	[sflag:s3] =	ssyncadd.s32 $0xFFFFFF80  }
0x3c7: {  	_ =	swait.ge [sflag:s3], $0x80  }
0x3c8: {  	[sflag:s3] =	ssyncset.done $0x0  }
0x3c9: {  	[sflag:s3] =	ssyncadd.s32 $0xFFFFFF80  }
0x3ca: {  	_ =	swait.ge [sflag:s3], $0x80  }
0x3cb: {  	[sflag:s3] =	ssyncset.done $0x0  }
0x3cc: {  	[sflag:s3] =	ssyncadd.s32 $0xFFFFFF80  }
0x3cd: {  	_ =	swait.ge [sflag:s3], $0x80  }
0x3ce: {  	[sflag:s3] =	ssyncset.done $0x0  }
0x3cf: {  	[sflag:s3] =	ssyncadd.s32 $0xFFFFFF80  }
0x3d0: {  	_ =	swait.ge [sflag:s3], $0x80  }
0x3d1: {  	[sflag:s3] =	ssyncset.done $0x0  }
0x3d2: {  	[sflag:s3] =	ssyncadd.s32 $0xFFFFFF80  }
0x3d3: {  	_ =	swait.ge [sflag:s3], $0x80  }
0x3d4: {  	[sflag:s3] =	ssyncset.done $0x0  }
0x3d5: {  	[sflag:s3] =	ssyncadd.s32 $0xFFFFFF80  }
0x3d6: {  	_ =	swait.ge [sflag:s3], $0x80  }
0x3d7: {  	[sflag:s3] =	ssyncset.done $0x0  }
0x3d8: {  	[sflag:s3] =	ssyncadd.s32 $0xFFFFFF80  }
0x3d9: {  	_ =	swait.ge [sflag:s3], $0x80  }
0x3da: {  	[sflag:s3] =	ssyncset.done $0x0  }
0x3db: {  	[sflag:s3] =	ssyncadd.s32 $0xFFFFFF80  }
0x3dc: {  	_ =	swait.ge [sflag:s3], $0x80  }
0x3dd: {  	[sflag:s3] =	ssyncset.done $0x0  }
0x3de: {  	[sflag:s3] =	ssyncadd.s32 $0xFFFFFF80  }
0x3df: {  	_ =	swait.ge [sflag:s3], $0x80  }
0x3e0: {  	[sflag:s3] =	ssyncset.done $0x0  }
0x3e1: {  	[sflag:s3] =	ssyncadd.s32 $0xFFFFFF80  }
0x3e2: {  	_ =	swait.ge [sflag:s3], $0x80  }
0x3e3: {  	[sflag:s3] =	ssyncset.done $0x0  }
0x3e4: {  	[sflag:s3] =	ssyncadd.s32 $0xFFFFFF80  }
0x3e5: {  	_ =	swait.ge [sflag:s3], $0x80  }
0x3e6: {  	[sflag:s3] =	ssyncset.done $0x0  }
0x3e7: {  	[sflag:s3] =	ssyncadd.s32 $0xFFFFFF80  }
0x3e8: {  	_ =	swait.ge [sflag:s3], $0x80  }
0x3e9: {  	[sflag:s3] =	ssyncset.done $0x0  }
0x3ea: {  	[sflag:s3] =	ssyncadd.s32 $0xFFFFFF80  }
0x3eb: {  	_ =	swait.ge [sflag:s3], $0x80  }
0x3ec: {  	[sflag:s3] =	ssyncset.done $0x0  }
0x3ed: {  	[sflag:s3] =	ssyncadd.s32 $0xFFFFFF80  }
0x3ee: {  	_ =	swait.ge [sflag:s3], $0x80  }
0x3ef: {  	[sflag:s3] =	ssyncset.done $0x0  }
0x3f0: {  	[sflag:s3] =	ssyncadd.s32 $0xFFFFFF80  }
0x3f1: {  	_ =	swait.ge [sflag:s3], $0x80  }
0x3f2: {  	[sflag:s3] =	ssyncset.done $0x0  }
0x3f3: {  	[sflag:s3] =	ssyncadd.s32 $0xFFFFFF80  }
0x3f4: {  	_ =	swait.ge [sflag:s3], $0x80  }
0x3f5: {  	[sflag:s3] =	ssyncset.done $0x0  }
0x3f6: {  	[sflag:s3] =	ssyncadd.s32 $0xFFFFFF80  }
0x3f7: {  	_ =	swait.ge [sflag:s3], $0x80  }
0x3f8: {  	[sflag:s3] =	ssyncset.done $0x0  }
0x3f9: {  	[sflag:s3] =	ssyncadd.s32 $0xFFFFFF80  }
0x3fa: {  	_ =	swait.ge [sflag:s3], $0x80  }
0x3fb: {  	[sflag:s3] =	ssyncset.done $0x0  }
0x3fc: {  	[sflag:s3] =	ssyncadd.s32 $0xFFFFFF80  }
0x3fd: {  	_ =	swait.ge [sflag:s3], $0x80  }
0x3fe: {  	[sflag:s3] =	ssyncset.done $0x0  }
0x3ff: {  	[sflag:s3] =	ssyncadd.s32 $0xFFFFFF80  }
0x400: {  	_ =	swait.ge [sflag:s3], $0x80  }
0x401: {  	[sflag:s3] =	ssyncset.done $0x0  }
0x402: {  	[sflag:s3] =	ssyncadd.s32 $0xFFFFFF80  }
0x403: {  	_ =	swait.ge [sflag:s3], $0x80  }
0x404: {  	[sflag:s3] =	ssyncset.done $0x0  }
0x405: {  	[sflag:s3] =	ssyncadd.s32 $0xFFFFFF80  }
0x406: {  	_ =	swait.ge [sflag:s3], $0x80  }
0x407: {  	[sflag:s3] =	ssyncset.done $0x0  }
0x408: {  	[sflag:s3] =	ssyncadd.s32 $0xFFFFFF80  }
0x409: {  	_ =	swait.ge [sflag:s3], $0x80  }
0x40a: {  	[sflag:s3] =	ssyncset.done $0x0  }
0x40b: {  	[sflag:s3] =	ssyncadd.s32 $0xFFFFFF80  }
0x40c: {  	_ =	swait.ge [sflag:s3], $0x80  }
0x40d: {  	[sflag:s3] =	ssyncset.done $0x0  }
0x40e: {  	[sflag:s3] =	ssyncadd.s32 $0xFFFFFF80  }
0x40f: {  	_ =	swait.ge [sflag:s3], $0x80  }
0x410: {  	[sflag:s3] =	ssyncset.done $0x0  }
0x411: {  	[sflag:s3] =	ssyncadd.s32 $0xFFFFFF80  }
0x412: {  	_ =	swait.ge [sflag:s3], $0x80  }
0x413: {  	[sflag:s3] =	ssyncset.done $0x0  }
0x414: {  	[sflag:s3] =	ssyncadd.s32 $0xFFFFFF80  }
0x415: {  	s1 =	stileid.u32;
	_ =	swait.ge [sflag:s3], $0x80  }
0x416: {  	s2 =	sshrl.u32 s8, $0x3;
	s1 =	sshll.u32 s1, $0x6;
	[sflag:s3] =	ssyncset.done $0x0  }
0x417: {  	s1 =	sor.u32 $0x1C08, s1;
	s11 =	rddreg [dreg:$0xb];
	[sflag:s3] =	ssyncadd.s32 $0xFFFFFF80  }
0x418: {  	[hbm:s11], [sflag:s1] =	dma.local [spmem:s2], $0x40  }
0x419: {  	s11 =	simm.s32 $0x8  }
0x41a: {  	_ =	swait.ge [sflag:s11], $0x40  }
0x41b: {  	s29 =	rddreg [dreg:$0xd]  }
0x41c: {  	s31 =	rddreg [dreg:$0xc];
	s2 =	sadd.s32 $0x1, s29  }
0x41d: {  	p0 =	sne.s32 s2, s31  }
.Ltmp3:
0x41e: {  	_ = 	snop;
	(pc) =	sbr.rel @p0 .LBB2_1-.Ltmp3, $3  }
0x41f: {  	_ =	sdelay $0x1  }
0x420: {  	[sflag:s11] =	ssyncset.done $0x0  }
0x421: {  	[sflag:s11] =	ssyncadd.s32 $0xFFFFFFC0  }
0x422: {  	_ =	sfence.sel $0x180000  }
0x423: {  	[bflag:$0x0] =	sbarrier.arrive $0xFFFF  }
0x424: {  	_ =	strace $0x90000047  }
0x425: {  	s0 =	stileid.u32;
	[bflag:$0x2] =	sbarrier.arrive $0xFFFF  }
0x426: {  	p0 =	sne.s32 s0, $0x0;
	s0 =	rddreg [dreg:$0x7]  }
0x427: {  	s0 =	sadd.s32 @!p0 $0x100000, s0  }
0x428: {  	[sflag:s0] =	ssyncadd.tile.s32 @!p0 $0x1;
	_ =	shalt  }
.Lfunc_end2:
_tile_overlayer_lowered:
.L_overlay_start_2:
0x429: {  	(tag) =	ssettag $0x2  }
0x42a: {  	s0 =	rddreg [dreg:$0x0];
	s2 =	stileid.u32  }
0x42b: {  	s1 =	rddreg [dreg:$0x1];
	p0 =	sne.s32 s2, $0x0  }
0x42c: {  	s3 =	rddreg [dreg:$0x2];
	[bflag:$0x3] =	sbarrier.arrive $0xFFFF;
	s2 =	simm.s32 @!p0 $0x1C08  }
0x42d: {  	[timem:s3], [sflag:s2] =	dma.local @!p0 [hbm:s0], s1  }
0x42e: {  	s0 =	simm.s32 @!p0 $0x8  }
0x42f: {  	_ =	swait.ge @!p0 [sflag:s0], s1  }
0x430: {  	s1 =	ssub.s32 @!p0 $0x0, s1;
	[sflag:s0] =	ssyncset.done @!p0 $0x0  }
0x431: {  	[sflag:s0] =	ssyncadd.s32 @!p0 s1  }
0x432: {  	[bflag:$0x3] =	sbarrier.arrive $0xFFFF  }
0x433: {  	_ =	shalt  }

</sc_bundles>
